<compile_context>
chip_gen: v7x
topology: tpu7x:2x2x1
jax: 0.10.2.dev20260603
libtpu: 0.0.44.dev20260713+nightly
codegen_flags: <defaults>
</compile_context>

<pallas_src>
import functools

import jax
import jax.numpy as jnp
from jax import lax
from jax.experimental import pallas as pl
from jax.experimental.pallas import tpu as pltpu
from jax.experimental.pallas import tpu_sc as plsc

N = 10000
M = 5000
P = 320000
D = 128

NC, NS = 2, 16
NW = NC * NS
PPW = P // NW
C = 80
NCHUNK = PPW // C

MP = 5120
NP = 10240
MROWS = MP // NS
NROWS = NP // NS

F32 = jnp.float32

_WIN = [i * 16 for i in range(C // 16)]


@functools.cache
def _mesh():
    return plsc.VectorSubcoreMesh(
        core_axis_name="c", subcore_axis_name="s",
        num_cores=NC, num_subcores=NS)


@functools.cache
def _make_seg(acc_rows, with_counts=False):
    assert (NCHUNK - 2) % 3 == 0
    rows_per = acc_rows // NS

    out_types = [jax.ShapeDtypeStruct((NC * acc_rows, D), F32)]
    scratch = (
        [pltpu.VMEM_SHARED((acc_rows, D), F32)]
        + [pltpu.VMEM((2 * C,), jnp.int32) for _ in range(3)]
        + [pltpu.VMEM((C,), jnp.int32) for _ in range(3)]
        + [pltpu.VMEM((C, D), F32) for _ in range(3)]
        + [pltpu.SemaphoreType.DMA for _ in range(9)]
    )
    if with_counts:
        out_types += [jax.ShapeDtypeStruct((NC * MP,), F32),
                      jax.ShapeDtypeStruct((NC * NP,), F32)]
        scratch += (
            [pltpu.VMEM_SHARED((MP,), F32),
             pltpu.VMEM_SHARED((NP,), F32)]
            + [pltpu.VMEM((C,), jnp.int32) for _ in range(3)]
            + [pltpu.VMEM((C,), F32),
               pltpu.VMEM((NROWS,), F32)]
        )

    def body_fn(*refs):
        if with_counts:
            (tab, iv, zrow, out, out_ec, out_vc, acc,
             b0, b1, b2, s0, s1, s2, r0, r1, r2,
             si0, si1, si2, sg0, sg1, sg2, ss0, ss1, ss2,
             ecnt, vcnt, g0, g1, g2, ones_v, cnt_v) = refs
            gf = [g0, g1, g2]
        else:
            (tab, iv, zrow, out, acc,
             b0, b1, b2, s0, s1, s2, r0, r1, r2,
             si0, si1, si2, sg0, sg1, sg2, ss0, ss1, ss2) = refs
            gf = [None, None, None]
        buf = [b0, b1, b2]
        sf = [s0, s1, s2]
        rows = [r0, r1, r2]
        semi = [si0, si1, si2]
        semg = [sg0, sg1, sg2]
        sems = [ss0, ss1, ss2]
        cid = lax.axis_index("c")
        sid = lax.axis_index("s")
        wid = sid * NC + cid
        cbase = wid * NCHUNK

        for r in range(rows_per // MROWS):
            pltpu.sync_copy(
                zrow.at[pl.ds(0, MROWS), :],
                acc.at[pl.ds(sid * rows_per + r * MROWS, MROWS), :])
        if with_counts:
            for i in range(NROWS // 16):
                cnt_v[pl.ds(i * 16, 16)] = jnp.zeros((16,), F32)
            pltpu.sync_copy(cnt_v.at[pl.ds(0, MROWS)],
                            ecnt.at[pl.ds(sid * MROWS, MROWS)])
            pltpu.sync_copy(cnt_v, vcnt.at[pl.ds(sid * NROWS, NROWS)])
            for i in range(C // 16):
                ones_v[pl.ds(i * 16, 16)] = jnp.ones((16,), F32)
        plsc.subcore_barrier()

        def idx_start(j, s):
            pltpu.async_copy(iv.at[pl.ds((cbase + j) * 2 * C, 2 * C)],
                             buf[s], semi[s])

        def idx_wait(s):
            pltpu.make_async_copy(iv.at[pl.ds(0, 2 * C)], buf[s],
                                  semi[s]).wait()

        def extract(s):
            for w in _WIN:
                sf[s][pl.ds(w, 16)] = buf[s][pl.ds(C + w, 16)]
            if with_counts:
                for w in _WIN:
                    gf[s][pl.ds(w, 16)] = buf[s][pl.ds(w, 16)]

        def gather_start(s):
            pltpu.async_copy(tab.at[buf[s].at[pl.ds(0, C)]], rows[s],
                             semg[s])

        def gather_wait(s):
            pltpu.make_async_copy(tab.at[buf[s].at[pl.ds(0, C)]], rows[s],
                                  semg[s]).wait()

        def scatter_start(s):
            pltpu.async_copy(rows[s], acc.at[sf[s]], sems[s], add=True)
            if with_counts:
                pltpu.async_copy(ones_v, ecnt.at[sf[s]], sems[s], add=True)
                pltpu.async_copy(ones_v, vcnt.at[gf[s]], sems[s], add=True)

        def scatter_wait(s):
            pltpu.make_async_copy(rows[s], acc.at[sf[s]], sems[s]).wait()
            if with_counts:
                pltpu.make_async_copy(ones_v, ecnt.at[sf[s]],
                                      sems[s]).wait()
                pltpu.make_async_copy(ones_v, vcnt.at[gf[s]],
                                      sems[s]).wait()

        idx_start(0, 0)
        idx_start(1, 1)
        idx_start(2, 2)
        idx_wait(0)
        gather_start(0)
        idx_wait(1)
        gather_start(1)
        gather_wait(0)
        extract(0)
        idx_start(3, 0)
        scatter_start(0)

        def ring(k, carry):
            idx_wait(2)

            @pl.when(k > 0)
            def _():
                scatter_wait(2)

            gather_start(2)
            gather_wait(1)
            extract(1)
            idx_start(3 * k + 4, 1)
            scatter_start(1)
            idx_wait(0)
            scatter_wait(0)
            gather_start(0)
            gather_wait(2)
            extract(2)

            @pl.when(k < (NCHUNK - 5) // 3)
            def _():
                idx_start(3 * k + 5, 2)

            scatter_start(2)
            idx_wait(1)
            scatter_wait(1)
            gather_start(1)
            gather_wait(0)
            extract(0)

            @pl.when(k < (NCHUNK - 5) // 3)
            def _():
                idx_start(3 * k + 6, 0)

            scatter_start(0)
            return carry

        lax.fori_loop(0, (NCHUNK - 2) // 3, ring, 0)
        gather_wait(1)
        extract(1)
        scatter_start(1)
        scatter_wait(0)
        scatter_wait(1)
        scatter_wait(2)

        plsc.subcore_barrier()
        pltpu.sync_copy(
            acc.at[pl.ds(sid * rows_per, rows_per), :],
            out.at[pl.ds(cid * acc_rows + sid * rows_per, rows_per), :])
        if with_counts:
            pltpu.sync_copy(ecnt.at[pl.ds(sid * MROWS, MROWS)],
                            cnt_v.at[pl.ds(0, MROWS)])
            pltpu.sync_copy(cnt_v.at[pl.ds(0, MROWS)],
                            out_ec.at[pl.ds(cid * MP + sid * MROWS, MROWS)])
            pltpu.sync_copy(vcnt.at[pl.ds(sid * NROWS, NROWS)], cnt_v)
            pltpu.sync_copy(cnt_v,
                            out_vc.at[pl.ds(cid * NP + sid * NROWS, NROWS)])

    return functools.partial(
        pl.kernel,
        mesh=_mesh(),
        out_type=tuple(out_types) if with_counts else out_types[0],
        scratch_types=scratch,
    )(body_fn)



def _theta(x, w, b):
    def body(x_ref, w_ref, b_ref, o_ref):
        o_ref[...] = jnp.dot(x_ref[...], w_ref[...],
                             preferred_element_type=F32) + b_ref[...]
    return pl.pallas_call(
        body, out_shape=jax.ShapeDtypeStruct(x.shape, F32),
    )(x, w, b.reshape(1, D))


def _pair(ref, rows, pad_rows):
    return (ref[pl.ds(0, rows), :], ref[pl.ds(pad_rows, rows), :])


def _combine_first(ep, ec0, ec1, vc0, vc1):
    def body(ep_ref, e0_ref, e1_ref, v0_ref, v1_ref,
             eo_ref, ie_ref, iv_ref):
        ie = 1.0 / jnp.maximum(e0_ref[...] + e1_ref[...], 1.0)
        iv = 1.0 / jnp.maximum(v0_ref[...] + v1_ref[...], 1.0)
        a, b = _pair(ep_ref, M, MP)
        eo_ref[...] = (a + b) * ie
        ie_ref[...] = ie
        iv_ref[...] = iv
    return pl.pallas_call(
        body,
        out_shape=(
            jax.ShapeDtypeStruct((M, D), F32),
            jax.ShapeDtypeStruct((M, 1), F32),
            jax.ShapeDtypeStruct((N, 1), F32),
        ),
    )(ep, ec0, ec1, vc0, vc1)


def _combine_scale(ep, inv):
    def body(ep_ref, i_ref, o_ref):
        a, b = _pair(ep_ref, M, MP)
        o_ref[...] = (a + b) * i_ref[...]
    return pl.pallas_call(
        body, out_shape=jax.ShapeDtypeStruct((M, D), F32),
    )(ep, inv)


def _combine_relu_theta(vp, inv_v, w, b):
    def body(vp_ref, i_ref, w_ref, bb_ref, o_ref):
        a, b2 = _pair(vp_ref, N, NP)
        h = jnp.maximum((a + b2) * i_ref[...], 0.0)
        o_ref[...] = jnp.dot(h, w_ref[...],
                             preferred_element_type=F32) + bb_ref[...]
    return pl.pallas_call(
        body, out_shape=jax.ShapeDtypeStruct((N, D), F32),
    )(vp, inv_v, w, b.reshape(1, D))


def _final_head(vp, inv_v, wp0, bp0, wp1, bp1):
    def body(vp_ref, i_ref, w0_ref, b0_ref, w1_ref, b1_ref,
             z_ref, h_ref):
        a, b = _pair(vp_ref, N, NP)
        h = (a + b) * i_ref[...]
        h_ref[...] = h
        t = jnp.maximum(jnp.dot(h, w0_ref[...],
                                preferred_element_type=F32) + b0_ref[...], 0.0)
        z_ref[...] = jnp.dot(t, w1_ref[...],
                             preferred_element_type=F32) + b1_ref[...]
    return pl.pallas_call(
        body,
        out_shape=(
            jax.ShapeDtypeStruct((N, D), F32),
            jax.ShapeDtypeStruct((N, D), F32),
        ),
    )(vp, inv_v, wp0, bp0.reshape(1, D), wp1, bp1.reshape(1, D))



def kernel(x, node_idx, edge_idx, W0, b0, W1, b1, Wp0, bp0, Wp1, bp1):
    zrow = jnp.zeros((MROWS, D), F32)
    n2 = node_idx.reshape(-1, C)
    e2 = edge_idx.reshape(-1, C)
    iv_v2e = jnp.stack([n2, e2], axis=1).reshape(-1)
    iv_e2v = jnp.stack([e2, n2], axis=1).reshape(-1)

    h0 = _theta(x, W0, b0)
    ep, ecp, vcp = _make_seg(MP, True)(h0, iv_v2e, zrow)
    e0, inv_e, inv_v = _combine_first(
        ep,
        ecp[:M, None], ecp[MP:MP + M, None],
        vcp[:N, None], vcp[NP:NP + N, None])
    vp = _make_seg(NP)(e0, iv_e2v, zrow)

    t = _combine_relu_theta(vp, inv_v, W1, b1)
    ep2 = _make_seg(MP)(t, iv_v2e, zrow)
    e1 = _combine_scale(ep2, inv_e)
    vp2 = _make_seg(NP)(e1, iv_e2v, zrow)

    z, h = _final_head(vp2, inv_v, Wp0, bp0, Wp1, bp1)
    return (z, h)

# --- scband reference (transcript-rebuilt; emitter-appended) ---
"""Pipeline reference for scband-graph-encoder-37598143709679 (READ-ONLY COPY).

The authoritative reference and input builder live on the scoring server;
editing this copy changes nothing except your own understanding.
"""

import jax, jax.numpy as jnp
import numpy as np

N = 10000   # nodes
M = 5000    # hyperedges
P = 320000  # incidence pairs
D = 128     # in_dim = hidden_dim = emb_dim = proj_dim


def setup_inputs(seed: int = 0) -> dict:
    key = jax.random.key(seed)
    ks = jax.random.split(key, 12)
    s = 1.0 / np.sqrt(D)
    inp = {}
    inp["x"] = jax.random.normal(ks[0], (N, D), dtype=jnp.float32)
    inp["node_idx"] = jax.random.randint(ks[1], (P,), 0, N, dtype=jnp.int32)
    inp["edge_idx"] = jax.random.randint(ks[2], (P,), 0, M, dtype=jnp.int32)
    # HGNNPConv layer 0 (in_dim -> hidden_dim) and layer 1 (hidden_dim -> emb_dim)
    inp["W0"] = jax.random.uniform(ks[3], (D, D), jnp.float32, -s, s)
    inp["b0"] = jax.random.uniform(ks[4], (D,), jnp.float32, -s, s)
    inp["W1"] = jax.random.uniform(ks[5], (D, D), jnp.float32, -s, s)
    inp["b1"] = jax.random.uniform(ks[6], (D,), jnp.float32, -s, s)
    # projection head: Linear(emb_dim, proj_dim) -> ReLU -> Linear(proj_dim, proj_dim)
    inp["Wp0"] = jax.random.uniform(ks[7], (D, D), jnp.float32, -s, s)
    inp["bp0"] = jax.random.uniform(ks[8], (D,), jnp.float32, -s, s)
    inp["Wp1"] = jax.random.uniform(ks[9], (D, D), jnp.float32, -s, s)
    inp["bp1"] = jax.random.uniform(ks[10], (D,), jnp.float32, -s, s)
    return inp


def _v2v_mean(h, node_idx, edge_idx, e_cnt, v_cnt):
    # hypergraph two-stage mean aggregation (HGNN+ v2v):
    # v2e: mean of member node features per hyperedge, then
    # e2v: mean of incident hyperedge features per node.
    e = jax.ops.segment_sum(h[node_idx], edge_idx, num_segments=M) / e_cnt
    v = jax.ops.segment_sum(e[edge_idx], node_idx, num_segments=N) / v_cnt
    return v


def reference(x, node_idx, edge_idx, W0, b0, W1, b1, Wp0, bp0, Wp1, bp1):
    ones = jnp.ones((node_idx.shape[0],), jnp.float32)
    e_cnt = jnp.maximum(jax.ops.segment_sum(ones, edge_idx, num_segments=M), 1.0)[:, None]
    v_cnt = jnp.maximum(jax.ops.segment_sum(ones, node_idx, num_segments=N), 1.0)[:, None]
    # layer 0: theta -> v2v -> ReLU (dropout=eval no-op; drop_rate of hyperedges = 0.0)
    h = x @ W0 + b0
    h = _v2v_mean(h, node_idx, edge_idx, e_cnt, v_cnt)
    h = jax.nn.relu(h)
    # layer 1 (is_last=True, no activation)
    h = h @ W1 + b1
    h = _v2v_mean(h, node_idx, edge_idx, e_cnt, v_cnt)
    # projection head
    z = jax.nn.relu(h @ Wp0 + bp0) @ Wp1 + bp1
    return (z, h)

if __name__ == "__main__":
    import jax
    _d = setup_inputs()
    print(jax.jit(kernel)(*tuple(_d.values())))

</pallas_src>

<mosaic_0001>
#map = affine_map<(d0, d1) -> (0, 0)>
#map1 = affine_map<(d0, d1) -> (0)>
module attributes {stable_mosaic.version = 14 : i64} {
  func.func @body_fn(%arg0: i32, %arg1: i32, %arg2: memref<10000x128xf32, #tpu.memory_space<hbm>>, %arg3: memref<640000xi32, #tpu.memory_space<hbm>>, %arg4: memref<320x128xf32, #tpu.memory_space<hbm>>, %arg5: memref<10240x128xf32, #tpu.memory_space<hbm>>, %arg6: memref<10240xf32, #tpu.memory_space<hbm>>, %arg7: memref<20480xf32, #tpu.memory_space<hbm>>, %arg8: memref<5120x128xf32, #tpu.memory_space<vmem_shared>>, %arg9: memref<160xi32, #tpu.memory_space<vmem>>, %arg10: memref<160xi32, #tpu.memory_space<vmem>>, %arg11: memref<160xi32, #tpu.memory_space<vmem>>, %arg12: memref<80xi32, #tpu.memory_space<vmem>>, %arg13: memref<80xi32, #tpu.memory_space<vmem>>, %arg14: memref<80xi32, #tpu.memory_space<vmem>>, %arg15: memref<80x128xf32, #tpu.memory_space<vmem>>, %arg16: memref<80x128xf32, #tpu.memory_space<vmem>>, %arg17: memref<80x128xf32, #tpu.memory_space<vmem>>, %arg18: memref<!tpu.dma_semaphore, #tpu.memory_space<semaphore_mem>>, %arg19: memref<!tpu.dma_semaphore, #tpu.memory_space<semaphore_mem>>, %arg20: memref<!tpu.dma_semaphore, #tpu.memory_space<semaphore_mem>>, %arg21: memref<!tpu.dma_semaphore, #tpu.memory_space<semaphore_mem>>, %arg22: memref<!tpu.dma_semaphore, #tpu.memory_space<semaphore_mem>>, %arg23: memref<!tpu.dma_semaphore, #tpu.memory_space<semaphore_mem>>, %arg24: memref<!tpu.dma_semaphore, #tpu.memory_space<semaphore_mem>>, %arg25: memref<!tpu.dma_semaphore, #tpu.memory_space<semaphore_mem>>, %arg26: memref<!tpu.dma_semaphore, #tpu.memory_space<semaphore_mem>>, %arg27: memref<5120xf32, #tpu.memory_space<vmem_shared>>, %arg28: memref<10240xf32, #tpu.memory_space<vmem_shared>>, %arg29: memref<80xi32, #tpu.memory_space<vmem>>, %arg30: memref<80xi32, #tpu.memory_space<vmem>>, %arg31: memref<80xi32, #tpu.memory_space<vmem>>, %arg32: memref<80xf32, #tpu.memory_space<vmem>>, %arg33: memref<640xf32, #tpu.memory_space<vmem>>) attributes {dimension_semantics = [#tpu.dimension_semantics<core_parallel>, #tpu.dimension_semantics<subcore_parallel>], iteration_bounds = array<i64: 2, 16>, scalar_prefetch = 0 : i64, scratch_operands = 26 : i64, tpu.core_type = #tpu.core_type<sc_vector_subcore>, window_params = [{transform_indices = #map}, {transform_indices = #map1}, {transform_indices = #map}, {transform_indices = #map}, {transform_indices = #map1}, {transform_indices = #map1}]} {
    %mul3A = arith.constant 2 : i32
    %mul3A_0 = arith.muli %arg1, %mul3A : i32
    %add3A = arith.addi %mul3A_0, %arg0 : i32
    %mul3A_1 = arith.constant 125 : i32
    %mul3A_2 = arith.muli %add3A, %mul3A_1 : i32
    %mul3A_3 = arith.constant 320 : i32
    %mul3A_4 = arith.muli %arg1, %mul3A_3 : i32
    %add3A_5 = arith.constant 0 : i32
    %add3A_6 = arith.addi %mul3A_4, %add3A_5 : i32
    "tpu.region"() ({
      %run_scoped3A = tpu.sem_alloc : memref<!tpu.dma_semaphore, #tpu.memory_space<semaphore_mem>>
      %dma_start3A_538 = arith.constant 0 : i32
      %dma_start3A_539 = tpu.memref_slice %arg8[%add3A_6, %dma_start3A_538] : memref<5120x128xf32, #tpu.memory_space<vmem_shared>> -> memref<320x128xf32, #tpu.memory_space<vmem_shared>>
      %dma_start3A_540 = arith.constant 0 : i32
      %dma_start3A_541 = arith.constant 0 : i32
      %dma_start3A_542 = tpu.memref_slice %arg4[%dma_start3A_540, %dma_start3A_541] : memref<320x128xf32, #tpu.memory_space<hbm>> -> memref<320x128xf32, #tpu.memory_space<hbm>>
      tpu.enqueue_dma source(%dma_start3A_542 : memref<320x128xf32, #tpu.memory_space<hbm>>) target(%dma_start3A_539 : memref<320x128xf32, #tpu.memory_space<vmem_shared>>) target_semaphore(%run_scoped3A : memref<!tpu.dma_semaphore, #tpu.memory_space<semaphore_mem>>)
      %dma_wait3A_543 = arith.constant 0 : i32
      %dma_wait3A_544 = tpu.memref_slice %arg8[%add3A_6, %dma_wait3A_543] : memref<5120x128xf32, #tpu.memory_space<vmem_shared>> -> memref<320x128xf32, #tpu.memory_space<vmem_shared>>
      %dma_wait3A_545 = arith.constant 0 : i32
      %dma_wait3A_546 = arith.constant 0 : i32
      %dma_wait3A_547 = tpu.memref_slice %arg4[%dma_wait3A_545, %dma_wait3A_546] : memref<320x128xf32, #tpu.memory_space<hbm>> -> memref<320x128xf32, #tpu.memory_space<hbm>>
      tpu.wait_dma2 semaphore(%run_scoped3A : memref<!tpu.dma_semaphore, #tpu.memory_space<semaphore_mem>>) src(%dma_wait3A_547 : memref<320x128xf32, #tpu.memory_space<hbm>>) dst(%dma_wait3A_544 : memref<320x128xf32, #tpu.memory_space<vmem_shared>>)
      tpu.yield
    }) : () -> ()
    %broadcast_in_dim3A = arith.constant 0.000000e+00 : f32
    %broadcast_in_dim3A_7 = vector.broadcast %broadcast_in_dim3A : f32 to vector<16xf32>
    %swap3A = arith.constant 0 : index
    %swap3A_8 = tpu.vector_load %arg33[%swap3A] {strides = array<i32>} : memref<640xf32, #tpu.memory_space<vmem>>, vector<16xf32>,
    %swap3A_9 = vector.shape_cast %swap3A_8 : vector<16xf32> to vector<16xf32>
    %swap3A_10 = vector.shape_cast %broadcast_in_dim3A_7 : vector<16xf32> to vector<16xf32>
    tpu.vector_store %arg33[%swap3A], %swap3A_10 {strides = array<i32>} : memref<640xf32, #tpu.memory_space<vmem>>, vector<16xf32>,
    %broadcast_in_dim3A_11 = arith.constant 0.000000e+00 : f32
    %broadcast_in_dim3A_12 = vector.broadcast %broadcast_in_dim3A_11 : f32 to vector<16xf32>
    %swap3A_13 = arith.constant 16 : index
    %swap3A_14 = tpu.vector_load %arg33[%swap3A_13] {strides = array<i32>} : memref<640xf32, #tpu.memory_space<vmem>>, vector<16xf32>,
    %swap3A_15 = vector.shape_cast %swap3A_14 : vector<16xf32> to vector<16xf32>
    %swap3A_16 = vector.shape_cast %broadcast_in_dim3A_12 : vector<16xf32> to vector<16xf32>
    tpu.vector_store %arg33[%swap3A_13], %swap3A_16 {strides = array<i32>} : memref<640xf32, #tpu.memory_space<vmem>>, vector<16xf32>,
    %broadcast_in_dim3A_17 = arith.constant 0.000000e+00 : f32
    %broadcast_in_dim3A_18 = vector.broadcast %broadcast_in_dim3A_17 : f32 to vector<16xf32>
    %swap3A_19 = arith.constant 32 : index
    %swap3A_20 = tpu.vector_load %arg33[%swap3A_19] {strides = array<i32>} : memref<640xf32, #tpu.memory_space<vmem>>, vector<16xf32>,
    %swap3A_21 = vector.shape_cast %swap3A_20 : vector<16xf32> to vector<16xf32>
    %swap3A_22 = vector.shape_cast %broadcast_in_dim3A_18 : vector<16xf32> to vector<16xf32>
    tpu.vector_store %arg33[%swap3A_19], %swap3A_22 {strides = array<i32>} : memref<640xf32, #tpu.memory_space<vmem>>, vector<16xf32>,
    %broadcast_in_dim3A_23 = arith.constant 0.000000e+00 : f32
    %broadcast_in_dim3A_24 = vector.broadcast %broadcast_in_dim3A_23 : f32 to vector<16xf32>
    %swap3A_25 = arith.constant 48 : index
    %swap3A_26 = tpu.vector_load %arg33[%swap3A_25] {strides = array<i32>} : memref<640xf32, #tpu.memory_space<vmem>>, vector<16xf32>,
    %swap3A_27 = vector.shape_cast %swap3A_26 : vector<16xf32> to vector<16xf32>
    %swap3A_28 = vector.shape_cast %broadcast_in_dim3A_24 : vector<16xf32> to vector<16xf32>
    tpu.vector_store %arg33[%swap3A_25], %swap3A_28 {strides = array<i32>} : memref<640xf32, #tpu.memory_space<vmem>>, vector<16xf32>,
    %broadcast_in_dim3A_29 = arith.constant 0.000000e+00 : f32
    %broadcast_in_dim3A_30 = vector.broadcast %broadcast_in_dim3A_29 : f32 to vector<16xf32>
    %swap3A_31 = arith.constant 64 : index
    %swap3A_32 = tpu.vector_load %arg33[%swap3A_31] {strides = array<i32>} : memref<640xf32, #tpu.memory_space<vmem>>, vector<16xf32>,
    %swap3A_33 = vector.shape_cast %swap3A_32 : vector<16xf32> to vector<16xf32>
    %swap3A_34 = vector.shape_cast %broadcast_in_dim3A_30 : vector<16xf32> to vector<16xf32>
    tpu.vector_store %arg33[%swap3A_31], %swap3A_34 {strides = array<i32>} : memref<640xf32, #tpu.memory_space<vmem>>, vector<16xf32>,
    %broadcast_in_dim3A_35 = arith.constant 0.000000e+00 : f32
    %broadcast_in_dim3A_36 = vector.broadcast %broadcast_in_dim3A_35 : f32 to vector<16xf32>
    %swap3A_37 = arith.constant 80 : index
    %swap3A_38 = tpu.vector_load %arg33[%swap3A_37] {strides = array<i32>} : memref<640xf32, #tpu.memory_space<vmem>>, vector<16xf32>,
    %swap3A_39 = vector.shape_cast %swap3A_38 : vector<16xf32> to vector<16xf32>
    %swap3A_40 = vector.shape_cast %broadcast_in_dim3A_36 : vector<16xf32> to vector<16xf32>
    tpu.vector_store %arg33[%swap3A_37], %swap3A_40 {strides = array<i32>} : memref<640xf32, #tpu.memory_space<vmem>>, vector<16xf32>,
    %broadcast_in_dim3A_41 = arith.constant 0.000000e+00 : f32
    %broadcast_in_dim3A_42 = vector.broadcast %broadcast_in_dim3A_41 : f32 to vector<16xf32>
    %swap3A_43 = arith.constant 96 : index
    %swap3A_44 = tpu.vector_load %arg33[%swap3A_43] {strides = array<i32>} : memref<640xf32, #tpu.memory_space<vmem>>, vector<16xf32>,
    %swap3A_45 = vector.shape_cast %swap3A_44 : vector<16xf32> to vector<16xf32>
    %swap3A_46 = vector.shape_cast %broadcast_in_dim3A_42 : vector<16xf32> to vector<16xf32>
    tpu.vector_store %arg33[%swap3A_43], %swap3A_46 {strides = array<i32>} : memref<640xf32, #tpu.memory_space<vmem>>, vector<16xf32>,
    %broadcast_in_dim3A_47 = arith.constant 0.000000e+00 : f32
    %broadcast_in_dim3A_48 = vector.broadcast %broadcast_in_dim3A_47 : f32 to vector<16xf32>
    %swap3A_49 = arith.constant 112 : index
    %swap3A_50 = tpu.vector_load %arg33[%swap3A_49] {strides = array<i32>} : memref<640xf32, #tpu.memory_space<vmem>>, vector<16xf32>,
    %swap3A_51 = vector.shape_cast %swap3A_50 : vector<16xf32> to vector<16xf32>
    %swap3A_52 = vector.shape_cast %broadcast_in_dim3A_48 : vector<16xf32> to vector<16xf32>
    tpu.vector_store %arg33[%swap3A_49], %swap3A_52 {strides = array<i32>} : memref<640xf32, #tpu.memory_space<vmem>>, vector<16xf32>,
    %broadcast_in_dim3A_53 = arith.constant 0.000000e+00 : f32
    %broadcast_in_dim3A_54 = vector.broadcast %broadcast_in_dim3A_53 : f32 to vector<16xf32>
    %swap3A_55 = arith.constant 128 : index
    %swap3A_56 = tpu.vector_load %arg33[%swap3A_55] {strides = array<i32>} : memref<640xf32, #tpu.memory_space<vmem>>, vector<16xf32>,
    %swap3A_57 = vector.shape_cast %swap3A_56 : vector<16xf32> to vector<16xf32>
    %swap3A_58 = vector.shape_cast %broadcast_in_dim3A_54 : vector<16xf32> to vector<16xf32>
    tpu.vector_store %arg33[%swap3A_55], %swap3A_58 {strides = array<i32>} : memref<640xf32, #tpu.memory_space<vmem>>, vector<16xf32>,
    %broadcast_in_dim3A_59 = arith.constant 0.000000e+00 : f32
    %broadcast_in_dim3A_60 = vector.broadcast %broadcast_in_dim3A_59 : f32 to vector<16xf32>
    %swap3A_61 = arith.constant 144 : index
    %swap3A_62 = tpu.vector_load %arg33[%swap3A_61] {strides = array<i32>} : memref<640xf32, #tpu.memory_space<vmem>>, vector<16xf32>,
    %swap3A_63 = vector.shape_cast %swap3A_62 : vector<16xf32> to vector<16xf32>
    %swap3A_64 = vector.shape_cast %broadcast_in_dim3A_60 : vector<16xf32> to vector<16xf32>
    tpu.vector_store %arg33[%swap3A_61], %swap3A_64 {strides = array<i32>} : memref<640xf32, #tpu.memory_space<vmem>>, vector<16xf32>,
    %broadcast_in_dim3A_65 = arith.constant 0.000000e+00 : f32
    %broadcast_in_dim3A_66 = vector.broadcast %broadcast_in_dim3A_65 : f32 to vector<16xf32>
    %swap3A_67 = arith.constant 160 : index
    %swap3A_68 = tpu.vector_load %arg33[%swap3A_67] {strides = array<i32>} : memref<640xf32, #tpu.memory_space<vmem>>, vector<16xf32>,
    %swap3A_69 = vector.shape_cast %swap3A_68 : vector<16xf32> to vector<16xf32>
    %swap3A_70 = vector.shape_cast %broadcast_in_dim3A_66 : vector<16xf32> to vector<16xf32>
    tpu.vector_store %arg33[%swap3A_67], %swap3A_70 {strides = array<i32>} : memref<640xf32, #tpu.memory_space<vmem>>, vector<16xf32>,
    %broadcast_in_dim3A_71 = arith.constant 0.000000e+00 : f32
    %broadcast_in_dim3A_72 = vector.broadcast %broadcast_in_dim3A_71 : f32 to vector<16xf32>
    %swap3A_73 = arith.constant 176 : index
    %swap3A_74 = tpu.vector_load %arg33[%swap3A_73] {strides = array<i32>} : memref<640xf32, #tpu.memory_space<vmem>>, vector<16xf32>,
    %swap3A_75 = vector.shape_cast %swap3A_74 : vector<16xf32> to vector<16xf32>
    %swap3A_76 = vector.shape_cast %broadcast_in_dim3A_72 : vector<16xf32> to vector<16xf32>
    tpu.vector_store %arg33[%swap3A_73], %swap3A_76 {strides = array<i32>} : memref<640xf32, #tpu.memory_space<vmem>>, vector<16xf32>,
    %broadcast_in_dim3A_77 = arith.constant 0.000000e+00 : f32
    %broadcast_in_dim3A_78 = vector.broadcast %broadcast_in_dim3A_77 : f32 to vector<16xf32>
    %swap3A_79 = arith.constant 192 : index
    %swap3A_80 = tpu.vector_load %arg33[%swap3A_79] {strides = array<i32>} : memref<640xf32, #tpu.memory_space<vmem>>, vector<16xf32>,
    %swap3A_81 = vector.shape_cast %swap3A_80 : vector<16xf32> to vector<16xf32>
    %swap3A_82 = vector.shape_cast %broadcast_in_dim3A_78 : vector<16xf32> to vector<16xf32>
    tpu.vector_store %arg33[%swap3A_79], %swap3A_82 {strides = array<i32>} : memref<640xf32, #tpu.memory_space<vmem>>, vector<16xf32>,
    %broadcast_in_dim3A_83 = arith.constant 0.000000e+00 : f32
    %broadcast_in_dim3A_84 = vector.broadcast %broadcast_in_dim3A_83 : f32 to vector<16xf32>
    %swap3A_85 = arith.constant 208 : index
    %swap3A_86 = tpu.vector_load %arg33[%swap3A_85] {strides = array<i32>} : memref<640xf32, #tpu.memory_space<vmem>>, vector<16xf32>,
    %swap3A_87 = vector.shape_cast %swap3A_86 : vector<16xf32> to vector<16xf32>
    %swap3A_88 = vector.shape_cast %broadcast_in_dim3A_84 : vector<16xf32> to vector<16xf32>
    tpu.vector_store %arg33[%swap3A_85], %swap3A_88 {strides = array<i32>} : memref<640xf32, #tpu.memory_space<vmem>>, vector<16xf32>,
    %broadcast_in_dim3A_89 = arith.constant 0.000000e+00 : f32
    %broadcast_in_dim3A_90 = vector.broadcast %broadcast_in_dim3A_89 : f32 to vector<16xf32>
    %swap3A_91 = arith.constant 224 : index
    %swap3A_92 = tpu.vector_load %arg33[%swap3A_91] {strides = array<i32>} : memref<640xf32, #tpu.memory_space<vmem>>, vector<16xf32>,
    %swap3A_93 = vector.shape_cast %swap3A_92 : vector<16xf32> to vector<16xf32>
    %swap3A_94 = vector.shape_cast %broadcast_in_dim3A_90 : vector<16xf32> to vector<16xf32>
    tpu.vector_store %arg33[%swap3A_91], %swap3A_94 {strides = array<i32>} : memref<640xf32, #tpu.memory_space<vmem>>, vector<16xf32>,
    %broadcast_in_dim3A_95 = arith.constant 0.000000e+00 : f32
    %broadcast_in_dim3A_96 = vector.broadcast %broadcast_in_dim3A_95 : f32 to vector<16xf32>
    %swap3A_97 = arith.constant 240 : index
    %swap3A_98 = tpu.vector_load %arg33[%swap3A_97] {strides = array<i32>} : memref<640xf32, #tpu.memory_space<vmem>>, vector<16xf32>,
    %swap3A_99 = vector.shape_cast %swap3A_98 : vector<16xf32> to vector<16xf32>
    %swap3A_100 = vector.shape_cast %broadcast_in_dim3A_96 : vector<16xf32> to vector<16xf32>
    tpu.vector_store %arg33[%swap3A_97], %swap3A_100 {strides = array<i32>} : memref<640xf32, #tpu.memory_space<vmem>>, vector<16xf32>,
    %broadcast_in_dim3A_101 = arith.constant 0.000000e+00 : f32
    %broadcast_in_dim3A_102 = vector.broadcast %broadcast_in_dim3A_101 : f32 to vector<16xf32>
    %swap3A_103 = arith.constant 256 : index
    %swap3A_104 = tpu.vector_load %arg33[%swap3A_103] {strides = array<i32>} : memref<640xf32, #tpu.memory_space<vmem>>, vector<16xf32>,
    %swap3A_105 = vector.shape_cast %swap3A_104 : vector<16xf32> to vector<16xf32>
    %swap3A_106 = vector.shape_cast %broadcast_in_dim3A_102 : vector<16xf32> to vector<16xf32>
    tpu.vector_store %arg33[%swap3A_103], %swap3A_106 {strides = array<i32>} : memref<640xf32, #tpu.memory_space<vmem>>, vector<16xf32>,
    %broadcast_in_dim3A_107 = arith.constant 0.000000e+00 : f32
    %broadcast_in_dim3A_108 = vector.broadcast %broadcast_in_dim3A_107 : f32 to vector<16xf32>
    %swap3A_109 = arith.constant 272 : index
    %swap3A_110 = tpu.vector_load %arg33[%swap3A_109] {strides = array<i32>} : memref<640xf32, #tpu.memory_space<vmem>>, vector<16xf32>,
    %swap3A_111 = vector.shape_cast %swap3A_110 : vector<16xf32> to vector<16xf32>
    %swap3A_112 = vector.shape_cast %broadcast_in_dim3A_108 : vector<16xf32> to vector<16xf32>
    tpu.vector_store %arg33[%swap3A_109], %swap3A_112 {strides = array<i32>} : memref<640xf32, #tpu.memory_space<vmem>>, vector<16xf32>,
    %broadcast_in_dim3A_113 = arith.constant 0.000000e+00 : f32
    %broadcast_in_dim3A_114 = vector.broadcast %broadcast_in_dim3A_113 : f32 to vector<16xf32>
    %swap3A_115 = arith.constant 288 : index
    %swap3A_116 = tpu.vector_load %arg33[%swap3A_115] {strides = array<i32>} : memref<640xf32, #tpu.memory_space<vmem>>, vector<16xf32>,
    %swap3A_117 = vector.shape_cast %swap3A_116 : vector<16xf32> to vector<16xf32>
    %swap3A_118 = vector.shape_cast %broadcast_in_dim3A_114 : vector<16xf32> to vector<16xf32>
    tpu.vector_store %arg33[%swap3A_115], %swap3A_118 {strides = array<i32>} : memref<640xf32, #tpu.memory_space<vmem>>, vector<16xf32>,
    %broadcast_in_dim3A_119 = arith.constant 0.000000e+00 : f32
    %broadcast_in_dim3A_120 = vector.broadcast %broadcast_in_dim3A_119 : f32 to vector<16xf32>
    %swap3A_121 = arith.constant 304 : index
    %swap3A_122 = tpu.vector_load %arg33[%swap3A_121] {strides = array<i32>} : memref<640xf32, #tpu.memory_space<vmem>>, vector<16xf32>,
    %swap3A_123 = vector.shape_cast %swap3A_122 : vector<16xf32> to vector<16xf32>
    %swap3A_124 = vector.shape_cast %broadcast_in_dim3A_120 : vector<16xf32> to vector<16xf32>
    tpu.vector_store %arg33[%swap3A_121], %swap3A_124 {strides = array<i32>} : memref<640xf32, #tpu.memory_space<vmem>>, vector<16xf32>,
    %broadcast_in_dim3A_125 = arith.constant 0.000000e+00 : f32
    %broadcast_in_dim3A_126 = vector.broadcast %broadcast_in_dim3A_125 : f32 to vector<16xf32>
    %swap3A_127 = arith.constant 320 : index
    %swap3A_128 = tpu.vector_load %arg33[%swap3A_127] {strides = array<i32>} : memref<640xf32, #tpu.memory_space<vmem>>, vector<16xf32>,
    %swap3A_129 = vector.shape_cast %swap3A_128 : vector<16xf32> to vector<16xf32>
    %swap3A_130 = vector.shape_cast %broadcast_in_dim3A_126 : vector<16xf32> to vector<16xf32>
    tpu.vector_store %arg33[%swap3A_127], %swap3A_130 {strides = array<i32>} : memref<640xf32, #tpu.memory_space<vmem>>, vector<16xf32>,
    %broadcast_in_dim3A_131 = arith.constant 0.000000e+00 : f32
    %broadcast_in_dim3A_132 = vector.broadcast %broadcast_in_dim3A_131 : f32 to vector<16xf32>
    %swap3A_133 = arith.constant 336 : index
    %swap3A_134 = tpu.vector_load %arg33[%swap3A_133] {strides = array<i32>} : memref<640xf32, #tpu.memory_space<vmem>>, vector<16xf32>,
    %swap3A_135 = vector.shape_cast %swap3A_134 : vector<16xf32> to vector<16xf32>
    %swap3A_136 = vector.shape_cast %broadcast_in_dim3A_132 : vector<16xf32> to vector<16xf32>
    tpu.vector_store %arg33[%swap3A_133], %swap3A_136 {strides = array<i32>} : memref<640xf32, #tpu.memory_space<vmem>>, vector<16xf32>,
    %broadcast_in_dim3A_137 = arith.constant 0.000000e+00 : f32
    %broadcast_in_dim3A_138 = vector.broadcast %broadcast_in_dim3A_137 : f32 to vector<16xf32>
    %swap3A_139 = arith.constant 352 : index
    %swap3A_140 = tpu.vector_load %arg33[%swap3A_139] {strides = array<i32>} : memref<640xf32, #tpu.memory_space<vmem>>, vector<16xf32>,
    %swap3A_141 = vector.shape_cast %swap3A_140 : vector<16xf32> to vector<16xf32>
    %swap3A_142 = vector.shape_cast %broadcast_in_dim3A_138 : vector<16xf32> to vector<16xf32>
    tpu.vector_store %arg33[%swap3A_139], %swap3A_142 {strides = array<i32>} : memref<640xf32, #tpu.memory_space<vmem>>, vector<16xf32>,
    %broadcast_in_dim3A_143 = arith.constant 0.000000e+00 : f32
    %broadcast_in_dim3A_144 = vector.broadcast %broadcast_in_dim3A_143 : f32 to vector<16xf32>
    %swap3A_145 = arith.constant 368 : index
    %swap3A_146 = tpu.vector_load %arg33[%swap3A_145] {strides = array<i32>} : memref<640xf32, #tpu.memory_space<vmem>>, vector<16xf32>,
    %swap3A_147 = vector.shape_cast %swap3A_146 : vector<16xf32> to vector<16xf32>
    %swap3A_148 = vector.shape_cast %broadcast_in_dim3A_144 : vector<16xf32> to vector<16xf32>
    tpu.vector_store %arg33[%swap3A_145], %swap3A_148 {strides = array<i32>} : memref<640xf32, #tpu.memory_space<vmem>>, vector<16xf32>,
    %broadcast_in_dim3A_149 = arith.constant 0.000000e+00 : f32
    %broadcast_in_dim3A_150 = vector.broadcast %broadcast_in_dim3A_149 : f32 to vector<16xf32>
    %swap3A_151 = arith.constant 384 : index
    %swap3A_152 = tpu.vector_load %arg33[%swap3A_151] {strides = array<i32>} : memref<640xf32, #tpu.memory_space<vmem>>, vector<16xf32>,
    %swap3A_153 = vector.shape_cast %swap3A_152 : vector<16xf32> to vector<16xf32>
    %swap3A_154 = vector.shape_cast %broadcast_in_dim3A_150 : vector<16xf32> to vector<16xf32>
    tpu.vector_store %arg33[%swap3A_151], %swap3A_154 {strides = array<i32>} : memref<640xf32, #tpu.memory_space<vmem>>, vector<16xf32>,
    %broadcast_in_dim3A_155 = arith.constant 0.000000e+00 : f32
    %broadcast_in_dim3A_156 = vector.broadcast %broadcast_in_dim3A_155 : f32 to vector<16xf32>
    %swap3A_157 = arith.constant 400 : index
    %swap3A_158 = tpu.vector_load %arg33[%swap3A_157] {strides = array<i32>} : memref<640xf32, #tpu.memory_space<vmem>>, vector<16xf32>,
    %swap3A_159 = vector.shape_cast %swap3A_158 : vector<16xf32> to vector<16xf32>
    %swap3A_160 = vector.shape_cast %broadcast_in_dim3A_156 : vector<16xf32> to vector<16xf32>
    tpu.vector_store %arg33[%swap3A_157], %swap3A_160 {strides = array<i32>} : memref<640xf32, #tpu.memory_space<vmem>>, vector<16xf32>,
    %broadcast_in_dim3A_161 = arith.constant 0.000000e+00 : f32
    %broadcast_in_dim3A_162 = vector.broadcast %broadcast_in_dim3A_161 : f32 to vector<16xf32>
    %swap3A_163 = arith.constant 416 : index
    %swap3A_164 = tpu.vector_load %arg33[%swap3A_163] {strides = array<i32>} : memref<640xf32, #tpu.memory_space<vmem>>, vector<16xf32>,
    %swap3A_165 = vector.shape_cast %swap3A_164 : vector<16xf32> to vector<16xf32>
    %swap3A_166 = vector.shape_cast %broadcast_in_dim3A_162 : vector<16xf32> to vector<16xf32>
    tpu.vector_store %arg33[%swap3A_163], %swap3A_166 {strides = array<i32>} : memref<640xf32, #tpu.memory_space<vmem>>, vector<16xf32>,
    %broadcast_in_dim3A_167 = arith.constant 0.000000e+00 : f32
    %broadcast_in_dim3A_168 = vector.broadcast %broadcast_in_dim3A_167 : f32 to vector<16xf32>
    %swap3A_169 = arith.constant 432 : index
    %swap3A_170 = tpu.vector_load %arg33[%swap3A_169] {strides = array<i32>} : memref<640xf32, #tpu.memory_space<vmem>>, vector<16xf32>,
    %swap3A_171 = vector.shape_cast %swap3A_170 : vector<16xf32> to vector<16xf32>
    %swap3A_172 = vector.shape_cast %broadcast_in_dim3A_168 : vector<16xf32> to vector<16xf32>
    tpu.vector_store %arg33[%swap3A_169], %swap3A_172 {strides = array<i32>} : memref<640xf32, #tpu.memory_space<vmem>>, vector<16xf32>,
    %broadcast_in_dim3A_173 = arith.constant 0.000000e+00 : f32
    %broadcast_in_dim3A_174 = vector.broadcast %broadcast_in_dim3A_173 : f32 to vector<16xf32>
    %swap3A_175 = arith.constant 448 : index
    %swap3A_176 = tpu.vector_load %arg33[%swap3A_175] {strides = array<i32>} : memref<640xf32, #tpu.memory_space<vmem>>, vector<16xf32>,
    %swap3A_177 = vector.shape_cast %swap3A_176 : vector<16xf32> to vector<16xf32>
    %swap3A_178 = vector.shape_cast %broadcast_in_dim3A_174 : vector<16xf32> to vector<16xf32>
    tpu.vector_store %arg33[%swap3A_175], %swap3A_178 {strides = array<i32>} : memref<640xf32, #tpu.memory_space<vmem>>, vector<16xf32>,
    %broadcast_in_dim3A_179 = arith.constant 0.000000e+00 : f32
    %broadcast_in_dim3A_180 = vector.broadcast %broadcast_in_dim3A_179 : f32 to vector<16xf32>
    %swap3A_181 = arith.constant 464 : index
    %swap3A_182 = tpu.vector_load %arg33[%swap3A_181] {strides = array<i32>} : memref<640xf32, #tpu.memory_space<vmem>>, vector<16xf32>,
    %swap3A_183 = vector.shape_cast %swap3A_182 : vector<16xf32> to vector<16xf32>
    %swap3A_184 = vector.shape_cast %broadcast_in_dim3A_180 : vector<16xf32> to vector<16xf32>
    tpu.vector_store %arg33[%swap3A_181], %swap3A_184 {strides = array<i32>} : memref<640xf32, #tpu.memory_space<vmem>>, vector<16xf32>,
    %broadcast_in_dim3A_185 = arith.constant 0.000000e+00 : f32
    %broadcast_in_dim3A_186 = vector.broadcast %broadcast_in_dim3A_185 : f32 to vector<16xf32>
    %swap3A_187 = arith.constant 480 : index
    %swap3A_188 = tpu.vector_load %arg33[%swap3A_187] {strides = array<i32>} : memref<640xf32, #tpu.memory_space<vmem>>, vector<16xf32>,
    %swap3A_189 = vector.shape_cast %swap3A_188 : vector<16xf32> to vector<16xf32>
    %swap3A_190 = vector.shape_cast %broadcast_in_dim3A_186 : vector<16xf32> to vector<16xf32>
    tpu.vector_store %arg33[%swap3A_187], %swap3A_190 {strides = array<i32>} : memref<640xf32, #tpu.memory_space<vmem>>, vector<16xf32>,
    %broadcast_in_dim3A_191 = arith.constant 0.000000e+00 : f32
    %broadcast_in_dim3A_192 = vector.broadcast %broadcast_in_dim3A_191 : f32 to vector<16xf32>
    %swap3A_193 = arith.constant 496 : index
    %swap3A_194 = tpu.vector_load %arg33[%swap3A_193] {strides = array<i32>} : memref<640xf32, #tpu.memory_space<vmem>>, vector<16xf32>,
    %swap3A_195 = vector.shape_cast %swap3A_194 : vector<16xf32> to vector<16xf32>
    %swap3A_196 = vector.shape_cast %broadcast_in_dim3A_192 : vector<16xf32> to vector<16xf32>
    tpu.vector_store %arg33[%swap3A_193], %swap3A_196 {strides = array<i32>} : memref<640xf32, #tpu.memory_space<vmem>>, vector<16xf32>,
    %broadcast_in_dim3A_197 = arith.constant 0.000000e+00 : f32
    %broadcast_in_dim3A_198 = vector.broadcast %broadcast_in_dim3A_197 : f32 to vector<16xf32>
    %swap3A_199 = arith.constant 512 : index
    %swap3A_200 = tpu.vector_load %arg33[%swap3A_199] {strides = array<i32>} : memref<640xf32, #tpu.memory_space<vmem>>, vector<16xf32>,
    %swap3A_201 = vector.shape_cast %swap3A_200 : vector<16xf32> to vector<16xf32>
    %swap3A_202 = vector.shape_cast %broadcast_in_dim3A_198 : vector<16xf32> to vector<16xf32>
    tpu.vector_store %arg33[%swap3A_199], %swap3A_202 {strides = array<i32>} : memref<640xf32, #tpu.memory_space<vmem>>, vector<16xf32>,
    %broadcast_in_dim3A_203 = arith.constant 0.000000e+00 : f32
    %broadcast_in_dim3A_204 = vector.broadcast %broadcast_in_dim3A_203 : f32 to vector<16xf32>
    %swap3A_205 = arith.constant 528 : index
    %swap3A_206 = tpu.vector_load %arg33[%swap3A_205] {strides = array<i32>} : memref<640xf32, #tpu.memory_space<vmem>>, vector<16xf32>,
    %swap3A_207 = vector.shape_cast %swap3A_206 : vector<16xf32> to vector<16xf32>
    %swap3A_208 = vector.shape_cast %broadcast_in_dim3A_204 : vector<16xf32> to vector<16xf32>
    tpu.vector_store %arg33[%swap3A_205], %swap3A_208 {strides = array<i32>} : memref<640xf32, #tpu.memory_space<vmem>>, vector<16xf32>,
    %broadcast_in_dim3A_209 = arith.constant 0.000000e+00 : f32
    %broadcast_in_dim3A_210 = vector.broadcast %broadcast_in_dim3A_209 : f32 to vector<16xf32>
    %swap3A_211 = arith.constant 544 : index
    %swap3A_212 = tpu.vector_load %arg33[%swap3A_211] {strides = array<i32>} : memref<640xf32, #tpu.memory_space<vmem>>, vector<16xf32>,
    %swap3A_213 = vector.shape_cast %swap3A_212 : vector<16xf32> to vector<16xf32>
    %swap3A_214 = vector.shape_cast %broadcast_in_dim3A_210 : vector<16xf32> to vector<16xf32>
    tpu.vector_store %arg33[%swap3A_211], %swap3A_214 {strides = array<i32>} : memref<640xf32, #tpu.memory_space<vmem>>, vector<16xf32>,
    %broadcast_in_dim3A_215 = arith.constant 0.000000e+00 : f32
    %broadcast_in_dim3A_216 = vector.broadcast %broadcast_in_dim3A_215 : f32 to vector<16xf32>
    %swap3A_217 = arith.constant 560 : index
    %swap3A_218 = tpu.vector_load %arg33[%swap3A_217] {strides = array<i32>} : memref<640xf32, #tpu.memory_space<vmem>>, vector<16xf32>,
    %swap3A_219 = vector.shape_cast %swap3A_218 : vector<16xf32> to vector<16xf32>
    %swap3A_220 = vector.shape_cast %broadcast_in_dim3A_216 : vector<16xf32> to vector<16xf32>
    tpu.vector_store %arg33[%swap3A_217], %swap3A_220 {strides = array<i32>} : memref<640xf32, #tpu.memory_space<vmem>>, vector<16xf32>,
    %broadcast_in_dim3A_221 = arith.constant 0.000000e+00 : f32
    %broadcast_in_dim3A_222 = vector.broadcast %broadcast_in_dim3A_221 : f32 to vector<16xf32>
    %swap3A_223 = arith.constant 576 : index
    %swap3A_224 = tpu.vector_load %arg33[%swap3A_223] {strides = array<i32>} : memref<640xf32, #tpu.memory_space<vmem>>, vector<16xf32>,
    %swap3A_225 = vector.shape_cast %swap3A_224 : vector<16xf32> to vector<16xf32>
    %swap3A_226 = vector.shape_cast %broadcast_in_dim3A_222 : vector<16xf32> to vector<16xf32>
    tpu.vector_store %arg33[%swap3A_223], %swap3A_226 {strides = array<i32>} : memref<640xf32, #tpu.memory_space<vmem>>, vector<16xf32>,
    %broadcast_in_dim3A_227 = arith.constant 0.000000e+00 : f32
    %broadcast_in_dim3A_228 = vector.broadcast %broadcast_in_dim3A_227 : f32 to vector<16xf32>
    %swap3A_229 = arith.constant 592 : index
    %swap3A_230 = tpu.vector_load %arg33[%swap3A_229] {strides = array<i32>} : memref<640xf32, #tpu.memory_space<vmem>>, vector<16xf32>,
    %swap3A_231 = vector.shape_cast %swap3A_230 : vector<16xf32> to vector<16xf32>
    %swap3A_232 = vector.shape_cast %broadcast_in_dim3A_228 : vector<16xf32> to vector<16xf32>
    tpu.vector_store %arg33[%swap3A_229], %swap3A_232 {strides = array<i32>} : memref<640xf32, #tpu.memory_space<vmem>>, vector<16xf32>,
    %broadcast_in_dim3A_233 = arith.constant 0.000000e+00 : f32
    %broadcast_in_dim3A_234 = vector.broadcast %broadcast_in_dim3A_233 : f32 to vector<16xf32>
    %swap3A_235 = arith.constant 608 : index
    %swap3A_236 = tpu.vector_load %arg33[%swap3A_235] {strides = array<i32>} : memref<640xf32, #tpu.memory_space<vmem>>, vector<16xf32>,
    %swap3A_237 = vector.shape_cast %swap3A_236 : vector<16xf32> to vector<16xf32>
    %swap3A_238 = vector.shape_cast %broadcast_in_dim3A_234 : vector<16xf32> to vector<16xf32>
    tpu.vector_store %arg33[%swap3A_235], %swap3A_238 {strides = array<i32>} : memref<640xf32, #tpu.memory_space<vmem>>, vector<16xf32>,
    %broadcast_in_dim3A_239 = arith.constant 0.000000e+00 : f32
    %broadcast_in_dim3A_240 = vector.broadcast %broadcast_in_dim3A_239 : f32 to vector<16xf32>
    %swap3A_241 = arith.constant 624 : index
    %swap3A_242 = tpu.vector_load %arg33[%swap3A_241] {strides = array<i32>} : memref<640xf32, #tpu.memory_space<vmem>>, vector<16xf32>,
    %swap3A_243 = vector.shape_cast %swap3A_242 : vector<16xf32> to vector<16xf32>
    %swap3A_244 = vector.shape_cast %broadcast_in_dim3A_240 : vector<16xf32> to vector<16xf32>
    tpu.vector_store %arg33[%swap3A_241], %swap3A_244 {strides = array<i32>} : memref<640xf32, #tpu.memory_space<vmem>>, vector<16xf32>,
    %mul3A_245 = arith.constant 320 : i32
    %mul3A_246 = arith.muli %arg1, %mul3A_245 : i32
    "tpu.region"() ({
      %run_scoped3A = tpu.sem_alloc : memref<!tpu.dma_semaphore, #tpu.memory_space<semaphore_mem>>
      %dma_start3A_538 = arith.constant 0 : i32
      %dma_start3A_539 = tpu.memref_slice %arg33[%dma_start3A_538] : memref<640xf32, #tpu.memory_space<vmem>> -> memref<320xf32, #tpu.memory_space<vmem>>
      %dma_start3A_540 = tpu.memref_slice %arg27[%mul3A_246] : memref<5120xf32, #tpu.memory_space<vmem_shared>> -> memref<320xf32, #tpu.memory_space<vmem_shared>>
      %dma_start3A_541 = tpu.memref_slice %arg27[%mul3A_246] : memref<5120xf32, #tpu.memory_space<vmem_shared>> -> memref<320xf32, #tpu.memory_space<vmem_shared>>
      %dma_start3A_542 = arith.constant 0 : i32
      %dma_start3A_543 = tpu.memref_slice %arg33[%dma_start3A_542] : memref<640xf32, #tpu.memory_space<vmem>> -> memref<320xf32, #tpu.memory_space<vmem>>
      tpu.enqueue_dma source(%dma_start3A_543 : memref<320xf32, #tpu.memory_space<vmem>>) target(%dma_start3A_541 : memref<320xf32, #tpu.memory_space<vmem_shared>>) target_semaphore(%run_scoped3A : memref<!tpu.dma_semaphore, #tpu.memory_space<semaphore_mem>>)
      %dma_wait3A_544 = arith.constant 0 : i32
      %dma_wait3A_545 = tpu.memref_slice %arg33[%dma_wait3A_544] : memref<640xf32, #tpu.memory_space<vmem>> -> memref<320xf32, #tpu.memory_space<vmem>>
      %dma_wait3A_546 = tpu.memref_slice %arg27[%mul3A_246] : memref<5120xf32, #tpu.memory_space<vmem_shared>> -> memref<320xf32, #tpu.memory_space<vmem_shared>>
      %dma_wait3A_547 = tpu.memref_slice %arg27[%mul3A_246] : memref<5120xf32, #tpu.memory_space<vmem_shared>> -> memref<320xf32, #tpu.memory_space<vmem_shared>>
      %dma_wait3A_548 = arith.constant 0 : i32
      %dma_wait3A_549 = tpu.memref_slice %arg33[%dma_wait3A_548] : memref<640xf32, #tpu.memory_space<vmem>> -> memref<320xf32, #tpu.memory_space<vmem>>
      tpu.wait_dma2 semaphore(%run_scoped3A : memref<!tpu.dma_semaphore, #tpu.memory_space<semaphore_mem>>) src(%dma_wait3A_549 : memref<320xf32, #tpu.memory_space<vmem>>) dst(%dma_wait3A_547 : memref<320xf32, #tpu.memory_space<vmem_shared>>)
      tpu.yield
    }) : () -> ()
    %mul3A_247 = arith.constant 640 : i32
    %mul3A_248 = arith.muli %arg1, %mul3A_247 : i32
    "tpu.region"() ({
      %run_scoped3A = tpu.sem_alloc : memref<!tpu.dma_semaphore, #tpu.memory_space<semaphore_mem>>
      %dma_start3A_538 = tpu.memref_slice %arg28[%mul3A_248] : memref<10240xf32, #tpu.memory_space<vmem_shared>> -> memref<640xf32, #tpu.memory_space<vmem_shared>>
      %dma_start3A_539 = tpu.memref_slice %arg28[%mul3A_248] : memref<10240xf32, #tpu.memory_space<vmem_shared>> -> memref<640xf32, #tpu.memory_space<vmem_shared>>
      tpu.enqueue_dma source(%arg33 : memref<640xf32, #tpu.memory_space<vmem>>) target(%dma_start3A_539 : memref<640xf32, #tpu.memory_space<vmem_shared>>) target_semaphore(%run_scoped3A : memref<!tpu.dma_semaphore, #tpu.memory_space<semaphore_mem>>)
      %dma_wait3A_540 = tpu.memref_slice %arg28[%mul3A_248] : memref<10240xf32, #tpu.memory_space<vmem_shared>> -> memref<640xf32, #tpu.memory_space<vmem_shared>>
      %dma_wait3A_541 = tpu.memref_slice %arg28[%mul3A_248] : memref<10240xf32, #tpu.memory_space<vmem_shared>> -> memref<640xf32, #tpu.memory_space<vmem_shared>>
      tpu.wait_dma2 semaphore(%run_scoped3A : memref<!tpu.dma_semaphore, #tpu.memory_space<semaphore_mem>>) src(%arg33 : memref<640xf32, #tpu.memory_space<vmem>>) dst(%dma_wait3A_541 : memref<640xf32, #tpu.memory_space<vmem_shared>>)
      tpu.yield
    }) : () -> ()
    %broadcast_in_dim3A_249 = arith.constant 1.000000e+00 : f32
    %broadcast_in_dim3A_250 = vector.broadcast %broadcast_in_dim3A_249 : f32 to vector<16xf32>
    %swap3A_251 = arith.constant 0 : index
    %swap3A_252 = tpu.vector_load %arg32[%swap3A_251] {strides = array<i32>} : memref<80xf32, #tpu.memory_space<vmem>>, vector<16xf32>,
    %swap3A_253 = vector.shape_cast %swap3A_252 : vector<16xf32> to vector<16xf32>
    %swap3A_254 = vector.shape_cast %broadcast_in_dim3A_250 : vector<16xf32> to vector<16xf32>
    tpu.vector_store %arg32[%swap3A_251], %swap3A_254 {strides = array<i32>} : memref<80xf32, #tpu.memory_space<vmem>>, vector<16xf32>,
    %broadcast_in_dim3A_255 = arith.constant 1.000000e+00 : f32
    %broadcast_in_dim3A_256 = vector.broadcast %broadcast_in_dim3A_255 : f32 to vector<16xf32>
    %swap3A_257 = arith.constant 16 : index
    %swap3A_258 = tpu.vector_load %arg32[%swap3A_257] {strides = array<i32>} : memref<80xf32, #tpu.memory_space<vmem>>, vector<16xf32>,
    %swap3A_259 = vector.shape_cast %swap3A_258 : vector<16xf32> to vector<16xf32>
    %swap3A_260 = vector.shape_cast %broadcast_in_dim3A_256 : vector<16xf32> to vector<16xf32>
    tpu.vector_store %arg32[%swap3A_257], %swap3A_260 {strides = array<i32>} : memref<80xf32, #tpu.memory_space<vmem>>, vector<16xf32>,
    %broadcast_in_dim3A_261 = arith.constant 1.000000e+00 : f32
    %broadcast_in_dim3A_262 = vector.broadcast %broadcast_in_dim3A_261 : f32 to vector<16xf32>
    %swap3A_263 = arith.constant 32 : index
    %swap3A_264 = tpu.vector_load %arg32[%swap3A_263] {strides = array<i32>} : memref<80xf32, #tpu.memory_space<vmem>>, vector<16xf32>,
    %swap3A_265 = vector.shape_cast %swap3A_264 : vector<16xf32> to vector<16xf32>
    %swap3A_266 = vector.shape_cast %broadcast_in_dim3A_262 : vector<16xf32> to vector<16xf32>
    tpu.vector_store %arg32[%swap3A_263], %swap3A_266 {strides = array<i32>} : memref<80xf32, #tpu.memory_space<vmem>>, vector<16xf32>,
    %broadcast_in_dim3A_267 = arith.constant 1.000000e+00 : f32
    %broadcast_in_dim3A_268 = vector.broadcast %broadcast_in_dim3A_267 : f32 to vector<16xf32>
    %swap3A_269 = arith.constant 48 : index
    %swap3A_270 = tpu.vector_load %arg32[%swap3A_269] {strides = array<i32>} : memref<80xf32, #tpu.memory_space<vmem>>, vector<16xf32>,
    %swap3A_271 = vector.shape_cast %swap3A_270 : vector<16xf32> to vector<16xf32>
    %swap3A_272 = vector.shape_cast %broadcast_in_dim3A_268 : vector<16xf32> to vector<16xf32>
    tpu.vector_store %arg32[%swap3A_269], %swap3A_272 {strides = array<i32>} : memref<80xf32, #tpu.memory_space<vmem>>, vector<16xf32>,
    %broadcast_in_dim3A_273 = arith.constant 1.000000e+00 : f32
    %broadcast_in_dim3A_274 = vector.broadcast %broadcast_in_dim3A_273 : f32 to vector<16xf32>
    %swap3A_275 = arith.constant 64 : index
    %swap3A_276 = tpu.vector_load %arg32[%swap3A_275] {strides = array<i32>} : memref<80xf32, #tpu.memory_space<vmem>>, vector<16xf32>,
    %swap3A_277 = vector.shape_cast %swap3A_276 : vector<16xf32> to vector<16xf32>
    %swap3A_278 = vector.shape_cast %broadcast_in_dim3A_274 : vector<16xf32> to vector<16xf32>
    tpu.vector_store %arg32[%swap3A_275], %swap3A_278 {strides = array<i32>} : memref<80xf32, #tpu.memory_space<vmem>>, vector<16xf32>,
    %barrier3A = arith.constant 0 : index
    tpu.barrier barrier_id(%barrier3A)
    %add3A_279 = arith.constant 0 : i32
    %add3A_280 = arith.addi %mul3A_2, %add3A_279 : i32
    %mul3A_281 = arith.constant 2 : i32
    %mul3A_282 = arith.muli %add3A_280, %mul3A_281 : i32
    %mul3A_283 = arith.constant 80 : i32
    %mul3A_284 = arith.muli %mul3A_282, %mul3A_283 : i32
    %dma_start3A = tpu.memref_slice %arg3[%mul3A_284] : memref<640000xi32, #tpu.memory_space<hbm>> -> memref<160xi32, #tpu.memory_space<hbm>>
    %dma_start3A_285 = tpu.memref_slice %arg3[%mul3A_284] : memref<640000xi32, #tpu.memory_space<hbm>> -> memref<160xi32, #tpu.memory_space<hbm>>
    tpu.enqueue_dma source(%dma_start3A_285 : memref<160xi32, #tpu.memory_space<hbm>>) target(%arg9 : memref<160xi32, #tpu.memory_space<vmem>>) target_semaphore(%arg18 : memref<!tpu.dma_semaphore, #tpu.memory_space<semaphore_mem>>)
    %add3A_286 = arith.constant 1 : i32
    %add3A_287 = arith.addi %mul3A_2, %add3A_286 : i32
    %mul3A_288 = arith.constant 2 : i32
    %mul3A_289 = arith.muli %add3A_287, %mul3A_288 : i32
    %mul3A_290 = arith.constant 80 : i32
    %mul3A_291 = arith.muli %mul3A_289, %mul3A_290 : i32
    %dma_start3A_292 = tpu.memref_slice %arg3[%mul3A_291] : memref<640000xi32, #tpu.memory_space<hbm>> -> memref<160xi32, #tpu.memory_space<hbm>>
    %dma_start3A_293 = tpu.memref_slice %arg3[%mul3A_291] : memref<640000xi32, #tpu.memory_space<hbm>> -> memref<160xi32, #tpu.memory_space<hbm>>
    tpu.enqueue_dma source(%dma_start3A_293 : memref<160xi32, #tpu.memory_space<hbm>>) target(%arg10 : memref<160xi32, #tpu.memory_space<vmem>>) target_semaphore(%arg19 : memref<!tpu.dma_semaphore, #tpu.memory_space<semaphore_mem>>)
    %add3A_294 = arith.constant 2 : i32
    %add3A_295 = arith.addi %mul3A_2, %add3A_294 : i32
    %mul3A_296 = arith.constant 2 : i32
    %mul3A_297 = arith.muli %add3A_295, %mul3A_296 : i32
    %mul3A_298 = arith.constant 80 : i32
    %mul3A_299 = arith.muli %mul3A_297, %mul3A_298 : i32
    %dma_start3A_300 = tpu.memref_slice %arg3[%mul3A_299] : memref<640000xi32, #tpu.memory_space<hbm>> -> memref<160xi32, #tpu.memory_space<hbm>>
    %dma_start3A_301 = tpu.memref_slice %arg3[%mul3A_299] : memref<640000xi32, #tpu.memory_space<hbm>> -> memref<160xi32, #tpu.memory_space<hbm>>
    tpu.enqueue_dma source(%dma_start3A_301 : memref<160xi32, #tpu.memory_space<hbm>>) target(%arg11 : memref<160xi32, #tpu.memory_space<vmem>>) target_semaphore(%arg20 : memref<!tpu.dma_semaphore, #tpu.memory_space<semaphore_mem>>)
    %dma_wait3A = arith.constant 0 : i32
    %dma_wait3A_302 = tpu.memref_slice %arg3[%dma_wait3A] : memref<640000xi32, #tpu.memory_space<hbm>> -> memref<160xi32, #tpu.memory_space<hbm>>
    %dma_wait3A_303 = arith.constant 0 : i32
    %dma_wait3A_304 = tpu.memref_slice %arg3[%dma_wait3A_303] : memref<640000xi32, #tpu.memory_space<hbm>> -> memref<160xi32, #tpu.memory_space<hbm>>
    tpu.wait_dma2 semaphore(%arg18 : memref<!tpu.dma_semaphore, #tpu.memory_space<semaphore_mem>>) src(%dma_wait3A_304 : memref<160xi32, #tpu.memory_space<hbm>>) dst(%arg9 : memref<160xi32, #tpu.memory_space<vmem>>)
    %dma_start3A_305 = arith.constant 0 : i32
    %dma_start3A_306 = tpu.memref_slice %arg9[%dma_start3A_305] : memref<160xi32, #tpu.memory_space<vmem>> -> memref<80xi32, #tpu.memory_space<vmem>>
    %dma_start3A_307 = arith.constant 0 : i32
    %dma_start3A_308 = arith.constant 0 : i32
    %dma_start3A_309 = tpu.memref_slice %arg2[%dma_start3A_307, %dma_start3A_308] : memref<10000x128xf32, #tpu.memory_space<hbm>> -> memref<10000x128xf32, #tpu.memory_space<hbm>>
    tpu.enqueue_indirect_dma source(%dma_start3A_309 : memref<10000x128xf32, #tpu.memory_space<hbm>>) target(%arg15 : memref<80x128xf32, #tpu.memory_space<vmem>>) offsets(%dma_start3A_306 : memref<80xi32, #tpu.memory_space<vmem>>) semaphore(%arg21 : memref<!tpu.dma_semaphore, #tpu.memory_space<semaphore_mem>>)
    %dma_wait3A_310 = arith.constant 0 : i32
    %dma_wait3A_311 = tpu.memref_slice %arg3[%dma_wait3A_310] : memref<640000xi32, #tpu.memory_space<hbm>> -> memref<160xi32, #tpu.memory_space<hbm>>
    %dma_wait3A_312 = arith.constant 0 : i32
    %dma_wait3A_313 = tpu.memref_slice %arg3[%dma_wait3A_312] : memref<640000xi32, #tpu.memory_space<hbm>> -> memref<160xi32, #tpu.memory_space<hbm>>
    tpu.wait_dma2 semaphore(%arg19 : memref<!tpu.dma_semaphore, #tpu.memory_space<semaphore_mem>>) src(%dma_wait3A_313 : memref<160xi32, #tpu.memory_space<hbm>>) dst(%arg10 : memref<160xi32, #tpu.memory_space<vmem>>)
    %dma_start3A_314 = arith.constant 0 : i32
    %dma_start3A_315 = tpu.memref_slice %arg10[%dma_start3A_314] : memref<160xi32, #tpu.memory_space<vmem>> -> memref<80xi32, #tpu.memory_space<vmem>>
    %dma_start3A_316 = arith.constant 0 : i32
    %dma_start3A_317 = arith.constant 0 : i32
    %dma_start3A_318 = tpu.memref_slice %arg2[%dma_start3A_316, %dma_start3A_317] : memref<10000x128xf32, #tpu.memory_space<hbm>> -> memref<10000x128xf32, #tpu.memory_space<hbm>>
    tpu.enqueue_indirect_dma source(%dma_start3A_318 : memref<10000x128xf32, #tpu.memory_space<hbm>>) target(%arg16 : memref<80x128xf32, #tpu.memory_space<vmem>>) offsets(%dma_start3A_315 : memref<80xi32, #tpu.memory_space<vmem>>) semaphore(%arg22 : memref<!tpu.dma_semaphore, #tpu.memory_space<semaphore_mem>>)
    %dma_wait3A_319 = arith.constant 0 : i32
    %dma_wait3A_320 = tpu.memref_slice %arg9[%dma_wait3A_319] : memref<160xi32, #tpu.memory_space<vmem>> -> memref<80xi32, #tpu.memory_space<vmem>>
    %dma_wait3A_321 = arith.constant 0 : i32
    %dma_wait3A_322 = arith.constant 0 : i32
    %dma_wait3A_323 = tpu.memref_slice %arg2[%dma_wait3A_321, %dma_wait3A_322] : memref<10000x128xf32, #tpu.memory_space<hbm>> -> memref<10000x128xf32, #tpu.memory_space<hbm>>
    tpu.wait_indirect_dma semaphore(%arg21 : memref<!tpu.dma_semaphore, #tpu.memory_space<semaphore_mem>>) src(%dma_wait3A_323 : memref<10000x128xf32, #tpu.memory_space<hbm>>) dst(%arg15 : memref<80x128xf32, #tpu.memory_space<vmem>>)
    %get3A = arith.constant 80 : index
    %get3A_324 = tpu.vector_load %arg9[%get3A] {strides = array<i32>} : memref<160xi32, #tpu.memory_space<vmem>>, vector<16xi32>,
    %get3A_325 = vector.shape_cast %get3A_324 : vector<16xi32> to vector<16xi32>
    %swap3A_326 = arith.constant 0 : index
    %swap3A_327 = tpu.vector_load %arg12[%swap3A_326] {strides = array<i32>} : memref<80xi32, #tpu.memory_space<vmem>>, vector<16xi32>,
    %swap3A_328 = vector.shape_cast %swap3A_327 : vector<16xi32> to vector<16xi32>
    %swap3A_329 = vector.shape_cast %get3A_325 : vector<16xi32> to vector<16xi32>
    tpu.vector_store %arg12[%swap3A_326], %swap3A_329 {strides = array<i32>} : memref<80xi32, #tpu.memory_space<vmem>>, vector<16xi32>,
    %get3A_330 = arith.constant 96 : index
    %get3A_331 = tpu.vector_load %arg9[%get3A_330] {strides = array<i32>} : memref<160xi32, #tpu.memory_space<vmem>>, vector<16xi32>,
    %get3A_332 = vector.shape_cast %get3A_331 : vector<16xi32> to vector<16xi32>
    %swap3A_333 = arith.constant 16 : index
    %swap3A_334 = tpu.vector_load %arg12[%swap3A_333] {strides = array<i32>} : memref<80xi32, #tpu.memory_space<vmem>>, vector<16xi32>,
    %swap3A_335 = vector.shape_cast %swap3A_334 : vector<16xi32> to vector<16xi32>
    %swap3A_336 = vector.shape_cast %get3A_332 : vector<16xi32> to vector<16xi32>
    tpu.vector_store %arg12[%swap3A_333], %swap3A_336 {strides = array<i32>} : memref<80xi32, #tpu.memory_space<vmem>>, vector<16xi32>,
    %get3A_337 = arith.constant 112 : index
    %get3A_338 = tpu.vector_load %arg9[%get3A_337] {strides = array<i32>} : memref<160xi32, #tpu.memory_space<vmem>>, vector<16xi32>,
    %get3A_339 = vector.shape_cast %get3A_338 : vector<16xi32> to vector<16xi32>
    %swap3A_340 = arith.constant 32 : index
    %swap3A_341 = tpu.vector_load %arg12[%swap3A_340] {strides = array<i32>} : memref<80xi32, #tpu.memory_space<vmem>>, vector<16xi32>,
    %swap3A_342 = vector.shape_cast %swap3A_341 : vector<16xi32> to vector<16xi32>
    %swap3A_343 = vector.shape_cast %get3A_339 : vector<16xi32> to vector<16xi32>
    tpu.vector_store %arg12[%swap3A_340], %swap3A_343 {strides = array<i32>} : memref<80xi32, #tpu.memory_space<vmem>>, vector<16xi32>,
    %get3A_344 = arith.constant 128 : index
    %get3A_345 = tpu.vector_load %arg9[%get3A_344] {strides = array<i32>} : memref<160xi32, #tpu.memory_space<vmem>>, vector<16xi32>,
    %get3A_346 = vector.shape_cast %get3A_345 : vector<16xi32> to vector<16xi32>
    %swap3A_347 = arith.constant 48 : index
    %swap3A_348 = tpu.vector_load %arg12[%swap3A_347] {strides = array<i32>} : memref<80xi32, #tpu.memory_space<vmem>>, vector<16xi32>,
    %swap3A_349 = vector.shape_cast %swap3A_348 : vector<16xi32> to vector<16xi32>
    %swap3A_350 = vector.shape_cast %get3A_346 : vector<16xi32> to vector<16xi32>
    tpu.vector_store %arg12[%swap3A_347], %swap3A_350 {strides = array<i32>} : memref<80xi32, #tpu.memory_space<vmem>>, vector<16xi32>,
    %get3A_351 = arith.constant 144 : index
    %get3A_352 = tpu.vector_load %arg9[%get3A_351] {strides = array<i32>} : memref<160xi32, #tpu.memory_space<vmem>>, vector<16xi32>,
    %get3A_353 = vector.shape_cast %get3A_352 : vector<16xi32> to vector<16xi32>
    %swap3A_354 = arith.constant 64 : index
    %swap3A_355 = tpu.vector_load %arg12[%swap3A_354] {strides = array<i32>} : memref<80xi32, #tpu.memory_space<vmem>>, vector<16xi32>,
    %swap3A_356 = vector.shape_cast %swap3A_355 : vector<16xi32> to vector<16xi32>
    %swap3A_357 = vector.shape_cast %get3A_353 : vector<16xi32> to vector<16xi32>
    tpu.vector_store %arg12[%swap3A_354], %swap3A_357 {strides = array<i32>} : memref<80xi32, #tpu.memory_space<vmem>>, vector<16xi32>,
    %get3A_358 = arith.constant 0 : index
    %get3A_359 = tpu.vector_load %arg9[%get3A_358] {strides = array<i32>} : memref<160xi32, #tpu.memory_space<vmem>>, vector<16xi32>,
    %get3A_360 = vector.shape_cast %get3A_359 : vector<16xi32> to vector<16xi32>
    %swap3A_361 = arith.constant 0 : index
    %swap3A_362 = tpu.vector_load %arg29[%swap3A_361] {strides = array<i32>} : memref<80xi32, #tpu.memory_space<vmem>>, vector<16xi32>,
    %swap3A_363 = vector.shape_cast %swap3A_362 : vector<16xi32> to vector<16xi32>
    %swap3A_364 = vector.shape_cast %get3A_360 : vector<16xi32> to vector<16xi32>
    tpu.vector_store %arg29[%swap3A_361], %swap3A_364 {strides = array<i32>} : memref<80xi32, #tpu.memory_space<vmem>>, vector<16xi32>,
    %get3A_365 = arith.constant 16 : index
    %get3A_366 = tpu.vector_load %arg9[%get3A_365] {strides = array<i32>} : memref<160xi32, #tpu.memory_space<vmem>>, vector<16xi32>,
    %get3A_367 = vector.shape_cast %get3A_366 : vector<16xi32> to vector<16xi32>
    %swap3A_368 = arith.constant 16 : index
    %swap3A_369 = tpu.vector_load %arg29[%swap3A_368] {strides = array<i32>} : memref<80xi32, #tpu.memory_space<vmem>>, vector<16xi32>,
    %swap3A_370 = vector.shape_cast %swap3A_369 : vector<16xi32> to vector<16xi32>
    %swap3A_371 = vector.shape_cast %get3A_367 : vector<16xi32> to vector<16xi32>
    tpu.vector_store %arg29[%swap3A_368], %swap3A_371 {strides = array<i32>} : memref<80xi32, #tpu.memory_space<vmem>>, vector<16xi32>,
    %get3A_372 = arith.constant 32 : index
    %get3A_373 = tpu.vector_load %arg9[%get3A_372] {strides = array<i32>} : memref<160xi32, #tpu.memory_space<vmem>>, vector<16xi32>,
    %get3A_374 = vector.shape_cast %get3A_373 : vector<16xi32> to vector<16xi32>
    %swap3A_375 = arith.constant 32 : index
    %swap3A_376 = tpu.vector_load %arg29[%swap3A_375] {strides = array<i32>} : memref<80xi32, #tpu.memory_space<vmem>>, vector<16xi32>,
    %swap3A_377 = vector.shape_cast %swap3A_376 : vector<16xi32> to vector<16xi32>
    %swap3A_378 = vector.shape_cast %get3A_374 : vector<16xi32> to vector<16xi32>
    tpu.vector_store %arg29[%swap3A_375], %swap3A_378 {strides = array<i32>} : memref<80xi32, #tpu.memory_space<vmem>>, vector<16xi32>,
    %get3A_379 = arith.constant 48 : index
    %get3A_380 = tpu.vector_load %arg9[%get3A_379] {strides = array<i32>} : memref<160xi32, #tpu.memory_space<vmem>>, vector<16xi32>,
    %get3A_381 = vector.shape_cast %get3A_380 : vector<16xi32> to vector<16xi32>
    %swap3A_382 = arith.constant 48 : index
    %swap3A_383 = tpu.vector_load %arg29[%swap3A_382] {strides = array<i32>} : memref<80xi32, #tpu.memory_space<vmem>>, vector<16xi32>,
    %swap3A_384 = vector.shape_cast %swap3A_383 : vector<16xi32> to vector<16xi32>
    %swap3A_385 = vector.shape_cast %get3A_381 : vector<16xi32> to vector<16xi32>
    tpu.vector_store %arg29[%swap3A_382], %swap3A_385 {strides = array<i32>} : memref<80xi32, #tpu.memory_space<vmem>>, vector<16xi32>,
    %get3A_386 = arith.constant 64 : index
    %get3A_387 = tpu.vector_load %arg9[%get3A_386] {strides = array<i32>} : memref<160xi32, #tpu.memory_space<vmem>>, vector<16xi32>,
    %get3A_388 = vector.shape_cast %get3A_387 : vector<16xi32> to vector<16xi32>
    %swap3A_389 = arith.constant 64 : index
    %swap3A_390 = tpu.vector_load %arg29[%swap3A_389] {strides = array<i32>} : memref<80xi32, #tpu.memory_space<vmem>>, vector<16xi32>,
    %swap3A_391 = vector.shape_cast %swap3A_390 : vector<16xi32> to vector<16xi32>
    %swap3A_392 = vector.shape_cast %get3A_388 : vector<16xi32> to vector<16xi32>
    tpu.vector_store %arg29[%swap3A_389], %swap3A_392 {strides = array<i32>} : memref<80xi32, #tpu.memory_space<vmem>>, vector<16xi32>,
    %add3A_393 = arith.constant 3 : i32
    %add3A_394 = arith.addi %mul3A_2, %add3A_393 : i32
    %mul3A_395 = arith.constant 2 : i32
    %mul3A_396 = arith.muli %add3A_394, %mul3A_395 : i32
    %mul3A_397 = arith.constant 80 : i32
    %mul3A_398 = arith.muli %mul3A_396, %mul3A_397 : i32
    %dma_start3A_399 = tpu.memref_slice %arg3[%mul3A_398] : memref<640000xi32, #tpu.memory_space<hbm>> -> memref<160xi32, #tpu.memory_space<hbm>>
    %dma_start3A_400 = tpu.memref_slice %arg3[%mul3A_398] : memref<640000xi32, #tpu.memory_space<hbm>> -> memref<160xi32, #tpu.memory_space<hbm>>
    tpu.enqueue_dma source(%dma_start3A_400 : memref<160xi32, #tpu.memory_space<hbm>>) target(%arg9 : memref<160xi32, #tpu.memory_space<vmem>>) target_semaphore(%arg18 : memref<!tpu.dma_semaphore, #tpu.memory_space<semaphore_mem>>)
    %dma_start3A_401 = arith.constant 0 : i32
    %dma_start3A_402 = arith.constant 0 : i32
    %dma_start3A_403 = tpu.memref_slice %arg8[%dma_start3A_401, %dma_start3A_402] : memref<5120x128xf32, #tpu.memory_space<vmem_shared>> -> memref<5120x128xf32, #tpu.memory_space<vmem_shared>>
    tpu.enqueue_indirect_dma source(%arg15 : memref<80x128xf32, #tpu.memory_space<vmem>>) target(%dma_start3A_403 : memref<5120x128xf32, #tpu.memory_space<vmem_shared>>) offsets(%arg12 : memref<80xi32, #tpu.memory_space<vmem>>) semaphore(%arg24 : memref<!tpu.dma_semaphore, #tpu.memory_space<semaphore_mem>>) {add = true}
    %dma_start3A_404 = arith.constant 0 : i32
    %dma_start3A_405 = tpu.memref_slice %arg27[%dma_start3A_404] : memref<5120xf32, #tpu.memory_space<vmem_shared>> -> memref<5120xf32, #tpu.memory_space<vmem_shared>>
    tpu.enqueue_indirect_dma source(%arg32 : memref<80xf32, #tpu.memory_space<vmem>>) target(%dma_start3A_405 : memref<5120xf32, #tpu.memory_space<vmem_shared>>) offsets(%arg12 : memref<80xi32, #tpu.memory_space<vmem>>) semaphore(%arg24 : memref<!tpu.dma_semaphore, #tpu.memory_space<semaphore_mem>>) {add = true}
    %dma_start3A_406 = arith.constant 0 : i32
    %dma_start3A_407 = tpu.memref_slice %arg28[%dma_start3A_406] : memref<10240xf32, #tpu.memory_space<vmem_shared>> -> memref<10240xf32, #tpu.memory_space<vmem_shared>>
    tpu.enqueue_indirect_dma source(%arg32 : memref<80xf32, #tpu.memory_space<vmem>>) target(%dma_start3A_407 : memref<10240xf32, #tpu.memory_space<vmem_shared>>) offsets(%arg29 : memref<80xi32, #tpu.memory_space<vmem>>) semaphore(%arg24 : memref<!tpu.dma_semaphore, #tpu.memory_space<semaphore_mem>>) {add = true}
    %scan3A = arith.constant 0 : i32
    %scan3A_408 = arith.constant 0 : i32
    %scan3A_409 = arith.constant 41 : i32
    %scan3A_410 = arith.addi %scan3A_408, %scan3A_409 : i32
    %scan3A_411 = arith.constant 1 : i32
    scf.for %scan3A_538 = %scan3A_408 to %scan3A_410 step %scan3A_411  : i32 {
      %dma_wait3A_539 = arith.constant 0 : i32
      %dma_wait3A_540 = tpu.memref_slice %arg3[%dma_wait3A_539] : memref<640000xi32, #tpu.memory_space<hbm>> -> memref<160xi32, #tpu.memory_space<hbm>>
      %dma_wait3A_541 = arith.constant 0 : i32
      %dma_wait3A_542 = tpu.memref_slice %arg3[%dma_wait3A_541] : memref<640000xi32, #tpu.memory_space<hbm>> -> memref<160xi32, #tpu.memory_space<hbm>>
      tpu.wait_dma2 semaphore(%arg20 : memref<!tpu.dma_semaphore, #tpu.memory_space<semaphore_mem>>) src(%dma_wait3A_542 : memref<160xi32, #tpu.memory_space<hbm>>) dst(%arg11 : memref<160xi32, #tpu.memory_space<vmem>>)
      %gt3A = arith.constant 0 : i32
      %gt3A_543 = arith.cmpi sgt, %scan3A_538, %gt3A : i32
      %convert_element_type3A = arith.extui %gt3A_543 : i1 to i32
      %cond3A = arith.constant 0 : i32
      %cond3A_544 = arith.cmpi ne, %convert_element_type3A, %cond3A : i32
      scf.if %cond3A_544 {
        %dma_wait3A_848 = arith.constant 0 : i32
        %dma_wait3A_849 = arith.constant 0 : i32
        %dma_wait3A_850 = tpu.memref_slice %arg8[%dma_wait3A_848, %dma_wait3A_849] : memref<5120x128xf32, #tpu.memory_space<vmem_shared>> -> memref<5120x128xf32, #tpu.memory_space<vmem_shared>>
        tpu.wait_indirect_dma semaphore(%arg26 : memref<!tpu.dma_semaphore, #tpu.memory_space<semaphore_mem>>) src(%arg17 : memref<80x128xf32, #tpu.memory_space<vmem>>) dst(%dma_wait3A_850 : memref<5120x128xf32, #tpu.memory_space<vmem_shared>>)
        %dma_wait3A_851 = arith.constant 0 : i32
        %dma_wait3A_852 = tpu.memref_slice %arg27[%dma_wait3A_851] : memref<5120xf32, #tpu.memory_space<vmem_shared>> -> memref<5120xf32, #tpu.memory_space<vmem_shared>>
        tpu.wait_indirect_dma semaphore(%arg26 : memref<!tpu.dma_semaphore, #tpu.memory_space<semaphore_mem>>) src(%arg32 : memref<80xf32, #tpu.memory_space<vmem>>) dst(%dma_wait3A_852 : memref<5120xf32, #tpu.memory_space<vmem_shared>>)
        %dma_wait3A_853 = arith.constant 0 : i32
        %dma_wait3A_854 = tpu.memref_slice %arg28[%dma_wait3A_853] : memref<10240xf32, #tpu.memory_space<vmem_shared>> -> memref<10240xf32, #tpu.memory_space<vmem_shared>>
        tpu.wait_indirect_dma semaphore(%arg26 : memref<!tpu.dma_semaphore, #tpu.memory_space<semaphore_mem>>) src(%arg32 : memref<80xf32, #tpu.memory_space<vmem>>) dst(%dma_wait3A_854 : memref<10240xf32, #tpu.memory_space<vmem_shared>>)
      } else {
      }
      %dma_start3A_545 = arith.constant 0 : i32
      %dma_start3A_546 = tpu.memref_slice %arg11[%dma_start3A_545] : memref<160xi32, #tpu.memory_space<vmem>> -> memref<80xi32, #tpu.memory_space<vmem>>
      %dma_start3A_547 = arith.constant 0 : i32
      %dma_start3A_548 = arith.constant 0 : i32
      %dma_start3A_549 = tpu.memref_slice %arg2[%dma_start3A_547, %dma_start3A_548] : memref<10000x128xf32, #tpu.memory_space<hbm>> -> memref<10000x128xf32, #tpu.memory_space<hbm>>
      tpu.enqueue_indirect_dma source(%dma_start3A_549 : memref<10000x128xf32, #tpu.memory_space<hbm>>) target(%arg17 : memref<80x128xf32, #tpu.memory_space<vmem>>) offsets(%dma_start3A_546 : memref<80xi32, #tpu.memory_space<vmem>>) semaphore(%arg23 : memref<!tpu.dma_semaphore, #tpu.memory_space<semaphore_mem>>)
      %dma_wait3A_550 = arith.constant 0 : i32
      %dma_wait3A_551 = tpu.memref_slice %arg10[%dma_wait3A_550] : memref<160xi32, #tpu.memory_space<vmem>> -> memref<80xi32, #tpu.memory_space<vmem>>
      %dma_wait3A_552 = arith.constant 0 : i32
      %dma_wait3A_553 = arith.constant 0 : i32
      %dma_wait3A_554 = tpu.memref_slice %arg2[%dma_wait3A_552, %dma_wait3A_553] : memref<10000x128xf32, #tpu.memory_space<hbm>> -> memref<10000x128xf32, #tpu.memory_space<hbm>>
      tpu.wait_indirect_dma semaphore(%arg22 : memref<!tpu.dma_semaphore, #tpu.memory_space<semaphore_mem>>) src(%dma_wait3A_554 : memref<10000x128xf32, #tpu.memory_space<hbm>>) dst(%arg16 : memref<80x128xf32, #tpu.memory_space<vmem>>)
      %get3A_555 = arith.constant 80 : index
      %get3A_556 = tpu.vector_load %arg10[%get3A_555] {strides = array<i32>} : memref<160xi32, #tpu.memory_space<vmem>>, vector<16xi32>,
      %get3A_557 = vector.shape_cast %get3A_556 : vector<16xi32> to vector<16xi32>
      %swap3A_558 = arith.constant 0 : index
      %swap3A_559 = tpu.vector_load %arg13[%swap3A_558] {strides = array<i32>} : memref<80xi32, #tpu.memory_space<vmem>>, vector<16xi32>,
      %swap3A_560 = vector.shape_cast %swap3A_559 : vector<16xi32> to vector<16xi32>
      %swap3A_561 = vector.shape_cast %get3A_557 : vector<16xi32> to vector<16xi32>
      tpu.vector_store %arg13[%swap3A_558], %swap3A_561 {strides = array<i32>} : memref<80xi32, #tpu.memory_space<vmem>>, vector<16xi32>,
      %get3A_562 = arith.constant 96 : index
      %get3A_563 = tpu.vector_load %arg10[%get3A_562] {strides = array<i32>} : memref<160xi32, #tpu.memory_space<vmem>>, vector<16xi32>,
      %get3A_564 = vector.shape_cast %get3A_563 : vector<16xi32> to vector<16xi32>
      %swap3A_565 = arith.constant 16 : index
      %swap3A_566 = tpu.vector_load %arg13[%swap3A_565] {strides = array<i32>} : memref<80xi32, #tpu.memory_space<vmem>>, vector<16xi32>,
      %swap3A_567 = vector.shape_cast %swap3A_566 : vector<16xi32> to vector<16xi32>
      %swap3A_568 = vector.shape_cast %get3A_564 : vector<16xi32> to vector<16xi32>
      tpu.vector_store %arg13[%swap3A_565], %swap3A_568 {strides = array<i32>} : memref<80xi32, #tpu.memory_space<vmem>>, vector<16xi32>,
      %get3A_569 = arith.constant 112 : index
      %get3A_570 = tpu.vector_load %arg10[%get3A_569] {strides = array<i32>} : memref<160xi32, #tpu.memory_space<vmem>>, vector<16xi32>,
      %get3A_571 = vector.shape_cast %get3A_570 : vector<16xi32> to vector<16xi32>
      %swap3A_572 = arith.constant 32 : index
      %swap3A_573 = tpu.vector_load %arg13[%swap3A_572] {strides = array<i32>} : memref<80xi32, #tpu.memory_space<vmem>>, vector<16xi32>,
      %swap3A_574 = vector.shape_cast %swap3A_573 : vector<16xi32> to vector<16xi32>
      %swap3A_575 = vector.shape_cast %get3A_571 : vector<16xi32> to vector<16xi32>
      tpu.vector_store %arg13[%swap3A_572], %swap3A_575 {strides = array<i32>} : memref<80xi32, #tpu.memory_space<vmem>>, vector<16xi32>,
      %get3A_576 = arith.constant 128 : index
      %get3A_577 = tpu.vector_load %arg10[%get3A_576] {strides = array<i32>} : memref<160xi32, #tpu.memory_space<vmem>>, vector<16xi32>,
      %get3A_578 = vector.shape_cast %get3A_577 : vector<16xi32> to vector<16xi32>
      %swap3A_579 = arith.constant 48 : index
      %swap3A_580 = tpu.vector_load %arg13[%swap3A_579] {strides = array<i32>} : memref<80xi32, #tpu.memory_space<vmem>>, vector<16xi32>,
      %swap3A_581 = vector.shape_cast %swap3A_580 : vector<16xi32> to vector<16xi32>
      %swap3A_582 = vector.shape_cast %get3A_578 : vector<16xi32> to vector<16xi32>
      tpu.vector_store %arg13[%swap3A_579], %swap3A_582 {strides = array<i32>} : memref<80xi32, #tpu.memory_space<vmem>>, vector<16xi32>,
      %get3A_583 = arith.constant 144 : index
      %get3A_584 = tpu.vector_load %arg10[%get3A_583] {strides = array<i32>} : memref<160xi32, #tpu.memory_space<vmem>>, vector<16xi32>,
      %get3A_585 = vector.shape_cast %get3A_584 : vector<16xi32> to vector<16xi32>
      %swap3A_586 = arith.constant 64 : index
      %swap3A_587 = tpu.vector_load %arg13[%swap3A_586] {strides = array<i32>} : memref<80xi32, #tpu.memory_space<vmem>>, vector<16xi32>,
      %swap3A_588 = vector.shape_cast %swap3A_587 : vector<16xi32> to vector<16xi32>
      %swap3A_589 = vector.shape_cast %get3A_585 : vector<16xi32> to vector<16xi32>
      tpu.vector_store %arg13[%swap3A_586], %swap3A_589 {strides = array<i32>} : memref<80xi32, #tpu.memory_space<vmem>>, vector<16xi32>,
      %get3A_590 = arith.constant 0 : index
      %get3A_591 = tpu.vector_load %arg10[%get3A_590] {strides = array<i32>} : memref<160xi32, #tpu.memory_space<vmem>>, vector<16xi32>,
      %get3A_592 = vector.shape_cast %get3A_591 : vector<16xi32> to vector<16xi32>
      %swap3A_593 = arith.constant 0 : index
      %swap3A_594 = tpu.vector_load %arg30[%swap3A_593] {strides = array<i32>} : memref<80xi32, #tpu.memory_space<vmem>>, vector<16xi32>,
      %swap3A_595 = vector.shape_cast %swap3A_594 : vector<16xi32> to vector<16xi32>
      %swap3A_596 = vector.shape_cast %get3A_592 : vector<16xi32> to vector<16xi32>
      tpu.vector_store %arg30[%swap3A_593], %swap3A_596 {strides = array<i32>} : memref<80xi32, #tpu.memory_space<vmem>>, vector<16xi32>,
      %get3A_597 = arith.constant 16 : index
      %get3A_598 = tpu.vector_load %arg10[%get3A_597] {strides = array<i32>} : memref<160xi32, #tpu.memory_space<vmem>>, vector<16xi32>,
      %get3A_599 = vector.shape_cast %get3A_598 : vector<16xi32> to vector<16xi32>
      %swap3A_600 = arith.constant 16 : index
      %swap3A_601 = tpu.vector_load %arg30[%swap3A_600] {strides = array<i32>} : memref<80xi32, #tpu.memory_space<vmem>>, vector<16xi32>,
      %swap3A_602 = vector.shape_cast %swap3A_601 : vector<16xi32> to vector<16xi32>
      %swap3A_603 = vector.shape_cast %get3A_599 : vector<16xi32> to vector<16xi32>
      tpu.vector_store %arg30[%swap3A_600], %swap3A_603 {strides = array<i32>} : memref<80xi32, #tpu.memory_space<vmem>>, vector<16xi32>,
      %get3A_604 = arith.constant 32 : index
      %get3A_605 = tpu.vector_load %arg10[%get3A_604] {strides = array<i32>} : memref<160xi32, #tpu.memory_space<vmem>>, vector<16xi32>,
      %get3A_606 = vector.shape_cast %get3A_605 : vector<16xi32> to vector<16xi32>
      %swap3A_607 = arith.constant 32 : index
      %swap3A_608 = tpu.vector_load %arg30[%swap3A_607] {strides = array<i32>} : memref<80xi32, #tpu.memory_space<vmem>>, vector<16xi32>,
      %swap3A_609 = vector.shape_cast %swap3A_608 : vector<16xi32> to vector<16xi32>
      %swap3A_610 = vector.shape_cast %get3A_606 : vector<16xi32> to vector<16xi32>
      tpu.vector_store %arg30[%swap3A_607], %swap3A_610 {strides = array<i32>} : memref<80xi32, #tpu.memory_space<vmem>>, vector<16xi32>,
      %get3A_611 = arith.constant 48 : index
      %get3A_612 = tpu.vector_load %arg10[%get3A_611] {strides = array<i32>} : memref<160xi32, #tpu.memory_space<vmem>>, vector<16xi32>,
      %get3A_613 = vector.shape_cast %get3A_612 : vector<16xi32> to vector<16xi32>
      %swap3A_614 = arith.constant 48 : index
      %swap3A_615 = tpu.vector_load %arg30[%swap3A_614] {strides = array<i32>} : memref<80xi32, #tpu.memory_space<vmem>>, vector<16xi32>,
      %swap3A_616 = vector.shape_cast %swap3A_615 : vector<16xi32> to vector<16xi32>
      %swap3A_617 = vector.shape_cast %get3A_613 : vector<16xi32> to vector<16xi32>
      tpu.vector_store %arg30[%swap3A_614], %swap3A_617 {strides = array<i32>} : memref<80xi32, #tpu.memory_space<vmem>>, vector<16xi32>,
      %get3A_618 = arith.constant 64 : index
      %get3A_619 = tpu.vector_load %arg10[%get3A_618] {strides = array<i32>} : memref<160xi32, #tpu.memory_space<vmem>>, vector<16xi32>,
      %get3A_620 = vector.shape_cast %get3A_619 : vector<16xi32> to vector<16xi32>
      %swap3A_621 = arith.constant 64 : index
      %swap3A_622 = tpu.vector_load %arg30[%swap3A_621] {strides = array<i32>} : memref<80xi32, #tpu.memory_space<vmem>>, vector<16xi32>,
      %swap3A_623 = vector.shape_cast %swap3A_622 : vector<16xi32> to vector<16xi32>
      %swap3A_624 = vector.shape_cast %get3A_620 : vector<16xi32> to vector<16xi32>
      tpu.vector_store %arg30[%swap3A_621], %swap3A_624 {strides = array<i32>} : memref<80xi32, #tpu.memory_space<vmem>>, vector<16xi32>,
      %mul3A_625 = arith.constant 3 : i32
      %mul3A_626 = arith.muli %mul3A_625, %scan3A_538 : i32
      %add3A_627 = arith.constant 4 : i32
      %add3A_628 = arith.addi %mul3A_626, %add3A_627 : i32
      %add3A_629 = arith.addi %mul3A_2, %add3A_628 : i32
      %mul3A_630 = arith.constant 2 : i32
      %mul3A_631 = arith.muli %add3A_629, %mul3A_630 : i32
      %mul3A_632 = arith.constant 80 : i32
      %mul3A_633 = arith.muli %mul3A_631, %mul3A_632 : i32
      %dma_start3A_634 = tpu.memref_slice %arg3[%mul3A_633] : memref<640000xi32, #tpu.memory_space<hbm>> -> memref<160xi32, #tpu.memory_space<hbm>>
      %dma_start3A_635 = tpu.memref_slice %arg3[%mul3A_633] : memref<640000xi32, #tpu.memory_space<hbm>> -> memref<160xi32, #tpu.memory_space<hbm>>
      tpu.enqueue_dma source(%dma_start3A_635 : memref<160xi32, #tpu.memory_space<hbm>>) target(%arg10 : memref<160xi32, #tpu.memory_space<vmem>>) target_semaphore(%arg19 : memref<!tpu.dma_semaphore, #tpu.memory_space<semaphore_mem>>)
      %dma_start3A_636 = arith.constant 0 : i32
      %dma_start3A_637 = arith.constant 0 : i32
      %dma_start3A_638 = tpu.memref_slice %arg8[%dma_start3A_636, %dma_start3A_637] : memref<5120x128xf32, #tpu.memory_space<vmem_shared>> -> memref<5120x128xf32, #tpu.memory_space<vmem_shared>>
      tpu.enqueue_indirect_dma source(%arg16 : memref<80x128xf32, #tpu.memory_space<vmem>>) target(%dma_start3A_638 : memref<5120x128xf32, #tpu.memory_space<vmem_shared>>) offsets(%arg13 : memref<80xi32, #tpu.memory_space<vmem>>) semaphore(%arg25 : memref<!tpu.dma_semaphore, #tpu.memory_space<semaphore_mem>>) {add = true}
      %dma_start3A_639 = arith.constant 0 : i32
      %dma_start3A_640 = tpu.memref_slice %arg27[%dma_start3A_639] : memref<5120xf32, #tpu.memory_space<vmem_shared>> -> memref<5120xf32, #tpu.memory_space<vmem_shared>>
      tpu.enqueue_indirect_dma source(%arg32 : memref<80xf32, #tpu.memory_space<vmem>>) target(%dma_start3A_640 : memref<5120xf32, #tpu.memory_space<vmem_shared>>) offsets(%arg13 : memref<80xi32, #tpu.memory_space<vmem>>) semaphore(%arg25 : memref<!tpu.dma_semaphore, #tpu.memory_space<semaphore_mem>>) {add = true}
      %dma_start3A_641 = arith.constant 0 : i32
      %dma_start3A_642 = tpu.memref_slice %arg28[%dma_start3A_641] : memref<10240xf32, #tpu.memory_space<vmem_shared>> -> memref<10240xf32, #tpu.memory_space<vmem_shared>>
      tpu.enqueue_indirect_dma source(%arg32 : memref<80xf32, #tpu.memory_space<vmem>>) target(%dma_start3A_642 : memref<10240xf32, #tpu.memory_space<vmem_shared>>) offsets(%arg30 : memref<80xi32, #tpu.memory_space<vmem>>) semaphore(%arg25 : memref<!tpu.dma_semaphore, #tpu.memory_space<semaphore_mem>>) {add = true}
      %dma_wait3A_643 = arith.constant 0 : i32
      %dma_wait3A_644 = tpu.memref_slice %arg3[%dma_wait3A_643] : memref<640000xi32, #tpu.memory_space<hbm>> -> memref<160xi32, #tpu.memory_space<hbm>>
      %dma_wait3A_645 = arith.constant 0 : i32
      %dma_wait3A_646 = tpu.memref_slice %arg3[%dma_wait3A_645] : memref<640000xi32, #tpu.memory_space<hbm>> -> memref<160xi32, #tpu.memory_space<hbm>>
      tpu.wait_dma2 semaphore(%arg18 : memref<!tpu.dma_semaphore, #tpu.memory_space<semaphore_mem>>) src(%dma_wait3A_646 : memref<160xi32, #tpu.memory_space<hbm>>) dst(%arg9 : memref<160xi32, #tpu.memory_space<vmem>>)
      %dma_wait3A_647 = arith.constant 0 : i32
      %dma_wait3A_648 = arith.constant 0 : i32
      %dma_wait3A_649 = tpu.memref_slice %arg8[%dma_wait3A_647, %dma_wait3A_648] : memref<5120x128xf32, #tpu.memory_space<vmem_shared>> -> memref<5120x128xf32, #tpu.memory_space<vmem_shared>>
      tpu.wait_indirect_dma semaphore(%arg24 : memref<!tpu.dma_semaphore, #tpu.memory_space<semaphore_mem>>) src(%arg15 : memref<80x128xf32, #tpu.memory_space<vmem>>) dst(%dma_wait3A_649 : memref<5120x128xf32, #tpu.memory_space<vmem_shared>>)
      %dma_wait3A_650 = arith.constant 0 : i32
      %dma_wait3A_651 = tpu.memref_slice %arg27[%dma_wait3A_650] : memref<5120xf32, #tpu.memory_space<vmem_shared>> -> memref<5120xf32, #tpu.memory_space<vmem_shared>>
      tpu.wait_indirect_dma semaphore(%arg24 : memref<!tpu.dma_semaphore, #tpu.memory_space<semaphore_mem>>) src(%arg32 : memref<80xf32, #tpu.memory_space<vmem>>) dst(%dma_wait3A_651 : memref<5120xf32, #tpu.memory_space<vmem_shared>>)
      %dma_wait3A_652 = arith.constant 0 : i32
      %dma_wait3A_653 = tpu.memref_slice %arg28[%dma_wait3A_652] : memref<10240xf32, #tpu.memory_space<vmem_shared>> -> memref<10240xf32, #tpu.memory_space<vmem_shared>>
      tpu.wait_indirect_dma semaphore(%arg24 : memref<!tpu.dma_semaphore, #tpu.memory_space<semaphore_mem>>) src(%arg32 : memref<80xf32, #tpu.memory_space<vmem>>) dst(%dma_wait3A_653 : memref<10240xf32, #tpu.memory_space<vmem_shared>>)
      %dma_start3A_654 = arith.constant 0 : i32
      %dma_start3A_655 = tpu.memref_slice %arg9[%dma_start3A_654] : memref<160xi32, #tpu.memory_space<vmem>> -> memref<80xi32, #tpu.memory_space<vmem>>
      %dma_start3A_656 = arith.constant 0 : i32
      %dma_start3A_657 = arith.constant 0 : i32
      %dma_start3A_658 = tpu.memref_slice %arg2[%dma_start3A_656, %dma_start3A_657] : memref<10000x128xf32, #tpu.memory_space<hbm>> -> memref<10000x128xf32, #tpu.memory_space<hbm>>
      tpu.enqueue_indirect_dma source(%dma_start3A_658 : memref<10000x128xf32, #tpu.memory_space<hbm>>) target(%arg15 : memref<80x128xf32, #tpu.memory_space<vmem>>) offsets(%dma_start3A_655 : memref<80xi32, #tpu.memory_space<vmem>>) semaphore(%arg21 : memref<!tpu.dma_semaphore, #tpu.memory_space<semaphore_mem>>)
      %dma_wait3A_659 = arith.constant 0 : i32
      %dma_wait3A_660 = tpu.memref_slice %arg11[%dma_wait3A_659] : memref<160xi32, #tpu.memory_space<vmem>> -> memref<80xi32, #tpu.memory_space<vmem>>
      %dma_wait3A_661 = arith.constant 0 : i32
      %dma_wait3A_662 = arith.constant 0 : i32
      %dma_wait3A_663 = tpu.memref_slice %arg2[%dma_wait3A_661, %dma_wait3A_662] : memref<10000x128xf32, #tpu.memory_space<hbm>> -> memref<10000x128xf32, #tpu.memory_space<hbm>>
      tpu.wait_indirect_dma semaphore(%arg23 : memref<!tpu.dma_semaphore, #tpu.memory_space<semaphore_mem>>) src(%dma_wait3A_663 : memref<10000x128xf32, #tpu.memory_space<hbm>>) dst(%arg17 : memref<80x128xf32, #tpu.memory_space<vmem>>)
      %get3A_664 = arith.constant 80 : index
      %get3A_665 = tpu.vector_load %arg11[%get3A_664] {strides = array<i32>} : memref<160xi32, #tpu.memory_space<vmem>>, vector<16xi32>,
      %get3A_666 = vector.shape_cast %get3A_665 : vector<16xi32> to vector<16xi32>
      %swap3A_667 = arith.constant 0 : index
      %swap3A_668 = tpu.vector_load %arg14[%swap3A_667] {strides = array<i32>} : memref<80xi32, #tpu.memory_space<vmem>>, vector<16xi32>,
      %swap3A_669 = vector.shape_cast %swap3A_668 : vector<16xi32> to vector<16xi32>
      %swap3A_670 = vector.shape_cast %get3A_666 : vector<16xi32> to vector<16xi32>
      tpu.vector_store %arg14[%swap3A_667], %swap3A_670 {strides = array<i32>} : memref<80xi32, #tpu.memory_space<vmem>>, vector<16xi32>,
      %get3A_671 = arith.constant 96 : index
      %get3A_672 = tpu.vector_load %arg11[%get3A_671] {strides = array<i32>} : memref<160xi32, #tpu.memory_space<vmem>>, vector<16xi32>,
      %get3A_673 = vector.shape_cast %get3A_672 : vector<16xi32> to vector<16xi32>
      %swap3A_674 = arith.constant 16 : index
      %swap3A_675 = tpu.vector_load %arg14[%swap3A_674] {strides = array<i32>} : memref<80xi32, #tpu.memory_space<vmem>>, vector<16xi32>,
      %swap3A_676 = vector.shape_cast %swap3A_675 : vector<16xi32> to vector<16xi32>
      %swap3A_677 = vector.shape_cast %get3A_673 : vector<16xi32> to vector<16xi32>
      tpu.vector_store %arg14[%swap3A_674], %swap3A_677 {strides = array<i32>} : memref<80xi32, #tpu.memory_space<vmem>>, vector<16xi32>,
      %get3A_678 = arith.constant 112 : index
      %get3A_679 = tpu.vector_load %arg11[%get3A_678] {strides = array<i32>} : memref<160xi32, #tpu.memory_space<vmem>>, vector<16xi32>,
      %get3A_680 = vector.shape_cast %get3A_679 : vector<16xi32> to vector<16xi32>
      %swap3A_681 = arith.constant 32 : index
      %swap3A_682 = tpu.vector_load %arg14[%swap3A_681] {strides = array<i32>} : memref<80xi32, #tpu.memory_space<vmem>>, vector<16xi32>,
      %swap3A_683 = vector.shape_cast %swap3A_682 : vector<16xi32> to vector<16xi32>
      %swap3A_684 = vector.shape_cast %get3A_680 : vector<16xi32> to vector<16xi32>
      tpu.vector_store %arg14[%swap3A_681], %swap3A_684 {strides = array<i32>} : memref<80xi32, #tpu.memory_space<vmem>>, vector<16xi32>,
      %get3A_685 = arith.constant 128 : index
      %get3A_686 = tpu.vector_load %arg11[%get3A_685] {strides = array<i32>} : memref<160xi32, #tpu.memory_space<vmem>>, vector<16xi32>,
      %get3A_687 = vector.shape_cast %get3A_686 : vector<16xi32> to vector<16xi32>
      %swap3A_688 = arith.constant 48 : index
      %swap3A_689 = tpu.vector_load %arg14[%swap3A_688] {strides = array<i32>} : memref<80xi32, #tpu.memory_space<vmem>>, vector<16xi32>,
      %swap3A_690 = vector.shape_cast %swap3A_689 : vector<16xi32> to vector<16xi32>
      %swap3A_691 = vector.shape_cast %get3A_687 : vector<16xi32> to vector<16xi32>
      tpu.vector_store %arg14[%swap3A_688], %swap3A_691 {strides = array<i32>} : memref<80xi32, #tpu.memory_space<vmem>>, vector<16xi32>,
      %get3A_692 = arith.constant 144 : index
      %get3A_693 = tpu.vector_load %arg11[%get3A_692] {strides = array<i32>} : memref<160xi32, #tpu.memory_space<vmem>>, vector<16xi32>,
      %get3A_694 = vector.shape_cast %get3A_693 : vector<16xi32> to vector<16xi32>
      %swap3A_695 = arith.constant 64 : index
      %swap3A_696 = tpu.vector_load %arg14[%swap3A_695] {strides = array<i32>} : memref<80xi32, #tpu.memory_space<vmem>>, vector<16xi32>,
      %swap3A_697 = vector.shape_cast %swap3A_696 : vector<16xi32> to vector<16xi32>
      %swap3A_698 = vector.shape_cast %get3A_694 : vector<16xi32> to vector<16xi32>
      tpu.vector_store %arg14[%swap3A_695], %swap3A_698 {strides = array<i32>} : memref<80xi32, #tpu.memory_space<vmem>>, vector<16xi32>,
      %get3A_699 = arith.constant 0 : index
      %get3A_700 = tpu.vector_load %arg11[%get3A_699] {strides = array<i32>} : memref<160xi32, #tpu.memory_space<vmem>>, vector<16xi32>,
      %get3A_701 = vector.shape_cast %get3A_700 : vector<16xi32> to vector<16xi32>
      %swap3A_702 = arith.constant 0 : index
      %swap3A_703 = tpu.vector_load %arg31[%swap3A_702] {strides = array<i32>} : memref<80xi32, #tpu.memory_space<vmem>>, vector<16xi32>,
      %swap3A_704 = vector.shape_cast %swap3A_703 : vector<16xi32> to vector<16xi32>
      %swap3A_705 = vector.shape_cast %get3A_701 : vector<16xi32> to vector<16xi32>
      tpu.vector_store %arg31[%swap3A_702], %swap3A_705 {strides = array<i32>} : memref<80xi32, #tpu.memory_space<vmem>>, vector<16xi32>,
      %get3A_706 = arith.constant 16 : index
      %get3A_707 = tpu.vector_load %arg11[%get3A_706] {strides = array<i32>} : memref<160xi32, #tpu.memory_space<vmem>>, vector<16xi32>,
      %get3A_708 = vector.shape_cast %get3A_707 : vector<16xi32> to vector<16xi32>
      %swap3A_709 = arith.constant 16 : index
      %swap3A_710 = tpu.vector_load %arg31[%swap3A_709] {strides = array<i32>} : memref<80xi32, #tpu.memory_space<vmem>>, vector<16xi32>,
      %swap3A_711 = vector.shape_cast %swap3A_710 : vector<16xi32> to vector<16xi32>
      %swap3A_712 = vector.shape_cast %get3A_708 : vector<16xi32> to vector<16xi32>
      tpu.vector_store %arg31[%swap3A_709], %swap3A_712 {strides = array<i32>} : memref<80xi32, #tpu.memory_space<vmem>>, vector<16xi32>,
      %get3A_713 = arith.constant 32 : index
      %get3A_714 = tpu.vector_load %arg11[%get3A_713] {strides = array<i32>} : memref<160xi32, #tpu.memory_space<vmem>>, vector<16xi32>,
      %get3A_715 = vector.shape_cast %get3A_714 : vector<16xi32> to vector<16xi32>
      %swap3A_716 = arith.constant 32 : index
      %swap3A_717 = tpu.vector_load %arg31[%swap3A_716] {strides = array<i32>} : memref<80xi32, #tpu.memory_space<vmem>>, vector<16xi32>,
      %swap3A_718 = vector.shape_cast %swap3A_717 : vector<16xi32> to vector<16xi32>
      %swap3A_719 = vector.shape_cast %get3A_715 : vector<16xi32> to vector<16xi32>
      tpu.vector_store %arg31[%swap3A_716], %swap3A_719 {strides = array<i32>} : memref<80xi32, #tpu.memory_space<vmem>>, vector<16xi32>,
      %get3A_720 = arith.constant 48 : index
      %get3A_721 = tpu.vector_load %arg11[%get3A_720] {strides = array<i32>} : memref<160xi32, #tpu.memory_space<vmem>>, vector<16xi32>,
      %get3A_722 = vector.shape_cast %get3A_721 : vector<16xi32> to vector<16xi32>
      %swap3A_723 = arith.constant 48 : index
      %swap3A_724 = tpu.vector_load %arg31[%swap3A_723] {strides = array<i32>} : memref<80xi32, #tpu.memory_space<vmem>>, vector<16xi32>,
      %swap3A_725 = vector.shape_cast %swap3A_724 : vector<16xi32> to vector<16xi32>
      %swap3A_726 = vector.shape_cast %get3A_722 : vector<16xi32> to vector<16xi32>
      tpu.vector_store %arg31[%swap3A_723], %swap3A_726 {strides = array<i32>} : memref<80xi32, #tpu.memory_space<vmem>>, vector<16xi32>,
      %get3A_727 = arith.constant 64 : index
      %get3A_728 = tpu.vector_load %arg11[%get3A_727] {strides = array<i32>} : memref<160xi32, #tpu.memory_space<vmem>>, vector<16xi32>,
      %get3A_729 = vector.shape_cast %get3A_728 : vector<16xi32> to vector<16xi32>
      %swap3A_730 = arith.constant 64 : index
      %swap3A_731 = tpu.vector_load %arg31[%swap3A_730] {strides = array<i32>} : memref<80xi32, #tpu.memory_space<vmem>>, vector<16xi32>,
      %swap3A_732 = vector.shape_cast %swap3A_731 : vector<16xi32> to vector<16xi32>
      %swap3A_733 = vector.shape_cast %get3A_729 : vector<16xi32> to vector<16xi32>
      tpu.vector_store %arg31[%swap3A_730], %swap3A_733 {strides = array<i32>} : memref<80xi32, #tpu.memory_space<vmem>>, vector<16xi32>,
      %lt3A = arith.constant 40 : i32
      %lt3A_734 = arith.cmpi slt, %scan3A_538, %lt3A : i32
      %convert_element_type3A_735 = arith.extui %lt3A_734 : i1 to i32
      %cond3A_736 = arith.constant 0 : i32
      %cond3A_737 = arith.cmpi ne, %convert_element_type3A_735, %cond3A_736 : i32
      scf.if %cond3A_737 {
        %mul3A_848 = arith.constant 3 : i32
        %mul3A_849 = arith.muli %mul3A_848, %scan3A_538 : i32
        %add3A_850 = arith.constant 5 : i32
        %add3A_851 = arith.addi %mul3A_849, %add3A_850 : i32
        %add3A_852 = arith.addi %mul3A_2, %add3A_851 : i32
        %mul3A_853 = arith.constant 2 : i32
        %mul3A_854 = arith.muli %add3A_852, %mul3A_853 : i32
        %mul3A_855 = arith.constant 80 : i32
        %mul3A_856 = arith.muli %mul3A_854, %mul3A_855 : i32
        %dma_start3A_857 = tpu.memref_slice %arg3[%mul3A_856] : memref<640000xi32, #tpu.memory_space<hbm>> -> memref<160xi32, #tpu.memory_space<hbm>>
        %dma_start3A_858 = tpu.memref_slice %arg3[%mul3A_856] : memref<640000xi32, #tpu.memory_space<hbm>> -> memref<160xi32, #tpu.memory_space<hbm>>
        tpu.enqueue_dma source(%dma_start3A_858 : memref<160xi32, #tpu.memory_space<hbm>>) target(%arg11 : memref<160xi32, #tpu.memory_space<vmem>>) target_semaphore(%arg20 : memref<!tpu.dma_semaphore, #tpu.memory_space<semaphore_mem>>)
      } else {
      }
      %dma_start3A_738 = arith.constant 0 : i32
      %dma_start3A_739 = arith.constant 0 : i32
      %dma_start3A_740 = tpu.memref_slice %arg8[%dma_start3A_738, %dma_start3A_739] : memref<5120x128xf32, #tpu.memory_space<vmem_shared>> -> memref<5120x128xf32, #tpu.memory_space<vmem_shared>>
      tpu.enqueue_indirect_dma source(%arg17 : memref<80x128xf32, #tpu.memory_space<vmem>>) target(%dma_start3A_740 : memref<5120x128xf32, #tpu.memory_space<vmem_shared>>) offsets(%arg14 : memref<80xi32, #tpu.memory_space<vmem>>) semaphore(%arg26 : memref<!tpu.dma_semaphore, #tpu.memory_space<semaphore_mem>>) {add = true}
      %dma_start3A_741 = arith.constant 0 : i32
      %dma_start3A_742 = tpu.memref_slice %arg27[%dma_start3A_741] : memref<5120xf32, #tpu.memory_space<vmem_shared>> -> memref<5120xf32, #tpu.memory_space<vmem_shared>>
      tpu.enqueue_indirect_dma source(%arg32 : memref<80xf32, #tpu.memory_space<vmem>>) target(%dma_start3A_742 : memref<5120xf32, #tpu.memory_space<vmem_shared>>) offsets(%arg14 : memref<80xi32, #tpu.memory_space<vmem>>) semaphore(%arg26 : memref<!tpu.dma_semaphore, #tpu.memory_space<semaphore_mem>>) {add = true}
      %dma_start3A_743 = arith.constant 0 : i32
      %dma_start3A_744 = tpu.memref_slice %arg28[%dma_start3A_743] : memref<10240xf32, #tpu.memory_space<vmem_shared>> -> memref<10240xf32, #tpu.memory_space<vmem_shared>>
      tpu.enqueue_indirect_dma source(%arg32 : memref<80xf32, #tpu.memory_space<vmem>>) target(%dma_start3A_744 : memref<10240xf32, #tpu.memory_space<vmem_shared>>) offsets(%arg31 : memref<80xi32, #tpu.memory_space<vmem>>) semaphore(%arg26 : memref<!tpu.dma_semaphore, #tpu.memory_space<semaphore_mem>>) {add = true}
      %dma_wait3A_745 = arith.constant 0 : i32
      %dma_wait3A_746 = tpu.memref_slice %arg3[%dma_wait3A_745] : memref<640000xi32, #tpu.memory_space<hbm>> -> memref<160xi32, #tpu.memory_space<hbm>>
      %dma_wait3A_747 = arith.constant 0 : i32
      %dma_wait3A_748 = tpu.memref_slice %arg3[%dma_wait3A_747] : memref<640000xi32, #tpu.memory_space<hbm>> -> memref<160xi32, #tpu.memory_space<hbm>>
      tpu.wait_dma2 semaphore(%arg19 : memref<!tpu.dma_semaphore, #tpu.memory_space<semaphore_mem>>) src(%dma_wait3A_748 : memref<160xi32, #tpu.memory_space<hbm>>) dst(%arg10 : memref<160xi32, #tpu.memory_space<vmem>>)
      %dma_wait3A_749 = arith.constant 0 : i32
      %dma_wait3A_750 = arith.constant 0 : i32
      %dma_wait3A_751 = tpu.memref_slice %arg8[%dma_wait3A_749, %dma_wait3A_750] : memref<5120x128xf32, #tpu.memory_space<vmem_shared>> -> memref<5120x128xf32, #tpu.memory_space<vmem_shared>>
      tpu.wait_indirect_dma semaphore(%arg25 : memref<!tpu.dma_semaphore, #tpu.memory_space<semaphore_mem>>) src(%arg16 : memref<80x128xf32, #tpu.memory_space<vmem>>) dst(%dma_wait3A_751 : memref<5120x128xf32, #tpu.memory_space<vmem_shared>>)
      %dma_wait3A_752 = arith.constant 0 : i32
      %dma_wait3A_753 = tpu.memref_slice %arg27[%dma_wait3A_752] : memref<5120xf32, #tpu.memory_space<vmem_shared>> -> memref<5120xf32, #tpu.memory_space<vmem_shared>>
      tpu.wait_indirect_dma semaphore(%arg25 : memref<!tpu.dma_semaphore, #tpu.memory_space<semaphore_mem>>) src(%arg32 : memref<80xf32, #tpu.memory_space<vmem>>) dst(%dma_wait3A_753 : memref<5120xf32, #tpu.memory_space<vmem_shared>>)
      %dma_wait3A_754 = arith.constant 0 : i32
      %dma_wait3A_755 = tpu.memref_slice %arg28[%dma_wait3A_754] : memref<10240xf32, #tpu.memory_space<vmem_shared>> -> memref<10240xf32, #tpu.memory_space<vmem_shared>>
      tpu.wait_indirect_dma semaphore(%arg25 : memref<!tpu.dma_semaphore, #tpu.memory_space<semaphore_mem>>) src(%arg32 : memref<80xf32, #tpu.memory_space<vmem>>) dst(%dma_wait3A_755 : memref<10240xf32, #tpu.memory_space<vmem_shared>>)
      %dma_start3A_756 = arith.constant 0 : i32
      %dma_start3A_757 = tpu.memref_slice %arg10[%dma_start3A_756] : memref<160xi32, #tpu.memory_space<vmem>> -> memref<80xi32, #tpu.memory_space<vmem>>
      %dma_start3A_758 = arith.constant 0 : i32
      %dma_start3A_759 = arith.constant 0 : i32
      %dma_start3A_760 = tpu.memref_slice %arg2[%dma_start3A_758, %dma_start3A_759] : memref<10000x128xf32, #tpu.memory_space<hbm>> -> memref<10000x128xf32, #tpu.memory_space<hbm>>
      tpu.enqueue_indirect_dma source(%dma_start3A_760 : memref<10000x128xf32, #tpu.memory_space<hbm>>) target(%arg16 : memref<80x128xf32, #tpu.memory_space<vmem>>) offsets(%dma_start3A_757 : memref<80xi32, #tpu.memory_space<vmem>>) semaphore(%arg22 : memref<!tpu.dma_semaphore, #tpu.memory_space<semaphore_mem>>)
      %dma_wait3A_761 = arith.constant 0 : i32
      %dma_wait3A_762 = tpu.memref_slice %arg9[%dma_wait3A_761] : memref<160xi32, #tpu.memory_space<vmem>> -> memref<80xi32, #tpu.memory_space<vmem>>
      %dma_wait3A_763 = arith.constant 0 : i32
      %dma_wait3A_764 = arith.constant 0 : i32
      %dma_wait3A_765 = tpu.memref_slice %arg2[%dma_wait3A_763, %dma_wait3A_764] : memref<10000x128xf32, #tpu.memory_space<hbm>> -> memref<10000x128xf32, #tpu.memory_space<hbm>>
      tpu.wait_indirect_dma semaphore(%arg21 : memref<!tpu.dma_semaphore, #tpu.memory_space<semaphore_mem>>) src(%dma_wait3A_765 : memref<10000x128xf32, #tpu.memory_space<hbm>>) dst(%arg15 : memref<80x128xf32, #tpu.memory_space<vmem>>)
      %get3A_766 = arith.constant 80 : index
      %get3A_767 = tpu.vector_load %arg9[%get3A_766] {strides = array<i32>} : memref<160xi32, #tpu.memory_space<vmem>>, vector<16xi32>,
      %get3A_768 = vector.shape_cast %get3A_767 : vector<16xi32> to vector<16xi32>
      %swap3A_769 = arith.constant 0 : index
      %swap3A_770 = tpu.vector_load %arg12[%swap3A_769] {strides = array<i32>} : memref<80xi32, #tpu.memory_space<vmem>>, vector<16xi32>,
      %swap3A_771 = vector.shape_cast %swap3A_770 : vector<16xi32> to vector<16xi32>
      %swap3A_772 = vector.shape_cast %get3A_768 : vector<16xi32> to vector<16xi32>
      tpu.vector_store %arg12[%swap3A_769], %swap3A_772 {strides = array<i32>} : memref<80xi32, #tpu.memory_space<vmem>>, vector<16xi32>,
      %get3A_773 = arith.constant 96 : index
      %get3A_774 = tpu.vector_load %arg9[%get3A_773] {strides = array<i32>} : memref<160xi32, #tpu.memory_space<vmem>>, vector<16xi32>,
      %get3A_775 = vector.shape_cast %get3A_774 : vector<16xi32> to vector<16xi32>
      %swap3A_776 = arith.constant 16 : index
      %swap3A_777 = tpu.vector_load %arg12[%swap3A_776] {strides = array<i32>} : memref<80xi32, #tpu.memory_space<vmem>>, vector<16xi32>,
      %swap3A_778 = vector.shape_cast %swap3A_777 : vector<16xi32> to vector<16xi32>
      %swap3A_779 = vector.shape_cast %get3A_775 : vector<16xi32> to vector<16xi32>
      tpu.vector_store %arg12[%swap3A_776], %swap3A_779 {strides = array<i32>} : memref<80xi32, #tpu.memory_space<vmem>>, vector<16xi32>,
      %get3A_780 = arith.constant 112 : index
      %get3A_781 = tpu.vector_load %arg9[%get3A_780] {strides = array<i32>} : memref<160xi32, #tpu.memory_space<vmem>>, vector<16xi32>,
      %get3A_782 = vector.shape_cast %get3A_781 : vector<16xi32> to vector<16xi32>
      %swap3A_783 = arith.constant 32 : index
      %swap3A_784 = tpu.vector_load %arg12[%swap3A_783] {strides = array<i32>} : memref<80xi32, #tpu.memory_space<vmem>>, vector<16xi32>,
      %swap3A_785 = vector.shape_cast %swap3A_784 : vector<16xi32> to vector<16xi32>
      %swap3A_786 = vector.shape_cast %get3A_782 : vector<16xi32> to vector<16xi32>
      tpu.vector_store %arg12[%swap3A_783], %swap3A_786 {strides = array<i32>} : memref<80xi32, #tpu.memory_space<vmem>>, vector<16xi32>,
      %get3A_787 = arith.constant 128 : index
      %get3A_788 = tpu.vector_load %arg9[%get3A_787] {strides = array<i32>} : memref<160xi32, #tpu.memory_space<vmem>>, vector<16xi32>,
      %get3A_789 = vector.shape_cast %get3A_788 : vector<16xi32> to vector<16xi32>
      %swap3A_790 = arith.constant 48 : index
      %swap3A_791 = tpu.vector_load %arg12[%swap3A_790] {strides = array<i32>} : memref<80xi32, #tpu.memory_space<vmem>>, vector<16xi32>,
      %swap3A_792 = vector.shape_cast %swap3A_791 : vector<16xi32> to vector<16xi32>
      %swap3A_793 = vector.shape_cast %get3A_789 : vector<16xi32> to vector<16xi32>
      tpu.vector_store %arg12[%swap3A_790], %swap3A_793 {strides = array<i32>} : memref<80xi32, #tpu.memory_space<vmem>>, vector<16xi32>,
      %get3A_794 = arith.constant 144 : index
      %get3A_795 = tpu.vector_load %arg9[%get3A_794] {strides = array<i32>} : memref<160xi32, #tpu.memory_space<vmem>>, vector<16xi32>,
      %get3A_796 = vector.shape_cast %get3A_795 : vector<16xi32> to vector<16xi32>
      %swap3A_797 = arith.constant 64 : index
      %swap3A_798 = tpu.vector_load %arg12[%swap3A_797] {strides = array<i32>} : memref<80xi32, #tpu.memory_space<vmem>>, vector<16xi32>,
      %swap3A_799 = vector.shape_cast %swap3A_798 : vector<16xi32> to vector<16xi32>
      %swap3A_800 = vector.shape_cast %get3A_796 : vector<16xi32> to vector<16xi32>
      tpu.vector_store %arg12[%swap3A_797], %swap3A_800 {strides = array<i32>} : memref<80xi32, #tpu.memory_space<vmem>>, vector<16xi32>,
      %get3A_801 = arith.constant 0 : index
      %get3A_802 = tpu.vector_load %arg9[%get3A_801] {strides = array<i32>} : memref<160xi32, #tpu.memory_space<vmem>>, vector<16xi32>,
      %get3A_803 = vector.shape_cast %get3A_802 : vector<16xi32> to vector<16xi32>
      %swap3A_804 = arith.constant 0 : index
      %swap3A_805 = tpu.vector_load %arg29[%swap3A_804] {strides = array<i32>} : memref<80xi32, #tpu.memory_space<vmem>>, vector<16xi32>,
      %swap3A_806 = vector.shape_cast %swap3A_805 : vector<16xi32> to vector<16xi32>
      %swap3A_807 = vector.shape_cast %get3A_803 : vector<16xi32> to vector<16xi32>
      tpu.vector_store %arg29[%swap3A_804], %swap3A_807 {strides = array<i32>} : memref<80xi32, #tpu.memory_space<vmem>>, vector<16xi32>,
      %get3A_808 = arith.constant 16 : index
      %get3A_809 = tpu.vector_load %arg9[%get3A_808] {strides = array<i32>} : memref<160xi32, #tpu.memory_space<vmem>>, vector<16xi32>,
      %get3A_810 = vector.shape_cast %get3A_809 : vector<16xi32> to vector<16xi32>
      %swap3A_811 = arith.constant 16 : index
      %swap3A_812 = tpu.vector_load %arg29[%swap3A_811] {strides = array<i32>} : memref<80xi32, #tpu.memory_space<vmem>>, vector<16xi32>,
      %swap3A_813 = vector.shape_cast %swap3A_812 : vector<16xi32> to vector<16xi32>
      %swap3A_814 = vector.shape_cast %get3A_810 : vector<16xi32> to vector<16xi32>
      tpu.vector_store %arg29[%swap3A_811], %swap3A_814 {strides = array<i32>} : memref<80xi32, #tpu.memory_space<vmem>>, vector<16xi32>,
      %get3A_815 = arith.constant 32 : index
      %get3A_816 = tpu.vector_load %arg9[%get3A_815] {strides = array<i32>} : memref<160xi32, #tpu.memory_space<vmem>>, vector<16xi32>,
      %get3A_817 = vector.shape_cast %get3A_816 : vector<16xi32> to vector<16xi32>
      %swap3A_818 = arith.constant 32 : index
      %swap3A_819 = tpu.vector_load %arg29[%swap3A_818] {strides = array<i32>} : memref<80xi32, #tpu.memory_space<vmem>>, vector<16xi32>,
      %swap3A_820 = vector.shape_cast %swap3A_819 : vector<16xi32> to vector<16xi32>
      %swap3A_821 = vector.shape_cast %get3A_817 : vector<16xi32> to vector<16xi32>
      tpu.vector_store %arg29[%swap3A_818], %swap3A_821 {strides = array<i32>} : memref<80xi32, #tpu.memory_space<vmem>>, vector<16xi32>,
      %get3A_822 = arith.constant 48 : index
      %get3A_823 = tpu.vector_load %arg9[%get3A_822] {strides = array<i32>} : memref<160xi32, #tpu.memory_space<vmem>>, vector<16xi32>,
      %get3A_824 = vector.shape_cast %get3A_823 : vector<16xi32> to vector<16xi32>
      %swap3A_825 = arith.constant 48 : index
      %swap3A_826 = tpu.vector_load %arg29[%swap3A_825] {strides = array<i32>} : memref<80xi32, #tpu.memory_space<vmem>>, vector<16xi32>,
      %swap3A_827 = vector.shape_cast %swap3A_826 : vector<16xi32> to vector<16xi32>
      %swap3A_828 = vector.shape_cast %get3A_824 : vector<16xi32> to vector<16xi32>
      tpu.vector_store %arg29[%swap3A_825], %swap3A_828 {strides = array<i32>} : memref<80xi32, #tpu.memory_space<vmem>>, vector<16xi32>,
      %get3A_829 = arith.constant 64 : index
      %get3A_830 = tpu.vector_load %arg9[%get3A_829] {strides = array<i32>} : memref<160xi32, #tpu.memory_space<vmem>>, vector<16xi32>,
      %get3A_831 = vector.shape_cast %get3A_830 : vector<16xi32> to vector<16xi32>
      %swap3A_832 = arith.constant 64 : index
      %swap3A_833 = tpu.vector_load %arg29[%swap3A_832] {strides = array<i32>} : memref<80xi32, #tpu.memory_space<vmem>>, vector<16xi32>,
      %swap3A_834 = vector.shape_cast %swap3A_833 : vector<16xi32> to vector<16xi32>
      %swap3A_835 = vector.shape_cast %get3A_831 : vector<16xi32> to vector<16xi32>
      tpu.vector_store %arg29[%swap3A_832], %swap3A_835 {strides = array<i32>} : memref<80xi32, #tpu.memory_space<vmem>>, vector<16xi32>,
      %lt3A_836 = arith.constant 40 : i32
      %lt3A_837 = arith.cmpi slt, %scan3A_538, %lt3A_836 : i32
      %convert_element_type3A_838 = arith.extui %lt3A_837 : i1 to i32
      %cond3A_839 = arith.constant 0 : i32
      %cond3A_840 = arith.cmpi ne, %convert_element_type3A_838, %cond3A_839 : i32
      scf.if %cond3A_840 {
        %mul3A_848 = arith.constant 3 : i32
        %mul3A_849 = arith.muli %mul3A_848, %scan3A_538 : i32
        %add3A_850 = arith.constant 6 : i32
        %add3A_851 = arith.addi %mul3A_849, %add3A_850 : i32
        %add3A_852 = arith.addi %mul3A_2, %add3A_851 : i32
        %mul3A_853 = arith.constant 2 : i32
        %mul3A_854 = arith.muli %add3A_852, %mul3A_853 : i32
        %mul3A_855 = arith.constant 80 : i32
        %mul3A_856 = arith.muli %mul3A_854, %mul3A_855 : i32
        %dma_start3A_857 = tpu.memref_slice %arg3[%mul3A_856] : memref<640000xi32, #tpu.memory_space<hbm>> -> memref<160xi32, #tpu.memory_space<hbm>>
        %dma_start3A_858 = tpu.memref_slice %arg3[%mul3A_856] : memref<640000xi32, #tpu.memory_space<hbm>> -> memref<160xi32, #tpu.memory_space<hbm>>
        tpu.enqueue_dma source(%dma_start3A_858 : memref<160xi32, #tpu.memory_space<hbm>>) target(%arg9 : memref<160xi32, #tpu.memory_space<vmem>>) target_semaphore(%arg18 : memref<!tpu.dma_semaphore, #tpu.memory_space<semaphore_mem>>)
      } else {
      }
      %dma_start3A_841 = arith.constant 0 : i32
      %dma_start3A_842 = arith.constant 0 : i32
      %dma_start3A_843 = tpu.memref_slice %arg8[%dma_start3A_841, %dma_start3A_842] : memref<5120x128xf32, #tpu.memory_space<vmem_shared>> -> memref<5120x128xf32, #tpu.memory_space<vmem_shared>>
      tpu.enqueue_indirect_dma source(%arg15 : memref<80x128xf32, #tpu.memory_space<vmem>>) target(%dma_start3A_843 : memref<5120x128xf32, #tpu.memory_space<vmem_shared>>) offsets(%arg12 : memref<80xi32, #tpu.memory_space<vmem>>) semaphore(%arg24 : memref<!tpu.dma_semaphore, #tpu.memory_space<semaphore_mem>>) {add = true}
      %dma_start3A_844 = arith.constant 0 : i32
      %dma_start3A_845 = tpu.memref_slice %arg27[%dma_start3A_844] : memref<5120xf32, #tpu.memory_space<vmem_shared>> -> memref<5120xf32, #tpu.memory_space<vmem_shared>>
      tpu.enqueue_indirect_dma source(%arg32 : memref<80xf32, #tpu.memory_space<vmem>>) target(%dma_start3A_845 : memref<5120xf32, #tpu.memory_space<vmem_shared>>) offsets(%arg12 : memref<80xi32, #tpu.memory_space<vmem>>) semaphore(%arg24 : memref<!tpu.dma_semaphore, #tpu.memory_space<semaphore_mem>>) {add = true}
      %dma_start3A_846 = arith.constant 0 : i32
      %dma_start3A_847 = tpu.memref_slice %arg28[%dma_start3A_846] : memref<10240xf32, #tpu.memory_space<vmem_shared>> -> memref<10240xf32, #tpu.memory_space<vmem_shared>>
      tpu.enqueue_indirect_dma source(%arg32 : memref<80xf32, #tpu.memory_space<vmem>>) target(%dma_start3A_847 : memref<10240xf32, #tpu.memory_space<vmem_shared>>) offsets(%arg29 : memref<80xi32, #tpu.memory_space<vmem>>) semaphore(%arg24 : memref<!tpu.dma_semaphore, #tpu.memory_space<semaphore_mem>>) {add = true}
    }
    %scan3A_412 = arith.constant 41 : i32
    %dma_wait3A_413 = arith.constant 0 : i32
    %dma_wait3A_414 = tpu.memref_slice %arg10[%dma_wait3A_413] : memref<160xi32, #tpu.memory_space<vmem>> -> memref<80xi32, #tpu.memory_space<vmem>>
    %dma_wait3A_415 = arith.constant 0 : i32
    %dma_wait3A_416 = arith.constant 0 : i32
    %dma_wait3A_417 = tpu.memref_slice %arg2[%dma_wait3A_415, %dma_wait3A_416] : memref<10000x128xf32, #tpu.memory_space<hbm>> -> memref<10000x128xf32, #tpu.memory_space<hbm>>
    tpu.wait_indirect_dma semaphore(%arg22 : memref<!tpu.dma_semaphore, #tpu.memory_space<semaphore_mem>>) src(%dma_wait3A_417 : memref<10000x128xf32, #tpu.memory_space<hbm>>) dst(%arg16 : memref<80x128xf32, #tpu.memory_space<vmem>>)
    %get3A_418 = arith.constant 80 : index
    %get3A_419 = tpu.vector_load %arg10[%get3A_418] {strides = array<i32>} : memref<160xi32, #tpu.memory_space<vmem>>, vector<16xi32>,
    %get3A_420 = vector.shape_cast %get3A_419 : vector<16xi32> to vector<16xi32>
    %swap3A_421 = arith.constant 0 : index
    %swap3A_422 = tpu.vector_load %arg13[%swap3A_421] {strides = array<i32>} : memref<80xi32, #tpu.memory_space<vmem>>, vector<16xi32>,
    %swap3A_423 = vector.shape_cast %swap3A_422 : vector<16xi32> to vector<16xi32>
    %swap3A_424 = vector.shape_cast %get3A_420 : vector<16xi32> to vector<16xi32>
    tpu.vector_store %arg13[%swap3A_421], %swap3A_424 {strides = array<i32>} : memref<80xi32, #tpu.memory_space<vmem>>, vector<16xi32>,
    %get3A_425 = arith.constant 96 : index
    %get3A_426 = tpu.vector_load %arg10[%get3A_425] {strides = array<i32>} : memref<160xi32, #tpu.memory_space<vmem>>, vector<16xi32>,
    %get3A_427 = vector.shape_cast %get3A_426 : vector<16xi32> to vector<16xi32>
    %swap3A_428 = arith.constant 16 : index
    %swap3A_429 = tpu.vector_load %arg13[%swap3A_428] {strides = array<i32>} : memref<80xi32, #tpu.memory_space<vmem>>, vector<16xi32>,
    %swap3A_430 = vector.shape_cast %swap3A_429 : vector<16xi32> to vector<16xi32>
    %swap3A_431 = vector.shape_cast %get3A_427 : vector<16xi32> to vector<16xi32>
    tpu.vector_store %arg13[%swap3A_428], %swap3A_431 {strides = array<i32>} : memref<80xi32, #tpu.memory_space<vmem>>, vector<16xi32>,
    %get3A_432 = arith.constant 112 : index
    %get3A_433 = tpu.vector_load %arg10[%get3A_432] {strides = array<i32>} : memref<160xi32, #tpu.memory_space<vmem>>, vector<16xi32>,
    %get3A_434 = vector.shape_cast %get3A_433 : vector<16xi32> to vector<16xi32>
    %swap3A_435 = arith.constant 32 : index
    %swap3A_436 = tpu.vector_load %arg13[%swap3A_435] {strides = array<i32>} : memref<80xi32, #tpu.memory_space<vmem>>, vector<16xi32>,
    %swap3A_437 = vector.shape_cast %swap3A_436 : vector<16xi32> to vector<16xi32>
    %swap3A_438 = vector.shape_cast %get3A_434 : vector<16xi32> to vector<16xi32>
    tpu.vector_store %arg13[%swap3A_435], %swap3A_438 {strides = array<i32>} : memref<80xi32, #tpu.memory_space<vmem>>, vector<16xi32>,
    %get3A_439 = arith.constant 128 : index
    %get3A_440 = tpu.vector_load %arg10[%get3A_439] {strides = array<i32>} : memref<160xi32, #tpu.memory_space<vmem>>, vector<16xi32>,
    %get3A_441 = vector.shape_cast %get3A_440 : vector<16xi32> to vector<16xi32>
    %swap3A_442 = arith.constant 48 : index
    %swap3A_443 = tpu.vector_load %arg13[%swap3A_442] {strides = array<i32>} : memref<80xi32, #tpu.memory_space<vmem>>, vector<16xi32>,
    %swap3A_444 = vector.shape_cast %swap3A_443 : vector<16xi32> to vector<16xi32>
    %swap3A_445 = vector.shape_cast %get3A_441 : vector<16xi32> to vector<16xi32>
    tpu.vector_store %arg13[%swap3A_442], %swap3A_445 {strides = array<i32>} : memref<80xi32, #tpu.memory_space<vmem>>, vector<16xi32>,
    %get3A_446 = arith.constant 144 : index
    %get3A_447 = tpu.vector_load %arg10[%get3A_446] {strides = array<i32>} : memref<160xi32, #tpu.memory_space<vmem>>, vector<16xi32>,
    %get3A_448 = vector.shape_cast %get3A_447 : vector<16xi32> to vector<16xi32>
    %swap3A_449 = arith.constant 64 : index
    %swap3A_450 = tpu.vector_load %arg13[%swap3A_449] {strides = array<i32>} : memref<80xi32, #tpu.memory_space<vmem>>, vector<16xi32>,
    %swap3A_451 = vector.shape_cast %swap3A_450 : vector<16xi32> to vector<16xi32>
    %swap3A_452 = vector.shape_cast %get3A_448 : vector<16xi32> to vector<16xi32>
    tpu.vector_store %arg13[%swap3A_449], %swap3A_452 {strides = array<i32>} : memref<80xi32, #tpu.memory_space<vmem>>, vector<16xi32>,
    %get3A_453 = arith.constant 0 : index
    %get3A_454 = tpu.vector_load %arg10[%get3A_453] {strides = array<i32>} : memref<160xi32, #tpu.memory_space<vmem>>, vector<16xi32>,
    %get3A_455 = vector.shape_cast %get3A_454 : vector<16xi32> to vector<16xi32>
    %swap3A_456 = arith.constant 0 : index
    %swap3A_457 = tpu.vector_load %arg30[%swap3A_456] {strides = array<i32>} : memref<80xi32, #tpu.memory_space<vmem>>, vector<16xi32>,
    %swap3A_458 = vector.shape_cast %swap3A_457 : vector<16xi32> to vector<16xi32>
    %swap3A_459 = vector.shape_cast %get3A_455 : vector<16xi32> to vector<16xi32>
    tpu.vector_store %arg30[%swap3A_456], %swap3A_459 {strides = array<i32>} : memref<80xi32, #tpu.memory_space<vmem>>, vector<16xi32>,
    %get3A_460 = arith.constant 16 : index
    %get3A_461 = tpu.vector_load %arg10[%get3A_460] {strides = array<i32>} : memref<160xi32, #tpu.memory_space<vmem>>, vector<16xi32>,
    %get3A_462 = vector.shape_cast %get3A_461 : vector<16xi32> to vector<16xi32>
    %swap3A_463 = arith.constant 16 : index
    %swap3A_464 = tpu.vector_load %arg30[%swap3A_463] {strides = array<i32>} : memref<80xi32, #tpu.memory_space<vmem>>, vector<16xi32>,
    %swap3A_465 = vector.shape_cast %swap3A_464 : vector<16xi32> to vector<16xi32>
    %swap3A_466 = vector.shape_cast %get3A_462 : vector<16xi32> to vector<16xi32>
    tpu.vector_store %arg30[%swap3A_463], %swap3A_466 {strides = array<i32>} : memref<80xi32, #tpu.memory_space<vmem>>, vector<16xi32>,
    %get3A_467 = arith.constant 32 : index
    %get3A_468 = tpu.vector_load %arg10[%get3A_467] {strides = array<i32>} : memref<160xi32, #tpu.memory_space<vmem>>, vector<16xi32>,
    %get3A_469 = vector.shape_cast %get3A_468 : vector<16xi32> to vector<16xi32>
    %swap3A_470 = arith.constant 32 : index
    %swap3A_471 = tpu.vector_load %arg30[%swap3A_470] {strides = array<i32>} : memref<80xi32, #tpu.memory_space<vmem>>, vector<16xi32>,
    %swap3A_472 = vector.shape_cast %swap3A_471 : vector<16xi32> to vector<16xi32>
    %swap3A_473 = vector.shape_cast %get3A_469 : vector<16xi32> to vector<16xi32>
    tpu.vector_store %arg30[%swap3A_470], %swap3A_473 {strides = array<i32>} : memref<80xi32, #tpu.memory_space<vmem>>, vector<16xi32>,
    %get3A_474 = arith.constant 48 : index
    %get3A_475 = tpu.vector_load %arg10[%get3A_474] {strides = array<i32>} : memref<160xi32, #tpu.memory_space<vmem>>, vector<16xi32>,
    %get3A_476 = vector.shape_cast %get3A_475 : vector<16xi32> to vector<16xi32>
    %swap3A_477 = arith.constant 48 : index
    %swap3A_478 = tpu.vector_load %arg30[%swap3A_477] {strides = array<i32>} : memref<80xi32, #tpu.memory_space<vmem>>, vector<16xi32>,
    %swap3A_479 = vector.shape_cast %swap3A_478 : vector<16xi32> to vector<16xi32>
    %swap3A_480 = vector.shape_cast %get3A_476 : vector<16xi32> to vector<16xi32>
    tpu.vector_store %arg30[%swap3A_477], %swap3A_480 {strides = array<i32>} : memref<80xi32, #tpu.memory_space<vmem>>, vector<16xi32>,
    %get3A_481 = arith.constant 64 : index
    %get3A_482 = tpu.vector_load %arg10[%get3A_481] {strides = array<i32>} : memref<160xi32, #tpu.memory_space<vmem>>, vector<16xi32>,
    %get3A_483 = vector.shape_cast %get3A_482 : vector<16xi32> to vector<16xi32>
    %swap3A_484 = arith.constant 64 : index
    %swap3A_485 = tpu.vector_load %arg30[%swap3A_484] {strides = array<i32>} : memref<80xi32, #tpu.memory_space<vmem>>, vector<16xi32>,
    %swap3A_486 = vector.shape_cast %swap3A_485 : vector<16xi32> to vector<16xi32>
    %swap3A_487 = vector.shape_cast %get3A_483 : vector<16xi32> to vector<16xi32>
    tpu.vector_store %arg30[%swap3A_484], %swap3A_487 {strides = array<i32>} : memref<80xi32, #tpu.memory_space<vmem>>, vector<16xi32>,
    %dma_start3A_488 = arith.constant 0 : i32
    %dma_start3A_489 = arith.constant 0 : i32
    %dma_start3A_490 = tpu.memref_slice %arg8[%dma_start3A_488, %dma_start3A_489] : memref<5120x128xf32, #tpu.memory_space<vmem_shared>> -> memref<5120x128xf32, #tpu.memory_space<vmem_shared>>
    tpu.enqueue_indirect_dma source(%arg16 : memref<80x128xf32, #tpu.memory_space<vmem>>) target(%dma_start3A_490 : memref<5120x128xf32, #tpu.memory_space<vmem_shared>>) offsets(%arg13 : memref<80xi32, #tpu.memory_space<vmem>>) semaphore(%arg25 : memref<!tpu.dma_semaphore, #tpu.memory_space<semaphore_mem>>) {add = true}
    %dma_start3A_491 = arith.constant 0 : i32
    %dma_start3A_492 = tpu.memref_slice %arg27[%dma_start3A_491] : memref<5120xf32, #tpu.memory_space<vmem_shared>> -> memref<5120xf32, #tpu.memory_space<vmem_shared>>
    tpu.enqueue_indirect_dma source(%arg32 : memref<80xf32, #tpu.memory_space<vmem>>) target(%dma_start3A_492 : memref<5120xf32, #tpu.memory_space<vmem_shared>>) offsets(%arg13 : memref<80xi32, #tpu.memory_space<vmem>>) semaphore(%arg25 : memref<!tpu.dma_semaphore, #tpu.memory_space<semaphore_mem>>) {add = true}
    %dma_start3A_493 = arith.constant 0 : i32
    %dma_start3A_494 = tpu.memref_slice %arg28[%dma_start3A_493] : memref<10240xf32, #tpu.memory_space<vmem_shared>> -> memref<10240xf32, #tpu.memory_space<vmem_shared>>
    tpu.enqueue_indirect_dma source(%arg32 : memref<80xf32, #tpu.memory_space<vmem>>) target(%dma_start3A_494 : memref<10240xf32, #tpu.memory_space<vmem_shared>>) offsets(%arg30 : memref<80xi32, #tpu.memory_space<vmem>>) semaphore(%arg25 : memref<!tpu.dma_semaphore, #tpu.memory_space<semaphore_mem>>) {add = true}
    %dma_wait3A_495 = arith.constant 0 : i32
    %dma_wait3A_496 = arith.constant 0 : i32
    %dma_wait3A_497 = tpu.memref_slice %arg8[%dma_wait3A_495, %dma_wait3A_496] : memref<5120x128xf32, #tpu.memory_space<vmem_shared>> -> memref<5120x128xf32, #tpu.memory_space<vmem_shared>>
    tpu.wait_indirect_dma semaphore(%arg24 : memref<!tpu.dma_semaphore, #tpu.memory_space<semaphore_mem>>) src(%arg15 : memref<80x128xf32, #tpu.memory_space<vmem>>) dst(%dma_wait3A_497 : memref<5120x128xf32, #tpu.memory_space<vmem_shared>>)
    %dma_wait3A_498 = arith.constant 0 : i32
    %dma_wait3A_499 = tpu.memref_slice %arg27[%dma_wait3A_498] : memref<5120xf32, #tpu.memory_space<vmem_shared>> -> memref<5120xf32, #tpu.memory_space<vmem_shared>>
    tpu.wait_indirect_dma semaphore(%arg24 : memref<!tpu.dma_semaphore, #tpu.memory_space<semaphore_mem>>) src(%arg32 : memref<80xf32, #tpu.memory_space<vmem>>) dst(%dma_wait3A_499 : memref<5120xf32, #tpu.memory_space<vmem_shared>>)
    %dma_wait3A_500 = arith.constant 0 : i32
    %dma_wait3A_501 = tpu.memref_slice %arg28[%dma_wait3A_500] : memref<10240xf32, #tpu.memory_space<vmem_shared>> -> memref<10240xf32, #tpu.memory_space<vmem_shared>>
    tpu.wait_indirect_dma semaphore(%arg24 : memref<!tpu.dma_semaphore, #tpu.memory_space<semaphore_mem>>) src(%arg32 : memref<80xf32, #tpu.memory_space<vmem>>) dst(%dma_wait3A_501 : memref<10240xf32, #tpu.memory_space<vmem_shared>>)
    %dma_wait3A_502 = arith.constant 0 : i32
    %dma_wait3A_503 = arith.constant 0 : i32
    %dma_wait3A_504 = tpu.memref_slice %arg8[%dma_wait3A_502, %dma_wait3A_503] : memref<5120x128xf32, #tpu.memory_space<vmem_shared>> -> memref<5120x128xf32, #tpu.memory_space<vmem_shared>>
    tpu.wait_indirect_dma semaphore(%arg25 : memref<!tpu.dma_semaphore, #tpu.memory_space<semaphore_mem>>) src(%arg16 : memref<80x128xf32, #tpu.memory_space<vmem>>) dst(%dma_wait3A_504 : memref<5120x128xf32, #tpu.memory_space<vmem_shared>>)
    %dma_wait3A_505 = arith.constant 0 : i32
    %dma_wait3A_506 = tpu.memref_slice %arg27[%dma_wait3A_505] : memref<5120xf32, #tpu.memory_space<vmem_shared>> -> memref<5120xf32, #tpu.memory_space<vmem_shared>>
    tpu.wait_indirect_dma semaphore(%arg25 : memref<!tpu.dma_semaphore, #tpu.memory_space<semaphore_mem>>) src(%arg32 : memref<80xf32, #tpu.memory_space<vmem>>) dst(%dma_wait3A_506 : memref<5120xf32, #tpu.memory_space<vmem_shared>>)
    %dma_wait3A_507 = arith.constant 0 : i32
    %dma_wait3A_508 = tpu.memref_slice %arg28[%dma_wait3A_507] : memref<10240xf32, #tpu.memory_space<vmem_shared>> -> memref<10240xf32, #tpu.memory_space<vmem_shared>>
    tpu.wait_indirect_dma semaphore(%arg25 : memref<!tpu.dma_semaphore, #tpu.memory_space<semaphore_mem>>) src(%arg32 : memref<80xf32, #tpu.memory_space<vmem>>) dst(%dma_wait3A_508 : memref<10240xf32, #tpu.memory_space<vmem_shared>>)
    %dma_wait3A_509 = arith.constant 0 : i32
    %dma_wait3A_510 = arith.constant 0 : i32
    %dma_wait3A_511 = tpu.memref_slice %arg8[%dma_wait3A_509, %dma_wait3A_510] : memref<5120x128xf32, #tpu.memory_space<vmem_shared>> -> memref<5120x128xf32, #tpu.memory_space<vmem_shared>>
    tpu.wait_indirect_dma semaphore(%arg26 : memref<!tpu.dma_semaphore, #tpu.memory_space<semaphore_mem>>) src(%arg17 : memref<80x128xf32, #tpu.memory_space<vmem>>) dst(%dma_wait3A_511 : memref<5120x128xf32, #tpu.memory_space<vmem_shared>>)
    %dma_wait3A_512 = arith.constant 0 : i32
    %dma_wait3A_513 = tpu.memref_slice %arg27[%dma_wait3A_512] : memref<5120xf32, #tpu.memory_space<vmem_shared>> -> memref<5120xf32, #tpu.memory_space<vmem_shared>>
    tpu.wait_indirect_dma semaphore(%arg26 : memref<!tpu.dma_semaphore, #tpu.memory_space<semaphore_mem>>) src(%arg32 : memref<80xf32, #tpu.memory_space<vmem>>) dst(%dma_wait3A_513 : memref<5120xf32, #tpu.memory_space<vmem_shared>>)
    %dma_wait3A_514 = arith.constant 0 : i32
    %dma_wait3A_515 = tpu.memref_slice %arg28[%dma_wait3A_514] : memref<10240xf32, #tpu.memory_space<vmem_shared>> -> memref<10240xf32, #tpu.memory_space<vmem_shared>>
    tpu.wait_indirect_dma semaphore(%arg26 : memref<!tpu.dma_semaphore, #tpu.memory_space<semaphore_mem>>) src(%arg32 : memref<80xf32, #tpu.memory_space<vmem>>) dst(%dma_wait3A_515 : memref<10240xf32, #tpu.memory_space<vmem_shared>>)
    %barrier3A_516 = arith.constant 0 : index
    tpu.barrier barrier_id(%barrier3A_516)
    %mul3A_517 = arith.constant 320 : i32
    %mul3A_518 = arith.muli %arg1, %mul3A_517 : i32
    %mul3A_519 = arith.constant 5120 : i32
    %mul3A_520 = arith.muli %arg0, %mul3A_519 : i32
    %mul3A_521 = arith.constant 320 : i32
    %mul3A_522 = arith.muli %arg1, %mul3A_521 : i32
    %add3A_523 = arith.addi %mul3A_520, %mul3A_522 : i32
    "tpu.region"() ({
      %run_scoped3A = tpu.sem_alloc : memref<!tpu.dma_semaphore, #tpu.memory_space<semaphore_mem>>
      %dma_start3A_538 = arith.constant 0 : i32
      %dma_start3A_539 = tpu.memref_slice %arg5[%add3A_523, %dma_start3A_538] : memref<10240x128xf32, #tpu.memory_space<hbm>> -> memref<320x128xf32, #tpu.memory_space<hbm>>
      %dma_start3A_540 = arith.constant 0 : i32
      %dma_start3A_541 = tpu.memref_slice %arg8[%mul3A_518, %dma_start3A_540] : memref<5120x128xf32, #tpu.memory_space<vmem_shared>> -> memref<320x128xf32, #tpu.memory_space<vmem_shared>>
      tpu.enqueue_dma source(%dma_start3A_541 : memref<320x128xf32, #tpu.memory_space<vmem_shared>>) target(%dma_start3A_539 : memref<320x128xf32, #tpu.memory_space<hbm>>) target_semaphore(%run_scoped3A : memref<!tpu.dma_semaphore, #tpu.memory_space<semaphore_mem>>)
      %dma_wait3A_542 = arith.constant 0 : i32
      %dma_wait3A_543 = tpu.memref_slice %arg5[%add3A_523, %dma_wait3A_542] : memref<10240x128xf32, #tpu.memory_space<hbm>> -> memref<320x128xf32, #tpu.memory_space<hbm>>
      %dma_wait3A_544 = arith.constant 0 : i32
      %dma_wait3A_545 = tpu.memref_slice %arg8[%mul3A_518, %dma_wait3A_544] : memref<5120x128xf32, #tpu.memory_space<vmem_shared>> -> memref<320x128xf32, #tpu.memory_space<vmem_shared>>
      tpu.wait_dma2 semaphore(%run_scoped3A : memref<!tpu.dma_semaphore, #tpu.memory_space<semaphore_mem>>) src(%dma_wait3A_545 : memref<320x128xf32, #tpu.memory_space<vmem_shared>>) dst(%dma_wait3A_543 : memref<320x128xf32, #tpu.memory_space<hbm>>)
      tpu.yield
    }) : () -> ()
    %mul3A_524 = arith.constant 320 : i32
    %mul3A_525 = arith.muli %arg1, %mul3A_524 : i32
    "tpu.region"() ({
      %run_scoped3A = tpu.sem_alloc : memref<!tpu.dma_semaphore, #tpu.memory_space<semaphore_mem>>
      %dma_start3A_538 = arith.constant 0 : i32
      %dma_start3A_539 = tpu.memref_slice %arg33[%dma_start3A_538] : memref<640xf32, #tpu.memory_space<vmem>> -> memref<320xf32, #tpu.memory_space<vmem>>
      %dma_start3A_540 = tpu.memref_slice %arg27[%mul3A_525] : memref<5120xf32, #tpu.memory_space<vmem_shared>> -> memref<320xf32, #tpu.memory_space<vmem_shared>>
      %dma_start3A_541 = arith.constant 0 : i32
      %dma_start3A_542 = tpu.memref_slice %arg33[%dma_start3A_541] : memref<640xf32, #tpu.memory_space<vmem>> -> memref<320xf32, #tpu.memory_space<vmem>>
      %dma_start3A_543 = tpu.memref_slice %arg27[%mul3A_525] : memref<5120xf32, #tpu.memory_space<vmem_shared>> -> memref<320xf32, #tpu.memory_space<vmem_shared>>
      tpu.enqueue_dma source(%dma_start3A_543 : memref<320xf32, #tpu.memory_space<vmem_shared>>) target(%dma_start3A_542 : memref<320xf32, #tpu.memory_space<vmem>>) target_semaphore(%run_scoped3A : memref<!tpu.dma_semaphore, #tpu.memory_space<semaphore_mem>>)
      %dma_wait3A_544 = arith.constant 0 : i32
      %dma_wait3A_545 = tpu.memref_slice %arg33[%dma_wait3A_544] : memref<640xf32, #tpu.memory_space<vmem>> -> memref<320xf32, #tpu.memory_space<vmem>>
      %dma_wait3A_546 = tpu.memref_slice %arg27[%mul3A_525] : memref<5120xf32, #tpu.memory_space<vmem_shared>> -> memref<320xf32, #tpu.memory_space<vmem_shared>>
      %dma_wait3A_547 = arith.constant 0 : i32
      %dma_wait3A_548 = tpu.memref_slice %arg33[%dma_wait3A_547] : memref<640xf32, #tpu.memory_space<vmem>> -> memref<320xf32, #tpu.memory_space<vmem>>
      %dma_wait3A_549 = tpu.memref_slice %arg27[%mul3A_525] : memref<5120xf32, #tpu.memory_space<vmem_shared>> -> memref<320xf32, #tpu.memory_space<vmem_shared>>
      tpu.wait_dma2 semaphore(%run_scoped3A : memref<!tpu.dma_semaphore, #tpu.memory_space<semaphore_mem>>) src(%dma_wait3A_549 : memref<320xf32, #tpu.memory_space<vmem_shared>>) dst(%dma_wait3A_548 : memref<320xf32, #tpu.memory_space<vmem>>)
      tpu.yield
    }) : () -> ()
    %mul3A_526 = arith.constant 5120 : i32
    %mul3A_527 = arith.muli %arg0, %mul3A_526 : i32
    %mul3A_528 = arith.constant 320 : i32
    %mul3A_529 = arith.muli %arg1, %mul3A_528 : i32
    %add3A_530 = arith.addi %mul3A_527, %mul3A_529 : i32
    "tpu.region"() ({
      %run_scoped3A = tpu.sem_alloc : memref<!tpu.dma_semaphore, #tpu.memory_space<semaphore_mem>>
      %dma_start3A_538 = arith.constant 0 : i32
      %dma_start3A_539 = tpu.memref_slice %arg33[%dma_start3A_538] : memref<640xf32, #tpu.memory_space<vmem>> -> memref<320xf32, #tpu.memory_space<vmem>>
      %dma_start3A_540 = tpu.memref_slice %arg6[%add3A_530] : memref<10240xf32, #tpu.memory_space<hbm>> -> memref<320xf32, #tpu.memory_space<hbm>>
      %dma_start3A_541 = tpu.memref_slice %arg6[%add3A_530] : memref<10240xf32, #tpu.memory_space<hbm>> -> memref<320xf32, #tpu.memory_space<hbm>>
      %dma_start3A_542 = arith.constant 0 : i32
      %dma_start3A_543 = tpu.memref_slice %arg33[%dma_start3A_542] : memref<640xf32, #tpu.memory_space<vmem>> -> memref<320xf32, #tpu.memory_space<vmem>>
      tpu.enqueue_dma source(%dma_start3A_543 : memref<320xf32, #tpu.memory_space<vmem>>) target(%dma_start3A_541 : memref<320xf32, #tpu.memory_space<hbm>>) target_semaphore(%run_scoped3A : memref<!tpu.dma_semaphore, #tpu.memory_space<semaphore_mem>>)
      %dma_wait3A_544 = arith.constant 0 : i32
      %dma_wait3A_545 = tpu.memref_slice %arg33[%dma_wait3A_544] : memref<640xf32, #tpu.memory_space<vmem>> -> memref<320xf32, #tpu.memory_space<vmem>>
      %dma_wait3A_546 = tpu.memref_slice %arg6[%add3A_530] : memref<10240xf32, #tpu.memory_space<hbm>> -> memref<320xf32, #tpu.memory_space<hbm>>
      %dma_wait3A_547 = tpu.memref_slice %arg6[%add3A_530] : memref<10240xf32, #tpu.memory_space<hbm>> -> memref<320xf32, #tpu.memory_space<hbm>>
      %dma_wait3A_548 = arith.constant 0 : i32
      %dma_wait3A_549 = tpu.memref_slice %arg33[%dma_wait3A_548] : memref<640xf32, #tpu.memory_space<vmem>> -> memref<320xf32, #tpu.memory_space<vmem>>
      tpu.wait_dma2 semaphore(%run_scoped3A : memref<!tpu.dma_semaphore, #tpu.memory_space<semaphore_mem>>) src(%dma_wait3A_549 : memref<320xf32, #tpu.memory_space<vmem>>) dst(%dma_wait3A_547 : memref<320xf32, #tpu.memory_space<hbm>>)
      tpu.yield
    }) : () -> ()
    %mul3A_531 = arith.constant 640 : i32
    %mul3A_532 = arith.muli %arg1, %mul3A_531 : i32
    "tpu.region"() ({
      %run_scoped3A = tpu.sem_alloc : memref<!tpu.dma_semaphore, #tpu.memory_space<semaphore_mem>>
      %dma_start3A_538 = tpu.memref_slice %arg28[%mul3A_532] : memref<10240xf32, #tpu.memory_space<vmem_shared>> -> memref<640xf32, #tpu.memory_space<vmem_shared>>
      %dma_start3A_539 = tpu.memref_slice %arg28[%mul3A_532] : memref<10240xf32, #tpu.memory_space<vmem_shared>> -> memref<640xf32, #tpu.memory_space<vmem_shared>>
      tpu.enqueue_dma source(%dma_start3A_539 : memref<640xf32, #tpu.memory_space<vmem_shared>>) target(%arg33 : memref<640xf32, #tpu.memory_space<vmem>>) target_semaphore(%run_scoped3A : memref<!tpu.dma_semaphore, #tpu.memory_space<semaphore_mem>>)
      %dma_wait3A_540 = tpu.memref_slice %arg28[%mul3A_532] : memref<10240xf32, #tpu.memory_space<vmem_shared>> -> memref<640xf32, #tpu.memory_space<vmem_shared>>
      %dma_wait3A_541 = tpu.memref_slice %arg28[%mul3A_532] : memref<10240xf32, #tpu.memory_space<vmem_shared>> -> memref<640xf32, #tpu.memory_space<vmem_shared>>
      tpu.wait_dma2 semaphore(%run_scoped3A : memref<!tpu.dma_semaphore, #tpu.memory_space<semaphore_mem>>) src(%dma_wait3A_541 : memref<640xf32, #tpu.memory_space<vmem_shared>>) dst(%arg33 : memref<640xf32, #tpu.memory_space<vmem>>)
      tpu.yield
    }) : () -> ()
    %mul3A_533 = arith.constant 10240 : i32
    %mul3A_534 = arith.muli %arg0, %mul3A_533 : i32
    %mul3A_535 = arith.constant 640 : i32
    %mul3A_536 = arith.muli %arg1, %mul3A_535 : i32
    %add3A_537 = arith.addi %mul3A_534, %mul3A_536 : i32
    "tpu.region"() ({
      %run_scoped3A = tpu.sem_alloc : memref<!tpu.dma_semaphore, #tpu.memory_space<semaphore_mem>>
      %dma_start3A_538 = tpu.memref_slice %arg7[%add3A_537] : memref<20480xf32, #tpu.memory_space<hbm>> -> memref<640xf32, #tpu.memory_space<hbm>>
      %dma_start3A_539 = tpu.memref_slice %arg7[%add3A_537] : memref<20480xf32, #tpu.memory_space<hbm>> -> memref<640xf32, #tpu.memory_space<hbm>>
      tpu.enqueue_dma source(%arg33 : memref<640xf32, #tpu.memory_space<vmem>>) target(%dma_start3A_539 : memref<640xf32, #tpu.memory_space<hbm>>) target_semaphore(%run_scoped3A : memref<!tpu.dma_semaphore, #tpu.memory_space<semaphore_mem>>)
      %dma_wait3A_540 = tpu.memref_slice %arg7[%add3A_537] : memref<20480xf32, #tpu.memory_space<hbm>> -> memref<640xf32, #tpu.memory_space<hbm>>
      %dma_wait3A_541 = tpu.memref_slice %arg7[%add3A_537] : memref<20480xf32, #tpu.memory_space<hbm>> -> memref<640xf32, #tpu.memory_space<hbm>>
      tpu.wait_dma2 semaphore(%run_scoped3A : memref<!tpu.dma_semaphore, #tpu.memory_space<semaphore_mem>>) src(%arg33 : memref<640xf32, #tpu.memory_space<vmem>>) dst(%dma_wait3A_541 : memref<640xf32, #tpu.memory_space<hbm>>)
      tpu.yield
    }) : () -> ()
    return
  }
}

#map = affine_map<(d0, d1) -> (0, 0)>
#map1 = affine_map<(d0, d1) -> (0)>
module attributes {stable_mosaic.version = 14 : i64} {
  func.func @body_fn(%arg0: i32, %arg1: i32, %arg2: memref<5000x128xf32, #tpu.memory_space<hbm>>, %arg3: memref<640000xi32, #tpu.memory_space<hbm>>, %arg4: memref<320x128xf32, #tpu.memory_space<hbm>>, %arg5: memref<20480x128xf32, #tpu.memory_space<hbm>>, %arg6: memref<10240x128xf32, #tpu.memory_space<vmem_shared>>, %arg7: memref<160xi32, #tpu.memory_space<vmem>>, %arg8: memref<160xi32, #tpu.memory_space<vmem>>, %arg9: memref<160xi32, #tpu.memory_space<vmem>>, %arg10: memref<80xi32, #tpu.memory_space<vmem>>, %arg11: memref<80xi32, #tpu.memory_space<vmem>>, %arg12: memref<80xi32, #tpu.memory_space<vmem>>, %arg13: memref<80x128xf32, #tpu.memory_space<vmem>>, %arg14: memref<80x128xf32, #tpu.memory_space<vmem>>, %arg15: memref<80x128xf32, #tpu.memory_space<vmem>>, %arg16: memref<!tpu.dma_semaphore, #tpu.memory_space<semaphore_mem>>, %arg17: memref<!tpu.dma_semaphore, #tpu.memory_space<semaphore_mem>>, %arg18: memref<!tpu.dma_semaphore, #tpu.memory_space<semaphore_mem>>, %arg19: memref<!tpu.dma_semaphore, #tpu.memory_space<semaphore_mem>>, %arg20: memref<!tpu.dma_semaphore, #tpu.memory_space<semaphore_mem>>, %arg21: memref<!tpu.dma_semaphore, #tpu.memory_space<semaphore_mem>>, %arg22: memref<!tpu.dma_semaphore, #tpu.memory_space<semaphore_mem>>, %arg23: memref<!tpu.dma_semaphore, #tpu.memory_space<semaphore_mem>>, %arg24: memref<!tpu.dma_semaphore, #tpu.memory_space<semaphore_mem>>) attributes {dimension_semantics = [#tpu.dimension_semantics<core_parallel>, #tpu.dimension_semantics<subcore_parallel>], iteration_bounds = array<i64: 2, 16>, scalar_prefetch = 0 : i64, scratch_operands = 19 : i64, tpu.core_type = #tpu.core_type<sc_vector_subcore>, window_params = [{transform_indices = #map}, {transform_indices = #map1}, {transform_indices = #map}, {transform_indices = #map}]} {
    %mul3A = arith.constant 2 : i32
    %mul3A_0 = arith.muli %arg1, %mul3A : i32
    %add3A = arith.addi %mul3A_0, %arg0 : i32
    %mul3A_1 = arith.constant 125 : i32
    %mul3A_2 = arith.muli %add3A, %mul3A_1 : i32
    %mul3A_3 = arith.constant 640 : i32
    %mul3A_4 = arith.muli %arg1, %mul3A_3 : i32
    %add3A_5 = arith.constant 0 : i32
    %add3A_6 = arith.addi %mul3A_4, %add3A_5 : i32
    "tpu.region"() ({
      %run_scoped3A = tpu.sem_alloc : memref<!tpu.dma_semaphore, #tpu.memory_space<semaphore_mem>>
      %dma_start3A_165 = arith.constant 0 : i32
      %dma_start3A_166 = tpu.memref_slice %arg6[%add3A_6, %dma_start3A_165] : memref<10240x128xf32, #tpu.memory_space<vmem_shared>> -> memref<320x128xf32, #tpu.memory_space<vmem_shared>>
      %dma_start3A_167 = arith.constant 0 : i32
      %dma_start3A_168 = arith.constant 0 : i32
      %dma_start3A_169 = tpu.memref_slice %arg4[%dma_start3A_167, %dma_start3A_168] : memref<320x128xf32, #tpu.memory_space<hbm>> -> memref<320x128xf32, #tpu.memory_space<hbm>>
      tpu.enqueue_dma source(%dma_start3A_169 : memref<320x128xf32, #tpu.memory_space<hbm>>) target(%dma_start3A_166 : memref<320x128xf32, #tpu.memory_space<vmem_shared>>) target_semaphore(%run_scoped3A : memref<!tpu.dma_semaphore, #tpu.memory_space<semaphore_mem>>)
      %dma_wait3A_170 = arith.constant 0 : i32
      %dma_wait3A_171 = tpu.memref_slice %arg6[%add3A_6, %dma_wait3A_170] : memref<10240x128xf32, #tpu.memory_space<vmem_shared>> -> memref<320x128xf32, #tpu.memory_space<vmem_shared>>
      %dma_wait3A_172 = arith.constant 0 : i32
      %dma_wait3A_173 = arith.constant 0 : i32
      %dma_wait3A_174 = tpu.memref_slice %arg4[%dma_wait3A_172, %dma_wait3A_173] : memref<320x128xf32, #tpu.memory_space<hbm>> -> memref<320x128xf32, #tpu.memory_space<hbm>>
      tpu.wait_dma2 semaphore(%run_scoped3A : memref<!tpu.dma_semaphore, #tpu.memory_space<semaphore_mem>>) src(%dma_wait3A_174 : memref<320x128xf32, #tpu.memory_space<hbm>>) dst(%dma_wait3A_171 : memref<320x128xf32, #tpu.memory_space<vmem_shared>>)
      tpu.yield
    }) : () -> ()
    %mul3A_7 = arith.constant 640 : i32
    %mul3A_8 = arith.muli %arg1, %mul3A_7 : i32
    %add3A_9 = arith.constant 320 : i32
    %add3A_10 = arith.addi %mul3A_8, %add3A_9 : i32
    "tpu.region"() ({
      %run_scoped3A = tpu.sem_alloc : memref<!tpu.dma_semaphore, #tpu.memory_space<semaphore_mem>>
      %dma_start3A_165 = arith.constant 0 : i32
      %dma_start3A_166 = tpu.memref_slice %arg6[%add3A_10, %dma_start3A_165] : memref<10240x128xf32, #tpu.memory_space<vmem_shared>> -> memref<320x128xf32, #tpu.memory_space<vmem_shared>>
      %dma_start3A_167 = arith.constant 0 : i32
      %dma_start3A_168 = arith.constant 0 : i32
      %dma_start3A_169 = tpu.memref_slice %arg4[%dma_start3A_167, %dma_start3A_168] : memref<320x128xf32, #tpu.memory_space<hbm>> -> memref<320x128xf32, #tpu.memory_space<hbm>>
      tpu.enqueue_dma source(%dma_start3A_169 : memref<320x128xf32, #tpu.memory_space<hbm>>) target(%dma_start3A_166 : memref<320x128xf32, #tpu.memory_space<vmem_shared>>) target_semaphore(%run_scoped3A : memref<!tpu.dma_semaphore, #tpu.memory_space<semaphore_mem>>)
      %dma_wait3A_170 = arith.constant 0 : i32
      %dma_wait3A_171 = tpu.memref_slice %arg6[%add3A_10, %dma_wait3A_170] : memref<10240x128xf32, #tpu.memory_space<vmem_shared>> -> memref<320x128xf32, #tpu.memory_space<vmem_shared>>
      %dma_wait3A_172 = arith.constant 0 : i32
      %dma_wait3A_173 = arith.constant 0 : i32
      %dma_wait3A_174 = tpu.memref_slice %arg4[%dma_wait3A_172, %dma_wait3A_173] : memref<320x128xf32, #tpu.memory_space<hbm>> -> memref<320x128xf32, #tpu.memory_space<hbm>>
      tpu.wait_dma2 semaphore(%run_scoped3A : memref<!tpu.dma_semaphore, #tpu.memory_space<semaphore_mem>>) src(%dma_wait3A_174 : memref<320x128xf32, #tpu.memory_space<hbm>>) dst(%dma_wait3A_171 : memref<320x128xf32, #tpu.memory_space<vmem_shared>>)
      tpu.yield
    }) : () -> ()
    %barrier3A = arith.constant 0 : index
    tpu.barrier barrier_id(%barrier3A)
    %add3A_11 = arith.constant 0 : i32
    %add3A_12 = arith.addi %mul3A_2, %add3A_11 : i32
    %mul3A_13 = arith.constant 2 : i32
    %mul3A_14 = arith.muli %add3A_12, %mul3A_13 : i32
    %mul3A_15 = arith.constant 80 : i32
    %mul3A_16 = arith.muli %mul3A_14, %mul3A_15 : i32
    %dma_start3A = tpu.memref_slice %arg3[%mul3A_16] : memref<640000xi32, #tpu.memory_space<hbm>> -> memref<160xi32, #tpu.memory_space<hbm>>
    %dma_start3A_17 = tpu.memref_slice %arg3[%mul3A_16] : memref<640000xi32, #tpu.memory_space<hbm>> -> memref<160xi32, #tpu.memory_space<hbm>>
    tpu.enqueue_dma source(%dma_start3A_17 : memref<160xi32, #tpu.memory_space<hbm>>) target(%arg7 : memref<160xi32, #tpu.memory_space<vmem>>) target_semaphore(%arg16 : memref<!tpu.dma_semaphore, #tpu.memory_space<semaphore_mem>>)
    %add3A_18 = arith.constant 1 : i32
    %add3A_19 = arith.addi %mul3A_2, %add3A_18 : i32
    %mul3A_20 = arith.constant 2 : i32
    %mul3A_21 = arith.muli %add3A_19, %mul3A_20 : i32
    %mul3A_22 = arith.constant 80 : i32
    %mul3A_23 = arith.muli %mul3A_21, %mul3A_22 : i32
    %dma_start3A_24 = tpu.memref_slice %arg3[%mul3A_23] : memref<640000xi32, #tpu.memory_space<hbm>> -> memref<160xi32, #tpu.memory_space<hbm>>
    %dma_start3A_25 = tpu.memref_slice %arg3[%mul3A_23] : memref<640000xi32, #tpu.memory_space<hbm>> -> memref<160xi32, #tpu.memory_space<hbm>>
    tpu.enqueue_dma source(%dma_start3A_25 : memref<160xi32, #tpu.memory_space<hbm>>) target(%arg8 : memref<160xi32, #tpu.memory_space<vmem>>) target_semaphore(%arg17 : memref<!tpu.dma_semaphore, #tpu.memory_space<semaphore_mem>>)
    %add3A_26 = arith.constant 2 : i32
    %add3A_27 = arith.addi %mul3A_2, %add3A_26 : i32
    %mul3A_28 = arith.constant 2 : i32
    %mul3A_29 = arith.muli %add3A_27, %mul3A_28 : i32
    %mul3A_30 = arith.constant 80 : i32
    %mul3A_31 = arith.muli %mul3A_29, %mul3A_30 : i32
    %dma_start3A_32 = tpu.memref_slice %arg3[%mul3A_31] : memref<640000xi32, #tpu.memory_space<hbm>> -> memref<160xi32, #tpu.memory_space<hbm>>
    %dma_start3A_33 = tpu.memref_slice %arg3[%mul3A_31] : memref<640000xi32, #tpu.memory_space<hbm>> -> memref<160xi32, #tpu.memory_space<hbm>>
    tpu.enqueue_dma source(%dma_start3A_33 : memref<160xi32, #tpu.memory_space<hbm>>) target(%arg9 : memref<160xi32, #tpu.memory_space<vmem>>) target_semaphore(%arg18 : memref<!tpu.dma_semaphore, #tpu.memory_space<semaphore_mem>>)
    %dma_wait3A = arith.constant 0 : i32
    %dma_wait3A_34 = tpu.memref_slice %arg3[%dma_wait3A] : memref<640000xi32, #tpu.memory_space<hbm>> -> memref<160xi32, #tpu.memory_space<hbm>>
    %dma_wait3A_35 = arith.constant 0 : i32
    %dma_wait3A_36 = tpu.memref_slice %arg3[%dma_wait3A_35] : memref<640000xi32, #tpu.memory_space<hbm>> -> memref<160xi32, #tpu.memory_space<hbm>>
    tpu.wait_dma2 semaphore(%arg16 : memref<!tpu.dma_semaphore, #tpu.memory_space<semaphore_mem>>) src(%dma_wait3A_36 : memref<160xi32, #tpu.memory_space<hbm>>) dst(%arg7 : memref<160xi32, #tpu.memory_space<vmem>>)
    %dma_start3A_37 = arith.constant 0 : i32
    %dma_start3A_38 = tpu.memref_slice %arg7[%dma_start3A_37] : memref<160xi32, #tpu.memory_space<vmem>> -> memref<80xi32, #tpu.memory_space<vmem>>
    %dma_start3A_39 = arith.constant 0 : i32
    %dma_start3A_40 = arith.constant 0 : i32
    %dma_start3A_41 = tpu.memref_slice %arg2[%dma_start3A_39, %dma_start3A_40] : memref<5000x128xf32, #tpu.memory_space<hbm>> -> memref<5000x128xf32, #tpu.memory_space<hbm>>
    tpu.enqueue_indirect_dma source(%dma_start3A_41 : memref<5000x128xf32, #tpu.memory_space<hbm>>) target(%arg13 : memref<80x128xf32, #tpu.memory_space<vmem>>) offsets(%dma_start3A_38 : memref<80xi32, #tpu.memory_space<vmem>>) semaphore(%arg19 : memref<!tpu.dma_semaphore, #tpu.memory_space<semaphore_mem>>)
    %dma_wait3A_42 = arith.constant 0 : i32
    %dma_wait3A_43 = tpu.memref_slice %arg3[%dma_wait3A_42] : memref<640000xi32, #tpu.memory_space<hbm>> -> memref<160xi32, #tpu.memory_space<hbm>>
    %dma_wait3A_44 = arith.constant 0 : i32
    %dma_wait3A_45 = tpu.memref_slice %arg3[%dma_wait3A_44] : memref<640000xi32, #tpu.memory_space<hbm>> -> memref<160xi32, #tpu.memory_space<hbm>>
    tpu.wait_dma2 semaphore(%arg17 : memref<!tpu.dma_semaphore, #tpu.memory_space<semaphore_mem>>) src(%dma_wait3A_45 : memref<160xi32, #tpu.memory_space<hbm>>) dst(%arg8 : memref<160xi32, #tpu.memory_space<vmem>>)
    %dma_start3A_46 = arith.constant 0 : i32
    %dma_start3A_47 = tpu.memref_slice %arg8[%dma_start3A_46] : memref<160xi32, #tpu.memory_space<vmem>> -> memref<80xi32, #tpu.memory_space<vmem>>
    %dma_start3A_48 = arith.constant 0 : i32
    %dma_start3A_49 = arith.constant 0 : i32
    %dma_start3A_50 = tpu.memref_slice %arg2[%dma_start3A_48, %dma_start3A_49] : memref<5000x128xf32, #tpu.memory_space<hbm>> -> memref<5000x128xf32, #tpu.memory_space<hbm>>
    tpu.enqueue_indirect_dma source(%dma_start3A_50 : memref<5000x128xf32, #tpu.memory_space<hbm>>) target(%arg14 : memref<80x128xf32, #tpu.memory_space<vmem>>) offsets(%dma_start3A_47 : memref<80xi32, #tpu.memory_space<vmem>>) semaphore(%arg20 : memref<!tpu.dma_semaphore, #tpu.memory_space<semaphore_mem>>)
    %dma_wait3A_51 = arith.constant 0 : i32
    %dma_wait3A_52 = tpu.memref_slice %arg7[%dma_wait3A_51] : memref<160xi32, #tpu.memory_space<vmem>> -> memref<80xi32, #tpu.memory_space<vmem>>
    %dma_wait3A_53 = arith.constant 0 : i32
    %dma_wait3A_54 = arith.constant 0 : i32
    %dma_wait3A_55 = tpu.memref_slice %arg2[%dma_wait3A_53, %dma_wait3A_54] : memref<5000x128xf32, #tpu.memory_space<hbm>> -> memref<5000x128xf32, #tpu.memory_space<hbm>>
    tpu.wait_indirect_dma semaphore(%arg19 : memref<!tpu.dma_semaphore, #tpu.memory_space<semaphore_mem>>) src(%dma_wait3A_55 : memref<5000x128xf32, #tpu.memory_space<hbm>>) dst(%arg13 : memref<80x128xf32, #tpu.memory_space<vmem>>)
    %get3A = arith.constant 80 : index
    %get3A_56 = tpu.vector_load %arg7[%get3A] {strides = array<i32>} : memref<160xi32, #tpu.memory_space<vmem>>, vector<16xi32>,
    %get3A_57 = vector.shape_cast %get3A_56 : vector<16xi32> to vector<16xi32>
    %swap3A = arith.constant 0 : index
    %swap3A_58 = tpu.vector_load %arg10[%swap3A] {strides = array<i32>} : memref<80xi32, #tpu.memory_space<vmem>>, vector<16xi32>,
    %swap3A_59 = vector.shape_cast %swap3A_58 : vector<16xi32> to vector<16xi32>
    %swap3A_60 = vector.shape_cast %get3A_57 : vector<16xi32> to vector<16xi32>
    tpu.vector_store %arg10[%swap3A], %swap3A_60 {strides = array<i32>} : memref<80xi32, #tpu.memory_space<vmem>>, vector<16xi32>,
    %get3A_61 = arith.constant 96 : index
    %get3A_62 = tpu.vector_load %arg7[%get3A_61] {strides = array<i32>} : memref<160xi32, #tpu.memory_space<vmem>>, vector<16xi32>,
    %get3A_63 = vector.shape_cast %get3A_62 : vector<16xi32> to vector<16xi32>
    %swap3A_64 = arith.constant 16 : index
    %swap3A_65 = tpu.vector_load %arg10[%swap3A_64] {strides = array<i32>} : memref<80xi32, #tpu.memory_space<vmem>>, vector<16xi32>,
    %swap3A_66 = vector.shape_cast %swap3A_65 : vector<16xi32> to vector<16xi32>
    %swap3A_67 = vector.shape_cast %get3A_63 : vector<16xi32> to vector<16xi32>
    tpu.vector_store %arg10[%swap3A_64], %swap3A_67 {strides = array<i32>} : memref<80xi32, #tpu.memory_space<vmem>>, vector<16xi32>,
    %get3A_68 = arith.constant 112 : index
    %get3A_69 = tpu.vector_load %arg7[%get3A_68] {strides = array<i32>} : memref<160xi32, #tpu.memory_space<vmem>>, vector<16xi32>,
    %get3A_70 = vector.shape_cast %get3A_69 : vector<16xi32> to vector<16xi32>
    %swap3A_71 = arith.constant 32 : index
    %swap3A_72 = tpu.vector_load %arg10[%swap3A_71] {strides = array<i32>} : memref<80xi32, #tpu.memory_space<vmem>>, vector<16xi32>,
    %swap3A_73 = vector.shape_cast %swap3A_72 : vector<16xi32> to vector<16xi32>
    %swap3A_74 = vector.shape_cast %get3A_70 : vector<16xi32> to vector<16xi32>
    tpu.vector_store %arg10[%swap3A_71], %swap3A_74 {strides = array<i32>} : memref<80xi32, #tpu.memory_space<vmem>>, vector<16xi32>,
    %get3A_75 = arith.constant 128 : index
    %get3A_76 = tpu.vector_load %arg7[%get3A_75] {strides = array<i32>} : memref<160xi32, #tpu.memory_space<vmem>>, vector<16xi32>,
    %get3A_77 = vector.shape_cast %get3A_76 : vector<16xi32> to vector<16xi32>
    %swap3A_78 = arith.constant 48 : index
    %swap3A_79 = tpu.vector_load %arg10[%swap3A_78] {strides = array<i32>} : memref<80xi32, #tpu.memory_space<vmem>>, vector<16xi32>,
    %swap3A_80 = vector.shape_cast %swap3A_79 : vector<16xi32> to vector<16xi32>
    %swap3A_81 = vector.shape_cast %get3A_77 : vector<16xi32> to vector<16xi32>
    tpu.vector_store %arg10[%swap3A_78], %swap3A_81 {strides = array<i32>} : memref<80xi32, #tpu.memory_space<vmem>>, vector<16xi32>,
    %get3A_82 = arith.constant 144 : index
    %get3A_83 = tpu.vector_load %arg7[%get3A_82] {strides = array<i32>} : memref<160xi32, #tpu.memory_space<vmem>>, vector<16xi32>,
    %get3A_84 = vector.shape_cast %get3A_83 : vector<16xi32> to vector<16xi32>
    %swap3A_85 = arith.constant 64 : index
    %swap3A_86 = tpu.vector_load %arg10[%swap3A_85] {strides = array<i32>} : memref<80xi32, #tpu.memory_space<vmem>>, vector<16xi32>,
    %swap3A_87 = vector.shape_cast %swap3A_86 : vector<16xi32> to vector<16xi32>
    %swap3A_88 = vector.shape_cast %get3A_84 : vector<16xi32> to vector<16xi32>
    tpu.vector_store %arg10[%swap3A_85], %swap3A_88 {strides = array<i32>} : memref<80xi32, #tpu.memory_space<vmem>>, vector<16xi32>,
    %add3A_89 = arith.constant 3 : i32
    %add3A_90 = arith.addi %mul3A_2, %add3A_89 : i32
    %mul3A_91 = arith.constant 2 : i32
    %mul3A_92 = arith.muli %add3A_90, %mul3A_91 : i32
    %mul3A_93 = arith.constant 80 : i32
    %mul3A_94 = arith.muli %mul3A_92, %mul3A_93 : i32
    %dma_start3A_95 = tpu.memref_slice %arg3[%mul3A_94] : memref<640000xi32, #tpu.memory_space<hbm>> -> memref<160xi32, #tpu.memory_space<hbm>>
    %dma_start3A_96 = tpu.memref_slice %arg3[%mul3A_94] : memref<640000xi32, #tpu.memory_space<hbm>> -> memref<160xi32, #tpu.memory_space<hbm>>
    tpu.enqueue_dma source(%dma_start3A_96 : memref<160xi32, #tpu.memory_space<hbm>>) target(%arg7 : memref<160xi32, #tpu.memory_space<vmem>>) target_semaphore(%arg16 : memref<!tpu.dma_semaphore, #tpu.memory_space<semaphore_mem>>)
    %dma_start3A_97 = arith.constant 0 : i32
    %dma_start3A_98 = arith.constant 0 : i32
    %dma_start3A_99 = tpu.memref_slice %arg6[%dma_start3A_97, %dma_start3A_98] : memref<10240x128xf32, #tpu.memory_space<vmem_shared>> -> memref<10240x128xf32, #tpu.memory_space<vmem_shared>>
    tpu.enqueue_indirect_dma source(%arg13 : memref<80x128xf32, #tpu.memory_space<vmem>>) target(%dma_start3A_99 : memref<10240x128xf32, #tpu.memory_space<vmem_shared>>) offsets(%arg10 : memref<80xi32, #tpu.memory_space<vmem>>) semaphore(%arg22 : memref<!tpu.dma_semaphore, #tpu.memory_space<semaphore_mem>>) {add = true}
    %scan3A = arith.constant 0 : i32
    %scan3A_100 = arith.constant 0 : i32
    %scan3A_101 = arith.constant 41 : i32
    %scan3A_102 = arith.addi %scan3A_100, %scan3A_101 : i32
    %scan3A_103 = arith.constant 1 : i32
    scf.for %scan3A_165 = %scan3A_100 to %scan3A_102 step %scan3A_103  : i32 {
      %dma_wait3A_166 = arith.constant 0 : i32
      %dma_wait3A_167 = tpu.memref_slice %arg3[%dma_wait3A_166] : memref<640000xi32, #tpu.memory_space<hbm>> -> memref<160xi32, #tpu.memory_space<hbm>>
      %dma_wait3A_168 = arith.constant 0 : i32
      %dma_wait3A_169 = tpu.memref_slice %arg3[%dma_wait3A_168] : memref<640000xi32, #tpu.memory_space<hbm>> -> memref<160xi32, #tpu.memory_space<hbm>>
      tpu.wait_dma2 semaphore(%arg18 : memref<!tpu.dma_semaphore, #tpu.memory_space<semaphore_mem>>) src(%dma_wait3A_169 : memref<160xi32, #tpu.memory_space<hbm>>) dst(%arg9 : memref<160xi32, #tpu.memory_space<vmem>>)
      %gt3A = arith.constant 0 : i32
      %gt3A_170 = arith.cmpi sgt, %scan3A_165, %gt3A : i32
      %convert_element_type3A = arith.extui %gt3A_170 : i1 to i32
      %cond3A = arith.constant 0 : i32
      %cond3A_171 = arith.cmpi ne, %convert_element_type3A, %cond3A : i32
      scf.if %cond3A_171 {
        %dma_wait3A_350 = arith.constant 0 : i32
        %dma_wait3A_351 = arith.constant 0 : i32
        %dma_wait3A_352 = tpu.memref_slice %arg6[%dma_wait3A_350, %dma_wait3A_351] : memref<10240x128xf32, #tpu.memory_space<vmem_shared>> -> memref<10240x128xf32, #tpu.memory_space<vmem_shared>>
        tpu.wait_indirect_dma semaphore(%arg24 : memref<!tpu.dma_semaphore, #tpu.memory_space<semaphore_mem>>) src(%arg15 : memref<80x128xf32, #tpu.memory_space<vmem>>) dst(%dma_wait3A_352 : memref<10240x128xf32, #tpu.memory_space<vmem_shared>>)
      } else {
      }
      %dma_start3A_172 = arith.constant 0 : i32
      %dma_start3A_173 = tpu.memref_slice %arg9[%dma_start3A_172] : memref<160xi32, #tpu.memory_space<vmem>> -> memref<80xi32, #tpu.memory_space<vmem>>
      %dma_start3A_174 = arith.constant 0 : i32
      %dma_start3A_175 = arith.constant 0 : i32
      %dma_start3A_176 = tpu.memref_slice %arg2[%dma_start3A_174, %dma_start3A_175] : memref<5000x128xf32, #tpu.memory_space<hbm>> -> memref<5000x128xf32, #tpu.memory_space<hbm>>
      tpu.enqueue_indirect_dma source(%dma_start3A_176 : memref<5000x128xf32, #tpu.memory_space<hbm>>) target(%arg15 : memref<80x128xf32, #tpu.memory_space<vmem>>) offsets(%dma_start3A_173 : memref<80xi32, #tpu.memory_space<vmem>>) semaphore(%arg21 : memref<!tpu.dma_semaphore, #tpu.memory_space<semaphore_mem>>)
      %dma_wait3A_177 = arith.constant 0 : i32
      %dma_wait3A_178 = tpu.memref_slice %arg8[%dma_wait3A_177] : memref<160xi32, #tpu.memory_space<vmem>> -> memref<80xi32, #tpu.memory_space<vmem>>
      %dma_wait3A_179 = arith.constant 0 : i32
      %dma_wait3A_180 = arith.constant 0 : i32
      %dma_wait3A_181 = tpu.memref_slice %arg2[%dma_wait3A_179, %dma_wait3A_180] : memref<5000x128xf32, #tpu.memory_space<hbm>> -> memref<5000x128xf32, #tpu.memory_space<hbm>>
      tpu.wait_indirect_dma semaphore(%arg20 : memref<!tpu.dma_semaphore, #tpu.memory_space<semaphore_mem>>) src(%dma_wait3A_181 : memref<5000x128xf32, #tpu.memory_space<hbm>>) dst(%arg14 : memref<80x128xf32, #tpu.memory_space<vmem>>)
      %get3A_182 = arith.constant 80 : index
      %get3A_183 = tpu.vector_load %arg8[%get3A_182] {strides = array<i32>} : memref<160xi32, #tpu.memory_space<vmem>>, vector<16xi32>,
      %get3A_184 = vector.shape_cast %get3A_183 : vector<16xi32> to vector<16xi32>
      %swap3A_185 = arith.constant 0 : index
      %swap3A_186 = tpu.vector_load %arg11[%swap3A_185] {strides = array<i32>} : memref<80xi32, #tpu.memory_space<vmem>>, vector<16xi32>,
      %swap3A_187 = vector.shape_cast %swap3A_186 : vector<16xi32> to vector<16xi32>
      %swap3A_188 = vector.shape_cast %get3A_184 : vector<16xi32> to vector<16xi32>
      tpu.vector_store %arg11[%swap3A_185], %swap3A_188 {strides = array<i32>} : memref<80xi32, #tpu.memory_space<vmem>>, vector<16xi32>,
      %get3A_189 = arith.constant 96 : index
      %get3A_190 = tpu.vector_load %arg8[%get3A_189] {strides = array<i32>} : memref<160xi32, #tpu.memory_space<vmem>>, vector<16xi32>,
      %get3A_191 = vector.shape_cast %get3A_190 : vector<16xi32> to vector<16xi32>
      %swap3A_192 = arith.constant 16 : index
      %swap3A_193 = tpu.vector_load %arg11[%swap3A_192] {strides = array<i32>} : memref<80xi32, #tpu.memory_space<vmem>>, vector<16xi32>,
      %swap3A_194 = vector.shape_cast %swap3A_193 : vector<16xi32> to vector<16xi32>
      %swap3A_195 = vector.shape_cast %get3A_191 : vector<16xi32> to vector<16xi32>
      tpu.vector_store %arg11[%swap3A_192], %swap3A_195 {strides = array<i32>} : memref<80xi32, #tpu.memory_space<vmem>>, vector<16xi32>,
      %get3A_196 = arith.constant 112 : index
      %get3A_197 = tpu.vector_load %arg8[%get3A_196] {strides = array<i32>} : memref<160xi32, #tpu.memory_space<vmem>>, vector<16xi32>,
      %get3A_198 = vector.shape_cast %get3A_197 : vector<16xi32> to vector<16xi32>
      %swap3A_199 = arith.constant 32 : index
      %swap3A_200 = tpu.vector_load %arg11[%swap3A_199] {strides = array<i32>} : memref<80xi32, #tpu.memory_space<vmem>>, vector<16xi32>,
      %swap3A_201 = vector.shape_cast %swap3A_200 : vector<16xi32> to vector<16xi32>
      %swap3A_202 = vector.shape_cast %get3A_198 : vector<16xi32> to vector<16xi32>
      tpu.vector_store %arg11[%swap3A_199], %swap3A_202 {strides = array<i32>} : memref<80xi32, #tpu.memory_space<vmem>>, vector<16xi32>,
      %get3A_203 = arith.constant 128 : index
      %get3A_204 = tpu.vector_load %arg8[%get3A_203] {strides = array<i32>} : memref<160xi32, #tpu.memory_space<vmem>>, vector<16xi32>,
      %get3A_205 = vector.shape_cast %get3A_204 : vector<16xi32> to vector<16xi32>
      %swap3A_206 = arith.constant 48 : index
      %swap3A_207 = tpu.vector_load %arg11[%swap3A_206] {strides = array<i32>} : memref<80xi32, #tpu.memory_space<vmem>>, vector<16xi32>,
      %swap3A_208 = vector.shape_cast %swap3A_207 : vector<16xi32> to vector<16xi32>
      %swap3A_209 = vector.shape_cast %get3A_205 : vector<16xi32> to vector<16xi32>
      tpu.vector_store %arg11[%swap3A_206], %swap3A_209 {strides = array<i32>} : memref<80xi32, #tpu.memory_space<vmem>>, vector<16xi32>,
      %get3A_210 = arith.constant 144 : index
      %get3A_211 = tpu.vector_load %arg8[%get3A_210] {strides = array<i32>} : memref<160xi32, #tpu.memory_space<vmem>>, vector<16xi32>,
      %get3A_212 = vector.shape_cast %get3A_211 : vector<16xi32> to vector<16xi32>
      %swap3A_213 = arith.constant 64 : index
      %swap3A_214 = tpu.vector_load %arg11[%swap3A_213] {strides = array<i32>} : memref<80xi32, #tpu.memory_space<vmem>>, vector<16xi32>,
      %swap3A_215 = vector.shape_cast %swap3A_214 : vector<16xi32> to vector<16xi32>
      %swap3A_216 = vector.shape_cast %get3A_212 : vector<16xi32> to vector<16xi32>
      tpu.vector_store %arg11[%swap3A_213], %swap3A_216 {strides = array<i32>} : memref<80xi32, #tpu.memory_space<vmem>>, vector<16xi32>,
      %mul3A_217 = arith.constant 3 : i32
      %mul3A_218 = arith.muli %mul3A_217, %scan3A_165 : i32
      %add3A_219 = arith.constant 4 : i32
      %add3A_220 = arith.addi %mul3A_218, %add3A_219 : i32
      %add3A_221 = arith.addi %mul3A_2, %add3A_220 : i32
      %mul3A_222 = arith.constant 2 : i32
      %mul3A_223 = arith.muli %add3A_221, %mul3A_222 : i32
      %mul3A_224 = arith.constant 80 : i32
      %mul3A_225 = arith.muli %mul3A_223, %mul3A_224 : i32
      %dma_start3A_226 = tpu.memref_slice %arg3[%mul3A_225] : memref<640000xi32, #tpu.memory_space<hbm>> -> memref<160xi32, #tpu.memory_space<hbm>>
      %dma_start3A_227 = tpu.memref_slice %arg3[%mul3A_225] : memref<640000xi32, #tpu.memory_space<hbm>> -> memref<160xi32, #tpu.memory_space<hbm>>
      tpu.enqueue_dma source(%dma_start3A_227 : memref<160xi32, #tpu.memory_space<hbm>>) target(%arg8 : memref<160xi32, #tpu.memory_space<vmem>>) target_semaphore(%arg17 : memref<!tpu.dma_semaphore, #tpu.memory_space<semaphore_mem>>)
      %dma_start3A_228 = arith.constant 0 : i32
      %dma_start3A_229 = arith.constant 0 : i32
      %dma_start3A_230 = tpu.memref_slice %arg6[%dma_start3A_228, %dma_start3A_229] : memref<10240x128xf32, #tpu.memory_space<vmem_shared>> -> memref<10240x128xf32, #tpu.memory_space<vmem_shared>>
      tpu.enqueue_indirect_dma source(%arg14 : memref<80x128xf32, #tpu.memory_space<vmem>>) target(%dma_start3A_230 : memref<10240x128xf32, #tpu.memory_space<vmem_shared>>) offsets(%arg11 : memref<80xi32, #tpu.memory_space<vmem>>) semaphore(%arg23 : memref<!tpu.dma_semaphore, #tpu.memory_space<semaphore_mem>>) {add = true}
      %dma_wait3A_231 = arith.constant 0 : i32
      %dma_wait3A_232 = tpu.memref_slice %arg3[%dma_wait3A_231] : memref<640000xi32, #tpu.memory_space<hbm>> -> memref<160xi32, #tpu.memory_space<hbm>>
      %dma_wait3A_233 = arith.constant 0 : i32
      %dma_wait3A_234 = tpu.memref_slice %arg3[%dma_wait3A_233] : memref<640000xi32, #tpu.memory_space<hbm>> -> memref<160xi32, #tpu.memory_space<hbm>>
      tpu.wait_dma2 semaphore(%arg16 : memref<!tpu.dma_semaphore, #tpu.memory_space<semaphore_mem>>) src(%dma_wait3A_234 : memref<160xi32, #tpu.memory_space<hbm>>) dst(%arg7 : memref<160xi32, #tpu.memory_space<vmem>>)
      %dma_wait3A_235 = arith.constant 0 : i32
      %dma_wait3A_236 = arith.constant 0 : i32
      %dma_wait3A_237 = tpu.memref_slice %arg6[%dma_wait3A_235, %dma_wait3A_236] : memref<10240x128xf32, #tpu.memory_space<vmem_shared>> -> memref<10240x128xf32, #tpu.memory_space<vmem_shared>>
      tpu.wait_indirect_dma semaphore(%arg22 : memref<!tpu.dma_semaphore, #tpu.memory_space<semaphore_mem>>) src(%arg13 : memref<80x128xf32, #tpu.memory_space<vmem>>) dst(%dma_wait3A_237 : memref<10240x128xf32, #tpu.memory_space<vmem_shared>>)
      %dma_start3A_238 = arith.constant 0 : i32
      %dma_start3A_239 = tpu.memref_slice %arg7[%dma_start3A_238] : memref<160xi32, #tpu.memory_space<vmem>> -> memref<80xi32, #tpu.memory_space<vmem>>
      %dma_start3A_240 = arith.constant 0 : i32
      %dma_start3A_241 = arith.constant 0 : i32
      %dma_start3A_242 = tpu.memref_slice %arg2[%dma_start3A_240, %dma_start3A_241] : memref<5000x128xf32, #tpu.memory_space<hbm>> -> memref<5000x128xf32, #tpu.memory_space<hbm>>
      tpu.enqueue_indirect_dma source(%dma_start3A_242 : memref<5000x128xf32, #tpu.memory_space<hbm>>) target(%arg13 : memref<80x128xf32, #tpu.memory_space<vmem>>) offsets(%dma_start3A_239 : memref<80xi32, #tpu.memory_space<vmem>>) semaphore(%arg19 : memref<!tpu.dma_semaphore, #tpu.memory_space<semaphore_mem>>)
      %dma_wait3A_243 = arith.constant 0 : i32
      %dma_wait3A_244 = tpu.memref_slice %arg9[%dma_wait3A_243] : memref<160xi32, #tpu.memory_space<vmem>> -> memref<80xi32, #tpu.memory_space<vmem>>
      %dma_wait3A_245 = arith.constant 0 : i32
      %dma_wait3A_246 = arith.constant 0 : i32
      %dma_wait3A_247 = tpu.memref_slice %arg2[%dma_wait3A_245, %dma_wait3A_246] : memref<5000x128xf32, #tpu.memory_space<hbm>> -> memref<5000x128xf32, #tpu.memory_space<hbm>>
      tpu.wait_indirect_dma semaphore(%arg21 : memref<!tpu.dma_semaphore, #tpu.memory_space<semaphore_mem>>) src(%dma_wait3A_247 : memref<5000x128xf32, #tpu.memory_space<hbm>>) dst(%arg15 : memref<80x128xf32, #tpu.memory_space<vmem>>)
      %get3A_248 = arith.constant 80 : index
      %get3A_249 = tpu.vector_load %arg9[%get3A_248] {strides = array<i32>} : memref<160xi32, #tpu.memory_space<vmem>>, vector<16xi32>,
      %get3A_250 = vector.shape_cast %get3A_249 : vector<16xi32> to vector<16xi32>
      %swap3A_251 = arith.constant 0 : index
      %swap3A_252 = tpu.vector_load %arg12[%swap3A_251] {strides = array<i32>} : memref<80xi32, #tpu.memory_space<vmem>>, vector<16xi32>,
      %swap3A_253 = vector.shape_cast %swap3A_252 : vector<16xi32> to vector<16xi32>
      %swap3A_254 = vector.shape_cast %get3A_250 : vector<16xi32> to vector<16xi32>
      tpu.vector_store %arg12[%swap3A_251], %swap3A_254 {strides = array<i32>} : memref<80xi32, #tpu.memory_space<vmem>>, vector<16xi32>,
      %get3A_255 = arith.constant 96 : index
      %get3A_256 = tpu.vector_load %arg9[%get3A_255] {strides = array<i32>} : memref<160xi32, #tpu.memory_space<vmem>>, vector<16xi32>,
      %get3A_257 = vector.shape_cast %get3A_256 : vector<16xi32> to vector<16xi32>
      %swap3A_258 = arith.constant 16 : index
      %swap3A_259 = tpu.vector_load %arg12[%swap3A_258] {strides = array<i32>} : memref<80xi32, #tpu.memory_space<vmem>>, vector<16xi32>,
      %swap3A_260 = vector.shape_cast %swap3A_259 : vector<16xi32> to vector<16xi32>
      %swap3A_261 = vector.shape_cast %get3A_257 : vector<16xi32> to vector<16xi32>
      tpu.vector_store %arg12[%swap3A_258], %swap3A_261 {strides = array<i32>} : memref<80xi32, #tpu.memory_space<vmem>>, vector<16xi32>,
      %get3A_262 = arith.constant 112 : index
      %get3A_263 = tpu.vector_load %arg9[%get3A_262] {strides = array<i32>} : memref<160xi32, #tpu.memory_space<vmem>>, vector<16xi32>,
      %get3A_264 = vector.shape_cast %get3A_263 : vector<16xi32> to vector<16xi32>
      %swap3A_265 = arith.constant 32 : index
      %swap3A_266 = tpu.vector_load %arg12[%swap3A_265] {strides = array<i32>} : memref<80xi32, #tpu.memory_space<vmem>>, vector<16xi32>,
      %swap3A_267 = vector.shape_cast %swap3A_266 : vector<16xi32> to vector<16xi32>
      %swap3A_268 = vector.shape_cast %get3A_264 : vector<16xi32> to vector<16xi32>
      tpu.vector_store %arg12[%swap3A_265], %swap3A_268 {strides = array<i32>} : memref<80xi32, #tpu.memory_space<vmem>>, vector<16xi32>,
      %get3A_269 = arith.constant 128 : index
      %get3A_270 = tpu.vector_load %arg9[%get3A_269] {strides = array<i32>} : memref<160xi32, #tpu.memory_space<vmem>>, vector<16xi32>,
      %get3A_271 = vector.shape_cast %get3A_270 : vector<16xi32> to vector<16xi32>
      %swap3A_272 = arith.constant 48 : index
      %swap3A_273 = tpu.vector_load %arg12[%swap3A_272] {strides = array<i32>} : memref<80xi32, #tpu.memory_space<vmem>>, vector<16xi32>,
      %swap3A_274 = vector.shape_cast %swap3A_273 : vector<16xi32> to vector<16xi32>
      %swap3A_275 = vector.shape_cast %get3A_271 : vector<16xi32> to vector<16xi32>
      tpu.vector_store %arg12[%swap3A_272], %swap3A_275 {strides = array<i32>} : memref<80xi32, #tpu.memory_space<vmem>>, vector<16xi32>,
      %get3A_276 = arith.constant 144 : index
      %get3A_277 = tpu.vector_load %arg9[%get3A_276] {strides = array<i32>} : memref<160xi32, #tpu.memory_space<vmem>>, vector<16xi32>,
      %get3A_278 = vector.shape_cast %get3A_277 : vector<16xi32> to vector<16xi32>
      %swap3A_279 = arith.constant 64 : index
      %swap3A_280 = tpu.vector_load %arg12[%swap3A_279] {strides = array<i32>} : memref<80xi32, #tpu.memory_space<vmem>>, vector<16xi32>,
      %swap3A_281 = vector.shape_cast %swap3A_280 : vector<16xi32> to vector<16xi32>
      %swap3A_282 = vector.shape_cast %get3A_278 : vector<16xi32> to vector<16xi32>
      tpu.vector_store %arg12[%swap3A_279], %swap3A_282 {strides = array<i32>} : memref<80xi32, #tpu.memory_space<vmem>>, vector<16xi32>,
      %lt3A = arith.constant 40 : i32
      %lt3A_283 = arith.cmpi slt, %scan3A_165, %lt3A : i32
      %convert_element_type3A_284 = arith.extui %lt3A_283 : i1 to i32
      %cond3A_285 = arith.constant 0 : i32
      %cond3A_286 = arith.cmpi ne, %convert_element_type3A_284, %cond3A_285 : i32
      scf.if %cond3A_286 {
        %mul3A_350 = arith.constant 3 : i32
        %mul3A_351 = arith.muli %mul3A_350, %scan3A_165 : i32
        %add3A_352 = arith.constant 5 : i32
        %add3A_353 = arith.addi %mul3A_351, %add3A_352 : i32
        %add3A_354 = arith.addi %mul3A_2, %add3A_353 : i32
        %mul3A_355 = arith.constant 2 : i32
        %mul3A_356 = arith.muli %add3A_354, %mul3A_355 : i32
        %mul3A_357 = arith.constant 80 : i32
        %mul3A_358 = arith.muli %mul3A_356, %mul3A_357 : i32
        %dma_start3A_359 = tpu.memref_slice %arg3[%mul3A_358] : memref<640000xi32, #tpu.memory_space<hbm>> -> memref<160xi32, #tpu.memory_space<hbm>>
        %dma_start3A_360 = tpu.memref_slice %arg3[%mul3A_358] : memref<640000xi32, #tpu.memory_space<hbm>> -> memref<160xi32, #tpu.memory_space<hbm>>
        tpu.enqueue_dma source(%dma_start3A_360 : memref<160xi32, #tpu.memory_space<hbm>>) target(%arg9 : memref<160xi32, #tpu.memory_space<vmem>>) target_semaphore(%arg18 : memref<!tpu.dma_semaphore, #tpu.memory_space<semaphore_mem>>)
      } else {
      }
      %dma_start3A_287 = arith.constant 0 : i32
      %dma_start3A_288 = arith.constant 0 : i32
      %dma_start3A_289 = tpu.memref_slice %arg6[%dma_start3A_287, %dma_start3A_288] : memref<10240x128xf32, #tpu.memory_space<vmem_shared>> -> memref<10240x128xf32, #tpu.memory_space<vmem_shared>>
      tpu.enqueue_indirect_dma source(%arg15 : memref<80x128xf32, #tpu.memory_space<vmem>>) target(%dma_start3A_289 : memref<10240x128xf32, #tpu.memory_space<vmem_shared>>) offsets(%arg12 : memref<80xi32, #tpu.memory_space<vmem>>) semaphore(%arg24 : memref<!tpu.dma_semaphore, #tpu.memory_space<semaphore_mem>>) {add = true}
      %dma_wait3A_290 = arith.constant 0 : i32
      %dma_wait3A_291 = tpu.memref_slice %arg3[%dma_wait3A_290] : memref<640000xi32, #tpu.memory_space<hbm>> -> memref<160xi32, #tpu.memory_space<hbm>>
      %dma_wait3A_292 = arith.constant 0 : i32
      %dma_wait3A_293 = tpu.memref_slice %arg3[%dma_wait3A_292] : memref<640000xi32, #tpu.memory_space<hbm>> -> memref<160xi32, #tpu.memory_space<hbm>>
      tpu.wait_dma2 semaphore(%arg17 : memref<!tpu.dma_semaphore, #tpu.memory_space<semaphore_mem>>) src(%dma_wait3A_293 : memref<160xi32, #tpu.memory_space<hbm>>) dst(%arg8 : memref<160xi32, #tpu.memory_space<vmem>>)
      %dma_wait3A_294 = arith.constant 0 : i32
      %dma_wait3A_295 = arith.constant 0 : i32
      %dma_wait3A_296 = tpu.memref_slice %arg6[%dma_wait3A_294, %dma_wait3A_295] : memref<10240x128xf32, #tpu.memory_space<vmem_shared>> -> memref<10240x128xf32, #tpu.memory_space<vmem_shared>>
      tpu.wait_indirect_dma semaphore(%arg23 : memref<!tpu.dma_semaphore, #tpu.memory_space<semaphore_mem>>) src(%arg14 : memref<80x128xf32, #tpu.memory_space<vmem>>) dst(%dma_wait3A_296 : memref<10240x128xf32, #tpu.memory_space<vmem_shared>>)
      %dma_start3A_297 = arith.constant 0 : i32
      %dma_start3A_298 = tpu.memref_slice %arg8[%dma_start3A_297] : memref<160xi32, #tpu.memory_space<vmem>> -> memref<80xi32, #tpu.memory_space<vmem>>
      %dma_start3A_299 = arith.constant 0 : i32
      %dma_start3A_300 = arith.constant 0 : i32
      %dma_start3A_301 = tpu.memref_slice %arg2[%dma_start3A_299, %dma_start3A_300] : memref<5000x128xf32, #tpu.memory_space<hbm>> -> memref<5000x128xf32, #tpu.memory_space<hbm>>
      tpu.enqueue_indirect_dma source(%dma_start3A_301 : memref<5000x128xf32, #tpu.memory_space<hbm>>) target(%arg14 : memref<80x128xf32, #tpu.memory_space<vmem>>) offsets(%dma_start3A_298 : memref<80xi32, #tpu.memory_space<vmem>>) semaphore(%arg20 : memref<!tpu.dma_semaphore, #tpu.memory_space<semaphore_mem>>)
      %dma_wait3A_302 = arith.constant 0 : i32
      %dma_wait3A_303 = tpu.memref_slice %arg7[%dma_wait3A_302] : memref<160xi32, #tpu.memory_space<vmem>> -> memref<80xi32, #tpu.memory_space<vmem>>
      %dma_wait3A_304 = arith.constant 0 : i32
      %dma_wait3A_305 = arith.constant 0 : i32
      %dma_wait3A_306 = tpu.memref_slice %arg2[%dma_wait3A_304, %dma_wait3A_305] : memref<5000x128xf32, #tpu.memory_space<hbm>> -> memref<5000x128xf32, #tpu.memory_space<hbm>>
      tpu.wait_indirect_dma semaphore(%arg19 : memref<!tpu.dma_semaphore, #tpu.memory_space<semaphore_mem>>) src(%dma_wait3A_306 : memref<5000x128xf32, #tpu.memory_space<hbm>>) dst(%arg13 : memref<80x128xf32, #tpu.memory_space<vmem>>)
      %get3A_307 = arith.constant 80 : index
      %get3A_308 = tpu.vector_load %arg7[%get3A_307] {strides = array<i32>} : memref<160xi32, #tpu.memory_space<vmem>>, vector<16xi32>,
      %get3A_309 = vector.shape_cast %get3A_308 : vector<16xi32> to vector<16xi32>
      %swap3A_310 = arith.constant 0 : index
      %swap3A_311 = tpu.vector_load %arg10[%swap3A_310] {strides = array<i32>} : memref<80xi32, #tpu.memory_space<vmem>>, vector<16xi32>,
      %swap3A_312 = vector.shape_cast %swap3A_311 : vector<16xi32> to vector<16xi32>
      %swap3A_313 = vector.shape_cast %get3A_309 : vector<16xi32> to vector<16xi32>
      tpu.vector_store %arg10[%swap3A_310], %swap3A_313 {strides = array<i32>} : memref<80xi32, #tpu.memory_space<vmem>>, vector<16xi32>,
      %get3A_314 = arith.constant 96 : index
      %get3A_315 = tpu.vector_load %arg7[%get3A_314] {strides = array<i32>} : memref<160xi32, #tpu.memory_space<vmem>>, vector<16xi32>,
      %get3A_316 = vector.shape_cast %get3A_315 : vector<16xi32> to vector<16xi32>
      %swap3A_317 = arith.constant 16 : index
      %swap3A_318 = tpu.vector_load %arg10[%swap3A_317] {strides = array<i32>} : memref<80xi32, #tpu.memory_space<vmem>>, vector<16xi32>,
      %swap3A_319 = vector.shape_cast %swap3A_318 : vector<16xi32> to vector<16xi32>
      %swap3A_320 = vector.shape_cast %get3A_316 : vector<16xi32> to vector<16xi32>
      tpu.vector_store %arg10[%swap3A_317], %swap3A_320 {strides = array<i32>} : memref<80xi32, #tpu.memory_space<vmem>>, vector<16xi32>,
      %get3A_321 = arith.constant 112 : index
      %get3A_322 = tpu.vector_load %arg7[%get3A_321] {strides = array<i32>} : memref<160xi32, #tpu.memory_space<vmem>>, vector<16xi32>,
      %get3A_323 = vector.shape_cast %get3A_322 : vector<16xi32> to vector<16xi32>
      %swap3A_324 = arith.constant 32 : index
      %swap3A_325 = tpu.vector_load %arg10[%swap3A_324] {strides = array<i32>} : memref<80xi32, #tpu.memory_space<vmem>>, vector<16xi32>,
      %swap3A_326 = vector.shape_cast %swap3A_325 : vector<16xi32> to vector<16xi32>
      %swap3A_327 = vector.shape_cast %get3A_323 : vector<16xi32> to vector<16xi32>
      tpu.vector_store %arg10[%swap3A_324], %swap3A_327 {strides = array<i32>} : memref<80xi32, #tpu.memory_space<vmem>>, vector<16xi32>,
      %get3A_328 = arith.constant 128 : index
      %get3A_329 = tpu.vector_load %arg7[%get3A_328] {strides = array<i32>} : memref<160xi32, #tpu.memory_space<vmem>>, vector<16xi32>,
      %get3A_330 = vector.shape_cast %get3A_329 : vector<16xi32> to vector<16xi32>
      %swap3A_331 = arith.constant 48 : index
      %swap3A_332 = tpu.vector_load %arg10[%swap3A_331] {strides = array<i32>} : memref<80xi32, #tpu.memory_space<vmem>>, vector<16xi32>,
      %swap3A_333 = vector.shape_cast %swap3A_332 : vector<16xi32> to vector<16xi32>
      %swap3A_334 = vector.shape_cast %get3A_330 : vector<16xi32> to vector<16xi32>
      tpu.vector_store %arg10[%swap3A_331], %swap3A_334 {strides = array<i32>} : memref<80xi32, #tpu.memory_space<vmem>>, vector<16xi32>,
      %get3A_335 = arith.constant 144 : index
      %get3A_336 = tpu.vector_load %arg7[%get3A_335] {strides = array<i32>} : memref<160xi32, #tpu.memory_space<vmem>>, vector<16xi32>,
      %get3A_337 = vector.shape_cast %get3A_336 : vector<16xi32> to vector<16xi32>
      %swap3A_338 = arith.constant 64 : index
      %swap3A_339 = tpu.vector_load %arg10[%swap3A_338] {strides = array<i32>} : memref<80xi32, #tpu.memory_space<vmem>>, vector<16xi32>,
      %swap3A_340 = vector.shape_cast %swap3A_339 : vector<16xi32> to vector<16xi32>
      %swap3A_341 = vector.shape_cast %get3A_337 : vector<16xi32> to vector<16xi32>
      tpu.vector_store %arg10[%swap3A_338], %swap3A_341 {strides = array<i32>} : memref<80xi32, #tpu.memory_space<vmem>>, vector<16xi32>,
      %lt3A_342 = arith.constant 40 : i32
      %lt3A_343 = arith.cmpi slt, %scan3A_165, %lt3A_342 : i32
      %convert_element_type3A_344 = arith.extui %lt3A_343 : i1 to i32
      %cond3A_345 = arith.constant 0 : i32
      %cond3A_346 = arith.cmpi ne, %convert_element_type3A_344, %cond3A_345 : i32
      scf.if %cond3A_346 {
        %mul3A_350 = arith.constant 3 : i32
        %mul3A_351 = arith.muli %mul3A_350, %scan3A_165 : i32
        %add3A_352 = arith.constant 6 : i32
        %add3A_353 = arith.addi %mul3A_351, %add3A_352 : i32
        %add3A_354 = arith.addi %mul3A_2, %add3A_353 : i32
        %mul3A_355 = arith.constant 2 : i32
        %mul3A_356 = arith.muli %add3A_354, %mul3A_355 : i32
        %mul3A_357 = arith.constant 80 : i32
        %mul3A_358 = arith.muli %mul3A_356, %mul3A_357 : i32
        %dma_start3A_359 = tpu.memref_slice %arg3[%mul3A_358] : memref<640000xi32, #tpu.memory_space<hbm>> -> memref<160xi32, #tpu.memory_space<hbm>>
        %dma_start3A_360 = tpu.memref_slice %arg3[%mul3A_358] : memref<640000xi32, #tpu.memory_space<hbm>> -> memref<160xi32, #tpu.memory_space<hbm>>
        tpu.enqueue_dma source(%dma_start3A_360 : memref<160xi32, #tpu.memory_space<hbm>>) target(%arg7 : memref<160xi32, #tpu.memory_space<vmem>>) target_semaphore(%arg16 : memref<!tpu.dma_semaphore, #tpu.memory_space<semaphore_mem>>)
      } else {
      }
      %dma_start3A_347 = arith.constant 0 : i32
      %dma_start3A_348 = arith.constant 0 : i32
      %dma_start3A_349 = tpu.memref_slice %arg6[%dma_start3A_347, %dma_start3A_348] : memref<10240x128xf32, #tpu.memory_space<vmem_shared>> -> memref<10240x128xf32, #tpu.memory_space<vmem_shared>>
      tpu.enqueue_indirect_dma source(%arg13 : memref<80x128xf32, #tpu.memory_space<vmem>>) target(%dma_start3A_349 : memref<10240x128xf32, #tpu.memory_space<vmem_shared>>) offsets(%arg10 : memref<80xi32, #tpu.memory_space<vmem>>) semaphore(%arg22 : memref<!tpu.dma_semaphore, #tpu.memory_space<semaphore_mem>>) {add = true}
    }
    %scan3A_104 = arith.constant 41 : i32
    %dma_wait3A_105 = arith.constant 0 : i32
    %dma_wait3A_106 = tpu.memref_slice %arg8[%dma_wait3A_105] : memref<160xi32, #tpu.memory_space<vmem>> -> memref<80xi32, #tpu.memory_space<vmem>>
    %dma_wait3A_107 = arith.constant 0 : i32
    %dma_wait3A_108 = arith.constant 0 : i32
    %dma_wait3A_109 = tpu.memref_slice %arg2[%dma_wait3A_107, %dma_wait3A_108] : memref<5000x128xf32, #tpu.memory_space<hbm>> -> memref<5000x128xf32, #tpu.memory_space<hbm>>
    tpu.wait_indirect_dma semaphore(%arg20 : memref<!tpu.dma_semaphore, #tpu.memory_space<semaphore_mem>>) src(%dma_wait3A_109 : memref<5000x128xf32, #tpu.memory_space<hbm>>) dst(%arg14 : memref<80x128xf32, #tpu.memory_space<vmem>>)
    %get3A_110 = arith.constant 80 : index
    %get3A_111 = tpu.vector_load %arg8[%get3A_110] {strides = array<i32>} : memref<160xi32, #tpu.memory_space<vmem>>, vector<16xi32>,
    %get3A_112 = vector.shape_cast %get3A_111 : vector<16xi32> to vector<16xi32>
    %swap3A_113 = arith.constant 0 : index
    %swap3A_114 = tpu.vector_load %arg11[%swap3A_113] {strides = array<i32>} : memref<80xi32, #tpu.memory_space<vmem>>, vector<16xi32>,
    %swap3A_115 = vector.shape_cast %swap3A_114 : vector<16xi32> to vector<16xi32>
    %swap3A_116 = vector.shape_cast %get3A_112 : vector<16xi32> to vector<16xi32>
    tpu.vector_store %arg11[%swap3A_113], %swap3A_116 {strides = array<i32>} : memref<80xi32, #tpu.memory_space<vmem>>, vector<16xi32>,
    %get3A_117 = arith.constant 96 : index
    %get3A_118 = tpu.vector_load %arg8[%get3A_117] {strides = array<i32>} : memref<160xi32, #tpu.memory_space<vmem>>, vector<16xi32>,
    %get3A_119 = vector.shape_cast %get3A_118 : vector<16xi32> to vector<16xi32>
    %swap3A_120 = arith.constant 16 : index
    %swap3A_121 = tpu.vector_load %arg11[%swap3A_120] {strides = array<i32>} : memref<80xi32, #tpu.memory_space<vmem>>, vector<16xi32>,
    %swap3A_122 = vector.shape_cast %swap3A_121 : vector<16xi32> to vector<16xi32>
    %swap3A_123 = vector.shape_cast %get3A_119 : vector<16xi32> to vector<16xi32>
    tpu.vector_store %arg11[%swap3A_120], %swap3A_123 {strides = array<i32>} : memref<80xi32, #tpu.memory_space<vmem>>, vector<16xi32>,
    %get3A_124 = arith.constant 112 : index
    %get3A_125 = tpu.vector_load %arg8[%get3A_124] {strides = array<i32>} : memref<160xi32, #tpu.memory_space<vmem>>, vector<16xi32>,
    %get3A_126 = vector.shape_cast %get3A_125 : vector<16xi32> to vector<16xi32>
    %swap3A_127 = arith.constant 32 : index
    %swap3A_128 = tpu.vector_load %arg11[%swap3A_127] {strides = array<i32>} : memref<80xi32, #tpu.memory_space<vmem>>, vector<16xi32>,
    %swap3A_129 = vector.shape_cast %swap3A_128 : vector<16xi32> to vector<16xi32>
    %swap3A_130 = vector.shape_cast %get3A_126 : vector<16xi32> to vector<16xi32>
    tpu.vector_store %arg11[%swap3A_127], %swap3A_130 {strides = array<i32>} : memref<80xi32, #tpu.memory_space<vmem>>, vector<16xi32>,
    %get3A_131 = arith.constant 128 : index
    %get3A_132 = tpu.vector_load %arg8[%get3A_131] {strides = array<i32>} : memref<160xi32, #tpu.memory_space<vmem>>, vector<16xi32>,
    %get3A_133 = vector.shape_cast %get3A_132 : vector<16xi32> to vector<16xi32>
    %swap3A_134 = arith.constant 48 : index
    %swap3A_135 = tpu.vector_load %arg11[%swap3A_134] {strides = array<i32>} : memref<80xi32, #tpu.memory_space<vmem>>, vector<16xi32>,
    %swap3A_136 = vector.shape_cast %swap3A_135 : vector<16xi32> to vector<16xi32>
    %swap3A_137 = vector.shape_cast %get3A_133 : vector<16xi32> to vector<16xi32>
    tpu.vector_store %arg11[%swap3A_134], %swap3A_137 {strides = array<i32>} : memref<80xi32, #tpu.memory_space<vmem>>, vector<16xi32>,
    %get3A_138 = arith.constant 144 : index
    %get3A_139 = tpu.vector_load %arg8[%get3A_138] {strides = array<i32>} : memref<160xi32, #tpu.memory_space<vmem>>, vector<16xi32>,
    %get3A_140 = vector.shape_cast %get3A_139 : vector<16xi32> to vector<16xi32>
    %swap3A_141 = arith.constant 64 : index
    %swap3A_142 = tpu.vector_load %arg11[%swap3A_141] {strides = array<i32>} : memref<80xi32, #tpu.memory_space<vmem>>, vector<16xi32>,
    %swap3A_143 = vector.shape_cast %swap3A_142 : vector<16xi32> to vector<16xi32>
    %swap3A_144 = vector.shape_cast %get3A_140 : vector<16xi32> to vector<16xi32>
    tpu.vector_store %arg11[%swap3A_141], %swap3A_144 {strides = array<i32>} : memref<80xi32, #tpu.memory_space<vmem>>, vector<16xi32>,
    %dma_start3A_145 = arith.constant 0 : i32
    %dma_start3A_146 = arith.constant 0 : i32
    %dma_start3A_147 = tpu.memref_slice %arg6[%dma_start3A_145, %dma_start3A_146] : memref<10240x128xf32, #tpu.memory_space<vmem_shared>> -> memref<10240x128xf32, #tpu.memory_space<vmem_shared>>
    tpu.enqueue_indirect_dma source(%arg14 : memref<80x128xf32, #tpu.memory_space<vmem>>) target(%dma_start3A_147 : memref<10240x128xf32, #tpu.memory_space<vmem_shared>>) offsets(%arg11 : memref<80xi32, #tpu.memory_space<vmem>>) semaphore(%arg23 : memref<!tpu.dma_semaphore, #tpu.memory_space<semaphore_mem>>) {add = true}
    %dma_wait3A_148 = arith.constant 0 : i32
    %dma_wait3A_149 = arith.constant 0 : i32
    %dma_wait3A_150 = tpu.memref_slice %arg6[%dma_wait3A_148, %dma_wait3A_149] : memref<10240x128xf32, #tpu.memory_space<vmem_shared>> -> memref<10240x128xf32, #tpu.memory_space<vmem_shared>>
    tpu.wait_indirect_dma semaphore(%arg22 : memref<!tpu.dma_semaphore, #tpu.memory_space<semaphore_mem>>) src(%arg13 : memref<80x128xf32, #tpu.memory_space<vmem>>) dst(%dma_wait3A_150 : memref<10240x128xf32, #tpu.memory_space<vmem_shared>>)
    %dma_wait3A_151 = arith.constant 0 : i32
    %dma_wait3A_152 = arith.constant 0 : i32
    %dma_wait3A_153 = tpu.memref_slice %arg6[%dma_wait3A_151, %dma_wait3A_152] : memref<10240x128xf32, #tpu.memory_space<vmem_shared>> -> memref<10240x128xf32, #tpu.memory_space<vmem_shared>>
    tpu.wait_indirect_dma semaphore(%arg23 : memref<!tpu.dma_semaphore, #tpu.memory_space<semaphore_mem>>) src(%arg14 : memref<80x128xf32, #tpu.memory_space<vmem>>) dst(%dma_wait3A_153 : memref<10240x128xf32, #tpu.memory_space<vmem_shared>>)
    %dma_wait3A_154 = arith.constant 0 : i32
    %dma_wait3A_155 = arith.constant 0 : i32
    %dma_wait3A_156 = tpu.memref_slice %arg6[%dma_wait3A_154, %dma_wait3A_155] : memref<10240x128xf32, #tpu.memory_space<vmem_shared>> -> memref<10240x128xf32, #tpu.memory_space<vmem_shared>>
    tpu.wait_indirect_dma semaphore(%arg24 : memref<!tpu.dma_semaphore, #tpu.memory_space<semaphore_mem>>) src(%arg15 : memref<80x128xf32, #tpu.memory_space<vmem>>) dst(%dma_wait3A_156 : memref<10240x128xf32, #tpu.memory_space<vmem_shared>>)
    %barrier3A_157 = arith.constant 0 : index
    tpu.barrier barrier_id(%barrier3A_157)
    %mul3A_158 = arith.constant 640 : i32
    %mul3A_159 = arith.muli %arg1, %mul3A_158 : i32
    %mul3A_160 = arith.constant 10240 : i32
    %mul3A_161 = arith.muli %arg0, %mul3A_160 : i32
    %mul3A_162 = arith.constant 640 : i32
    %mul3A_163 = arith.muli %arg1, %mul3A_162 : i32
    %add3A_164 = arith.addi %mul3A_161, %mul3A_163 : i32
    "tpu.region"() ({
      %run_scoped3A = tpu.sem_alloc : memref<!tpu.dma_semaphore, #tpu.memory_space<semaphore_mem>>
      %dma_start3A_165 = arith.constant 0 : i32
      %dma_start3A_166 = tpu.memref_slice %arg5[%add3A_164, %dma_start3A_165] : memref<20480x128xf32, #tpu.memory_space<hbm>> -> memref<640x128xf32, #tpu.memory_space<hbm>>
      %dma_start3A_167 = arith.constant 0 : i32
      %dma_start3A_168 = tpu.memref_slice %arg6[%mul3A_159, %dma_start3A_167] : memref<10240x128xf32, #tpu.memory_space<vmem_shared>> -> memref<640x128xf32, #tpu.memory_space<vmem_shared>>
      tpu.enqueue_dma source(%dma_start3A_168 : memref<640x128xf32, #tpu.memory_space<vmem_shared>>) target(%dma_start3A_166 : memref<640x128xf32, #tpu.memory_space<hbm>>) target_semaphore(%run_scoped3A : memref<!tpu.dma_semaphore, #tpu.memory_space<semaphore_mem>>)
      %dma_wait3A_169 = arith.constant 0 : i32
      %dma_wait3A_170 = tpu.memref_slice %arg5[%add3A_164, %dma_wait3A_169] : memref<20480x128xf32, #tpu.memory_space<hbm>> -> memref<640x128xf32, #tpu.memory_space<hbm>>
      %dma_wait3A_171 = arith.constant 0 : i32
      %dma_wait3A_172 = tpu.memref_slice %arg6[%mul3A_159, %dma_wait3A_171] : memref<10240x128xf32, #tpu.memory_space<vmem_shared>> -> memref<640x128xf32, #tpu.memory_space<vmem_shared>>
      tpu.wait_dma2 semaphore(%run_scoped3A : memref<!tpu.dma_semaphore, #tpu.memory_space<semaphore_mem>>) src(%dma_wait3A_172 : memref<640x128xf32, #tpu.memory_space<vmem_shared>>) dst(%dma_wait3A_170 : memref<640x128xf32, #tpu.memory_space<hbm>>)
      tpu.yield
    }) : () -> ()
    return
  }
}

#map = affine_map<(d0, d1) -> (0, 0)>
#map1 = affine_map<(d0, d1) -> (0)>
module attributes {stable_mosaic.version = 14 : i64} {
  func.func @body_fn(%arg0: i32, %arg1: i32, %arg2: memref<10000x128xf32, #tpu.memory_space<hbm>>, %arg3: memref<640000xi32, #tpu.memory_space<hbm>>, %arg4: memref<320x128xf32, #tpu.memory_space<hbm>>, %arg5: memref<10240x128xf32, #tpu.memory_space<hbm>>, %arg6: memref<5120x128xf32, #tpu.memory_space<vmem_shared>>, %arg7: memref<160xi32, #tpu.memory_space<vmem>>, %arg8: memref<160xi32, #tpu.memory_space<vmem>>, %arg9: memref<160xi32, #tpu.memory_space<vmem>>, %arg10: memref<80xi32, #tpu.memory_space<vmem>>, %arg11: memref<80xi32, #tpu.memory_space<vmem>>, %arg12: memref<80xi32, #tpu.memory_space<vmem>>, %arg13: memref<80x128xf32, #tpu.memory_space<vmem>>, %arg14: memref<80x128xf32, #tpu.memory_space<vmem>>, %arg15: memref<80x128xf32, #tpu.memory_space<vmem>>, %arg16: memref<!tpu.dma_semaphore, #tpu.memory_space<semaphore_mem>>, %arg17: memref<!tpu.dma_semaphore, #tpu.memory_space<semaphore_mem>>, %arg18: memref<!tpu.dma_semaphore, #tpu.memory_space<semaphore_mem>>, %arg19: memref<!tpu.dma_semaphore, #tpu.memory_space<semaphore_mem>>, %arg20: memref<!tpu.dma_semaphore, #tpu.memory_space<semaphore_mem>>, %arg21: memref<!tpu.dma_semaphore, #tpu.memory_space<semaphore_mem>>, %arg22: memref<!tpu.dma_semaphore, #tpu.memory_space<semaphore_mem>>, %arg23: memref<!tpu.dma_semaphore, #tpu.memory_space<semaphore_mem>>, %arg24: memref<!tpu.dma_semaphore, #tpu.memory_space<semaphore_mem>>) attributes {dimension_semantics = [#tpu.dimension_semantics<core_parallel>, #tpu.dimension_semantics<subcore_parallel>], iteration_bounds = array<i64: 2, 16>, scalar_prefetch = 0 : i64, scratch_operands = 19 : i64, tpu.core_type = #tpu.core_type<sc_vector_subcore>, window_params = [{transform_indices = #map}, {transform_indices = #map1}, {transform_indices = #map}, {transform_indices = #map}]} {
    %mul3A = arith.constant 2 : i32
    %mul3A_0 = arith.muli %arg1, %mul3A : i32
    %add3A = arith.addi %mul3A_0, %arg0 : i32
    %mul3A_1 = arith.constant 125 : i32
    %mul3A_2 = arith.muli %add3A, %mul3A_1 : i32
    %mul3A_3 = arith.constant 320 : i32
    %mul3A_4 = arith.muli %arg1, %mul3A_3 : i32
    %add3A_5 = arith.constant 0 : i32
    %add3A_6 = arith.addi %mul3A_4, %add3A_5 : i32
    "tpu.region"() ({
      %run_scoped3A = tpu.sem_alloc : memref<!tpu.dma_semaphore, #tpu.memory_space<semaphore_mem>>
      %dma_start3A_161 = arith.constant 0 : i32
      %dma_start3A_162 = tpu.memref_slice %arg6[%add3A_6, %dma_start3A_161] : memref<5120x128xf32, #tpu.memory_space<vmem_shared>> -> memref<320x128xf32, #tpu.memory_space<vmem_shared>>
      %dma_start3A_163 = arith.constant 0 : i32
      %dma_start3A_164 = arith.constant 0 : i32
      %dma_start3A_165 = tpu.memref_slice %arg4[%dma_start3A_163, %dma_start3A_164] : memref<320x128xf32, #tpu.memory_space<hbm>> -> memref<320x128xf32, #tpu.memory_space<hbm>>
      tpu.enqueue_dma source(%dma_start3A_165 : memref<320x128xf32, #tpu.memory_space<hbm>>) target(%dma_start3A_162 : memref<320x128xf32, #tpu.memory_space<vmem_shared>>) target_semaphore(%run_scoped3A : memref<!tpu.dma_semaphore, #tpu.memory_space<semaphore_mem>>)
      %dma_wait3A_166 = arith.constant 0 : i32
      %dma_wait3A_167 = tpu.memref_slice %arg6[%add3A_6, %dma_wait3A_166] : memref<5120x128xf32, #tpu.memory_space<vmem_shared>> -> memref<320x128xf32, #tpu.memory_space<vmem_shared>>
      %dma_wait3A_168 = arith.constant 0 : i32
      %dma_wait3A_169 = arith.constant 0 : i32
      %dma_wait3A_170 = tpu.memref_slice %arg4[%dma_wait3A_168, %dma_wait3A_169] : memref<320x128xf32, #tpu.memory_space<hbm>> -> memref<320x128xf32, #tpu.memory_space<hbm>>
      tpu.wait_dma2 semaphore(%run_scoped3A : memref<!tpu.dma_semaphore, #tpu.memory_space<semaphore_mem>>) src(%dma_wait3A_170 : memref<320x128xf32, #tpu.memory_space<hbm>>) dst(%dma_wait3A_167 : memref<320x128xf32, #tpu.memory_space<vmem_shared>>)
      tpu.yield
    }) : () -> ()
    %barrier3A = arith.constant 0 : index
    tpu.barrier barrier_id(%barrier3A)
    %add3A_7 = arith.constant 0 : i32
    %add3A_8 = arith.addi %mul3A_2, %add3A_7 : i32
    %mul3A_9 = arith.constant 2 : i32
    %mul3A_10 = arith.muli %add3A_8, %mul3A_9 : i32
    %mul3A_11 = arith.constant 80 : i32
    %mul3A_12 = arith.muli %mul3A_10, %mul3A_11 : i32
    %dma_start3A = tpu.memref_slice %arg3[%mul3A_12] : memref<640000xi32, #tpu.memory_space<hbm>> -> memref<160xi32, #tpu.memory_space<hbm>>
    %dma_start3A_13 = tpu.memref_slice %arg3[%mul3A_12] : memref<640000xi32, #tpu.memory_space<hbm>> -> memref<160xi32, #tpu.memory_space<hbm>>
    tpu.enqueue_dma source(%dma_start3A_13 : memref<160xi32, #tpu.memory_space<hbm>>) target(%arg7 : memref<160xi32, #tpu.memory_space<vmem>>) target_semaphore(%arg16 : memref<!tpu.dma_semaphore, #tpu.memory_space<semaphore_mem>>)
    %add3A_14 = arith.constant 1 : i32
    %add3A_15 = arith.addi %mul3A_2, %add3A_14 : i32
    %mul3A_16 = arith.constant 2 : i32
    %mul3A_17 = arith.muli %add3A_15, %mul3A_16 : i32
    %mul3A_18 = arith.constant 80 : i32
    %mul3A_19 = arith.muli %mul3A_17, %mul3A_18 : i32
    %dma_start3A_20 = tpu.memref_slice %arg3[%mul3A_19] : memref<640000xi32, #tpu.memory_space<hbm>> -> memref<160xi32, #tpu.memory_space<hbm>>
    %dma_start3A_21 = tpu.memref_slice %arg3[%mul3A_19] : memref<640000xi32, #tpu.memory_space<hbm>> -> memref<160xi32, #tpu.memory_space<hbm>>
    tpu.enqueue_dma source(%dma_start3A_21 : memref<160xi32, #tpu.memory_space<hbm>>) target(%arg8 : memref<160xi32, #tpu.memory_space<vmem>>) target_semaphore(%arg17 : memref<!tpu.dma_semaphore, #tpu.memory_space<semaphore_mem>>)
    %add3A_22 = arith.constant 2 : i32
    %add3A_23 = arith.addi %mul3A_2, %add3A_22 : i32
    %mul3A_24 = arith.constant 2 : i32
    %mul3A_25 = arith.muli %add3A_23, %mul3A_24 : i32
    %mul3A_26 = arith.constant 80 : i32
    %mul3A_27 = arith.muli %mul3A_25, %mul3A_26 : i32
    %dma_start3A_28 = tpu.memref_slice %arg3[%mul3A_27] : memref<640000xi32, #tpu.memory_space<hbm>> -> memref<160xi32, #tpu.memory_space<hbm>>
    %dma_start3A_29 = tpu.memref_slice %arg3[%mul3A_27] : memref<640000xi32, #tpu.memory_space<hbm>> -> memref<160xi32, #tpu.memory_space<hbm>>
    tpu.enqueue_dma source(%dma_start3A_29 : memref<160xi32, #tpu.memory_space<hbm>>) target(%arg9 : memref<160xi32, #tpu.memory_space<vmem>>) target_semaphore(%arg18 : memref<!tpu.dma_semaphore, #tpu.memory_space<semaphore_mem>>)
    %dma_wait3A = arith.constant 0 : i32
    %dma_wait3A_30 = tpu.memref_slice %arg3[%dma_wait3A] : memref<640000xi32, #tpu.memory_space<hbm>> -> memref<160xi32, #tpu.memory_space<hbm>>
    %dma_wait3A_31 = arith.constant 0 : i32
    %dma_wait3A_32 = tpu.memref_slice %arg3[%dma_wait3A_31] : memref<640000xi32, #tpu.memory_space<hbm>> -> memref<160xi32, #tpu.memory_space<hbm>>
    tpu.wait_dma2 semaphore(%arg16 : memref<!tpu.dma_semaphore, #tpu.memory_space<semaphore_mem>>) src(%dma_wait3A_32 : memref<160xi32, #tpu.memory_space<hbm>>) dst(%arg7 : memref<160xi32, #tpu.memory_space<vmem>>)
    %dma_start3A_33 = arith.constant 0 : i32
    %dma_start3A_34 = tpu.memref_slice %arg7[%dma_start3A_33] : memref<160xi32, #tpu.memory_space<vmem>> -> memref<80xi32, #tpu.memory_space<vmem>>
    %dma_start3A_35 = arith.constant 0 : i32
    %dma_start3A_36 = arith.constant 0 : i32
    %dma_start3A_37 = tpu.memref_slice %arg2[%dma_start3A_35, %dma_start3A_36] : memref<10000x128xf32, #tpu.memory_space<hbm>> -> memref<10000x128xf32, #tpu.memory_space<hbm>>
    tpu.enqueue_indirect_dma source(%dma_start3A_37 : memref<10000x128xf32, #tpu.memory_space<hbm>>) target(%arg13 : memref<80x128xf32, #tpu.memory_space<vmem>>) offsets(%dma_start3A_34 : memref<80xi32, #tpu.memory_space<vmem>>) semaphore(%arg19 : memref<!tpu.dma_semaphore, #tpu.memory_space<semaphore_mem>>)
    %dma_wait3A_38 = arith.constant 0 : i32
    %dma_wait3A_39 = tpu.memref_slice %arg3[%dma_wait3A_38] : memref<640000xi32, #tpu.memory_space<hbm>> -> memref<160xi32, #tpu.memory_space<hbm>>
    %dma_wait3A_40 = arith.constant 0 : i32
    %dma_wait3A_41 = tpu.memref_slice %arg3[%dma_wait3A_40] : memref<640000xi32, #tpu.memory_space<hbm>> -> memref<160xi32, #tpu.memory_space<hbm>>
    tpu.wait_dma2 semaphore(%arg17 : memref<!tpu.dma_semaphore, #tpu.memory_space<semaphore_mem>>) src(%dma_wait3A_41 : memref<160xi32, #tpu.memory_space<hbm>>) dst(%arg8 : memref<160xi32, #tpu.memory_space<vmem>>)
    %dma_start3A_42 = arith.constant 0 : i32
    %dma_start3A_43 = tpu.memref_slice %arg8[%dma_start3A_42] : memref<160xi32, #tpu.memory_space<vmem>> -> memref<80xi32, #tpu.memory_space<vmem>>
    %dma_start3A_44 = arith.constant 0 : i32
    %dma_start3A_45 = arith.constant 0 : i32
    %dma_start3A_46 = tpu.memref_slice %arg2[%dma_start3A_44, %dma_start3A_45] : memref<10000x128xf32, #tpu.memory_space<hbm>> -> memref<10000x128xf32, #tpu.memory_space<hbm>>
    tpu.enqueue_indirect_dma source(%dma_start3A_46 : memref<10000x128xf32, #tpu.memory_space<hbm>>) target(%arg14 : memref<80x128xf32, #tpu.memory_space<vmem>>) offsets(%dma_start3A_43 : memref<80xi32, #tpu.memory_space<vmem>>) semaphore(%arg20 : memref<!tpu.dma_semaphore, #tpu.memory_space<semaphore_mem>>)
    %dma_wait3A_47 = arith.constant 0 : i32
    %dma_wait3A_48 = tpu.memref_slice %arg7[%dma_wait3A_47] : memref<160xi32, #tpu.memory_space<vmem>> -> memref<80xi32, #tpu.memory_space<vmem>>
    %dma_wait3A_49 = arith.constant 0 : i32
    %dma_wait3A_50 = arith.constant 0 : i32
    %dma_wait3A_51 = tpu.memref_slice %arg2[%dma_wait3A_49, %dma_wait3A_50] : memref<10000x128xf32, #tpu.memory_space<hbm>> -> memref<10000x128xf32, #tpu.memory_space<hbm>>
    tpu.wait_indirect_dma semaphore(%arg19 : memref<!tpu.dma_semaphore, #tpu.memory_space<semaphore_mem>>) src(%dma_wait3A_51 : memref<10000x128xf32, #tpu.memory_space<hbm>>) dst(%arg13 : memref<80x128xf32, #tpu.memory_space<vmem>>)
    %get3A = arith.constant 80 : index
    %get3A_52 = tpu.vector_load %arg7[%get3A] {strides = array<i32>} : memref<160xi32, #tpu.memory_space<vmem>>, vector<16xi32>,
    %get3A_53 = vector.shape_cast %get3A_52 : vector<16xi32> to vector<16xi32>
    %swap3A = arith.constant 0 : index
    %swap3A_54 = tpu.vector_load %arg10[%swap3A] {strides = array<i32>} : memref<80xi32, #tpu.memory_space<vmem>>, vector<16xi32>,
    %swap3A_55 = vector.shape_cast %swap3A_54 : vector<16xi32> to vector<16xi32>
    %swap3A_56 = vector.shape_cast %get3A_53 : vector<16xi32> to vector<16xi32>
    tpu.vector_store %arg10[%swap3A], %swap3A_56 {strides = array<i32>} : memref<80xi32, #tpu.memory_space<vmem>>, vector<16xi32>,
    %get3A_57 = arith.constant 96 : index
    %get3A_58 = tpu.vector_load %arg7[%get3A_57] {strides = array<i32>} : memref<160xi32, #tpu.memory_space<vmem>>, vector<16xi32>,
    %get3A_59 = vector.shape_cast %get3A_58 : vector<16xi32> to vector<16xi32>
    %swap3A_60 = arith.constant 16 : index
    %swap3A_61 = tpu.vector_load %arg10[%swap3A_60] {strides = array<i32>} : memref<80xi32, #tpu.memory_space<vmem>>, vector<16xi32>,
    %swap3A_62 = vector.shape_cast %swap3A_61 : vector<16xi32> to vector<16xi32>
    %swap3A_63 = vector.shape_cast %get3A_59 : vector<16xi32> to vector<16xi32>
    tpu.vector_store %arg10[%swap3A_60], %swap3A_63 {strides = array<i32>} : memref<80xi32, #tpu.memory_space<vmem>>, vector<16xi32>,
    %get3A_64 = arith.constant 112 : index
    %get3A_65 = tpu.vector_load %arg7[%get3A_64] {strides = array<i32>} : memref<160xi32, #tpu.memory_space<vmem>>, vector<16xi32>,
    %get3A_66 = vector.shape_cast %get3A_65 : vector<16xi32> to vector<16xi32>
    %swap3A_67 = arith.constant 32 : index
    %swap3A_68 = tpu.vector_load %arg10[%swap3A_67] {strides = array<i32>} : memref<80xi32, #tpu.memory_space<vmem>>, vector<16xi32>,
    %swap3A_69 = vector.shape_cast %swap3A_68 : vector<16xi32> to vector<16xi32>
    %swap3A_70 = vector.shape_cast %get3A_66 : vector<16xi32> to vector<16xi32>
    tpu.vector_store %arg10[%swap3A_67], %swap3A_70 {strides = array<i32>} : memref<80xi32, #tpu.memory_space<vmem>>, vector<16xi32>,
    %get3A_71 = arith.constant 128 : index
    %get3A_72 = tpu.vector_load %arg7[%get3A_71] {strides = array<i32>} : memref<160xi32, #tpu.memory_space<vmem>>, vector<16xi32>,
    %get3A_73 = vector.shape_cast %get3A_72 : vector<16xi32> to vector<16xi32>
    %swap3A_74 = arith.constant 48 : index
    %swap3A_75 = tpu.vector_load %arg10[%swap3A_74] {strides = array<i32>} : memref<80xi32, #tpu.memory_space<vmem>>, vector<16xi32>,
    %swap3A_76 = vector.shape_cast %swap3A_75 : vector<16xi32> to vector<16xi32>
    %swap3A_77 = vector.shape_cast %get3A_73 : vector<16xi32> to vector<16xi32>
    tpu.vector_store %arg10[%swap3A_74], %swap3A_77 {strides = array<i32>} : memref<80xi32, #tpu.memory_space<vmem>>, vector<16xi32>,
    %get3A_78 = arith.constant 144 : index
    %get3A_79 = tpu.vector_load %arg7[%get3A_78] {strides = array<i32>} : memref<160xi32, #tpu.memory_space<vmem>>, vector<16xi32>,
    %get3A_80 = vector.shape_cast %get3A_79 : vector<16xi32> to vector<16xi32>
    %swap3A_81 = arith.constant 64 : index
    %swap3A_82 = tpu.vector_load %arg10[%swap3A_81] {strides = array<i32>} : memref<80xi32, #tpu.memory_space<vmem>>, vector<16xi32>,
    %swap3A_83 = vector.shape_cast %swap3A_82 : vector<16xi32> to vector<16xi32>
    %swap3A_84 = vector.shape_cast %get3A_80 : vector<16xi32> to vector<16xi32>
    tpu.vector_store %arg10[%swap3A_81], %swap3A_84 {strides = array<i32>} : memref<80xi32, #tpu.memory_space<vmem>>, vector<16xi32>,
    %add3A_85 = arith.constant 3 : i32
    %add3A_86 = arith.addi %mul3A_2, %add3A_85 : i32
    %mul3A_87 = arith.constant 2 : i32
    %mul3A_88 = arith.muli %add3A_86, %mul3A_87 : i32
    %mul3A_89 = arith.constant 80 : i32
    %mul3A_90 = arith.muli %mul3A_88, %mul3A_89 : i32
    %dma_start3A_91 = tpu.memref_slice %arg3[%mul3A_90] : memref<640000xi32, #tpu.memory_space<hbm>> -> memref<160xi32, #tpu.memory_space<hbm>>
    %dma_start3A_92 = tpu.memref_slice %arg3[%mul3A_90] : memref<640000xi32, #tpu.memory_space<hbm>> -> memref<160xi32, #tpu.memory_space<hbm>>
    tpu.enqueue_dma source(%dma_start3A_92 : memref<160xi32, #tpu.memory_space<hbm>>) target(%arg7 : memref<160xi32, #tpu.memory_space<vmem>>) target_semaphore(%arg16 : memref<!tpu.dma_semaphore, #tpu.memory_space<semaphore_mem>>)
    %dma_start3A_93 = arith.constant 0 : i32
    %dma_start3A_94 = arith.constant 0 : i32
    %dma_start3A_95 = tpu.memref_slice %arg6[%dma_start3A_93, %dma_start3A_94] : memref<5120x128xf32, #tpu.memory_space<vmem_shared>> -> memref<5120x128xf32, #tpu.memory_space<vmem_shared>>
    tpu.enqueue_indirect_dma source(%arg13 : memref<80x128xf32, #tpu.memory_space<vmem>>) target(%dma_start3A_95 : memref<5120x128xf32, #tpu.memory_space<vmem_shared>>) offsets(%arg10 : memref<80xi32, #tpu.memory_space<vmem>>) semaphore(%arg22 : memref<!tpu.dma_semaphore, #tpu.memory_space<semaphore_mem>>) {add = true}
    %scan3A = arith.constant 0 : i32
    %scan3A_96 = arith.constant 0 : i32
    %scan3A_97 = arith.constant 41 : i32
    %scan3A_98 = arith.addi %scan3A_96, %scan3A_97 : i32
    %scan3A_99 = arith.constant 1 : i32
    scf.for %scan3A_161 = %scan3A_96 to %scan3A_98 step %scan3A_99  : i32 {
      %dma_wait3A_162 = arith.constant 0 : i32
      %dma_wait3A_163 = tpu.memref_slice %arg3[%dma_wait3A_162] : memref<640000xi32, #tpu.memory_space<hbm>> -> memref<160xi32, #tpu.memory_space<hbm>>
      %dma_wait3A_164 = arith.constant 0 : i32
      %dma_wait3A_165 = tpu.memref_slice %arg3[%dma_wait3A_164] : memref<640000xi32, #tpu.memory_space<hbm>> -> memref<160xi32, #tpu.memory_space<hbm>>
      tpu.wait_dma2 semaphore(%arg18 : memref<!tpu.dma_semaphore, #tpu.memory_space<semaphore_mem>>) src(%dma_wait3A_165 : memref<160xi32, #tpu.memory_space<hbm>>) dst(%arg9 : memref<160xi32, #tpu.memory_space<vmem>>)
      %gt3A = arith.constant 0 : i32
      %gt3A_166 = arith.cmpi sgt, %scan3A_161, %gt3A : i32
      %convert_element_type3A = arith.extui %gt3A_166 : i1 to i32
      %cond3A = arith.constant 0 : i32
      %cond3A_167 = arith.cmpi ne, %convert_element_type3A, %cond3A : i32
      scf.if %cond3A_167 {
        %dma_wait3A_346 = arith.constant 0 : i32
        %dma_wait3A_347 = arith.constant 0 : i32
        %dma_wait3A_348 = tpu.memref_slice %arg6[%dma_wait3A_346, %dma_wait3A_347] : memref<5120x128xf32, #tpu.memory_space<vmem_shared>> -> memref<5120x128xf32, #tpu.memory_space<vmem_shared>>
        tpu.wait_indirect_dma semaphore(%arg24 : memref<!tpu.dma_semaphore, #tpu.memory_space<semaphore_mem>>) src(%arg15 : memref<80x128xf32, #tpu.memory_space<vmem>>) dst(%dma_wait3A_348 : memref<5120x128xf32, #tpu.memory_space<vmem_shared>>)
      } else {
      }
      %dma_start3A_168 = arith.constant 0 : i32
      %dma_start3A_169 = tpu.memref_slice %arg9[%dma_start3A_168] : memref<160xi32, #tpu.memory_space<vmem>> -> memref<80xi32, #tpu.memory_space<vmem>>
      %dma_start3A_170 = arith.constant 0 : i32
      %dma_start3A_171 = arith.constant 0 : i32
      %dma_start3A_172 = tpu.memref_slice %arg2[%dma_start3A_170, %dma_start3A_171] : memref<10000x128xf32, #tpu.memory_space<hbm>> -> memref<10000x128xf32, #tpu.memory_space<hbm>>
      tpu.enqueue_indirect_dma source(%dma_start3A_172 : memref<10000x128xf32, #tpu.memory_space<hbm>>) target(%arg15 : memref<80x128xf32, #tpu.memory_space<vmem>>) offsets(%dma_start3A_169 : memref<80xi32, #tpu.memory_space<vmem>>) semaphore(%arg21 : memref<!tpu.dma_semaphore, #tpu.memory_space<semaphore_mem>>)
      %dma_wait3A_173 = arith.constant 0 : i32
      %dma_wait3A_174 = tpu.memref_slice %arg8[%dma_wait3A_173] : memref<160xi32, #tpu.memory_space<vmem>> -> memref<80xi32, #tpu.memory_space<vmem>>
      %dma_wait3A_175 = arith.constant 0 : i32
      %dma_wait3A_176 = arith.constant 0 : i32
      %dma_wait3A_177 = tpu.memref_slice %arg2[%dma_wait3A_175, %dma_wait3A_176] : memref<10000x128xf32, #tpu.memory_space<hbm>> -> memref<10000x128xf32, #tpu.memory_space<hbm>>
      tpu.wait_indirect_dma semaphore(%arg20 : memref<!tpu.dma_semaphore, #tpu.memory_space<semaphore_mem>>) src(%dma_wait3A_177 : memref<10000x128xf32, #tpu.memory_space<hbm>>) dst(%arg14 : memref<80x128xf32, #tpu.memory_space<vmem>>)
      %get3A_178 = arith.constant 80 : index
      %get3A_179 = tpu.vector_load %arg8[%get3A_178] {strides = array<i32>} : memref<160xi32, #tpu.memory_space<vmem>>, vector<16xi32>,
      %get3A_180 = vector.shape_cast %get3A_179 : vector<16xi32> to vector<16xi32>
      %swap3A_181 = arith.constant 0 : index
      %swap3A_182 = tpu.vector_load %arg11[%swap3A_181] {strides = array<i32>} : memref<80xi32, #tpu.memory_space<vmem>>, vector<16xi32>,
      %swap3A_183 = vector.shape_cast %swap3A_182 : vector<16xi32> to vector<16xi32>
      %swap3A_184 = vector.shape_cast %get3A_180 : vector<16xi32> to vector<16xi32>
      tpu.vector_store %arg11[%swap3A_181], %swap3A_184 {strides = array<i32>} : memref<80xi32, #tpu.memory_space<vmem>>, vector<16xi32>,
      %get3A_185 = arith.constant 96 : index
      %get3A_186 = tpu.vector_load %arg8[%get3A_185] {strides = array<i32>} : memref<160xi32, #tpu.memory_space<vmem>>, vector<16xi32>,
      %get3A_187 = vector.shape_cast %get3A_186 : vector<16xi32> to vector<16xi32>
      %swap3A_188 = arith.constant 16 : index
      %swap3A_189 = tpu.vector_load %arg11[%swap3A_188] {strides = array<i32>} : memref<80xi32, #tpu.memory_space<vmem>>, vector<16xi32>,
      %swap3A_190 = vector.shape_cast %swap3A_189 : vector<16xi32> to vector<16xi32>
      %swap3A_191 = vector.shape_cast %get3A_187 : vector<16xi32> to vector<16xi32>
      tpu.vector_store %arg11[%swap3A_188], %swap3A_191 {strides = array<i32>} : memref<80xi32, #tpu.memory_space<vmem>>, vector<16xi32>,
      %get3A_192 = arith.constant 112 : index
      %get3A_193 = tpu.vector_load %arg8[%get3A_192] {strides = array<i32>} : memref<160xi32, #tpu.memory_space<vmem>>, vector<16xi32>,
      %get3A_194 = vector.shape_cast %get3A_193 : vector<16xi32> to vector<16xi32>
      %swap3A_195 = arith.constant 32 : index
      %swap3A_196 = tpu.vector_load %arg11[%swap3A_195] {strides = array<i32>} : memref<80xi32, #tpu.memory_space<vmem>>, vector<16xi32>,
      %swap3A_197 = vector.shape_cast %swap3A_196 : vector<16xi32> to vector<16xi32>
      %swap3A_198 = vector.shape_cast %get3A_194 : vector<16xi32> to vector<16xi32>
      tpu.vector_store %arg11[%swap3A_195], %swap3A_198 {strides = array<i32>} : memref<80xi32, #tpu.memory_space<vmem>>, vector<16xi32>,
      %get3A_199 = arith.constant 128 : index
      %get3A_200 = tpu.vector_load %arg8[%get3A_199] {strides = array<i32>} : memref<160xi32, #tpu.memory_space<vmem>>, vector<16xi32>,
      %get3A_201 = vector.shape_cast %get3A_200 : vector<16xi32> to vector<16xi32>
      %swap3A_202 = arith.constant 48 : index
      %swap3A_203 = tpu.vector_load %arg11[%swap3A_202] {strides = array<i32>} : memref<80xi32, #tpu.memory_space<vmem>>, vector<16xi32>,
      %swap3A_204 = vector.shape_cast %swap3A_203 : vector<16xi32> to vector<16xi32>
      %swap3A_205 = vector.shape_cast %get3A_201 : vector<16xi32> to vector<16xi32>
      tpu.vector_store %arg11[%swap3A_202], %swap3A_205 {strides = array<i32>} : memref<80xi32, #tpu.memory_space<vmem>>, vector<16xi32>,
      %get3A_206 = arith.constant 144 : index
      %get3A_207 = tpu.vector_load %arg8[%get3A_206] {strides = array<i32>} : memref<160xi32, #tpu.memory_space<vmem>>, vector<16xi32>,
      %get3A_208 = vector.shape_cast %get3A_207 : vector<16xi32> to vector<16xi32>
      %swap3A_209 = arith.constant 64 : index
      %swap3A_210 = tpu.vector_load %arg11[%swap3A_209] {strides = array<i32>} : memref<80xi32, #tpu.memory_space<vmem>>, vector<16xi32>,
      %swap3A_211 = vector.shape_cast %swap3A_210 : vector<16xi32> to vector<16xi32>
      %swap3A_212 = vector.shape_cast %get3A_208 : vector<16xi32> to vector<16xi32>
      tpu.vector_store %arg11[%swap3A_209], %swap3A_212 {strides = array<i32>} : memref<80xi32, #tpu.memory_space<vmem>>, vector<16xi32>,
      %mul3A_213 = arith.constant 3 : i32
      %mul3A_214 = arith.muli %mul3A_213, %scan3A_161 : i32
      %add3A_215 = arith.constant 4 : i32
      %add3A_216 = arith.addi %mul3A_214, %add3A_215 : i32
      %add3A_217 = arith.addi %mul3A_2, %add3A_216 : i32
      %mul3A_218 = arith.constant 2 : i32
      %mul3A_219 = arith.muli %add3A_217, %mul3A_218 : i32
      %mul3A_220 = arith.constant 80 : i32
      %mul3A_221 = arith.muli %mul3A_219, %mul3A_220 : i32
      %dma_start3A_222 = tpu.memref_slice %arg3[%mul3A_221] : memref<640000xi32, #tpu.memory_space<hbm>> -> memref<160xi32, #tpu.memory_space<hbm>>
      %dma_start3A_223 = tpu.memref_slice %arg3[%mul3A_221] : memref<640000xi32, #tpu.memory_space<hbm>> -> memref<160xi32, #tpu.memory_space<hbm>>
      tpu.enqueue_dma source(%dma_start3A_223 : memref<160xi32, #tpu.memory_space<hbm>>) target(%arg8 : memref<160xi32, #tpu.memory_space<vmem>>) target_semaphore(%arg17 : memref<!tpu.dma_semaphore, #tpu.memory_space<semaphore_mem>>)
      %dma_start3A_224 = arith.constant 0 : i32
      %dma_start3A_225 = arith.constant 0 : i32
      %dma_start3A_226 = tpu.memref_slice %arg6[%dma_start3A_224, %dma_start3A_225] : memref<5120x128xf32, #tpu.memory_space<vmem_shared>> -> memref<5120x128xf32, #tpu.memory_space<vmem_shared>>
      tpu.enqueue_indirect_dma source(%arg14 : memref<80x128xf32, #tpu.memory_space<vmem>>) target(%dma_start3A_226 : memref<5120x128xf32, #tpu.memory_space<vmem_shared>>) offsets(%arg11 : memref<80xi32, #tpu.memory_space<vmem>>) semaphore(%arg23 : memref<!tpu.dma_semaphore, #tpu.memory_space<semaphore_mem>>) {add = true}
      %dma_wait3A_227 = arith.constant 0 : i32
      %dma_wait3A_228 = tpu.memref_slice %arg3[%dma_wait3A_227] : memref<640000xi32, #tpu.memory_space<hbm>> -> memref<160xi32, #tpu.memory_space<hbm>>
      %dma_wait3A_229 = arith.constant 0 : i32
      %dma_wait3A_230 = tpu.memref_slice %arg3[%dma_wait3A_229] : memref<640000xi32, #tpu.memory_space<hbm>> -> memref<160xi32, #tpu.memory_space<hbm>>
      tpu.wait_dma2 semaphore(%arg16 : memref<!tpu.dma_semaphore, #tpu.memory_space<semaphore_mem>>) src(%dma_wait3A_230 : memref<160xi32, #tpu.memory_space<hbm>>) dst(%arg7 : memref<160xi32, #tpu.memory_space<vmem>>)
      %dma_wait3A_231 = arith.constant 0 : i32
      %dma_wait3A_232 = arith.constant 0 : i32
      %dma_wait3A_233 = tpu.memref_slice %arg6[%dma_wait3A_231, %dma_wait3A_232] : memref<5120x128xf32, #tpu.memory_space<vmem_shared>> -> memref<5120x128xf32, #tpu.memory_space<vmem_shared>>
      tpu.wait_indirect_dma semaphore(%arg22 : memref<!tpu.dma_semaphore, #tpu.memory_space<semaphore_mem>>) src(%arg13 : memref<80x128xf32, #tpu.memory_space<vmem>>) dst(%dma_wait3A_233 : memref<5120x128xf32, #tpu.memory_space<vmem_shared>>)
      %dma_start3A_234 = arith.constant 0 : i32
      %dma_start3A_235 = tpu.memref_slice %arg7[%dma_start3A_234] : memref<160xi32, #tpu.memory_space<vmem>> -> memref<80xi32, #tpu.memory_space<vmem>>
      %dma_start3A_236 = arith.constant 0 : i32
      %dma_start3A_237 = arith.constant 0 : i32
      %dma_start3A_238 = tpu.memref_slice %arg2[%dma_start3A_236, %dma_start3A_237] : memref<10000x128xf32, #tpu.memory_space<hbm>> -> memref<10000x128xf32, #tpu.memory_space<hbm>>
      tpu.enqueue_indirect_dma source(%dma_start3A_238 : memref<10000x128xf32, #tpu.memory_space<hbm>>) target(%arg13 : memref<80x128xf32, #tpu.memory_space<vmem>>) offsets(%dma_start3A_235 : memref<80xi32, #tpu.memory_space<vmem>>) semaphore(%arg19 : memref<!tpu.dma_semaphore, #tpu.memory_space<semaphore_mem>>)
      %dma_wait3A_239 = arith.constant 0 : i32
      %dma_wait3A_240 = tpu.memref_slice %arg9[%dma_wait3A_239] : memref<160xi32, #tpu.memory_space<vmem>> -> memref<80xi32, #tpu.memory_space<vmem>>
      %dma_wait3A_241 = arith.constant 0 : i32
      %dma_wait3A_242 = arith.constant 0 : i32
      %dma_wait3A_243 = tpu.memref_slice %arg2[%dma_wait3A_241, %dma_wait3A_242] : memref<10000x128xf32, #tpu.memory_space<hbm>> -> memref<10000x128xf32, #tpu.memory_space<hbm>>
      tpu.wait_indirect_dma semaphore(%arg21 : memref<!tpu.dma_semaphore, #tpu.memory_space<semaphore_mem>>) src(%dma_wait3A_243 : memref<10000x128xf32, #tpu.memory_space<hbm>>) dst(%arg15 : memref<80x128xf32, #tpu.memory_space<vmem>>)
      %get3A_244 = arith.constant 80 : index
      %get3A_245 = tpu.vector_load %arg9[%get3A_244] {strides = array<i32>} : memref<160xi32, #tpu.memory_space<vmem>>, vector<16xi32>,
      %get3A_246 = vector.shape_cast %get3A_245 : vector<16xi32> to vector<16xi32>
      %swap3A_247 = arith.constant 0 : index
      %swap3A_248 = tpu.vector_load %arg12[%swap3A_247] {strides = array<i32>} : memref<80xi32, #tpu.memory_space<vmem>>, vector<16xi32>,
      %swap3A_249 = vector.shape_cast %swap3A_248 : vector<16xi32> to vector<16xi32>
      %swap3A_250 = vector.shape_cast %get3A_246 : vector<16xi32> to vector<16xi32>
      tpu.vector_store %arg12[%swap3A_247], %swap3A_250 {strides = array<i32>} : memref<80xi32, #tpu.memory_space<vmem>>, vector<16xi32>,
      %get3A_251 = arith.constant 96 : index
      %get3A_252 = tpu.vector_load %arg9[%get3A_251] {strides = array<i32>} : memref<160xi32, #tpu.memory_space<vmem>>, vector<16xi32>,
      %get3A_253 = vector.shape_cast %get3A_252 : vector<16xi32> to vector<16xi32>
      %swap3A_254 = arith.constant 16 : index
      %swap3A_255 = tpu.vector_load %arg12[%swap3A_254] {strides = array<i32>} : memref<80xi32, #tpu.memory_space<vmem>>, vector<16xi32>,
      %swap3A_256 = vector.shape_cast %swap3A_255 : vector<16xi32> to vector<16xi32>
      %swap3A_257 = vector.shape_cast %get3A_253 : vector<16xi32> to vector<16xi32>
      tpu.vector_store %arg12[%swap3A_254], %swap3A_257 {strides = array<i32>} : memref<80xi32, #tpu.memory_space<vmem>>, vector<16xi32>,
      %get3A_258 = arith.constant 112 : index
      %get3A_259 = tpu.vector_load %arg9[%get3A_258] {strides = array<i32>} : memref<160xi32, #tpu.memory_space<vmem>>, vector<16xi32>,
      %get3A_260 = vector.shape_cast %get3A_259 : vector<16xi32> to vector<16xi32>
      %swap3A_261 = arith.constant 32 : index
      %swap3A_262 = tpu.vector_load %arg12[%swap3A_261] {strides = array<i32>} : memref<80xi32, #tpu.memory_space<vmem>>, vector<16xi32>,
      %swap3A_263 = vector.shape_cast %swap3A_262 : vector<16xi32> to vector<16xi32>
      %swap3A_264 = vector.shape_cast %get3A_260 : vector<16xi32> to vector<16xi32>
      tpu.vector_store %arg12[%swap3A_261], %swap3A_264 {strides = array<i32>} : memref<80xi32, #tpu.memory_space<vmem>>, vector<16xi32>,
      %get3A_265 = arith.constant 128 : index
      %get3A_266 = tpu.vector_load %arg9[%get3A_265] {strides = array<i32>} : memref<160xi32, #tpu.memory_space<vmem>>, vector<16xi32>,
      %get3A_267 = vector.shape_cast %get3A_266 : vector<16xi32> to vector<16xi32>
      %swap3A_268 = arith.constant 48 : index
      %swap3A_269 = tpu.vector_load %arg12[%swap3A_268] {strides = array<i32>} : memref<80xi32, #tpu.memory_space<vmem>>, vector<16xi32>,
      %swap3A_270 = vector.shape_cast %swap3A_269 : vector<16xi32> to vector<16xi32>
      %swap3A_271 = vector.shape_cast %get3A_267 : vector<16xi32> to vector<16xi32>
      tpu.vector_store %arg12[%swap3A_268], %swap3A_271 {strides = array<i32>} : memref<80xi32, #tpu.memory_space<vmem>>, vector<16xi32>,
      %get3A_272 = arith.constant 144 : index
      %get3A_273 = tpu.vector_load %arg9[%get3A_272] {strides = array<i32>} : memref<160xi32, #tpu.memory_space<vmem>>, vector<16xi32>,
      %get3A_274 = vector.shape_cast %get3A_273 : vector<16xi32> to vector<16xi32>
      %swap3A_275 = arith.constant 64 : index
      %swap3A_276 = tpu.vector_load %arg12[%swap3A_275] {strides = array<i32>} : memref<80xi32, #tpu.memory_space<vmem>>, vector<16xi32>,
      %swap3A_277 = vector.shape_cast %swap3A_276 : vector<16xi32> to vector<16xi32>
      %swap3A_278 = vector.shape_cast %get3A_274 : vector<16xi32> to vector<16xi32>
      tpu.vector_store %arg12[%swap3A_275], %swap3A_278 {strides = array<i32>} : memref<80xi32, #tpu.memory_space<vmem>>, vector<16xi32>,
      %lt3A = arith.constant 40 : i32
      %lt3A_279 = arith.cmpi slt, %scan3A_161, %lt3A : i32
      %convert_element_type3A_280 = arith.extui %lt3A_279 : i1 to i32
      %cond3A_281 = arith.constant 0 : i32
      %cond3A_282 = arith.cmpi ne, %convert_element_type3A_280, %cond3A_281 : i32
      scf.if %cond3A_282 {
        %mul3A_346 = arith.constant 3 : i32
        %mul3A_347 = arith.muli %mul3A_346, %scan3A_161 : i32
        %add3A_348 = arith.constant 5 : i32
        %add3A_349 = arith.addi %mul3A_347, %add3A_348 : i32
        %add3A_350 = arith.addi %mul3A_2, %add3A_349 : i32
        %mul3A_351 = arith.constant 2 : i32
        %mul3A_352 = arith.muli %add3A_350, %mul3A_351 : i32
        %mul3A_353 = arith.constant 80 : i32
        %mul3A_354 = arith.muli %mul3A_352, %mul3A_353 : i32
        %dma_start3A_355 = tpu.memref_slice %arg3[%mul3A_354] : memref<640000xi32, #tpu.memory_space<hbm>> -> memref<160xi32, #tpu.memory_space<hbm>>
        %dma_start3A_356 = tpu.memref_slice %arg3[%mul3A_354] : memref<640000xi32, #tpu.memory_space<hbm>> -> memref<160xi32, #tpu.memory_space<hbm>>
        tpu.enqueue_dma source(%dma_start3A_356 : memref<160xi32, #tpu.memory_space<hbm>>) target(%arg9 : memref<160xi32, #tpu.memory_space<vmem>>) target_semaphore(%arg18 : memref<!tpu.dma_semaphore, #tpu.memory_space<semaphore_mem>>)
      } else {
      }
      %dma_start3A_283 = arith.constant 0 : i32
      %dma_start3A_284 = arith.constant 0 : i32
      %dma_start3A_285 = tpu.memref_slice %arg6[%dma_start3A_283, %dma_start3A_284] : memref<5120x128xf32, #tpu.memory_space<vmem_shared>> -> memref<5120x128xf32, #tpu.memory_space<vmem_shared>>
      tpu.enqueue_indirect_dma source(%arg15 : memref<80x128xf32, #tpu.memory_space<vmem>>) target(%dma_start3A_285 : memref<5120x128xf32, #tpu.memory_space<vmem_shared>>) offsets(%arg12 : memref<80xi32, #tpu.memory_space<vmem>>) semaphore(%arg24 : memref<!tpu.dma_semaphore, #tpu.memory_space<semaphore_mem>>) {add = true}
      %dma_wait3A_286 = arith.constant 0 : i32
      %dma_wait3A_287 = tpu.memref_slice %arg3[%dma_wait3A_286] : memref<640000xi32, #tpu.memory_space<hbm>> -> memref<160xi32, #tpu.memory_space<hbm>>
      %dma_wait3A_288 = arith.constant 0 : i32
      %dma_wait3A_289 = tpu.memref_slice %arg3[%dma_wait3A_288] : memref<640000xi32, #tpu.memory_space<hbm>> -> memref<160xi32, #tpu.memory_space<hbm>>
      tpu.wait_dma2 semaphore(%arg17 : memref<!tpu.dma_semaphore, #tpu.memory_space<semaphore_mem>>) src(%dma_wait3A_289 : memref<160xi32, #tpu.memory_space<hbm>>) dst(%arg8 : memref<160xi32, #tpu.memory_space<vmem>>)
      %dma_wait3A_290 = arith.constant 0 : i32
      %dma_wait3A_291 = arith.constant 0 : i32
      %dma_wait3A_292 = tpu.memref_slice %arg6[%dma_wait3A_290, %dma_wait3A_291] : memref<5120x128xf32, #tpu.memory_space<vmem_shared>> -> memref<5120x128xf32, #tpu.memory_space<vmem_shared>>
      tpu.wait_indirect_dma semaphore(%arg23 : memref<!tpu.dma_semaphore, #tpu.memory_space<semaphore_mem>>) src(%arg14 : memref<80x128xf32, #tpu.memory_space<vmem>>) dst(%dma_wait3A_292 : memref<5120x128xf32, #tpu.memory_space<vmem_shared>>)
      %dma_start3A_293 = arith.constant 0 : i32
      %dma_start3A_294 = tpu.memref_slice %arg8[%dma_start3A_293] : memref<160xi32, #tpu.memory_space<vmem>> -> memref<80xi32, #tpu.memory_space<vmem>>
      %dma_start3A_295 = arith.constant 0 : i32
      %dma_start3A_296 = arith.constant 0 : i32
      %dma_start3A_297 = tpu.memref_slice %arg2[%dma_start3A_295, %dma_start3A_296] : memref<10000x128xf32, #tpu.memory_space<hbm>> -> memref<10000x128xf32, #tpu.memory_space<hbm>>
      tpu.enqueue_indirect_dma source(%dma_start3A_297 : memref<10000x128xf32, #tpu.memory_space<hbm>>) target(%arg14 : memref<80x128xf32, #tpu.memory_space<vmem>>) offsets(%dma_start3A_294 : memref<80xi32, #tpu.memory_space<vmem>>) semaphore(%arg20 : memref<!tpu.dma_semaphore, #tpu.memory_space<semaphore_mem>>)
      %dma_wait3A_298 = arith.constant 0 : i32
      %dma_wait3A_299 = tpu.memref_slice %arg7[%dma_wait3A_298] : memref<160xi32, #tpu.memory_space<vmem>> -> memref<80xi32, #tpu.memory_space<vmem>>
      %dma_wait3A_300 = arith.constant 0 : i32
      %dma_wait3A_301 = arith.constant 0 : i32
      %dma_wait3A_302 = tpu.memref_slice %arg2[%dma_wait3A_300, %dma_wait3A_301] : memref<10000x128xf32, #tpu.memory_space<hbm>> -> memref<10000x128xf32, #tpu.memory_space<hbm>>
      tpu.wait_indirect_dma semaphore(%arg19 : memref<!tpu.dma_semaphore, #tpu.memory_space<semaphore_mem>>) src(%dma_wait3A_302 : memref<10000x128xf32, #tpu.memory_space<hbm>>) dst(%arg13 : memref<80x128xf32, #tpu.memory_space<vmem>>)
      %get3A_303 = arith.constant 80 : index
      %get3A_304 = tpu.vector_load %arg7[%get3A_303] {strides = array<i32>} : memref<160xi32, #tpu.memory_space<vmem>>, vector<16xi32>,
      %get3A_305 = vector.shape_cast %get3A_304 : vector<16xi32> to vector<16xi32>
      %swap3A_306 = arith.constant 0 : index
      %swap3A_307 = tpu.vector_load %arg10[%swap3A_306] {strides = array<i32>} : memref<80xi32, #tpu.memory_space<vmem>>, vector<16xi32>,
      %swap3A_308 = vector.shape_cast %swap3A_307 : vector<16xi32> to vector<16xi32>
      %swap3A_309 = vector.shape_cast %get3A_305 : vector<16xi32> to vector<16xi32>
      tpu.vector_store %arg10[%swap3A_306], %swap3A_309 {strides = array<i32>} : memref<80xi32, #tpu.memory_space<vmem>>, vector<16xi32>,
      %get3A_310 = arith.constant 96 : index
      %get3A_311 = tpu.vector_load %arg7[%get3A_310] {strides = array<i32>} : memref<160xi32, #tpu.memory_space<vmem>>, vector<16xi32>,
      %get3A_312 = vector.shape_cast %get3A_311 : vector<16xi32> to vector<16xi32>
      %swap3A_313 = arith.constant 16 : index
      %swap3A_314 = tpu.vector_load %arg10[%swap3A_313] {strides = array<i32>} : memref<80xi32, #tpu.memory_space<vmem>>, vector<16xi32>,
      %swap3A_315 = vector.shape_cast %swap3A_314 : vector<16xi32> to vector<16xi32>
      %swap3A_316 = vector.shape_cast %get3A_312 : vector<16xi32> to vector<16xi32>
      tpu.vector_store %arg10[%swap3A_313], %swap3A_316 {strides = array<i32>} : memref<80xi32, #tpu.memory_space<vmem>>, vector<16xi32>,
      %get3A_317 = arith.constant 112 : index
      %get3A_318 = tpu.vector_load %arg7[%get3A_317] {strides = array<i32>} : memref<160xi32, #tpu.memory_space<vmem>>, vector<16xi32>,
      %get3A_319 = vector.shape_cast %get3A_318 : vector<16xi32> to vector<16xi32>
      %swap3A_320 = arith.constant 32 : index
      %swap3A_321 = tpu.vector_load %arg10[%swap3A_320] {strides = array<i32>} : memref<80xi32, #tpu.memory_space<vmem>>, vector<16xi32>,
      %swap3A_322 = vector.shape_cast %swap3A_321 : vector<16xi32> to vector<16xi32>
      %swap3A_323 = vector.shape_cast %get3A_319 : vector<16xi32> to vector<16xi32>
      tpu.vector_store %arg10[%swap3A_320], %swap3A_323 {strides = array<i32>} : memref<80xi32, #tpu.memory_space<vmem>>, vector<16xi32>,
      %get3A_324 = arith.constant 128 : index
      %get3A_325 = tpu.vector_load %arg7[%get3A_324] {strides = array<i32>} : memref<160xi32, #tpu.memory_space<vmem>>, vector<16xi32>,
      %get3A_326 = vector.shape_cast %get3A_325 : vector<16xi32> to vector<16xi32>
      %swap3A_327 = arith.constant 48 : index
      %swap3A_328 = tpu.vector_load %arg10[%swap3A_327] {strides = array<i32>} : memref<80xi32, #tpu.memory_space<vmem>>, vector<16xi32>,
      %swap3A_329 = vector.shape_cast %swap3A_328 : vector<16xi32> to vector<16xi32>
      %swap3A_330 = vector.shape_cast %get3A_326 : vector<16xi32> to vector<16xi32>
      tpu.vector_store %arg10[%swap3A_327], %swap3A_330 {strides = array<i32>} : memref<80xi32, #tpu.memory_space<vmem>>, vector<16xi32>,
      %get3A_331 = arith.constant 144 : index
      %get3A_332 = tpu.vector_load %arg7[%get3A_331] {strides = array<i32>} : memref<160xi32, #tpu.memory_space<vmem>>, vector<16xi32>,
      %get3A_333 = vector.shape_cast %get3A_332 : vector<16xi32> to vector<16xi32>
      %swap3A_334 = arith.constant 64 : index
      %swap3A_335 = tpu.vector_load %arg10[%swap3A_334] {strides = array<i32>} : memref<80xi32, #tpu.memory_space<vmem>>, vector<16xi32>,
      %swap3A_336 = vector.shape_cast %swap3A_335 : vector<16xi32> to vector<16xi32>
      %swap3A_337 = vector.shape_cast %get3A_333 : vector<16xi32> to vector<16xi32>
      tpu.vector_store %arg10[%swap3A_334], %swap3A_337 {strides = array<i32>} : memref<80xi32, #tpu.memory_space<vmem>>, vector<16xi32>,
      %lt3A_338 = arith.constant 40 : i32
      %lt3A_339 = arith.cmpi slt, %scan3A_161, %lt3A_338 : i32
      %convert_element_type3A_340 = arith.extui %lt3A_339 : i1 to i32
      %cond3A_341 = arith.constant 0 : i32
      %cond3A_342 = arith.cmpi ne, %convert_element_type3A_340, %cond3A_341 : i32
      scf.if %cond3A_342 {
        %mul3A_346 = arith.constant 3 : i32
        %mul3A_347 = arith.muli %mul3A_346, %scan3A_161 : i32
        %add3A_348 = arith.constant 6 : i32
        %add3A_349 = arith.addi %mul3A_347, %add3A_348 : i32
        %add3A_350 = arith.addi %mul3A_2, %add3A_349 : i32
        %mul3A_351 = arith.constant 2 : i32
        %mul3A_352 = arith.muli %add3A_350, %mul3A_351 : i32
        %mul3A_353 = arith.constant 80 : i32
        %mul3A_354 = arith.muli %mul3A_352, %mul3A_353 : i32
        %dma_start3A_355 = tpu.memref_slice %arg3[%mul3A_354] : memref<640000xi32, #tpu.memory_space<hbm>> -> memref<160xi32, #tpu.memory_space<hbm>>
        %dma_start3A_356 = tpu.memref_slice %arg3[%mul3A_354] : memref<640000xi32, #tpu.memory_space<hbm>> -> memref<160xi32, #tpu.memory_space<hbm>>
        tpu.enqueue_dma source(%dma_start3A_356 : memref<160xi32, #tpu.memory_space<hbm>>) target(%arg7 : memref<160xi32, #tpu.memory_space<vmem>>) target_semaphore(%arg16 : memref<!tpu.dma_semaphore, #tpu.memory_space<semaphore_mem>>)
      } else {
      }
      %dma_start3A_343 = arith.constant 0 : i32
      %dma_start3A_344 = arith.constant 0 : i32
      %dma_start3A_345 = tpu.memref_slice %arg6[%dma_start3A_343, %dma_start3A_344] : memref<5120x128xf32, #tpu.memory_space<vmem_shared>> -> memref<5120x128xf32, #tpu.memory_space<vmem_shared>>
      tpu.enqueue_indirect_dma source(%arg13 : memref<80x128xf32, #tpu.memory_space<vmem>>) target(%dma_start3A_345 : memref<5120x128xf32, #tpu.memory_space<vmem_shared>>) offsets(%arg10 : memref<80xi32, #tpu.memory_space<vmem>>) semaphore(%arg22 : memref<!tpu.dma_semaphore, #tpu.memory_space<semaphore_mem>>) {add = true}
    }
    %scan3A_100 = arith.constant 41 : i32
    %dma_wait3A_101 = arith.constant 0 : i32
    %dma_wait3A_102 = tpu.memref_slice %arg8[%dma_wait3A_101] : memref<160xi32, #tpu.memory_space<vmem>> -> memref<80xi32, #tpu.memory_space<vmem>>
    %dma_wait3A_103 = arith.constant 0 : i32
    %dma_wait3A_104 = arith.constant 0 : i32
    %dma_wait3A_105 = tpu.memref_slice %arg2[%dma_wait3A_103, %dma_wait3A_104] : memref<10000x128xf32, #tpu.memory_space<hbm>> -> memref<10000x128xf32, #tpu.memory_space<hbm>>
    tpu.wait_indirect_dma semaphore(%arg20 : memref<!tpu.dma_semaphore, #tpu.memory_space<semaphore_mem>>) src(%dma_wait3A_105 : memref<10000x128xf32, #tpu.memory_space<hbm>>) dst(%arg14 : memref<80x128xf32, #tpu.memory_space<vmem>>)
    %get3A_106 = arith.constant 80 : index
    %get3A_107 = tpu.vector_load %arg8[%get3A_106] {strides = array<i32>} : memref<160xi32, #tpu.memory_space<vmem>>, vector<16xi32>,
    %get3A_108 = vector.shape_cast %get3A_107 : vector<16xi32> to vector<16xi32>
    %swap3A_109 = arith.constant 0 : index
    %swap3A_110 = tpu.vector_load %arg11[%swap3A_109] {strides = array<i32>} : memref<80xi32, #tpu.memory_space<vmem>>, vector<16xi32>,
    %swap3A_111 = vector.shape_cast %swap3A_110 : vector<16xi32> to vector<16xi32>
    %swap3A_112 = vector.shape_cast %get3A_108 : vector<16xi32> to vector<16xi32>
    tpu.vector_store %arg11[%swap3A_109], %swap3A_112 {strides = array<i32>} : memref<80xi32, #tpu.memory_space<vmem>>, vector<16xi32>,
    %get3A_113 = arith.constant 96 : index
    %get3A_114 = tpu.vector_load %arg8[%get3A_113] {strides = array<i32>} : memref<160xi32, #tpu.memory_space<vmem>>, vector<16xi32>,
    %get3A_115 = vector.shape_cast %get3A_114 : vector<16xi32> to vector<16xi32>
    %swap3A_116 = arith.constant 16 : index
    %swap3A_117 = tpu.vector_load %arg11[%swap3A_116] {strides = array<i32>} : memref<80xi32, #tpu.memory_space<vmem>>, vector<16xi32>,
    %swap3A_118 = vector.shape_cast %swap3A_117 : vector<16xi32> to vector<16xi32>
    %swap3A_119 = vector.shape_cast %get3A_115 : vector<16xi32> to vector<16xi32>
    tpu.vector_store %arg11[%swap3A_116], %swap3A_119 {strides = array<i32>} : memref<80xi32, #tpu.memory_space<vmem>>, vector<16xi32>,
    %get3A_120 = arith.constant 112 : index
    %get3A_121 = tpu.vector_load %arg8[%get3A_120] {strides = array<i32>} : memref<160xi32, #tpu.memory_space<vmem>>, vector<16xi32>,
    %get3A_122 = vector.shape_cast %get3A_121 : vector<16xi32> to vector<16xi32>
    %swap3A_123 = arith.constant 32 : index
    %swap3A_124 = tpu.vector_load %arg11[%swap3A_123] {strides = array<i32>} : memref<80xi32, #tpu.memory_space<vmem>>, vector<16xi32>,
    %swap3A_125 = vector.shape_cast %swap3A_124 : vector<16xi32> to vector<16xi32>
    %swap3A_126 = vector.shape_cast %get3A_122 : vector<16xi32> to vector<16xi32>
    tpu.vector_store %arg11[%swap3A_123], %swap3A_126 {strides = array<i32>} : memref<80xi32, #tpu.memory_space<vmem>>, vector<16xi32>,
    %get3A_127 = arith.constant 128 : index
    %get3A_128 = tpu.vector_load %arg8[%get3A_127] {strides = array<i32>} : memref<160xi32, #tpu.memory_space<vmem>>, vector<16xi32>,
    %get3A_129 = vector.shape_cast %get3A_128 : vector<16xi32> to vector<16xi32>
    %swap3A_130 = arith.constant 48 : index
    %swap3A_131 = tpu.vector_load %arg11[%swap3A_130] {strides = array<i32>} : memref<80xi32, #tpu.memory_space<vmem>>, vector<16xi32>,
    %swap3A_132 = vector.shape_cast %swap3A_131 : vector<16xi32> to vector<16xi32>
    %swap3A_133 = vector.shape_cast %get3A_129 : vector<16xi32> to vector<16xi32>
    tpu.vector_store %arg11[%swap3A_130], %swap3A_133 {strides = array<i32>} : memref<80xi32, #tpu.memory_space<vmem>>, vector<16xi32>,
    %get3A_134 = arith.constant 144 : index
    %get3A_135 = tpu.vector_load %arg8[%get3A_134] {strides = array<i32>} : memref<160xi32, #tpu.memory_space<vmem>>, vector<16xi32>,
    %get3A_136 = vector.shape_cast %get3A_135 : vector<16xi32> to vector<16xi32>
    %swap3A_137 = arith.constant 64 : index
    %swap3A_138 = tpu.vector_load %arg11[%swap3A_137] {strides = array<i32>} : memref<80xi32, #tpu.memory_space<vmem>>, vector<16xi32>,
    %swap3A_139 = vector.shape_cast %swap3A_138 : vector<16xi32> to vector<16xi32>
    %swap3A_140 = vector.shape_cast %get3A_136 : vector<16xi32> to vector<16xi32>
    tpu.vector_store %arg11[%swap3A_137], %swap3A_140 {strides = array<i32>} : memref<80xi32, #tpu.memory_space<vmem>>, vector<16xi32>,
    %dma_start3A_141 = arith.constant 0 : i32
    %dma_start3A_142 = arith.constant 0 : i32
    %dma_start3A_143 = tpu.memref_slice %arg6[%dma_start3A_141, %dma_start3A_142] : memref<5120x128xf32, #tpu.memory_space<vmem_shared>> -> memref<5120x128xf32, #tpu.memory_space<vmem_shared>>
    tpu.enqueue_indirect_dma source(%arg14 : memref<80x128xf32, #tpu.memory_space<vmem>>) target(%dma_start3A_143 : memref<5120x128xf32, #tpu.memory_space<vmem_shared>>) offsets(%arg11 : memref<80xi32, #tpu.memory_space<vmem>>) semaphore(%arg23 : memref<!tpu.dma_semaphore, #tpu.memory_space<semaphore_mem>>) {add = true}
    %dma_wait3A_144 = arith.constant 0 : i32
    %dma_wait3A_145 = arith.constant 0 : i32
    %dma_wait3A_146 = tpu.memref_slice %arg6[%dma_wait3A_144, %dma_wait3A_145] : memref<5120x128xf32, #tpu.memory_space<vmem_shared>> -> memref<5120x128xf32, #tpu.memory_space<vmem_shared>>
    tpu.wait_indirect_dma semaphore(%arg22 : memref<!tpu.dma_semaphore, #tpu.memory_space<semaphore_mem>>) src(%arg13 : memref<80x128xf32, #tpu.memory_space<vmem>>) dst(%dma_wait3A_146 : memref<5120x128xf32, #tpu.memory_space<vmem_shared>>)
    %dma_wait3A_147 = arith.constant 0 : i32
    %dma_wait3A_148 = arith.constant 0 : i32
    %dma_wait3A_149 = tpu.memref_slice %arg6[%dma_wait3A_147, %dma_wait3A_148] : memref<5120x128xf32, #tpu.memory_space<vmem_shared>> -> memref<5120x128xf32, #tpu.memory_space<vmem_shared>>
    tpu.wait_indirect_dma semaphore(%arg23 : memref<!tpu.dma_semaphore, #tpu.memory_space<semaphore_mem>>) src(%arg14 : memref<80x128xf32, #tpu.memory_space<vmem>>) dst(%dma_wait3A_149 : memref<5120x128xf32, #tpu.memory_space<vmem_shared>>)
    %dma_wait3A_150 = arith.constant 0 : i32
    %dma_wait3A_151 = arith.constant 0 : i32
    %dma_wait3A_152 = tpu.memref_slice %arg6[%dma_wait3A_150, %dma_wait3A_151] : memref<5120x128xf32, #tpu.memory_space<vmem_shared>> -> memref<5120x128xf32, #tpu.memory_space<vmem_shared>>
    tpu.wait_indirect_dma semaphore(%arg24 : memref<!tpu.dma_semaphore, #tpu.memory_space<semaphore_mem>>) src(%arg15 : memref<80x128xf32, #tpu.memory_space<vmem>>) dst(%dma_wait3A_152 : memref<5120x128xf32, #tpu.memory_space<vmem_shared>>)
    %barrier3A_153 = arith.constant 0 : index
    tpu.barrier barrier_id(%barrier3A_153)
    %mul3A_154 = arith.constant 320 : i32
    %mul3A_155 = arith.muli %arg1, %mul3A_154 : i32
    %mul3A_156 = arith.constant 5120 : i32
    %mul3A_157 = arith.muli %arg0, %mul3A_156 : i32
    %mul3A_158 = arith.constant 320 : i32
    %mul3A_159 = arith.muli %arg1, %mul3A_158 : i32
    %add3A_160 = arith.addi %mul3A_157, %mul3A_159 : i32
    "tpu.region"() ({
      %run_scoped3A = tpu.sem_alloc : memref<!tpu.dma_semaphore, #tpu.memory_space<semaphore_mem>>
      %dma_start3A_161 = arith.constant 0 : i32
      %dma_start3A_162 = tpu.memref_slice %arg5[%add3A_160, %dma_start3A_161] : memref<10240x128xf32, #tpu.memory_space<hbm>> -> memref<320x128xf32, #tpu.memory_space<hbm>>
      %dma_start3A_163 = arith.constant 0 : i32
      %dma_start3A_164 = tpu.memref_slice %arg6[%mul3A_155, %dma_start3A_163] : memref<5120x128xf32, #tpu.memory_space<vmem_shared>> -> memref<320x128xf32, #tpu.memory_space<vmem_shared>>
      tpu.enqueue_dma source(%dma_start3A_164 : memref<320x128xf32, #tpu.memory_space<vmem_shared>>) target(%dma_start3A_162 : memref<320x128xf32, #tpu.memory_space<hbm>>) target_semaphore(%run_scoped3A : memref<!tpu.dma_semaphore, #tpu.memory_space<semaphore_mem>>)
      %dma_wait3A_165 = arith.constant 0 : i32
      %dma_wait3A_166 = tpu.memref_slice %arg5[%add3A_160, %dma_wait3A_165] : memref<10240x128xf32, #tpu.memory_space<hbm>> -> memref<320x128xf32, #tpu.memory_space<hbm>>
      %dma_wait3A_167 = arith.constant 0 : i32
      %dma_wait3A_168 = tpu.memref_slice %arg6[%mul3A_155, %dma_wait3A_167] : memref<5120x128xf32, #tpu.memory_space<vmem_shared>> -> memref<320x128xf32, #tpu.memory_space<vmem_shared>>
      tpu.wait_dma2 semaphore(%run_scoped3A : memref<!tpu.dma_semaphore, #tpu.memory_space<semaphore_mem>>) src(%dma_wait3A_168 : memref<320x128xf32, #tpu.memory_space<vmem_shared>>) dst(%dma_wait3A_166 : memref<320x128xf32, #tpu.memory_space<hbm>>)
      tpu.yield
    }) : () -> ()
    return
  }
}

#map = affine_map<(d0, d1) -> (0, 0)>
#map1 = affine_map<(d0, d1) -> (0)>
module attributes {stable_mosaic.version = 14 : i64} {
  func.func @body_fn(%arg0: i32, %arg1: i32, %arg2: memref<5000x128xf32, #tpu.memory_space<hbm>>, %arg3: memref<640000xi32, #tpu.memory_space<hbm>>, %arg4: memref<320x128xf32, #tpu.memory_space<hbm>>, %arg5: memref<20480x128xf32, #tpu.memory_space<hbm>>, %arg6: memref<10240x128xf32, #tpu.memory_space<vmem_shared>>, %arg7: memref<160xi32, #tpu.memory_space<vmem>>, %arg8: memref<160xi32, #tpu.memory_space<vmem>>, %arg9: memref<160xi32, #tpu.memory_space<vmem>>, %arg10: memref<80xi32, #tpu.memory_space<vmem>>, %arg11: memref<80xi32, #tpu.memory_space<vmem>>, %arg12: memref<80xi32, #tpu.memory_space<vmem>>, %arg13: memref<80x128xf32, #tpu.memory_space<vmem>>, %arg14: memref<80x128xf32, #tpu.memory_space<vmem>>, %arg15: memref<80x128xf32, #tpu.memory_space<vmem>>, %arg16: memref<!tpu.dma_semaphore, #tpu.memory_space<semaphore_mem>>, %arg17: memref<!tpu.dma_semaphore, #tpu.memory_space<semaphore_mem>>, %arg18: memref<!tpu.dma_semaphore, #tpu.memory_space<semaphore_mem>>, %arg19: memref<!tpu.dma_semaphore, #tpu.memory_space<semaphore_mem>>, %arg20: memref<!tpu.dma_semaphore, #tpu.memory_space<semaphore_mem>>, %arg21: memref<!tpu.dma_semaphore, #tpu.memory_space<semaphore_mem>>, %arg22: memref<!tpu.dma_semaphore, #tpu.memory_space<semaphore_mem>>, %arg23: memref<!tpu.dma_semaphore, #tpu.memory_space<semaphore_mem>>, %arg24: memref<!tpu.dma_semaphore, #tpu.memory_space<semaphore_mem>>) attributes {dimension_semantics = [#tpu.dimension_semantics<core_parallel>, #tpu.dimension_semantics<subcore_parallel>], iteration_bounds = array<i64: 2, 16>, scalar_prefetch = 0 : i64, scratch_operands = 19 : i64, tpu.core_type = #tpu.core_type<sc_vector_subcore>, window_params = [{transform_indices = #map}, {transform_indices = #map1}, {transform_indices = #map}, {transform_indices = #map}]} {
    %mul3A = arith.constant 2 : i32
    %mul3A_0 = arith.muli %arg1, %mul3A : i32
    %add3A = arith.addi %mul3A_0, %arg0 : i32
    %mul3A_1 = arith.constant 125 : i32
    %mul3A_2 = arith.muli %add3A, %mul3A_1 : i32
    %mul3A_3 = arith.constant 640 : i32
    %mul3A_4 = arith.muli %arg1, %mul3A_3 : i32
    %add3A_5 = arith.constant 0 : i32
    %add3A_6 = arith.addi %mul3A_4, %add3A_5 : i32
    "tpu.region"() ({
      %run_scoped3A = tpu.sem_alloc : memref<!tpu.dma_semaphore, #tpu.memory_space<semaphore_mem>>
      %dma_start3A_165 = arith.constant 0 : i32
      %dma_start3A_166 = tpu.memref_slice %arg6[%add3A_6, %dma_start3A_165] : memref<10240x128xf32, #tpu.memory_space<vmem_shared>> -> memref<320x128xf32, #tpu.memory_space<vmem_shared>>
      %dma_start3A_167 = arith.constant 0 : i32
      %dma_start3A_168 = arith.constant 0 : i32
      %dma_start3A_169 = tpu.memref_slice %arg4[%dma_start3A_167, %dma_start3A_168] : memref<320x128xf32, #tpu.memory_space<hbm>> -> memref<320x128xf32, #tpu.memory_space<hbm>>
      tpu.enqueue_dma source(%dma_start3A_169 : memref<320x128xf32, #tpu.memory_space<hbm>>) target(%dma_start3A_166 : memref<320x128xf32, #tpu.memory_space<vmem_shared>>) target_semaphore(%run_scoped3A : memref<!tpu.dma_semaphore, #tpu.memory_space<semaphore_mem>>)
      %dma_wait3A_170 = arith.constant 0 : i32
      %dma_wait3A_171 = tpu.memref_slice %arg6[%add3A_6, %dma_wait3A_170] : memref<10240x128xf32, #tpu.memory_space<vmem_shared>> -> memref<320x128xf32, #tpu.memory_space<vmem_shared>>
      %dma_wait3A_172 = arith.constant 0 : i32
      %dma_wait3A_173 = arith.constant 0 : i32
      %dma_wait3A_174 = tpu.memref_slice %arg4[%dma_wait3A_172, %dma_wait3A_173] : memref<320x128xf32, #tpu.memory_space<hbm>> -> memref<320x128xf32, #tpu.memory_space<hbm>>
      tpu.wait_dma2 semaphore(%run_scoped3A : memref<!tpu.dma_semaphore, #tpu.memory_space<semaphore_mem>>) src(%dma_wait3A_174 : memref<320x128xf32, #tpu.memory_space<hbm>>) dst(%dma_wait3A_171 : memref<320x128xf32, #tpu.memory_space<vmem_shared>>)
      tpu.yield
    }) : () -> ()
    %mul3A_7 = arith.constant 640 : i32
    %mul3A_8 = arith.muli %arg1, %mul3A_7 : i32
    %add3A_9 = arith.constant 320 : i32
    %add3A_10 = arith.addi %mul3A_8, %add3A_9 : i32
    "tpu.region"() ({
      %run_scoped3A = tpu.sem_alloc : memref<!tpu.dma_semaphore, #tpu.memory_space<semaphore_mem>>
      %dma_start3A_165 = arith.constant 0 : i32
      %dma_start3A_166 = tpu.memref_slice %arg6[%add3A_10, %dma_start3A_165] : memref<10240x128xf32, #tpu.memory_space<vmem_shared>> -> memref<320x128xf32, #tpu.memory_space<vmem_shared>>
      %dma_start3A_167 = arith.constant 0 : i32
      %dma_start3A_168 = arith.constant 0 : i32
      %dma_start3A_169 = tpu.memref_slice %arg4[%dma_start3A_167, %dma_start3A_168] : memref<320x128xf32, #tpu.memory_space<hbm>> -> memref<320x128xf32, #tpu.memory_space<hbm>>
      tpu.enqueue_dma source(%dma_start3A_169 : memref<320x128xf32, #tpu.memory_space<hbm>>) target(%dma_start3A_166 : memref<320x128xf32, #tpu.memory_space<vmem_shared>>) target_semaphore(%run_scoped3A : memref<!tpu.dma_semaphore, #tpu.memory_space<semaphore_mem>>)
      %dma_wait3A_170 = arith.constant 0 : i32
      %dma_wait3A_171 = tpu.memref_slice %arg6[%add3A_10, %dma_wait3A_170] : memref<10240x128xf32, #tpu.memory_space<vmem_shared>> -> memref<320x128xf32, #tpu.memory_space<vmem_shared>>
      %dma_wait3A_172 = arith.constant 0 : i32
      %dma_wait3A_173 = arith.constant 0 : i32
      %dma_wait3A_174 = tpu.memref_slice %arg4[%dma_wait3A_172, %dma_wait3A_173] : memref<320x128xf32, #tpu.memory_space<hbm>> -> memref<320x128xf32, #tpu.memory_space<hbm>>
      tpu.wait_dma2 semaphore(%run_scoped3A : memref<!tpu.dma_semaphore, #tpu.memory_space<semaphore_mem>>) src(%dma_wait3A_174 : memref<320x128xf32, #tpu.memory_space<hbm>>) dst(%dma_wait3A_171 : memref<320x128xf32, #tpu.memory_space<vmem_shared>>)
      tpu.yield
    }) : () -> ()
    %barrier3A = arith.constant 0 : index
    tpu.barrier barrier_id(%barrier3A)
    %add3A_11 = arith.constant 0 : i32
    %add3A_12 = arith.addi %mul3A_2, %add3A_11 : i32
    %mul3A_13 = arith.constant 2 : i32
    %mul3A_14 = arith.muli %add3A_12, %mul3A_13 : i32
    %mul3A_15 = arith.constant 80 : i32
    %mul3A_16 = arith.muli %mul3A_14, %mul3A_15 : i32
    %dma_start3A = tpu.memref_slice %arg3[%mul3A_16] : memref<640000xi32, #tpu.memory_space<hbm>> -> memref<160xi32, #tpu.memory_space<hbm>>
    %dma_start3A_17 = tpu.memref_slice %arg3[%mul3A_16] : memref<640000xi32, #tpu.memory_space<hbm>> -> memref<160xi32, #tpu.memory_space<hbm>>
    tpu.enqueue_dma source(%dma_start3A_17 : memref<160xi32, #tpu.memory_space<hbm>>) target(%arg7 : memref<160xi32, #tpu.memory_space<vmem>>) target_semaphore(%arg16 : memref<!tpu.dma_semaphore, #tpu.memory_space<semaphore_mem>>)
    %add3A_18 = arith.constant 1 : i32
    %add3A_19 = arith.addi %mul3A_2, %add3A_18 : i32
    %mul3A_20 = arith.constant 2 : i32
    %mul3A_21 = arith.muli %add3A_19, %mul3A_20 : i32
    %mul3A_22 = arith.constant 80 : i32
    %mul3A_23 = arith.muli %mul3A_21, %mul3A_22 : i32
    %dma_start3A_24 = tpu.memref_slice %arg3[%mul3A_23] : memref<640000xi32, #tpu.memory_space<hbm>> -> memref<160xi32, #tpu.memory_space<hbm>>
    %dma_start3A_25 = tpu.memref_slice %arg3[%mul3A_23] : memref<640000xi32, #tpu.memory_space<hbm>> -> memref<160xi32, #tpu.memory_space<hbm>>
    tpu.enqueue_dma source(%dma_start3A_25 : memref<160xi32, #tpu.memory_space<hbm>>) target(%arg8 : memref<160xi32, #tpu.memory_space<vmem>>) target_semaphore(%arg17 : memref<!tpu.dma_semaphore, #tpu.memory_space<semaphore_mem>>)
    %add3A_26 = arith.constant 2 : i32
    %add3A_27 = arith.addi %mul3A_2, %add3A_26 : i32
    %mul3A_28 = arith.constant 2 : i32
    %mul3A_29 = arith.muli %add3A_27, %mul3A_28 : i32
    %mul3A_30 = arith.constant 80 : i32
    %mul3A_31 = arith.muli %mul3A_29, %mul3A_30 : i32
    %dma_start3A_32 = tpu.memref_slice %arg3[%mul3A_31] : memref<640000xi32, #tpu.memory_space<hbm>> -> memref<160xi32, #tpu.memory_space<hbm>>
    %dma_start3A_33 = tpu.memref_slice %arg3[%mul3A_31] : memref<640000xi32, #tpu.memory_space<hbm>> -> memref<160xi32, #tpu.memory_space<hbm>>
    tpu.enqueue_dma source(%dma_start3A_33 : memref<160xi32, #tpu.memory_space<hbm>>) target(%arg9 : memref<160xi32, #tpu.memory_space<vmem>>) target_semaphore(%arg18 : memref<!tpu.dma_semaphore, #tpu.memory_space<semaphore_mem>>)
    %dma_wait3A = arith.constant 0 : i32
    %dma_wait3A_34 = tpu.memref_slice %arg3[%dma_wait3A] : memref<640000xi32, #tpu.memory_space<hbm>> -> memref<160xi32, #tpu.memory_space<hbm>>
    %dma_wait3A_35 = arith.constant 0 : i32
    %dma_wait3A_36 = tpu.memref_slice %arg3[%dma_wait3A_35] : memref<640000xi32, #tpu.memory_space<hbm>> -> memref<160xi32, #tpu.memory_space<hbm>>
    tpu.wait_dma2 semaphore(%arg16 : memref<!tpu.dma_semaphore, #tpu.memory_space<semaphore_mem>>) src(%dma_wait3A_36 : memref<160xi32, #tpu.memory_space<hbm>>) dst(%arg7 : memref<160xi32, #tpu.memory_space<vmem>>)
    %dma_start3A_37 = arith.constant 0 : i32
    %dma_start3A_38 = tpu.memref_slice %arg7[%dma_start3A_37] : memref<160xi32, #tpu.memory_space<vmem>> -> memref<80xi32, #tpu.memory_space<vmem>>
    %dma_start3A_39 = arith.constant 0 : i32
    %dma_start3A_40 = arith.constant 0 : i32
    %dma_start3A_41 = tpu.memref_slice %arg2[%dma_start3A_39, %dma_start3A_40] : memref<5000x128xf32, #tpu.memory_space<hbm>> -> memref<5000x128xf32, #tpu.memory_space<hbm>>
    tpu.enqueue_indirect_dma source(%dma_start3A_41 : memref<5000x128xf32, #tpu.memory_space<hbm>>) target(%arg13 : memref<80x128xf32, #tpu.memory_space<vmem>>) offsets(%dma_start3A_38 : memref<80xi32, #tpu.memory_space<vmem>>) semaphore(%arg19 : memref<!tpu.dma_semaphore, #tpu.memory_space<semaphore_mem>>)
    %dma_wait3A_42 = arith.constant 0 : i32
    %dma_wait3A_43 = tpu.memref_slice %arg3[%dma_wait3A_42] : memref<640000xi32, #tpu.memory_space<hbm>> -> memref<160xi32, #tpu.memory_space<hbm>>
    %dma_wait3A_44 = arith.constant 0 : i32
    %dma_wait3A_45 = tpu.memref_slice %arg3[%dma_wait3A_44] : memref<640000xi32, #tpu.memory_space<hbm>> -> memref<160xi32, #tpu.memory_space<hbm>>
    tpu.wait_dma2 semaphore(%arg17 : memref<!tpu.dma_semaphore, #tpu.memory_space<semaphore_mem>>) src(%dma_wait3A_45 : memref<160xi32, #tpu.memory_space<hbm>>) dst(%arg8 : memref<160xi32, #tpu.memory_space<vmem>>)
    %dma_start3A_46 = arith.constant 0 : i32
    %dma_start3A_47 = tpu.memref_slice %arg8[%dma_start3A_46] : memref<160xi32, #tpu.memory_space<vmem>> -> memref<80xi32, #tpu.memory_space<vmem>>
    %dma_start3A_48 = arith.constant 0 : i32
    %dma_start3A_49 = arith.constant 0 : i32
    %dma_start3A_50 = tpu.memref_slice %arg2[%dma_start3A_48, %dma_start3A_49] : memref<5000x128xf32, #tpu.memory_space<hbm>> -> memref<5000x128xf32, #tpu.memory_space<hbm>>
    tpu.enqueue_indirect_dma source(%dma_start3A_50 : memref<5000x128xf32, #tpu.memory_space<hbm>>) target(%arg14 : memref<80x128xf32, #tpu.memory_space<vmem>>) offsets(%dma_start3A_47 : memref<80xi32, #tpu.memory_space<vmem>>) semaphore(%arg20 : memref<!tpu.dma_semaphore, #tpu.memory_space<semaphore_mem>>)
    %dma_wait3A_51 = arith.constant 0 : i32
    %dma_wait3A_52 = tpu.memref_slice %arg7[%dma_wait3A_51] : memref<160xi32, #tpu.memory_space<vmem>> -> memref<80xi32, #tpu.memory_space<vmem>>
    %dma_wait3A_53 = arith.constant 0 : i32
    %dma_wait3A_54 = arith.constant 0 : i32
    %dma_wait3A_55 = tpu.memref_slice %arg2[%dma_wait3A_53, %dma_wait3A_54] : memref<5000x128xf32, #tpu.memory_space<hbm>> -> memref<5000x128xf32, #tpu.memory_space<hbm>>
    tpu.wait_indirect_dma semaphore(%arg19 : memref<!tpu.dma_semaphore, #tpu.memory_space<semaphore_mem>>) src(%dma_wait3A_55 : memref<5000x128xf32, #tpu.memory_space<hbm>>) dst(%arg13 : memref<80x128xf32, #tpu.memory_space<vmem>>)
    %get3A = arith.constant 80 : index
    %get3A_56 = tpu.vector_load %arg7[%get3A] {strides = array<i32>} : memref<160xi32, #tpu.memory_space<vmem>>, vector<16xi32>,
    %get3A_57 = vector.shape_cast %get3A_56 : vector<16xi32> to vector<16xi32>
    %swap3A = arith.constant 0 : index
    %swap3A_58 = tpu.vector_load %arg10[%swap3A] {strides = array<i32>} : memref<80xi32, #tpu.memory_space<vmem>>, vector<16xi32>,
    %swap3A_59 = vector.shape_cast %swap3A_58 : vector<16xi32> to vector<16xi32>
    %swap3A_60 = vector.shape_cast %get3A_57 : vector<16xi32> to vector<16xi32>
    tpu.vector_store %arg10[%swap3A], %swap3A_60 {strides = array<i32>} : memref<80xi32, #tpu.memory_space<vmem>>, vector<16xi32>,
    %get3A_61 = arith.constant 96 : index
    %get3A_62 = tpu.vector_load %arg7[%get3A_61] {strides = array<i32>} : memref<160xi32, #tpu.memory_space<vmem>>, vector<16xi32>,
    %get3A_63 = vector.shape_cast %get3A_62 : vector<16xi32> to vector<16xi32>
    %swap3A_64 = arith.constant 16 : index
    %swap3A_65 = tpu.vector_load %arg10[%swap3A_64] {strides = array<i32>} : memref<80xi32, #tpu.memory_space<vmem>>, vector<16xi32>,
    %swap3A_66 = vector.shape_cast %swap3A_65 : vector<16xi32> to vector<16xi32>
    %swap3A_67 = vector.shape_cast %get3A_63 : vector<16xi32> to vector<16xi32>
    tpu.vector_store %arg10[%swap3A_64], %swap3A_67 {strides = array<i32>} : memref<80xi32, #tpu.memory_space<vmem>>, vector<16xi32>,
    %get3A_68 = arith.constant 112 : index
    %get3A_69 = tpu.vector_load %arg7[%get3A_68] {strides = array<i32>} : memref<160xi32, #tpu.memory_space<vmem>>, vector<16xi32>,
    %get3A_70 = vector.shape_cast %get3A_69 : vector<16xi32> to vector<16xi32>
    %swap3A_71 = arith.constant 32 : index
    %swap3A_72 = tpu.vector_load %arg10[%swap3A_71] {strides = array<i32>} : memref<80xi32, #tpu.memory_space<vmem>>, vector<16xi32>,
    %swap3A_73 = vector.shape_cast %swap3A_72 : vector<16xi32> to vector<16xi32>
    %swap3A_74 = vector.shape_cast %get3A_70 : vector<16xi32> to vector<16xi32>
    tpu.vector_store %arg10[%swap3A_71], %swap3A_74 {strides = array<i32>} : memref<80xi32, #tpu.memory_space<vmem>>, vector<16xi32>,
    %get3A_75 = arith.constant 128 : index
    %get3A_76 = tpu.vector_load %arg7[%get3A_75] {strides = array<i32>} : memref<160xi32, #tpu.memory_space<vmem>>, vector<16xi32>,
    %get3A_77 = vector.shape_cast %get3A_76 : vector<16xi32> to vector<16xi32>
    %swap3A_78 = arith.constant 48 : index
    %swap3A_79 = tpu.vector_load %arg10[%swap3A_78] {strides = array<i32>} : memref<80xi32, #tpu.memory_space<vmem>>, vector<16xi32>,
    %swap3A_80 = vector.shape_cast %swap3A_79 : vector<16xi32> to vector<16xi32>
    %swap3A_81 = vector.shape_cast %get3A_77 : vector<16xi32> to vector<16xi32>
    tpu.vector_store %arg10[%swap3A_78], %swap3A_81 {strides = array<i32>} : memref<80xi32, #tpu.memory_space<vmem>>, vector<16xi32>,
    %get3A_82 = arith.constant 144 : index
    %get3A_83 = tpu.vector_load %arg7[%get3A_82] {strides = array<i32>} : memref<160xi32, #tpu.memory_space<vmem>>, vector<16xi32>,
    %get3A_84 = vector.shape_cast %get3A_83 : vector<16xi32> to vector<16xi32>
    %swap3A_85 = arith.constant 64 : index
    %swap3A_86 = tpu.vector_load %arg10[%swap3A_85] {strides = array<i32>} : memref<80xi32, #tpu.memory_space<vmem>>, vector<16xi32>,
    %swap3A_87 = vector.shape_cast %swap3A_86 : vector<16xi32> to vector<16xi32>
    %swap3A_88 = vector.shape_cast %get3A_84 : vector<16xi32> to vector<16xi32>
    tpu.vector_store %arg10[%swap3A_85], %swap3A_88 {strides = array<i32>} : memref<80xi32, #tpu.memory_space<vmem>>, vector<16xi32>,
    %add3A_89 = arith.constant 3 : i32
    %add3A_90 = arith.addi %mul3A_2, %add3A_89 : i32
    %mul3A_91 = arith.constant 2 : i32
    %mul3A_92 = arith.muli %add3A_90, %mul3A_91 : i32
    %mul3A_93 = arith.constant 80 : i32
    %mul3A_94 = arith.muli %mul3A_92, %mul3A_93 : i32
    %dma_start3A_95 = tpu.memref_slice %arg3[%mul3A_94] : memref<640000xi32, #tpu.memory_space<hbm>> -> memref<160xi32, #tpu.memory_space<hbm>>
    %dma_start3A_96 = tpu.memref_slice %arg3[%mul3A_94] : memref<640000xi32, #tpu.memory_space<hbm>> -> memref<160xi32, #tpu.memory_space<hbm>>
    tpu.enqueue_dma source(%dma_start3A_96 : memref<160xi32, #tpu.memory_space<hbm>>) target(%arg7 : memref<160xi32, #tpu.memory_space<vmem>>) target_semaphore(%arg16 : memref<!tpu.dma_semaphore, #tpu.memory_space<semaphore_mem>>)
    %dma_start3A_97 = arith.constant 0 : i32
    %dma_start3A_98 = arith.constant 0 : i32
    %dma_start3A_99 = tpu.memref_slice %arg6[%dma_start3A_97, %dma_start3A_98] : memref<10240x128xf32, #tpu.memory_space<vmem_shared>> -> memref<10240x128xf32, #tpu.memory_space<vmem_shared>>
    tpu.enqueue_indirect_dma source(%arg13 : memref<80x128xf32, #tpu.memory_space<vmem>>) target(%dma_start3A_99 : memref<10240x128xf32, #tpu.memory_space<vmem_shared>>) offsets(%arg10 : memref<80xi32, #tpu.memory_space<vmem>>) semaphore(%arg22 : memref<!tpu.dma_semaphore, #tpu.memory_space<semaphore_mem>>) {add = true}
    %scan3A = arith.constant 0 : i32
    %scan3A_100 = arith.constant 0 : i32
    %scan3A_101 = arith.constant 41 : i32
    %scan3A_102 = arith.addi %scan3A_100, %scan3A_101 : i32
    %scan3A_103 = arith.constant 1 : i32
    scf.for %scan3A_165 = %scan3A_100 to %scan3A_102 step %scan3A_103  : i32 {
      %dma_wait3A_166 = arith.constant 0 : i32
      %dma_wait3A_167 = tpu.memref_slice %arg3[%dma_wait3A_166] : memref<640000xi32, #tpu.memory_space<hbm>> -> memref<160xi32, #tpu.memory_space<hbm>>
      %dma_wait3A_168 = arith.constant 0 : i32
      %dma_wait3A_169 = tpu.memref_slice %arg3[%dma_wait3A_168] : memref<640000xi32, #tpu.memory_space<hbm>> -> memref<160xi32, #tpu.memory_space<hbm>>
      tpu.wait_dma2 semaphore(%arg18 : memref<!tpu.dma_semaphore, #tpu.memory_space<semaphore_mem>>) src(%dma_wait3A_169 : memref<160xi32, #tpu.memory_space<hbm>>) dst(%arg9 : memref<160xi32, #tpu.memory_space<vmem>>)
      %gt3A = arith.constant 0 : i32
      %gt3A_170 = arith.cmpi sgt, %scan3A_165, %gt3A : i32
      %convert_element_type3A = arith.extui %gt3A_170 : i1 to i32
      %cond3A = arith.constant 0 : i32
      %cond3A_171 = arith.cmpi ne, %convert_element_type3A, %cond3A : i32
      scf.if %cond3A_171 {
        %dma_wait3A_350 = arith.constant 0 : i32
        %dma_wait3A_351 = arith.constant 0 : i32
        %dma_wait3A_352 = tpu.memref_slice %arg6[%dma_wait3A_350, %dma_wait3A_351] : memref<10240x128xf32, #tpu.memory_space<vmem_shared>> -> memref<10240x128xf32, #tpu.memory_space<vmem_shared>>
        tpu.wait_indirect_dma semaphore(%arg24 : memref<!tpu.dma_semaphore, #tpu.memory_space<semaphore_mem>>) src(%arg15 : memref<80x128xf32, #tpu.memory_space<vmem>>) dst(%dma_wait3A_352 : memref<10240x128xf32, #tpu.memory_space<vmem_shared>>)
      } else {
      }
      %dma_start3A_172 = arith.constant 0 : i32
      %dma_start3A_173 = tpu.memref_slice %arg9[%dma_start3A_172] : memref<160xi32, #tpu.memory_space<vmem>> -> memref<80xi32, #tpu.memory_space<vmem>>
      %dma_start3A_174 = arith.constant 0 : i32
      %dma_start3A_175 = arith.constant 0 : i32
      %dma_start3A_176 = tpu.memref_slice %arg2[%dma_start3A_174, %dma_start3A_175] : memref<5000x128xf32, #tpu.memory_space<hbm>> -> memref<5000x128xf32, #tpu.memory_space<hbm>>
      tpu.enqueue_indirect_dma source(%dma_start3A_176 : memref<5000x128xf32, #tpu.memory_space<hbm>>) target(%arg15 : memref<80x128xf32, #tpu.memory_space<vmem>>) offsets(%dma_start3A_173 : memref<80xi32, #tpu.memory_space<vmem>>) semaphore(%arg21 : memref<!tpu.dma_semaphore, #tpu.memory_space<semaphore_mem>>)
      %dma_wait3A_177 = arith.constant 0 : i32
      %dma_wait3A_178 = tpu.memref_slice %arg8[%dma_wait3A_177] : memref<160xi32, #tpu.memory_space<vmem>> -> memref<80xi32, #tpu.memory_space<vmem>>
      %dma_wait3A_179 = arith.constant 0 : i32
      %dma_wait3A_180 = arith.constant 0 : i32
      %dma_wait3A_181 = tpu.memref_slice %arg2[%dma_wait3A_179, %dma_wait3A_180] : memref<5000x128xf32, #tpu.memory_space<hbm>> -> memref<5000x128xf32, #tpu.memory_space<hbm>>
      tpu.wait_indirect_dma semaphore(%arg20 : memref<!tpu.dma_semaphore, #tpu.memory_space<semaphore_mem>>) src(%dma_wait3A_181 : memref<5000x128xf32, #tpu.memory_space<hbm>>) dst(%arg14 : memref<80x128xf32, #tpu.memory_space<vmem>>)
      %get3A_182 = arith.constant 80 : index
      %get3A_183 = tpu.vector_load %arg8[%get3A_182] {strides = array<i32>} : memref<160xi32, #tpu.memory_space<vmem>>, vector<16xi32>,
      %get3A_184 = vector.shape_cast %get3A_183 : vector<16xi32> to vector<16xi32>
      %swap3A_185 = arith.constant 0 : index
      %swap3A_186 = tpu.vector_load %arg11[%swap3A_185] {strides = array<i32>} : memref<80xi32, #tpu.memory_space<vmem>>, vector<16xi32>,
      %swap3A_187 = vector.shape_cast %swap3A_186 : vector<16xi32> to vector<16xi32>
      %swap3A_188 = vector.shape_cast %get3A_184 : vector<16xi32> to vector<16xi32>
      tpu.vector_store %arg11[%swap3A_185], %swap3A_188 {strides = array<i32>} : memref<80xi32, #tpu.memory_space<vmem>>, vector<16xi32>,
      %get3A_189 = arith.constant 96 : index
      %get3A_190 = tpu.vector_load %arg8[%get3A_189] {strides = array<i32>} : memref<160xi32, #tpu.memory_space<vmem>>, vector<16xi32>,
      %get3A_191 = vector.shape_cast %get3A_190 : vector<16xi32> to vector<16xi32>
      %swap3A_192 = arith.constant 16 : index
      %swap3A_193 = tpu.vector_load %arg11[%swap3A_192] {strides = array<i32>} : memref<80xi32, #tpu.memory_space<vmem>>, vector<16xi32>,
      %swap3A_194 = vector.shape_cast %swap3A_193 : vector<16xi32> to vector<16xi32>
      %swap3A_195 = vector.shape_cast %get3A_191 : vector<16xi32> to vector<16xi32>
      tpu.vector_store %arg11[%swap3A_192], %swap3A_195 {strides = array<i32>} : memref<80xi32, #tpu.memory_space<vmem>>, vector<16xi32>,
      %get3A_196 = arith.constant 112 : index
      %get3A_197 = tpu.vector_load %arg8[%get3A_196] {strides = array<i32>} : memref<160xi32, #tpu.memory_space<vmem>>, vector<16xi32>,
      %get3A_198 = vector.shape_cast %get3A_197 : vector<16xi32> to vector<16xi32>
      %swap3A_199 = arith.constant 32 : index
      %swap3A_200 = tpu.vector_load %arg11[%swap3A_199] {strides = array<i32>} : memref<80xi32, #tpu.memory_space<vmem>>, vector<16xi32>,
      %swap3A_201 = vector.shape_cast %swap3A_200 : vector<16xi32> to vector<16xi32>
      %swap3A_202 = vector.shape_cast %get3A_198 : vector<16xi32> to vector<16xi32>
      tpu.vector_store %arg11[%swap3A_199], %swap3A_202 {strides = array<i32>} : memref<80xi32, #tpu.memory_space<vmem>>, vector<16xi32>,
      %get3A_203 = arith.constant 128 : index
      %get3A_204 = tpu.vector_load %arg8[%get3A_203] {strides = array<i32>} : memref<160xi32, #tpu.memory_space<vmem>>, vector<16xi32>,
      %get3A_205 = vector.shape_cast %get3A_204 : vector<16xi32> to vector<16xi32>
      %swap3A_206 = arith.constant 48 : index
      %swap3A_207 = tpu.vector_load %arg11[%swap3A_206] {strides = array<i32>} : memref<80xi32, #tpu.memory_space<vmem>>, vector<16xi32>,
      %swap3A_208 = vector.shape_cast %swap3A_207 : vector<16xi32> to vector<16xi32>
      %swap3A_209 = vector.shape_cast %get3A_205 : vector<16xi32> to vector<16xi32>
      tpu.vector_store %arg11[%swap3A_206], %swap3A_209 {strides = array<i32>} : memref<80xi32, #tpu.memory_space<vmem>>, vector<16xi32>,
      %get3A_210 = arith.constant 144 : index
      %get3A_211 = tpu.vector_load %arg8[%get3A_210] {strides = array<i32>} : memref<160xi32, #tpu.memory_space<vmem>>, vector<16xi32>,
      %get3A_212 = vector.shape_cast %get3A_211 : vector<16xi32> to vector<16xi32>
      %swap3A_213 = arith.constant 64 : index
      %swap3A_214 = tpu.vector_load %arg11[%swap3A_213] {strides = array<i32>} : memref<80xi32, #tpu.memory_space<vmem>>, vector<16xi32>,
      %swap3A_215 = vector.shape_cast %swap3A_214 : vector<16xi32> to vector<16xi32>
      %swap3A_216 = vector.shape_cast %get3A_212 : vector<16xi32> to vector<16xi32>
      tpu.vector_store %arg11[%swap3A_213], %swap3A_216 {strides = array<i32>} : memref<80xi32, #tpu.memory_space<vmem>>, vector<16xi32>,
      %mul3A_217 = arith.constant 3 : i32
      %mul3A_218 = arith.muli %mul3A_217, %scan3A_165 : i32
      %add3A_219 = arith.constant 4 : i32
      %add3A_220 = arith.addi %mul3A_218, %add3A_219 : i32
      %add3A_221 = arith.addi %mul3A_2, %add3A_220 : i32
      %mul3A_222 = arith.constant 2 : i32
      %mul3A_223 = arith.muli %add3A_221, %mul3A_222 : i32
      %mul3A_224 = arith.constant 80 : i32
      %mul3A_225 = arith.muli %mul3A_223, %mul3A_224 : i32
      %dma_start3A_226 = tpu.memref_slice %arg3[%mul3A_225] : memref<640000xi32, #tpu.memory_space<hbm>> -> memref<160xi32, #tpu.memory_space<hbm>>
      %dma_start3A_227 = tpu.memref_slice %arg3[%mul3A_225] : memref<640000xi32, #tpu.memory_space<hbm>> -> memref<160xi32, #tpu.memory_space<hbm>>
      tpu.enqueue_dma source(%dma_start3A_227 : memref<160xi32, #tpu.memory_space<hbm>>) target(%arg8 : memref<160xi32, #tpu.memory_space<vmem>>) target_semaphore(%arg17 : memref<!tpu.dma_semaphore, #tpu.memory_space<semaphore_mem>>)
      %dma_start3A_228 = arith.constant 0 : i32
      %dma_start3A_229 = arith.constant 0 : i32
      %dma_start3A_230 = tpu.memref_slice %arg6[%dma_start3A_228, %dma_start3A_229] : memref<10240x128xf32, #tpu.memory_space<vmem_shared>> -> memref<10240x128xf32, #tpu.memory_space<vmem_shared>>
      tpu.enqueue_indirect_dma source(%arg14 : memref<80x128xf32, #tpu.memory_space<vmem>>) target(%dma_start3A_230 : memref<10240x128xf32, #tpu.memory_space<vmem_shared>>) offsets(%arg11 : memref<80xi32, #tpu.memory_space<vmem>>) semaphore(%arg23 : memref<!tpu.dma_semaphore, #tpu.memory_space<semaphore_mem>>) {add = true}
      %dma_wait3A_231 = arith.constant 0 : i32
      %dma_wait3A_232 = tpu.memref_slice %arg3[%dma_wait3A_231] : memref<640000xi32, #tpu.memory_space<hbm>> -> memref<160xi32, #tpu.memory_space<hbm>>
      %dma_wait3A_233 = arith.constant 0 : i32
      %dma_wait3A_234 = tpu.memref_slice %arg3[%dma_wait3A_233] : memref<640000xi32, #tpu.memory_space<hbm>> -> memref<160xi32, #tpu.memory_space<hbm>>
      tpu.wait_dma2 semaphore(%arg16 : memref<!tpu.dma_semaphore, #tpu.memory_space<semaphore_mem>>) src(%dma_wait3A_234 : memref<160xi32, #tpu.memory_space<hbm>>) dst(%arg7 : memref<160xi32, #tpu.memory_space<vmem>>)
      %dma_wait3A_235 = arith.constant 0 : i32
      %dma_wait3A_236 = arith.constant 0 : i32
      %dma_wait3A_237 = tpu.memref_slice %arg6[%dma_wait3A_235, %dma_wait3A_236] : memref<10240x128xf32, #tpu.memory_space<vmem_shared>> -> memref<10240x128xf32, #tpu.memory_space<vmem_shared>>
      tpu.wait_indirect_dma semaphore(%arg22 : memref<!tpu.dma_semaphore, #tpu.memory_space<semaphore_mem>>) src(%arg13 : memref<80x128xf32, #tpu.memory_space<vmem>>) dst(%dma_wait3A_237 : memref<10240x128xf32, #tpu.memory_space<vmem_shared>>)
      %dma_start3A_238 = arith.constant 0 : i32
      %dma_start3A_239 = tpu.memref_slice %arg7[%dma_start3A_238] : memref<160xi32, #tpu.memory_space<vmem>> -> memref<80xi32, #tpu.memory_space<vmem>>
      %dma_start3A_240 = arith.constant 0 : i32
      %dma_start3A_241 = arith.constant 0 : i32
      %dma_start3A_242 = tpu.memref_slice %arg2[%dma_start3A_240, %dma_start3A_241] : memref<5000x128xf32, #tpu.memory_space<hbm>> -> memref<5000x128xf32, #tpu.memory_space<hbm>>
      tpu.enqueue_indirect_dma source(%dma_start3A_242 : memref<5000x128xf32, #tpu.memory_space<hbm>>) target(%arg13 : memref<80x128xf32, #tpu.memory_space<vmem>>) offsets(%dma_start3A_239 : memref<80xi32, #tpu.memory_space<vmem>>) semaphore(%arg19 : memref<!tpu.dma_semaphore, #tpu.memory_space<semaphore_mem>>)
      %dma_wait3A_243 = arith.constant 0 : i32
      %dma_wait3A_244 = tpu.memref_slice %arg9[%dma_wait3A_243] : memref<160xi32, #tpu.memory_space<vmem>> -> memref<80xi32, #tpu.memory_space<vmem>>
      %dma_wait3A_245 = arith.constant 0 : i32
      %dma_wait3A_246 = arith.constant 0 : i32
      %dma_wait3A_247 = tpu.memref_slice %arg2[%dma_wait3A_245, %dma_wait3A_246] : memref<5000x128xf32, #tpu.memory_space<hbm>> -> memref<5000x128xf32, #tpu.memory_space<hbm>>
      tpu.wait_indirect_dma semaphore(%arg21 : memref<!tpu.dma_semaphore, #tpu.memory_space<semaphore_mem>>) src(%dma_wait3A_247 : memref<5000x128xf32, #tpu.memory_space<hbm>>) dst(%arg15 : memref<80x128xf32, #tpu.memory_space<vmem>>)
      %get3A_248 = arith.constant 80 : index
      %get3A_249 = tpu.vector_load %arg9[%get3A_248] {strides = array<i32>} : memref<160xi32, #tpu.memory_space<vmem>>, vector<16xi32>,
      %get3A_250 = vector.shape_cast %get3A_249 : vector<16xi32> to vector<16xi32>
      %swap3A_251 = arith.constant 0 : index
      %swap3A_252 = tpu.vector_load %arg12[%swap3A_251] {strides = array<i32>} : memref<80xi32, #tpu.memory_space<vmem>>, vector<16xi32>,
      %swap3A_253 = vector.shape_cast %swap3A_252 : vector<16xi32> to vector<16xi32>
      %swap3A_254 = vector.shape_cast %get3A_250 : vector<16xi32> to vector<16xi32>
      tpu.vector_store %arg12[%swap3A_251], %swap3A_254 {strides = array<i32>} : memref<80xi32, #tpu.memory_space<vmem>>, vector<16xi32>,
      %get3A_255 = arith.constant 96 : index
      %get3A_256 = tpu.vector_load %arg9[%get3A_255] {strides = array<i32>} : memref<160xi32, #tpu.memory_space<vmem>>, vector<16xi32>,
      %get3A_257 = vector.shape_cast %get3A_256 : vector<16xi32> to vector<16xi32>
      %swap3A_258 = arith.constant 16 : index
      %swap3A_259 = tpu.vector_load %arg12[%swap3A_258] {strides = array<i32>} : memref<80xi32, #tpu.memory_space<vmem>>, vector<16xi32>,
      %swap3A_260 = vector.shape_cast %swap3A_259 : vector<16xi32> to vector<16xi32>
      %swap3A_261 = vector.shape_cast %get3A_257 : vector<16xi32> to vector<16xi32>
      tpu.vector_store %arg12[%swap3A_258], %swap3A_261 {strides = array<i32>} : memref<80xi32, #tpu.memory_space<vmem>>, vector<16xi32>,
      %get3A_262 = arith.constant 112 : index
      %get3A_263 = tpu.vector_load %arg9[%get3A_262] {strides = array<i32>} : memref<160xi32, #tpu.memory_space<vmem>>, vector<16xi32>,
      %get3A_264 = vector.shape_cast %get3A_263 : vector<16xi32> to vector<16xi32>
      %swap3A_265 = arith.constant 32 : index
      %swap3A_266 = tpu.vector_load %arg12[%swap3A_265] {strides = array<i32>} : memref<80xi32, #tpu.memory_space<vmem>>, vector<16xi32>,
      %swap3A_267 = vector.shape_cast %swap3A_266 : vector<16xi32> to vector<16xi32>
      %swap3A_268 = vector.shape_cast %get3A_264 : vector<16xi32> to vector<16xi32>
      tpu.vector_store %arg12[%swap3A_265], %swap3A_268 {strides = array<i32>} : memref<80xi32, #tpu.memory_space<vmem>>, vector<16xi32>,
      %get3A_269 = arith.constant 128 : index
      %get3A_270 = tpu.vector_load %arg9[%get3A_269] {strides = array<i32>} : memref<160xi32, #tpu.memory_space<vmem>>, vector<16xi32>,
      %get3A_271 = vector.shape_cast %get3A_270 : vector<16xi32> to vector<16xi32>
      %swap3A_272 = arith.constant 48 : index
      %swap3A_273 = tpu.vector_load %arg12[%swap3A_272] {strides = array<i32>} : memref<80xi32, #tpu.memory_space<vmem>>, vector<16xi32>,
      %swap3A_274 = vector.shape_cast %swap3A_273 : vector<16xi32> to vector<16xi32>
      %swap3A_275 = vector.shape_cast %get3A_271 : vector<16xi32> to vector<16xi32>
      tpu.vector_store %arg12[%swap3A_272], %swap3A_275 {strides = array<i32>} : memref<80xi32, #tpu.memory_space<vmem>>, vector<16xi32>,
      %get3A_276 = arith.constant 144 : index
      %get3A_277 = tpu.vector_load %arg9[%get3A_276] {strides = array<i32>} : memref<160xi32, #tpu.memory_space<vmem>>, vector<16xi32>,
      %get3A_278 = vector.shape_cast %get3A_277 : vector<16xi32> to vector<16xi32>
      %swap3A_279 = arith.constant 64 : index
      %swap3A_280 = tpu.vector_load %arg12[%swap3A_279] {strides = array<i32>} : memref<80xi32, #tpu.memory_space<vmem>>, vector<16xi32>,
      %swap3A_281 = vector.shape_cast %swap3A_280 : vector<16xi32> to vector<16xi32>
      %swap3A_282 = vector.shape_cast %get3A_278 : vector<16xi32> to vector<16xi32>
      tpu.vector_store %arg12[%swap3A_279], %swap3A_282 {strides = array<i32>} : memref<80xi32, #tpu.memory_space<vmem>>, vector<16xi32>,
      %lt3A = arith.constant 40 : i32
      %lt3A_283 = arith.cmpi slt, %scan3A_165, %lt3A : i32
      %convert_element_type3A_284 = arith.extui %lt3A_283 : i1 to i32
      %cond3A_285 = arith.constant 0 : i32
      %cond3A_286 = arith.cmpi ne, %convert_element_type3A_284, %cond3A_285 : i32
      scf.if %cond3A_286 {
        %mul3A_350 = arith.constant 3 : i32
        %mul3A_351 = arith.muli %mul3A_350, %scan3A_165 : i32
        %add3A_352 = arith.constant 5 : i32
        %add3A_353 = arith.addi %mul3A_351, %add3A_352 : i32
        %add3A_354 = arith.addi %mul3A_2, %add3A_353 : i32
        %mul3A_355 = arith.constant 2 : i32
        %mul3A_356 = arith.muli %add3A_354, %mul3A_355 : i32
        %mul3A_357 = arith.constant 80 : i32
        %mul3A_358 = arith.muli %mul3A_356, %mul3A_357 : i32
        %dma_start3A_359 = tpu.memref_slice %arg3[%mul3A_358] : memref<640000xi32, #tpu.memory_space<hbm>> -> memref<160xi32, #tpu.memory_space<hbm>>
        %dma_start3A_360 = tpu.memref_slice %arg3[%mul3A_358] : memref<640000xi32, #tpu.memory_space<hbm>> -> memref<160xi32, #tpu.memory_space<hbm>>
        tpu.enqueue_dma source(%dma_start3A_360 : memref<160xi32, #tpu.memory_space<hbm>>) target(%arg9 : memref<160xi32, #tpu.memory_space<vmem>>) target_semaphore(%arg18 : memref<!tpu.dma_semaphore, #tpu.memory_space<semaphore_mem>>)
      } else {
      }
      %dma_start3A_287 = arith.constant 0 : i32
      %dma_start3A_288 = arith.constant 0 : i32
      %dma_start3A_289 = tpu.memref_slice %arg6[%dma_start3A_287, %dma_start3A_288] : memref<10240x128xf32, #tpu.memory_space<vmem_shared>> -> memref<10240x128xf32, #tpu.memory_space<vmem_shared>>
      tpu.enqueue_indirect_dma source(%arg15 : memref<80x128xf32, #tpu.memory_space<vmem>>) target(%dma_start3A_289 : memref<10240x128xf32, #tpu.memory_space<vmem_shared>>) offsets(%arg12 : memref<80xi32, #tpu.memory_space<vmem>>) semaphore(%arg24 : memref<!tpu.dma_semaphore, #tpu.memory_space<semaphore_mem>>) {add = true}
      %dma_wait3A_290 = arith.constant 0 : i32
      %dma_wait3A_291 = tpu.memref_slice %arg3[%dma_wait3A_290] : memref<640000xi32, #tpu.memory_space<hbm>> -> memref<160xi32, #tpu.memory_space<hbm>>
      %dma_wait3A_292 = arith.constant 0 : i32
      %dma_wait3A_293 = tpu.memref_slice %arg3[%dma_wait3A_292] : memref<640000xi32, #tpu.memory_space<hbm>> -> memref<160xi32, #tpu.memory_space<hbm>>
      tpu.wait_dma2 semaphore(%arg17 : memref<!tpu.dma_semaphore, #tpu.memory_space<semaphore_mem>>) src(%dma_wait3A_293 : memref<160xi32, #tpu.memory_space<hbm>>) dst(%arg8 : memref<160xi32, #tpu.memory_space<vmem>>)
      %dma_wait3A_294 = arith.constant 0 : i32
      %dma_wait3A_295 = arith.constant 0 : i32
      %dma_wait3A_296 = tpu.memref_slice %arg6[%dma_wait3A_294, %dma_wait3A_295] : memref<10240x128xf32, #tpu.memory_space<vmem_shared>> -> memref<10240x128xf32, #tpu.memory_space<vmem_shared>>
      tpu.wait_indirect_dma semaphore(%arg23 : memref<!tpu.dma_semaphore, #tpu.memory_space<semaphore_mem>>) src(%arg14 : memref<80x128xf32, #tpu.memory_space<vmem>>) dst(%dma_wait3A_296 : memref<10240x128xf32, #tpu.memory_space<vmem_shared>>)
      %dma_start3A_297 = arith.constant 0 : i32
      %dma_start3A_298 = tpu.memref_slice %arg8[%dma_start3A_297] : memref<160xi32, #tpu.memory_space<vmem>> -> memref<80xi32, #tpu.memory_space<vmem>>
      %dma_start3A_299 = arith.constant 0 : i32
      %dma_start3A_300 = arith.constant 0 : i32
      %dma_start3A_301 = tpu.memref_slice %arg2[%dma_start3A_299, %dma_start3A_300] : memref<5000x128xf32, #tpu.memory_space<hbm>> -> memref<5000x128xf32, #tpu.memory_space<hbm>>
      tpu.enqueue_indirect_dma source(%dma_start3A_301 : memref<5000x128xf32, #tpu.memory_space<hbm>>) target(%arg14 : memref<80x128xf32, #tpu.memory_space<vmem>>) offsets(%dma_start3A_298 : memref<80xi32, #tpu.memory_space<vmem>>) semaphore(%arg20 : memref<!tpu.dma_semaphore, #tpu.memory_space<semaphore_mem>>)
      %dma_wait3A_302 = arith.constant 0 : i32
      %dma_wait3A_303 = tpu.memref_slice %arg7[%dma_wait3A_302] : memref<160xi32, #tpu.memory_space<vmem>> -> memref<80xi32, #tpu.memory_space<vmem>>
      %dma_wait3A_304 = arith.constant 0 : i32
      %dma_wait3A_305 = arith.constant 0 : i32
      %dma_wait3A_306 = tpu.memref_slice %arg2[%dma_wait3A_304, %dma_wait3A_305] : memref<5000x128xf32, #tpu.memory_space<hbm>> -> memref<5000x128xf32, #tpu.memory_space<hbm>>
      tpu.wait_indirect_dma semaphore(%arg19 : memref<!tpu.dma_semaphore, #tpu.memory_space<semaphore_mem>>) src(%dma_wait3A_306 : memref<5000x128xf32, #tpu.memory_space<hbm>>) dst(%arg13 : memref<80x128xf32, #tpu.memory_space<vmem>>)
      %get3A_307 = arith.constant 80 : index
      %get3A_308 = tpu.vector_load %arg7[%get3A_307] {strides = array<i32>} : memref<160xi32, #tpu.memory_space<vmem>>, vector<16xi32>,
      %get3A_309 = vector.shape_cast %get3A_308 : vector<16xi32> to vector<16xi32>
      %swap3A_310 = arith.constant 0 : index
      %swap3A_311 = tpu.vector_load %arg10[%swap3A_310] {strides = array<i32>} : memref<80xi32, #tpu.memory_space<vmem>>, vector<16xi32>,
      %swap3A_312 = vector.shape_cast %swap3A_311 : vector<16xi32> to vector<16xi32>
      %swap3A_313 = vector.shape_cast %get3A_309 : vector<16xi32> to vector<16xi32>
      tpu.vector_store %arg10[%swap3A_310], %swap3A_313 {strides = array<i32>} : memref<80xi32, #tpu.memory_space<vmem>>, vector<16xi32>,
      %get3A_314 = arith.constant 96 : index
      %get3A_315 = tpu.vector_load %arg7[%get3A_314] {strides = array<i32>} : memref<160xi32, #tpu.memory_space<vmem>>, vector<16xi32>,
      %get3A_316 = vector.shape_cast %get3A_315 : vector<16xi32> to vector<16xi32>
      %swap3A_317 = arith.constant 16 : index
      %swap3A_318 = tpu.vector_load %arg10[%swap3A_317] {strides = array<i32>} : memref<80xi32, #tpu.memory_space<vmem>>, vector<16xi32>,
      %swap3A_319 = vector.shape_cast %swap3A_318 : vector<16xi32> to vector<16xi32>
      %swap3A_320 = vector.shape_cast %get3A_316 : vector<16xi32> to vector<16xi32>
      tpu.vector_store %arg10[%swap3A_317], %swap3A_320 {strides = array<i32>} : memref<80xi32, #tpu.memory_space<vmem>>, vector<16xi32>,
      %get3A_321 = arith.constant 112 : index
      %get3A_322 = tpu.vector_load %arg7[%get3A_321] {strides = array<i32>} : memref<160xi32, #tpu.memory_space<vmem>>, vector<16xi32>,
      %get3A_323 = vector.shape_cast %get3A_322 : vector<16xi32> to vector<16xi32>
      %swap3A_324 = arith.constant 32 : index
      %swap3A_325 = tpu.vector_load %arg10[%swap3A_324] {strides = array<i32>} : memref<80xi32, #tpu.memory_space<vmem>>, vector<16xi32>,
      %swap3A_326 = vector.shape_cast %swap3A_325 : vector<16xi32> to vector<16xi32>
      %swap3A_327 = vector.shape_cast %get3A_323 : vector<16xi32> to vector<16xi32>
      tpu.vector_store %arg10[%swap3A_324], %swap3A_327 {strides = array<i32>} : memref<80xi32, #tpu.memory_space<vmem>>, vector<16xi32>,
      %get3A_328 = arith.constant 128 : index
      %get3A_329 = tpu.vector_load %arg7[%get3A_328] {strides = array<i32>} : memref<160xi32, #tpu.memory_space<vmem>>, vector<16xi32>,
      %get3A_330 = vector.shape_cast %get3A_329 : vector<16xi32> to vector<16xi32>
      %swap3A_331 = arith.constant 48 : index
      %swap3A_332 = tpu.vector_load %arg10[%swap3A_331] {strides = array<i32>} : memref<80xi32, #tpu.memory_space<vmem>>, vector<16xi32>,
      %swap3A_333 = vector.shape_cast %swap3A_332 : vector<16xi32> to vector<16xi32>
      %swap3A_334 = vector.shape_cast %get3A_330 : vector<16xi32> to vector<16xi32>
      tpu.vector_store %arg10[%swap3A_331], %swap3A_334 {strides = array<i32>} : memref<80xi32, #tpu.memory_space<vmem>>, vector<16xi32>,
      %get3A_335 = arith.constant 144 : index
      %get3A_336 = tpu.vector_load %arg7[%get3A_335] {strides = array<i32>} : memref<160xi32, #tpu.memory_space<vmem>>, vector<16xi32>,
      %get3A_337 = vector.shape_cast %get3A_336 : vector<16xi32> to vector<16xi32>
      %swap3A_338 = arith.constant 64 : index
      %swap3A_339 = tpu.vector_load %arg10[%swap3A_338] {strides = array<i32>} : memref<80xi32, #tpu.memory_space<vmem>>, vector<16xi32>,
      %swap3A_340 = vector.shape_cast %swap3A_339 : vector<16xi32> to vector<16xi32>
      %swap3A_341 = vector.shape_cast %get3A_337 : vector<16xi32> to vector<16xi32>
      tpu.vector_store %arg10[%swap3A_338], %swap3A_341 {strides = array<i32>} : memref<80xi32, #tpu.memory_space<vmem>>, vector<16xi32>,
      %lt3A_342 = arith.constant 40 : i32
      %lt3A_343 = arith.cmpi slt, %scan3A_165, %lt3A_342 : i32
      %convert_element_type3A_344 = arith.extui %lt3A_343 : i1 to i32
      %cond3A_345 = arith.constant 0 : i32
      %cond3A_346 = arith.cmpi ne, %convert_element_type3A_344, %cond3A_345 : i32
      scf.if %cond3A_346 {
        %mul3A_350 = arith.constant 3 : i32
        %mul3A_351 = arith.muli %mul3A_350, %scan3A_165 : i32
        %add3A_352 = arith.constant 6 : i32
        %add3A_353 = arith.addi %mul3A_351, %add3A_352 : i32
        %add3A_354 = arith.addi %mul3A_2, %add3A_353 : i32
        %mul3A_355 = arith.constant 2 : i32
        %mul3A_356 = arith.muli %add3A_354, %mul3A_355 : i32
        %mul3A_357 = arith.constant 80 : i32
        %mul3A_358 = arith.muli %mul3A_356, %mul3A_357 : i32
        %dma_start3A_359 = tpu.memref_slice %arg3[%mul3A_358] : memref<640000xi32, #tpu.memory_space<hbm>> -> memref<160xi32, #tpu.memory_space<hbm>>
        %dma_start3A_360 = tpu.memref_slice %arg3[%mul3A_358] : memref<640000xi32, #tpu.memory_space<hbm>> -> memref<160xi32, #tpu.memory_space<hbm>>
        tpu.enqueue_dma source(%dma_start3A_360 : memref<160xi32, #tpu.memory_space<hbm>>) target(%arg7 : memref<160xi32, #tpu.memory_space<vmem>>) target_semaphore(%arg16 : memref<!tpu.dma_semaphore, #tpu.memory_space<semaphore_mem>>)
      } else {
      }
      %dma_start3A_347 = arith.constant 0 : i32
      %dma_start3A_348 = arith.constant 0 : i32
      %dma_start3A_349 = tpu.memref_slice %arg6[%dma_start3A_347, %dma_start3A_348] : memref<10240x128xf32, #tpu.memory_space<vmem_shared>> -> memref<10240x128xf32, #tpu.memory_space<vmem_shared>>
      tpu.enqueue_indirect_dma source(%arg13 : memref<80x128xf32, #tpu.memory_space<vmem>>) target(%dma_start3A_349 : memref<10240x128xf32, #tpu.memory_space<vmem_shared>>) offsets(%arg10 : memref<80xi32, #tpu.memory_space<vmem>>) semaphore(%arg22 : memref<!tpu.dma_semaphore, #tpu.memory_space<semaphore_mem>>) {add = true}
    }
    %scan3A_104 = arith.constant 41 : i32
    %dma_wait3A_105 = arith.constant 0 : i32
    %dma_wait3A_106 = tpu.memref_slice %arg8[%dma_wait3A_105] : memref<160xi32, #tpu.memory_space<vmem>> -> memref<80xi32, #tpu.memory_space<vmem>>
    %dma_wait3A_107 = arith.constant 0 : i32
    %dma_wait3A_108 = arith.constant 0 : i32
    %dma_wait3A_109 = tpu.memref_slice %arg2[%dma_wait3A_107, %dma_wait3A_108] : memref<5000x128xf32, #tpu.memory_space<hbm>> -> memref<5000x128xf32, #tpu.memory_space<hbm>>
    tpu.wait_indirect_dma semaphore(%arg20 : memref<!tpu.dma_semaphore, #tpu.memory_space<semaphore_mem>>) src(%dma_wait3A_109 : memref<5000x128xf32, #tpu.memory_space<hbm>>) dst(%arg14 : memref<80x128xf32, #tpu.memory_space<vmem>>)
    %get3A_110 = arith.constant 80 : index
    %get3A_111 = tpu.vector_load %arg8[%get3A_110] {strides = array<i32>} : memref<160xi32, #tpu.memory_space<vmem>>, vector<16xi32>,
    %get3A_112 = vector.shape_cast %get3A_111 : vector<16xi32> to vector<16xi32>
    %swap3A_113 = arith.constant 0 : index
    %swap3A_114 = tpu.vector_load %arg11[%swap3A_113] {strides = array<i32>} : memref<80xi32, #tpu.memory_space<vmem>>, vector<16xi32>,
    %swap3A_115 = vector.shape_cast %swap3A_114 : vector<16xi32> to vector<16xi32>
    %swap3A_116 = vector.shape_cast %get3A_112 : vector<16xi32> to vector<16xi32>
    tpu.vector_store %arg11[%swap3A_113], %swap3A_116 {strides = array<i32>} : memref<80xi32, #tpu.memory_space<vmem>>, vector<16xi32>,
    %get3A_117 = arith.constant 96 : index
    %get3A_118 = tpu.vector_load %arg8[%get3A_117] {strides = array<i32>} : memref<160xi32, #tpu.memory_space<vmem>>, vector<16xi32>,
    %get3A_119 = vector.shape_cast %get3A_118 : vector<16xi32> to vector<16xi32>
    %swap3A_120 = arith.constant 16 : index
    %swap3A_121 = tpu.vector_load %arg11[%swap3A_120] {strides = array<i32>} : memref<80xi32, #tpu.memory_space<vmem>>, vector<16xi32>,
    %swap3A_122 = vector.shape_cast %swap3A_121 : vector<16xi32> to vector<16xi32>
    %swap3A_123 = vector.shape_cast %get3A_119 : vector<16xi32> to vector<16xi32>
    tpu.vector_store %arg11[%swap3A_120], %swap3A_123 {strides = array<i32>} : memref<80xi32, #tpu.memory_space<vmem>>, vector<16xi32>,
    %get3A_124 = arith.constant 112 : index
    %get3A_125 = tpu.vector_load %arg8[%get3A_124] {strides = array<i32>} : memref<160xi32, #tpu.memory_space<vmem>>, vector<16xi32>,
    %get3A_126 = vector.shape_cast %get3A_125 : vector<16xi32> to vector<16xi32>
    %swap3A_127 = arith.constant 32 : index
    %swap3A_128 = tpu.vector_load %arg11[%swap3A_127] {strides = array<i32>} : memref<80xi32, #tpu.memory_space<vmem>>, vector<16xi32>,
    %swap3A_129 = vector.shape_cast %swap3A_128 : vector<16xi32> to vector<16xi32>
    %swap3A_130 = vector.shape_cast %get3A_126 : vector<16xi32> to vector<16xi32>
    tpu.vector_store %arg11[%swap3A_127], %swap3A_130 {strides = array<i32>} : memref<80xi32, #tpu.memory_space<vmem>>, vector<16xi32>,
    %get3A_131 = arith.constant 128 : index
    %get3A_132 = tpu.vector_load %arg8[%get3A_131] {strides = array<i32>} : memref<160xi32, #tpu.memory_space<vmem>>, vector<16xi32>,
    %get3A_133 = vector.shape_cast %get3A_132 : vector<16xi32> to vector<16xi32>
    %swap3A_134 = arith.constant 48 : index
    %swap3A_135 = tpu.vector_load %arg11[%swap3A_134] {strides = array<i32>} : memref<80xi32, #tpu.memory_space<vmem>>, vector<16xi32>,
    %swap3A_136 = vector.shape_cast %swap3A_135 : vector<16xi32> to vector<16xi32>
    %swap3A_137 = vector.shape_cast %get3A_133 : vector<16xi32> to vector<16xi32>
    tpu.vector_store %arg11[%swap3A_134], %swap3A_137 {strides = array<i32>} : memref<80xi32, #tpu.memory_space<vmem>>, vector<16xi32>,
    %get3A_138 = arith.constant 144 : index
    %get3A_139 = tpu.vector_load %arg8[%get3A_138] {strides = array<i32>} : memref<160xi32, #tpu.memory_space<vmem>>, vector<16xi32>,
    %get3A_140 = vector.shape_cast %get3A_139 : vector<16xi32> to vector<16xi32>
    %swap3A_141 = arith.constant 64 : index
    %swap3A_142 = tpu.vector_load %arg11[%swap3A_141] {strides = array<i32>} : memref<80xi32, #tpu.memory_space<vmem>>, vector<16xi32>,
    %swap3A_143 = vector.shape_cast %swap3A_142 : vector<16xi32> to vector<16xi32>
    %swap3A_144 = vector.shape_cast %get3A_140 : vector<16xi32> to vector<16xi32>
    tpu.vector_store %arg11[%swap3A_141], %swap3A_144 {strides = array<i32>} : memref<80xi32, #tpu.memory_space<vmem>>, vector<16xi32>,
    %dma_start3A_145 = arith.constant 0 : i32
    %dma_start3A_146 = arith.constant 0 : i32
    %dma_start3A_147 = tpu.memref_slice %arg6[%dma_start3A_145, %dma_start3A_146] : memref<10240x128xf32, #tpu.memory_space<vmem_shared>> -> memref<10240x128xf32, #tpu.memory_space<vmem_shared>>
    tpu.enqueue_indirect_dma source(%arg14 : memref<80x128xf32, #tpu.memory_space<vmem>>) target(%dma_start3A_147 : memref<10240x128xf32, #tpu.memory_space<vmem_shared>>) offsets(%arg11 : memref<80xi32, #tpu.memory_space<vmem>>) semaphore(%arg23 : memref<!tpu.dma_semaphore, #tpu.memory_space<semaphore_mem>>) {add = true}
    %dma_wait3A_148 = arith.constant 0 : i32
    %dma_wait3A_149 = arith.constant 0 : i32
    %dma_wait3A_150 = tpu.memref_slice %arg6[%dma_wait3A_148, %dma_wait3A_149] : memref<10240x128xf32, #tpu.memory_space<vmem_shared>> -> memref<10240x128xf32, #tpu.memory_space<vmem_shared>>
    tpu.wait_indirect_dma semaphore(%arg22 : memref<!tpu.dma_semaphore, #tpu.memory_space<semaphore_mem>>) src(%arg13 : memref<80x128xf32, #tpu.memory_space<vmem>>) dst(%dma_wait3A_150 : memref<10240x128xf32, #tpu.memory_space<vmem_shared>>)
    %dma_wait3A_151 = arith.constant 0 : i32
    %dma_wait3A_152 = arith.constant 0 : i32
    %dma_wait3A_153 = tpu.memref_slice %arg6[%dma_wait3A_151, %dma_wait3A_152] : memref<10240x128xf32, #tpu.memory_space<vmem_shared>> -> memref<10240x128xf32, #tpu.memory_space<vmem_shared>>
    tpu.wait_indirect_dma semaphore(%arg23 : memref<!tpu.dma_semaphore, #tpu.memory_space<semaphore_mem>>) src(%arg14 : memref<80x128xf32, #tpu.memory_space<vmem>>) dst(%dma_wait3A_153 : memref<10240x128xf32, #tpu.memory_space<vmem_shared>>)
    %dma_wait3A_154 = arith.constant 0 : i32
    %dma_wait3A_155 = arith.constant 0 : i32
    %dma_wait3A_156 = tpu.memref_slice %arg6[%dma_wait3A_154, %dma_wait3A_155] : memref<10240x128xf32, #tpu.memory_space<vmem_shared>> -> memref<10240x128xf32, #tpu.memory_space<vmem_shared>>
    tpu.wait_indirect_dma semaphore(%arg24 : memref<!tpu.dma_semaphore, #tpu.memory_space<semaphore_mem>>) src(%arg15 : memref<80x128xf32, #tpu.memory_space<vmem>>) dst(%dma_wait3A_156 : memref<10240x128xf32, #tpu.memory_space<vmem_shared>>)
    %barrier3A_157 = arith.constant 0 : index
    tpu.barrier barrier_id(%barrier3A_157)
    %mul3A_158 = arith.constant 640 : i32
    %mul3A_159 = arith.muli %arg1, %mul3A_158 : i32
    %mul3A_160 = arith.constant 10240 : i32
    %mul3A_161 = arith.muli %arg0, %mul3A_160 : i32
    %mul3A_162 = arith.constant 640 : i32
    %mul3A_163 = arith.muli %arg1, %mul3A_162 : i32
    %add3A_164 = arith.addi %mul3A_161, %mul3A_163 : i32
    "tpu.region"() ({
      %run_scoped3A = tpu.sem_alloc : memref<!tpu.dma_semaphore, #tpu.memory_space<semaphore_mem>>
      %dma_start3A_165 = arith.constant 0 : i32
      %dma_start3A_166 = tpu.memref_slice %arg5[%add3A_164, %dma_start3A_165] : memref<20480x128xf32, #tpu.memory_space<hbm>> -> memref<640x128xf32, #tpu.memory_space<hbm>>
      %dma_start3A_167 = arith.constant 0 : i32
      %dma_start3A_168 = tpu.memref_slice %arg6[%mul3A_159, %dma_start3A_167] : memref<10240x128xf32, #tpu.memory_space<vmem_shared>> -> memref<640x128xf32, #tpu.memory_space<vmem_shared>>
      tpu.enqueue_dma source(%dma_start3A_168 : memref<640x128xf32, #tpu.memory_space<vmem_shared>>) target(%dma_start3A_166 : memref<640x128xf32, #tpu.memory_space<hbm>>) target_semaphore(%run_scoped3A : memref<!tpu.dma_semaphore, #tpu.memory_space<semaphore_mem>>)
      %dma_wait3A_169 = arith.constant 0 : i32
      %dma_wait3A_170 = tpu.memref_slice %arg5[%add3A_164, %dma_wait3A_169] : memref<20480x128xf32, #tpu.memory_space<hbm>> -> memref<640x128xf32, #tpu.memory_space<hbm>>
      %dma_wait3A_171 = arith.constant 0 : i32
      %dma_wait3A_172 = tpu.memref_slice %arg6[%mul3A_159, %dma_wait3A_171] : memref<10240x128xf32, #tpu.memory_space<vmem_shared>> -> memref<640x128xf32, #tpu.memory_space<vmem_shared>>
      tpu.wait_dma2 semaphore(%run_scoped3A : memref<!tpu.dma_semaphore, #tpu.memory_space<semaphore_mem>>) src(%dma_wait3A_172 : memref<640x128xf32, #tpu.memory_space<vmem_shared>>) dst(%dma_wait3A_170 : memref<640x128xf32, #tpu.memory_space<hbm>>)
      tpu.yield
    }) : () -> ()
    return
  }
}

module attributes {stable_mosaic.version = 14 : i64} {
  func.func @body(%arg0: memref<10000x128xf32, #tpu.memory_space<vmem>>, %arg1: memref<128x128xf32, #tpu.memory_space<vmem>>, %arg2: memref<1x128xf32, #tpu.memory_space<vmem>>, %arg3: memref<10000x128xf32, #tpu.memory_space<vmem>>) attributes {dimension_semantics = [], scalar_prefetch = 0 : i64, scratch_operands = 0 : i64, tpu.core_type = #tpu.core_type<tc>} {
    %get3A = arith.constant 0 : index
    %get3A_0 = arith.constant 0 : index
    %get3A_1 = vector.load %arg0[%get3A, %get3A_0] : memref<10000x128xf32, #tpu.memory_space<vmem>>, vector<10000x128xf32>
    %get3A_2 = arith.constant 0 : index
    %get3A_3 = arith.constant 0 : index
    %get3A_4 = vector.load %arg1[%get3A_2, %get3A_3] : memref<128x128xf32, #tpu.memory_space<vmem>>, vector<128x128xf32>
    %dot_general3A = arith.constant dense<0.000000e+00> : vector<10000x128xf32>
    %dot_general3A_5 = tpu.matmul %get3A_1, %get3A_4, %dot_general3A {dimension_numbers = #tpu.dot_dimension_numbers<[1], [0], [0], [1], [0, 0, 1, 1], [], []>, transpose_lhs_hint = false} : vector<10000x128xf32>, vector<128x128xf32>, vector<10000x128xf32> -> vector<10000x128xf32>
    %get3A_6 = arith.constant 0 : index
    %get3A_7 = arith.constant 0 : index
    %get3A_8 = vector.load %arg2[%get3A_6, %get3A_7] : memref<1x128xf32, #tpu.memory_space<vmem>>, vector<1x128xf32>
    %add3A = vector.broadcast %get3A_8 : vector<1x128xf32> to vector<10000x128xf32>
    %add3A_9 = arith.addf %dot_general3A_5, %add3A : vector<10000x128xf32>
    %swap3A = arith.constant 0 : index
    %swap3A_10 = arith.constant 0 : index
    %swap3A_11 = vector.load %arg3[%swap3A, %swap3A_10] : memref<10000x128xf32, #tpu.memory_space<vmem>>, vector<10000x128xf32>
    tpu.vector_store %arg3[%swap3A, %swap3A_10], %add3A_9 {strides = array<i32>} : memref<10000x128xf32, #tpu.memory_space<vmem>>, vector<10000x128xf32>,
    return
  }
}

module attributes {stable_mosaic.version = 14 : i64} {
  func.func @body(%arg0: memref<10240x128xf32, #tpu.memory_space<vmem>>, %arg1: memref<5000x1xf32, #tpu.memory_space<vmem>>, %arg2: memref<5000x1xf32, #tpu.memory_space<vmem>>, %arg3: memref<10000x1xf32, #tpu.memory_space<vmem>>, %arg4: memref<10000x1xf32, #tpu.memory_space<vmem>>, %arg5: memref<5000x128xf32, #tpu.memory_space<vmem>>, %arg6: memref<5000x1xf32, #tpu.memory_space<vmem>>, %arg7: memref<10000x1xf32, #tpu.memory_space<vmem>>) attributes {dimension_semantics = [], scalar_prefetch = 0 : i64, scratch_operands = 0 : i64, tpu.core_type = #tpu.core_type<tc>} {
    %get3A = arith.constant 0 : index
    %get3A_0 = arith.constant 0 : index
    %get3A_1 = vector.load %arg1[%get3A, %get3A_0] : memref<5000x1xf32, #tpu.memory_space<vmem>>, vector<5000x1xf32>
    %get3A_2 = arith.constant 0 : index
    %get3A_3 = arith.constant 0 : index
    %get3A_4 = vector.load %arg2[%get3A_2, %get3A_3] : memref<5000x1xf32, #tpu.memory_space<vmem>>, vector<5000x1xf32>
    %add3A = arith.addf %get3A_1, %get3A_4 : vector<5000x1xf32>
    %max3A = arith.constant 1.000000e+00 : f32
    %max3A_5 = vector.broadcast %max3A : f32 to vector<5000x1xf32>
    %max3A_6 = arith.maximumf %add3A, %max3A_5 : vector<5000x1xf32>
    %div3A = arith.constant 1.000000e+00 : f32
    %div3A_7 = vector.broadcast %div3A : f32 to vector<5000x1xf32>
    %div3A_8 = arith.divf %div3A_7, %max3A_6 : vector<5000x1xf32>
    %get3A_9 = arith.constant 0 : index
    %get3A_10 = arith.constant 0 : index
    %get3A_11 = vector.load %arg3[%get3A_9, %get3A_10] : memref<10000x1xf32, #tpu.memory_space<vmem>>, vector<10000x1xf32>
    %get3A_12 = arith.constant 0 : index
    %get3A_13 = arith.constant 0 : index
    %get3A_14 = vector.load %arg4[%get3A_12, %get3A_13] : memref<10000x1xf32, #tpu.memory_space<vmem>>, vector<10000x1xf32>
    %add3A_15 = arith.addf %get3A_11, %get3A_14 : vector<10000x1xf32>
    %max3A_16 = arith.constant 1.000000e+00 : f32
    %max3A_17 = vector.broadcast %max3A_16 : f32 to vector<10000x1xf32>
    %max3A_18 = arith.maximumf %add3A_15, %max3A_17 : vector<10000x1xf32>
    %div3A_19 = arith.constant 1.000000e+00 : f32
    %div3A_20 = vector.broadcast %div3A_19 : f32 to vector<10000x1xf32>
    %div3A_21 = arith.divf %div3A_20, %max3A_18 : vector<10000x1xf32>
    %get3A_22 = arith.constant 0 : index
    %get3A_23 = arith.constant 0 : index
    %get3A_24 = vector.load %arg0[%get3A_22, %get3A_23] : memref<10240x128xf32, #tpu.memory_space<vmem>>, vector<5000x128xf32>
    %get3A_25 = arith.constant 5120 : index
    %get3A_26 = arith.constant 0 : index
    %get3A_27 = vector.load %arg0[%get3A_25, %get3A_26] : memref<10240x128xf32, #tpu.memory_space<vmem>>, vector<5000x128xf32>
    %add3A_28 = arith.addf %get3A_24, %get3A_27 : vector<5000x128xf32>
    %mul3A = vector.broadcast %div3A_8 : vector<5000x1xf32> to vector<5000x128xf32>
    %mul3A_29 = arith.mulf %add3A_28, %mul3A : vector<5000x128xf32>
    %swap3A = arith.constant 0 : index
    %swap3A_30 = arith.constant 0 : index
    %swap3A_31 = vector.load %arg5[%swap3A, %swap3A_30] : memref<5000x128xf32, #tpu.memory_space<vmem>>, vector<5000x128xf32>
    tpu.vector_store %arg5[%swap3A, %swap3A_30], %mul3A_29 {strides = array<i32>} : memref<5000x128xf32, #tpu.memory_space<vmem>>, vector<5000x128xf32>,
    %swap3A_32 = arith.constant 0 : index
    %swap3A_33 = arith.constant 0 : index
    %swap3A_34 = vector.load %arg6[%swap3A_32, %swap3A_33] : memref<5000x1xf32, #tpu.memory_space<vmem>>, vector<5000x1xf32>
    tpu.vector_store %arg6[%swap3A_32, %swap3A_33], %div3A_8 {strides = array<i32>} : memref<5000x1xf32, #tpu.memory_space<vmem>>, vector<5000x1xf32>,
    %swap3A_35 = arith.constant 0 : index
    %swap3A_36 = arith.constant 0 : index
    %swap3A_37 = vector.load %arg7[%swap3A_35, %swap3A_36] : memref<10000x1xf32, #tpu.memory_space<vmem>>, vector<10000x1xf32>
    tpu.vector_store %arg7[%swap3A_35, %swap3A_36], %div3A_21 {strides = array<i32>} : memref<10000x1xf32, #tpu.memory_space<vmem>>, vector<10000x1xf32>,
    return
  }
}

module attributes {stable_mosaic.version = 14 : i64} {
  func.func @body(%arg0: memref<20480x128xf32, #tpu.memory_space<vmem>>, %arg1: memref<10000x1xf32, #tpu.memory_space<vmem>>, %arg2: memref<128x128xf32, #tpu.memory_space<vmem>>, %arg3: memref<1x128xf32, #tpu.memory_space<vmem>>, %arg4: memref<10000x128xf32, #tpu.memory_space<vmem>>) attributes {dimension_semantics = [], scalar_prefetch = 0 : i64, scratch_operands = 0 : i64, tpu.core_type = #tpu.core_type<tc>} {
    %get3A = arith.constant 0 : index
    %get3A_0 = arith.constant 0 : index
    %get3A_1 = vector.load %arg0[%get3A, %get3A_0] : memref<20480x128xf32, #tpu.memory_space<vmem>>, vector<10000x128xf32>
    %get3A_2 = arith.constant 10240 : index
    %get3A_3 = arith.constant 0 : index
    %get3A_4 = vector.load %arg0[%get3A_2, %get3A_3] : memref<20480x128xf32, #tpu.memory_space<vmem>>, vector<10000x128xf32>
    %add3A = arith.addf %get3A_1, %get3A_4 : vector<10000x128xf32>
    %get3A_5 = arith.constant 0 : index
    %get3A_6 = arith.constant 0 : index
    %get3A_7 = vector.load %arg1[%get3A_5, %get3A_6] : memref<10000x1xf32, #tpu.memory_space<vmem>>, vector<10000x1xf32>
    %mul3A = vector.broadcast %get3A_7 : vector<10000x1xf32> to vector<10000x128xf32>
    %mul3A_8 = arith.mulf %add3A, %mul3A : vector<10000x128xf32>
    %max3A = arith.constant 0.000000e+00 : f32
    %max3A_9 = vector.broadcast %max3A : f32 to vector<10000x128xf32>
    %max3A_10 = arith.maximumf %mul3A_8, %max3A_9 : vector<10000x128xf32>
    %get3A_11 = arith.constant 0 : index
    %get3A_12 = arith.constant 0 : index
    %get3A_13 = vector.load %arg2[%get3A_11, %get3A_12] : memref<128x128xf32, #tpu.memory_space<vmem>>, vector<128x128xf32>
    %dot_general3A = arith.constant dense<0.000000e+00> : vector<10000x128xf32>
    %dot_general3A_14 = tpu.matmul %max3A_10, %get3A_13, %dot_general3A {dimension_numbers = #tpu.dot_dimension_numbers<[1], [0], [0], [1], [0, 0, 1, 1], [], []>, transpose_lhs_hint = false} : vector<10000x128xf32>, vector<128x128xf32>, vector<10000x128xf32> -> vector<10000x128xf32>
    %get3A_15 = arith.constant 0 : index
    %get3A_16 = arith.constant 0 : index
    %get3A_17 = vector.load %arg3[%get3A_15, %get3A_16] : memref<1x128xf32, #tpu.memory_space<vmem>>, vector<1x128xf32>
    %add3A_18 = vector.broadcast %get3A_17 : vector<1x128xf32> to vector<10000x128xf32>
    %add3A_19 = arith.addf %dot_general3A_14, %add3A_18 : vector<10000x128xf32>
    %swap3A = arith.constant 0 : index
    %swap3A_20 = arith.constant 0 : index
    %swap3A_21 = vector.load %arg4[%swap3A, %swap3A_20] : memref<10000x128xf32, #tpu.memory_space<vmem>>, vector<10000x128xf32>
    tpu.vector_store %arg4[%swap3A, %swap3A_20], %add3A_19 {strides = array<i32>} : memref<10000x128xf32, #tpu.memory_space<vmem>>, vector<10000x128xf32>,
    return
  }
}

module attributes {stable_mosaic.version = 14 : i64} {
  func.func @body(%arg0: memref<10240x128xf32, #tpu.memory_space<vmem>>, %arg1: memref<5000x1xf32, #tpu.memory_space<vmem>>, %arg2: memref<5000x128xf32, #tpu.memory_space<vmem>>) attributes {dimension_semantics = [], scalar_prefetch = 0 : i64, scratch_operands = 0 : i64, tpu.core_type = #tpu.core_type<tc>} {
    %get3A = arith.constant 0 : index
    %get3A_0 = arith.constant 0 : index
    %get3A_1 = vector.load %arg0[%get3A, %get3A_0] : memref<10240x128xf32, #tpu.memory_space<vmem>>, vector<5000x128xf32>
    %get3A_2 = arith.constant 5120 : index
    %get3A_3 = arith.constant 0 : index
    %get3A_4 = vector.load %arg0[%get3A_2, %get3A_3] : memref<10240x128xf32, #tpu.memory_space<vmem>>, vector<5000x128xf32>
    %add3A = arith.addf %get3A_1, %get3A_4 : vector<5000x128xf32>
    %get3A_5 = arith.constant 0 : index
    %get3A_6 = arith.constant 0 : index
    %get3A_7 = vector.load %arg1[%get3A_5, %get3A_6] : memref<5000x1xf32, #tpu.memory_space<vmem>>, vector<5000x1xf32>
    %mul3A = vector.broadcast %get3A_7 : vector<5000x1xf32> to vector<5000x128xf32>
    %mul3A_8 = arith.mulf %add3A, %mul3A : vector<5000x128xf32>
    %swap3A = arith.constant 0 : index
    %swap3A_9 = arith.constant 0 : index
    %swap3A_10 = vector.load %arg2[%swap3A, %swap3A_9] : memref<5000x128xf32, #tpu.memory_space<vmem>>, vector<5000x128xf32>
    tpu.vector_store %arg2[%swap3A, %swap3A_9], %mul3A_8 {strides = array<i32>} : memref<5000x128xf32, #tpu.memory_space<vmem>>, vector<5000x128xf32>,
    return
  }
}

module attributes {stable_mosaic.version = 14 : i64} {
  func.func @body(%arg0: memref<20480x128xf32, #tpu.memory_space<vmem>>, %arg1: memref<10000x1xf32, #tpu.memory_space<vmem>>, %arg2: memref<128x128xf32, #tpu.memory_space<vmem>>, %arg3: memref<1x128xf32, #tpu.memory_space<vmem>>, %arg4: memref<128x128xf32, #tpu.memory_space<vmem>>, %arg5: memref<1x128xf32, #tpu.memory_space<vmem>>, %arg6: memref<10000x128xf32, #tpu.memory_space<vmem>>, %arg7: memref<10000x128xf32, #tpu.memory_space<vmem>>) attributes {dimension_semantics = [], scalar_prefetch = 0 : i64, scratch_operands = 0 : i64, tpu.core_type = #tpu.core_type<tc>} {
    %get3A = arith.constant 0 : index
    %get3A_0 = arith.constant 0 : index
    %get3A_1 = vector.load %arg0[%get3A, %get3A_0] : memref<20480x128xf32, #tpu.memory_space<vmem>>, vector<10000x128xf32>
    %get3A_2 = arith.constant 10240 : index
    %get3A_3 = arith.constant 0 : index
    %get3A_4 = vector.load %arg0[%get3A_2, %get3A_3] : memref<20480x128xf32, #tpu.memory_space<vmem>>, vector<10000x128xf32>
    %add3A = arith.addf %get3A_1, %get3A_4 : vector<10000x128xf32>
    %get3A_5 = arith.constant 0 : index
    %get3A_6 = arith.constant 0 : index
    %get3A_7 = vector.load %arg1[%get3A_5, %get3A_6] : memref<10000x1xf32, #tpu.memory_space<vmem>>, vector<10000x1xf32>
    %mul3A = vector.broadcast %get3A_7 : vector<10000x1xf32> to vector<10000x128xf32>
    %mul3A_8 = arith.mulf %add3A, %mul3A : vector<10000x128xf32>
    %swap3A = arith.constant 0 : index
    %swap3A_9 = arith.constant 0 : index
    %swap3A_10 = vector.load %arg7[%swap3A, %swap3A_9] : memref<10000x128xf32, #tpu.memory_space<vmem>>, vector<10000x128xf32>
    tpu.vector_store %arg7[%swap3A, %swap3A_9], %mul3A_8 {strides = array<i32>} : memref<10000x128xf32, #tpu.memory_space<vmem>>, vector<10000x128xf32>,
    %get3A_11 = arith.constant 0 : index
    %get3A_12 = arith.constant 0 : index
    %get3A_13 = vector.load %arg2[%get3A_11, %get3A_12] : memref<128x128xf32, #tpu.memory_space<vmem>>, vector<128x128xf32>
    %dot_general3A = arith.constant dense<0.000000e+00> : vector<10000x128xf32>
    %dot_general3A_14 = tpu.matmul %mul3A_8, %get3A_13, %dot_general3A {dimension_numbers = #tpu.dot_dimension_numbers<[1], [0], [0], [1], [0, 0, 1, 1], [], []>, transpose_lhs_hint = false} : vector<10000x128xf32>, vector<128x128xf32>, vector<10000x128xf32> -> vector<10000x128xf32>
    %get3A_15 = arith.constant 0 : index
    %get3A_16 = arith.constant 0 : index
    %get3A_17 = vector.load %arg3[%get3A_15, %get3A_16] : memref<1x128xf32, #tpu.memory_space<vmem>>, vector<1x128xf32>
    %add3A_18 = vector.broadcast %get3A_17 : vector<1x128xf32> to vector<10000x128xf32>
    %add3A_19 = arith.addf %dot_general3A_14, %add3A_18 : vector<10000x128xf32>
    %max3A = arith.constant 0.000000e+00 : f32
    %max3A_20 = vector.broadcast %max3A : f32 to vector<10000x128xf32>
    %max3A_21 = arith.maximumf %add3A_19, %max3A_20 : vector<10000x128xf32>
    %get3A_22 = arith.constant 0 : index
    %get3A_23 = arith.constant 0 : index
    %get3A_24 = vector.load %arg4[%get3A_22, %get3A_23] : memref<128x128xf32, #tpu.memory_space<vmem>>, vector<128x128xf32>
    %dot_general3A_25 = arith.constant dense<0.000000e+00> : vector<10000x128xf32>
    %dot_general3A_26 = tpu.matmul %max3A_21, %get3A_24, %dot_general3A_25 {dimension_numbers = #tpu.dot_dimension_numbers<[1], [0], [0], [1], [0, 0, 1, 1], [], []>, transpose_lhs_hint = false} : vector<10000x128xf32>, vector<128x128xf32>, vector<10000x128xf32> -> vector<10000x128xf32>
    %get3A_27 = arith.constant 0 : index
    %get3A_28 = arith.constant 0 : index
    %get3A_29 = vector.load %arg5[%get3A_27, %get3A_28] : memref<1x128xf32, #tpu.memory_space<vmem>>, vector<1x128xf32>
    %add3A_30 = vector.broadcast %get3A_29 : vector<1x128xf32> to vector<10000x128xf32>
    %add3A_31 = arith.addf %dot_general3A_26, %add3A_30 : vector<10000x128xf32>
    %swap3A_32 = arith.constant 0 : index
    %swap3A_33 = arith.constant 0 : index
    %swap3A_34 = vector.load %arg6[%swap3A_32, %swap3A_33] : memref<10000x128xf32, #tpu.memory_space<vmem>>, vector<10000x128xf32>
    tpu.vector_store %arg6[%swap3A_32, %swap3A_33], %add3A_31 {strides = array<i32>} : memref<10000x128xf32, #tpu.memory_space<vmem>>, vector<10000x128xf32>,
    return
  }
}

</mosaic_0001>

<sc_bundles>
// kernel: kernel.11.cloned.1.call-start
scs
__scs_entry_jumppad:
0x0: {  	(pc) =	sbr.rel $0x88, $3  }
0x1: {  	(tag) =	ssettag $0x0;
	lr =	simm.s32 $0x1  }
0x2: {  	[smem:$0x3F96] =	sst lr;
	_ =	strace $0xD0000000  }
0x3: {  	_ = 	snop  }
0x4: {  	_ = 	snop  }
0x5: {  	_ = 	snop  }
0x6: {  	_ = 	snop  }
0x7: {  	_ = 	snop  }
__scs_overlays_trampoline_lowered:
0x8: {  	[smem:$0x3FA5] =	sst s0  }
0x9: {  	[smem:$0x3FA6] =	sst s1  }
0xa: {  	[smem:$0x3FA7] =	sst s2  }
0xb: {  	[smem:$0x3FA8] =	sst s3  }
0xc: {  	[smem:$0x3FA9] =	sst s4  }
0xd: {  	[smem:$0x3FAA] =	sst s5  }
0xe: {  	[smem:$0x3FAB] =	sst s6  }
0xf: {  	[smem:$0x3FAC] =	sst s7  }
0x10: {  	[smem:$0x3FAD] =	sst s8  }
0x11: {  	[smem:$0x3FAE] =	sst s9;
	s0 =	simm.s32 @!p0 $0x0  }
0x12: {  	s1 =	sld [smem:$0x3F94];
	s0 =	simm.s32 @p0 $0x1  }
0x13: {  	[smem:$0x3FAF] =	sst s0;
	s0 =	simm.s32 @!p1 $0x0  }
0x14: {  	s2 =	sld [smem:$0x3F93];
	s0 =	simm.s32 @p1 $0x1  }
0x15: {  	[smem:$0x3FB0] =	sst s0;
	s0 =	simm.s32 @!p2 $0x0  }
0x16: {  	s3 =	sld [smem:$0x3FDB];
	s0 =	simm.s32 @p2 $0x1  }
0x17: {  	s4 =	simm.s32 $0x1BF5;
	[smem:$0x3FB2] =	sst s0  }
0x18: {  	s0 =	sld [smem:$0x3F95];
	_ =	swait.ge [sflag:s4], $0x0  }
0x19: {  	s7 =	sld [smem:$0x3F96]  }
0x1a: {  	s8 =	sadd.s32 $0xFFFFE003, lr  }
0x1b: {  	s9 =	sadd.s32 $0xFFFFFEF7, lr;
	s5 =	simm.s32 $0xFFFFFFFF;
	p2 =	slt.u32 s8, $0xFFFFF086  }
0x1c: {  	p1 =	slt.u32 s9, $0xF7A;
	s5 =	simm.s32 @!p2 $0x0  }
0x1d: {  	s5 =	simm.s32 @p1 $0x1;
	p0 =	seq.s32 s7, s2  }
0x1e: {  	s7 =	smul.u32 @!p0 $0xF7A, s2;
	p2 =	seq.s32 @!p0 s5, $0x0  }
0x1f: {  	s9 =	smul.u32 $0xF7A, s1;
	s8 =	simm.s32 @!p0 $0x1BF5;
	p2 =	por !p2, p0  }
0x20: {  	[sflag:s8] =	ssyncset.s32 @!p0 $0xFFFFF086;
	s6 =	sadd.s32 @!p0 s3, s7;
	s7 =	simm.s32 @!p0 $0x108  }
0x21: {  	s3 =	sadd.s32 s3, s9;
	s6 =	sadd.s32 @!p0 $0x88, s6;
	s7 =	simm.s32 @p2 $0x1082  }
0x22: {  	[simem:s7], [sflag:s8] =	dma.local @!p0 [hbm:s6], $0xF7A  }
0x23: {  	s9 =	sor.u32 $0xD0000000, s2;
	s6 =	simm.s32 $0x108;
	_ =	swait.ge @!p0 [sflag:s8], $0x0  }
0x24: {  	s3 =	sadd.s32 $0x88, s3;
	s6 =	simm.s32 @!p1 $0x1082;
	[sflag:s4] =	ssyncset.s32 $0xFFFFF086  }
0x25: {  	[simem:s6], [sflag:s4] =	dma.local [hbm:s3], $0xF7A  }
0x26: {  	[smem:$0x3F96] =	sst s1;
	(tag) =	ssettag s2;
	_ =	strace s9  }
0x27: {  	s1 =	sld [smem:$0x3FA6]  }
0x28: {  	s2 =	sld [smem:$0x3FA7]  }
0x29: {  	s4 =	sld [smem:$0x3FA9]  }
0x2a: {  	p0 =	seq.s32 s5, $0x0;
	s5 =	sld [smem:$0x3FAA]  }
0x2b: {  	s6 =	sld [smem:$0x3FAB]  }
0x2c: {  	s7 =	sld [smem:$0x3FAC]  }
0x2d: {  	s3 =	simm.s32 $0x108;
	s8 =	sld [smem:$0x3FAD]  }
0x2e: {  	s3 =	simm.s32 @!p0 $0x1082;
	s9 =	sld [smem:$0x3FAE]  }
0x2f: {  	lr =	sadd.s32 s0, s3;
	s0 =	sld [smem:$0x3FA5]  }
0x30: {  	s3 =	sld [smem:$0x3FA8]  }
0x31: {  	[smem:$0x3FB1] =	sst s10  }
0x32: {  	s10 =	sld [smem:$0x3FAF];
	_ =	sdelay $0x3  }
0x33: {  	p0 =	seq.s32 s10, $0x1;
	s10 =	sld [smem:$0x3FB1];
	_ =	sdelay $0x3  }
0x34: {  	[smem:$0x3FB1] =	sst s10  }
0x35: {  	s10 =	sld [smem:$0x3FB0];
	_ =	sdelay $0x3  }
0x36: {  	p1 =	seq.s32 s10, $0x1;
	s10 =	sld [smem:$0x3FB1];
	_ =	sdelay $0x3  }
0x37: {  	[smem:$0x3FB1] =	sst s10  }
0x38: {  	s10 =	sld [smem:$0x3FB2]  }
0x39: {  	_ = 	snop;
	(pc) =	sbr.ind lr, $3  }
0x3a: {  	_ = 	snop  }
0x3b: {  	_ = 	snop  }
0x3c: {  	p2 =	seq.s32 s10, $0x1;
	s10 =	sld [smem:$0x3FB1]  }
0x3d: {  	_ =	shalt  }
0x3e: {  	_ =	shalt  }
0x3f: {  	_ =	shalt  }
0x40: {  	_ =	shalt  }
0x41: {  	_ =	shalt  }
0x42: {  	_ =	shalt  }
0x43: {  	_ =	shalt  }
0x44: {  	_ =	shalt  }
0x45: {  	_ =	shalt  }
0x46: {  	_ =	shalt  }
0x47: {  	_ =	shalt  }
0x48: {  	_ =	shalt  }
0x49: {  	_ =	shalt  }
0x4a: {  	_ =	shalt  }
0x4b: {  	_ =	shalt  }
0x4c: {  	_ =	shalt  }
0x4d: {  	_ =	shalt  }
0x4e: {  	_ =	shalt  }
0x4f: {  	_ =	shalt  }
0x50: {  	_ =	shalt  }
0x51: {  	_ =	shalt  }
0x52: {  	_ =	shalt  }
0x53: {  	_ =	shalt  }
0x54: {  	_ =	shalt  }
0x55: {  	_ =	shalt  }
0x56: {  	_ =	shalt  }
0x57: {  	_ =	shalt  }
0x58: {  	_ =	shalt  }
0x59: {  	_ =	shalt  }
0x5a: {  	_ =	shalt  }
0x5b: {  	_ =	shalt  }
0x5c: {  	_ =	shalt  }
0x5d: {  	_ =	shalt  }
0x5e: {  	_ =	shalt  }
0x5f: {  	_ =	shalt  }
0x60: {  	_ =	shalt  }
0x61: {  	_ =	shalt  }
0x62: {  	_ =	shalt  }
0x63: {  	_ =	shalt  }
0x64: {  	_ =	shalt  }
0x65: {  	_ =	shalt  }
0x66: {  	_ =	shalt  }
0x67: {  	_ =	shalt  }
0x68: {  	_ =	shalt  }
0x69: {  	_ =	shalt  }
0x6a: {  	_ =	shalt  }
0x6b: {  	_ =	shalt  }
0x6c: {  	_ =	shalt  }
0x6d: {  	_ =	shalt  }
0x6e: {  	_ =	shalt  }
0x6f: {  	_ =	shalt  }
0x70: {  	_ =	shalt  }
0x71: {  	_ =	shalt  }
0x72: {  	_ =	shalt  }
0x73: {  	_ =	shalt  }
0x74: {  	_ =	shalt  }
0x75: {  	_ =	shalt  }
0x76: {  	_ =	shalt  }
0x77: {  	_ =	shalt  }
0x78: {  	_ =	shalt  }
0x79: {  	_ =	shalt  }
0x7a: {  	_ =	shalt  }
0x7b: {  	_ =	shalt  }
0x7c: {  	_ =	shalt  }
0x7d: {  	_ =	shalt  }
0x7e: {  	_ =	shalt  }
0x7f: {  	_ =	shalt  }
0x80: {  	_ =	shalt  }
0x81: {  	_ =	shalt  }
0x82: {  	_ =	shalt  }
0x83: {  	_ =	shalt  }
0x84: {  	_ =	shalt  }
0x85: {  	_ =	shalt  }
0x86: {  	_ =	shalt  }
0x87: {  	_ =	shalt  }
.Lfunc_end0:
.L_simem_size_0:
called_computation_lowered:
.L_overlay_start_0:
0x88: {  	s2 =	sld [smem:$0x3FD9]  }
0x89: {  	s3 =	sld [smem:$0x3FFE];
	_ =	sdelay $0x1  }
0x8a: {  	s1 =	srdreg.scid  }
0x8b: {  	s0 =	sand.u32 $0x1, s1  }
0x8c: {  	s14 =	sshll.u32 s0, $0xA;
	s2 =	sadd.s32 s3, s2  }
0x8d: {  	s2 =	sadd.s32 s2, s14  }
0x8e: {  	[smem:$0x3FBD] =	sst s2  }
0x8f: {  	_ = 	snop  }
0x90: {  	s2 =	sld [smem:$0x3FD0];
	_ =	sdelay $0x2  }
0x91: {  	s15 =	simm.s32 $0xA;
	s4 =	simm.s32 $0x10  }
0x92: {  	[smem:s4], [sflag:s15] =	dma.local [hbm:s2], $0x1  }
0x93: {  	_ =	swait.eq [sflag:s15], $0x1  }
0x94: {  	[sflag:s15] =	ssyncset.done $0x0  }
0x95: {  	s16 =	sld [smem:$0x10];
	[sflag:s15] =	ssyncadd.s32 $0xFFFFFFFF  }
0x96: {  	s17 =	sld [smem:$0x11];
	(tm) =	ssettm $0x1  }
0x97: {  	s18 =	sld [smem:$0x3FFB];
	_ =	sdelay $0x3  }
0x98: {  	_ =	strace s18  }
0x99: {  	s4 =	sld [smem:$0x3FFC];
	_ =	sdelay $0x3  }
0x9a: {  	_ =	strace s4  }
0x9b: {  	s4 =	sld [smem:$0x3FFD];
	_ =	sdelay $0x3  }
0x9c: {  	_ =	strace s4  }
0x9d: {  	_ =	strace $0x8FFFFFFF  }
0x9e: {  	s19 =	sld [smem:$0x3FDB];
	_ =	sdelay $0x1  }
0x9f: {  	s5 =	simm.s32 $_scs_section_size  }
0xa0: {  	s6 =	simm.s32 $_size__tile_overlayer_lowered;
	s7 =	simm.s32 $_tile_overlayer_lowered  }
0xa1: {  	s22 =	simm.s32 $0x1BFF;
	s21 =	sshll.u32 s7, $0x1;
	s4 =	sadd.s32 s5, s19  }
0xa2: {  	s8 =	simm.s32 $0x0;
	s20 =	sshll.u32 s6, $0x1;
	s6 =	sadd.s32 s21, s4  }
0xa3: {  	[timem:s8], [sflag:s22] =	dma.local [hbm:s6], s20  }
0xa4: {  	_ =	swait.ge [sflag:s22], s20  }
0xa5: {  	s5 =	ssub.s32 $0x0, s20;
	[sflag:s22] =	ssyncset.done $0x0  }
0xa6: {  	[sflag:s22] =	ssyncadd.s32 s5;
	_ =	sdelay $0x1  }
0xa7: {  	s23 =	simm.s32 $0x1B8B  }
0xa8: {  	_ =	swait.ge [sflag:s23], $0x1  }
0xa9: {  	[sflag:s23] =	ssyncset.done $0x0  }
0xaa: {  	s25 =	simm.s32 $0x1B8E;
	s24 =	sld [smem:$0x3FFE];
	[sflag:s23] =	ssyncadd.s32 $0xFFFFFFFF  }
0xab: {  	s26 =	simm.s32 $execute0_lowered;
	[smem:$0x3FD2] =	sst s25  }
0xac: {  	s6 =	sshll.u32 s26, $0x1;
	_ =	strace $0x80000046;
	[dreg:$0x1] =	wrdreg $0xFFFFFFFF  }
0xad: {  	s28 =	simm.s32 $_size_execute0_lowered;
	s4 =	sadd.s32 s4, s6;
	[dreg:$0x0] =	wrdreg $0x0  }
0xae: {  	s6 =	sshll.u32 s28, $0x1;
	[dreg:$0x2] =	wrdreg s4  }
0xaf: {  	[dreg:$0x3] =	wrdreg s6  }
0xb0: {  	[dreg:$0x4] =	wrdreg $0xC0  }
0xb1: {  	_ =	task [dreg:s8], $0x5FFFF  }
0xb2: {  	[dreg:$0x1] =	wrdreg $0xFFFFFFFF  }
0xb3: {  	[dreg:$0x0] =	wrdreg $0x60  }
0xb4: {  	[dreg:$0x2] =	wrdreg s17  }
0xb5: {  	[dreg:$0x3] =	wrdreg s16  }
0xb6: {  	[dreg:$0x4] =	wrdreg s24  }
0xb7: {  	[dreg:$0x5] =	wrdreg $0x0  }
0xb8: {  	[dreg:$0x6] =	wrdreg $0x11C800  }
0xb9: {  	[dreg:$0x7] =	wrdreg $0x11DC00  }
0xba: {  	[dreg:$0x8] =	wrdreg $0x9  }
0xbb: {  	_ =	task.clear_ibuf [dreg:s8], $0x9FFFF;
	_ =	strace $0x90000046  }
0xbc: {  	s29 =	simm.s32 $0x9;
	_ =	strace $0x80000048  }
0xbd: {  	_ =	swait.ge [sflag:s29], $0x1  }
0xbe: {  	[sflag:s29] =	ssyncadd.s32 $0xFFFFFFFF  }
0xbf: {  	_ =	strace $0x90000048  }
0xc0: {  	_ =	sfence  }
0xc1: {  	s30 =	sld [smem:$0x0];
	_ =	sdelay $0x2  }
0xc2: {  	s31 =	sshll.u32 s1, $0xD;
	s1 =	sshrl.u32 s1, $0x2  }
0xc3: {  	s3 =	sand.u32 $0x4000, s31;
	s1 =	sadd.s32 s1, s30  }
0xc4: {  	s0 =	sor.u32 s3, s0;
	s1 =	sshll.u32 s1, $0x11  }
0xc5: {  	s0 =	sor.u32 s1, s0  }
0xc6: {  	s0 =	sadd.s32 $0x8F2B, s0  }
0xc7: {  	[sflag:s0] =	ssyncadd.remote.s32 $0x1  }
0xc8: {  	_ =	sfence.sel $0xFFFF  }
0xc9: {  	[dreg:$0x0] =	wrdreg $0xFFFFFFFF;
	(pc) =	sbr.abs _section_cstart, $3  }
0xca: {  	[dreg:$0x1] =	wrdreg $0xFFFFFFFF  }
0xcb: {  	_ =	task.clear_ibuf [dreg:s8], $0x2FFFF;
	_ =	strace $0x9FFFFFFF  }
0xcc: {  	(tm) =	ssettm $0x7FFFFFFF  }
0xcd: {  	_ =	shalt  }
tec
execute0_lowered:
.L_overlay_start_1:
0x0: {  	(tag) =	ssettag $0x1  }
0x1: {  	s0 =	rddreg [dreg:$0x0]  }
0x2: {  	s1 =	rddreg [dreg:$0x1]  }
0x3: {  	s3 =	rddreg [dreg:$0x2]  }
0x4: {  	s2 =	rddreg [dreg:$0x3];
	s5 =	srdreg.scid  }
0x5: {  	s6 =	stileid.u32;
	s4 =	rddreg [dreg:$0x4]  }
0x6: {  	s11 =	simm.s32 $0x0;
	s28 =	simm.s32 $0x50;
	s8 =	smul.u32 $0x140, s6  }
0x7: {  	s29 =	simm.s32 $0xA480;
	s30 =	simm.s32 $0x2;
	s10 =	smul.u32 $0x280, s6  }
0x8: {  	s7 =	sand.u32 $0x1, s5;
	s5 =	rddreg [dreg:$0x5];
	s15 =	smul.u32 $0x28000, s6  }
0x9: {  	s31 =	simm.s32 $0xCC80;
	[smem:$0x7FF] =	sst s11;
	s19 =	smul.u32 $0x1388, s6  }
0xa: {  	s12 =	sadd.s32 $0x4400, s3;
	s14 =	sshll.u32 s6, $0x1;
	s9 =	smul.u32 $0x1400, s7  }
0xb: {  	s16 =	sshll.u32 s6, $0x6;
	s22 =	smul.u32 $0x2800, s7;
	_ =	strace $0x80000047  }
0xc: {  	s13 =	ssub.s32 $0x2, s7;
	s14 =	sor.u32 s7, s14;
	s7 =	smul.u32 $0x9C4, s7  }
0xd: {  	[dreg:$0x8] =	wrdreg s12;
	s20 =	sor.u32 $0x1C0A, s16;
	s26 =	smul.u32 $0x4E20, s14  }
0xe: {  	s24 =	sshrl.u32 s13, $0x1;
	s25 =	sshrl.u32 s15, $0x2;
	s14 =	smul.u32 $0x9C4, s14  }
0xf: {  	[dreg:$0x9] =	wrdreg s20;
	s9 =	sadd.s32 s8, s9;
	s11 =	sadd.s32 s10, s22  }
0x10: {  	s8 =	sadd.s32 s8, s4;
	s22 =	sadd.s32 s10, s5;
	s10 =	simm.s32 $0x12240  }
0x11: {  	s23 =	sshll.u32 s9, $0x4;
	s9 =	sshrl.u32 s9, $0x3;
	s11 =	sshrl.u32 s11, $0x3  }
0x12: {  	[dreg:$0xa] =	wrdreg s8;
	s15 =	sshrl.u32 s26, $0x3;
	s16 =	sadd.s32 s1, s14  }
0x13: {  	s26 =	simm.s32 $0x12140;
	s14 =	simm.s32 $0x5;
	[dreg:$0xb] =	wrdreg s22  }
0x14: {  	s12 =	sadd.s32 s23, s3;
	s9 =	sadd.s32 s9, s3;
	s3 =	sadd.s32 s11, s3  }
0x15: {  	s11 =	ssub.s32 s13, s24;
	s13 =	sadd.s32 s25, s2;
	[dreg:$0xc] =	wrdreg s16  }
0x16: {  	s8 =	sadd.s32 s1, s15;
	s1 =	sadd.s32 s19, s1;
	[dreg:$0x7] =	wrdreg s26  }
0x17: {  	s16 =	simm.s32 $0xA200;
	s26 =	simm.s32 $0x1;
	s17 =	sadd.s32 $0x14, s8  }
0x18: {  	s15 =	simm.s32 $0xA380;
	s18 =	sadd.s32 $0x28, s8;
	[dreg:$0xd] =	wrdreg s17  }
0x19: {  	s21 =	sadd.s32 $0x3C, s8;
	s23 =	sadd.s32 $0x6800, s12;
	[dreg:$0xe] =	wrdreg s18  }
0x1a: {  	s24 =	sadd.s32 $0x5800, s9;
	s3 =	sadd.s32 $0x5E00, s3;
	[dreg:$0xf] =	wrdreg s21  }
0x1b: {  	s25 =	smax.u32 s11, $0x1;
	s19 =	sadd.s32 s7, s1;
	[dreg:$0x10] =	wrdreg s23  }
0x1c: {  	s11 =	simm.s32 $0xA000;
	s1 =	simm.s32 $0xA300;
	[dreg:$0x11] =	wrdreg s24  }
0x1d: {  	s7 =	simm.s32 $0x121C0;
	s12 =	simm.s32 $0x3;
	[dreg:$0x12] =	wrdreg s3  }
0x1e: {  	s8 =	simm.s32 $0xA400;
	s9 =	simm.s32 $0x8;
	[dreg:$0x13] =	wrdreg s25  }
0x1f: {  	s23 =	sshrl.u32 s13, $0x3;
	s25 =	simm.s32 $0xA;
	s24 =	simm.s32 $0xA100  }
0x20: {  	s3 =	simm.s32 $0x4;
	s13 =	simm.s32 $0xF480;
	s17 =	simm.s32 $0x7  }
0x21: {  	v0 =	vimm.f32 $0.0e+00;
	v1 =	vimm.f32 $1.000000000e+00;
	s18 =	simm.s32 $0x6;
	s21 =	simm.s32 $0x0;
	[dreg:$0x14] =	wrdreg s23  }
.LBB2_1:
0x22: {  	[dreg:$0x15] =	wrdreg s21  }
0x23: {  	s6 =	rddreg [dreg:$0x8]  }
0x24: {  	[spmem:s23], [sflag:s20] =	dma.local [hbm:s6], $0x1400  }
0x25: {  	_ =	swait.ge [sflag:s25], $0x1400  }
0x26: {  	[sflag:s25] =	ssyncset.done $0x0  }
0x27: {  	[sflag:s25] =	ssyncadd.s32 $0xFFFFEC00  }
0x28: {  	[tilespmem:$0x12240] =	vst v0  }
0x29: {  	[tilespmem:$0x12250] =	vst v0  }
0x2a: {  	[tilespmem:$0x12260] =	vst v0  }
0x2b: {  	[tilespmem:$0x12270] =	vst v0  }
0x2c: {  	[tilespmem:$0x12280] =	vst v0  }
0x2d: {  	[tilespmem:$0x12290] =	vst v0  }
0x2e: {  	[tilespmem:$0x122A0] =	vst v0  }
0x2f: {  	[tilespmem:$0x122B0] =	vst v0  }
0x30: {  	[tilespmem:$0x122C0] =	vst v0  }
0x31: {  	[tilespmem:$0x122D0] =	vst v0  }
0x32: {  	[tilespmem:$0x122E0] =	vst v0  }
0x33: {  	[tilespmem:$0x122F0] =	vst v0  }
0x34: {  	[tilespmem:$0x12300] =	vst v0  }
0x35: {  	[tilespmem:$0x12310] =	vst v0  }
0x36: {  	[tilespmem:$0x12320] =	vst v0  }
0x37: {  	[tilespmem:$0x12330] =	vst v0  }
0x38: {  	[tilespmem:$0x12340] =	vst v0  }
0x39: {  	[tilespmem:$0x12350] =	vst v0  }
0x3a: {  	[tilespmem:$0x12360] =	vst v0  }
0x3b: {  	[tilespmem:$0x12370] =	vst v0  }
0x3c: {  	[tilespmem:$0x12380] =	vst v0  }
0x3d: {  	[tilespmem:$0x12390] =	vst v0  }
0x3e: {  	[tilespmem:$0x123A0] =	vst v0  }
0x3f: {  	[tilespmem:$0x123B0] =	vst v0  }
0x40: {  	[tilespmem:$0x123C0] =	vst v0  }
0x41: {  	[tilespmem:$0x123D0] =	vst v0  }
0x42: {  	[tilespmem:$0x123E0] =	vst v0  }
0x43: {  	[tilespmem:$0x123F0] =	vst v0  }
0x44: {  	[tilespmem:$0x12400] =	vst v0  }
0x45: {  	[tilespmem:$0x12410] =	vst v0  }
0x46: {  	[tilespmem:$0x12420] =	vst v0  }
0x47: {  	[tilespmem:$0x12430] =	vst v0  }
0x48: {  	[tilespmem:$0x12440] =	vst v0  }
0x49: {  	[tilespmem:$0x12450] =	vst v0  }
0x4a: {  	[tilespmem:$0x12460] =	vst v0  }
0x4b: {  	[tilespmem:$0x12470] =	vst v0  }
0x4c: {  	[tilespmem:$0x12480] =	vst v0  }
0x4d: {  	[tilespmem:$0x12490] =	vst v0  }
0x4e: {  	[tilespmem:$0x124A0] =	vst v0  }
0x4f: {  	s21 =	rddreg [dreg:$0xa];
	[tilespmem:$0x124B0] =	vst v0  }
0x50: {  	[spmem:s21] =	stream.linear.scatter [tilespmem:s10], [sflag:$0xA], $0x140, $0x38;
	[tilespmem:$0x124C0] =	vst v63  }
0x51: {  	_ =	swait.ge [sflag:s25], $0x140  }
0x52: {  	[sflag:s25] =	ssyncset.done $0x0  }
0x53: {  	[sflag:s25] =	ssyncadd.s32 $0xFFFFFEC0  }
0x54: {  	[spmem:s22] =	stream.linear.scatter [tilespmem:s10], [sflag:$0xA], $0x280, $0x38;
	[tilespmem:$0x124C0] =	vst v63  }
0x55: {  	_ =	swait.ge [sflag:s25], $0x280  }
0x56: {  	[sflag:s25] =	ssyncset.done $0x0  }
0x57: {  	[sflag:s25] =	ssyncadd.s32 $0xFFFFFD80  }
0x58: {  	[tilespmem:$0x121C0] =	vst v1  }
0x59: {  	[tilespmem:$0x121D0] =	vst v1  }
0x5a: {  	[tilespmem:$0x121E0] =	vst v1  }
0x5b: {  	[tilespmem:$0x121F0] =	vst v1  }
0x5c: {  	[tilespmem:$0x12200] =	vst v1  }
0x5d: {  	[bflag:$0x0] =	sbarrier.arrive $0xFFFF  }
0x5e: {  	s6 =	simm.s32 $0x0;
	s22 =	rddreg [dreg:$0xc]  }
0x5f: {  	[tilespmem:s11], [sflag:$0x1] =	stream.linear.gather [hbm4b:s22+s6], $0xA0, $0x38;
	[tilespmem:$0x124C0] =	vst v63  }
0x60: {  	s23 =	rddreg [dreg:$0xd]  }
0x61: {  	[tilespmem:s24], [sflag:$0x2] =	stream.linear.gather [hbm4b:s23+s6], $0xA0, $0x38;
	[tilespmem:$0x124C0] =	vst v63  }
0x62: {  	s25 =	rddreg [dreg:$0xe]  }
0x63: {  	[tilespmem:s16], [sflag:$0x3] =	stream.linear.gather [hbm4b:s25+s6], $0xA0, $0x38;
	[tilespmem:$0x124C0] =	vst v63  }
0x64: {  	_ =	swait.ge [sflag:s26], $0xA0  }
0x65: {  	[sflag:s26] =	ssyncset.done $0x0  }
0x66: {  	[sflag:s26] =	ssyncadd.s32 $0xFFFFFF60  }
0x67: {  	[tilespmem:s29], [sflag:$0x4] =	stream.indirect.gather [hbm4b:s0+s28], $0x80, s11, s28, $0xb8;
	[tilespmem:$0x124C0] =	vst v63  }
0x68: {  	_ =	swait.ge [sflag:s30], $0xA0  }
0x69: {  	[sflag:s30] =	ssyncset.done $0x0  }
0x6a: {  	[sflag:s30] =	ssyncadd.s32 $0xFFFFFF60  }
0x6b: {  	[tilespmem:s31], [sflag:$0x5] =	stream.indirect.gather [hbm4b:s0+s28], $0x80, s24, s28, $0xb8;
	[tilespmem:$0x124C0] =	vst v63  }
0x6c: {  	_ =	swait.ge [sflag:s3], $0x2800  }
0x6d: {  	[sflag:s3] =	ssyncset.done $0x0  }
0x6e: {  	[sflag:s3] =	ssyncadd.s32 $0xFFFFD800  }
0x6f: {  	v2 =	vld [tilespmem:$0xA050]  }
0x70: {  	v3 =	vld [tilespmem:$0xA060]  }
0x71: {  	v4 =	vld [tilespmem:$0xA070]  }
0x72: {  	v5 =	vld [tilespmem:$0xA080]  }
0x73: {  	v6 =	vld [tilespmem:$0xA090]  }
0x74: {  	[tilespmem:$0xA300] =	vst v2;
	v2 =	vld [tilespmem:$0xA000]  }
0x75: {  	[tilespmem:$0xA310] =	vst v3;
	v3 =	vld [tilespmem:$0xA010]  }
0x76: {  	[tilespmem:$0xA320] =	vst v4;
	v4 =	vld [tilespmem:$0xA020]  }
0x77: {  	[tilespmem:$0xA330] =	vst v5;
	v5 =	vld [tilespmem:$0xA030]  }
0x78: {  	[tilespmem:$0xA340] =	vst v6;
	v6 =	vld [tilespmem:$0xA040]  }
0x79: {  	[tilespmem:$0x12040] =	vst v2  }
0x7a: {  	[tilespmem:$0x12050] =	vst v3  }
0x7b: {  	[tilespmem:$0x12060] =	vst v4  }
0x7c: {  	[tilespmem:$0x12070] =	vst v5  }
0x7d: {  	s20 =	rddreg [dreg:$0xf];
	[tilespmem:$0x12080] =	vst v6  }
0x7e: {  	[tilespmem:s11], [sflag:$0x1] =	stream.linear.gather [hbm4b:s20+s6], $0xA0, $0x38;
	[tilespmem:$0x124C0] =	vst v63  }
0x7f: {  	_ = 	snop  }
0x80: {  	[spmem:s2] =	stream.indirect.scatter.add.f32 [tilespmem:s29], [sflag:$0x7], $0x80, s1, s28, $0xb8;
	[tilespmem:$0x124C0] =	vst v63  }
0x81: {  	_ = 	snop  }
0x82: {  	[spmem:s4] =	stream.indirect.scatter.add.f32 [tilespmem:s7], [sflag:$0x7], $0x1, s1, s28, $0xb8;
	[tilespmem:$0x124C0] =	vst v63  }
0x83: {  	s21 =	simm.s32 $0x12040  }
0x84: {  	[spmem:s5] =	stream.indirect.scatter.add.f32 [tilespmem:s7], [sflag:$0x7], $0x1, s21, s28, $0xb8;
	[tilespmem:$0x124C0] =	vst v63  }
0x85: {  	_ =	swait.ge [sflag:s12], $0xA0  }
0x86: {  	p0 =	por $0x1, $0x1;
	[sflag:s12] =	ssyncset.done $0x0  }
0x87: {  	s10 =	simm.s32 @!p0 $0x9;
	[sflag:s12] =	ssyncadd.s32 $0xFFFFFF60  }
0x88: {  	_ =	swait.ge @!p0 [sflag:s10], $0x2800  }
0x89: {  	[sflag:s10] =	ssyncset.done @!p0 $0x0  }
0x8a: {  	[sflag:s10] =	ssyncadd.s32 @!p0 $0xFFFFD800  }
0x8b: {  	_ =	swait.ge @!p0 [sflag:s10], $0x50  }
0x8c: {  	[sflag:s10] =	ssyncset.done @!p0 $0x0  }
0x8d: {  	[sflag:s10] =	ssyncadd.s32 @!p0 $0xFFFFFFB0  }
0x8e: {  	_ =	swait.ge @!p0 [sflag:s10], $0x50  }
0x8f: {  	[sflag:s10] =	ssyncset.done @!p0 $0x0  }
0x90: {  	[sflag:s10] =	ssyncadd.s32 @!p0 $0xFFFFFFB0  }
0x91: {  	[tilespmem:s13], [sflag:$0x6] =	stream.indirect.gather [hbm4b:s0+s28], $0x80, s16, s28, $0xb8;
	[tilespmem:$0x124C0] =	vst v63  }
0x92: {  	_ =	swait.ge [sflag:s14], $0x2800  }
0x93: {  	[sflag:s14] =	ssyncset.done $0x0  }
0x94: {  	[sflag:s14] =	ssyncadd.s32 $0xFFFFD800  }
0x95: {  	v2 =	vld [tilespmem:$0xA110]  }
0x96: {  	v3 =	vld [tilespmem:$0xA140]  }
0x97: {  	v4 =	vld [tilespmem:$0xA130]  }
0x98: {  	v5 =	vld [tilespmem:$0xA120]  }
0x99: {  	v6 =	vld [tilespmem:$0xA100]  }
0x9a: {  	v7 =	vld [tilespmem:$0xA180];
	[tilespmem:$0x120D0] =	vst v2  }
0x9b: {  	v2 =	vld [tilespmem:$0xA190];
	[tilespmem:$0x12100] =	vst v3  }
0x9c: {  	v3 =	vld [tilespmem:$0xA150];
	[tilespmem:$0x120F0] =	vst v4  }
0x9d: {  	v4 =	vld [tilespmem:$0xA170];
	[tilespmem:$0x120E0] =	vst v5  }
0x9e: {  	v5 =	vld [tilespmem:$0xA160];
	[tilespmem:$0x120C0] =	vst v6  }
0x9f: {  	[tilespmem:$0xA3B0] =	vst v7  }
0xa0: {  	[tilespmem:$0xA3C0] =	vst v2  }
0xa1: {  	[tilespmem:$0xA380] =	vst v3  }
0xa2: {  	s22 =	sadd.s32 $0x0, s19;
	[tilespmem:$0xA3A0] =	vst v4  }
0xa3: {  	s10 =	sadd.s32 $0x50, s22;
	[tilespmem:$0xA390] =	vst v5  }
0xa4: {  	[tilespmem:s24], [sflag:$0x2] =	stream.linear.gather [hbm4b:s10+s6], $0xA0, $0x38;
	[tilespmem:$0x124C0] =	vst v63  }
0xa5: {  	_ = 	snop  }
0xa6: {  	[spmem:s2] =	stream.indirect.scatter.add.f32 [tilespmem:s31], [sflag:$0x8], $0x80, s15, s28, $0xb8;
	[tilespmem:$0x124C0] =	vst v63  }
0xa7: {  	_ = 	snop  }
0xa8: {  	[spmem:s4] =	stream.indirect.scatter.add.f32 [tilespmem:s7], [sflag:$0x8], $0x1, s15, s28, $0xb8;
	[tilespmem:$0x124C0] =	vst v63  }
0xa9: {  	s23 =	simm.s32 $0x120C0  }
0xaa: {  	[spmem:s5] =	stream.indirect.scatter.add.f32 [tilespmem:s7], [sflag:$0x8], $0x1, s23, s28, $0xb8;
	[tilespmem:$0x124C0] =	vst v63  }
0xab: {  	_ =	swait.ge [sflag:s26], $0xA0  }
0xac: {  	[sflag:s26] =	ssyncset.done $0x0  }
0xad: {  	[sflag:s26] =	ssyncadd.s32 $0xFFFFFF60  }
0xae: {  	_ =	swait.ge [sflag:s17], $0x2800  }
0xaf: {  	[sflag:s17] =	ssyncset.done $0x0  }
0xb0: {  	[sflag:s17] =	ssyncadd.s32 $0xFFFFD800  }
0xb1: {  	_ =	swait.ge [sflag:s17], $0x50  }
0xb2: {  	[sflag:s17] =	ssyncset.done $0x0  }
0xb3: {  	[sflag:s17] =	ssyncadd.s32 $0xFFFFFFB0  }
0xb4: {  	_ =	swait.ge [sflag:s17], $0x50  }
0xb5: {  	[sflag:s17] =	ssyncset.done $0x0  }
0xb6: {  	[sflag:s17] =	ssyncadd.s32 $0xFFFFFFB0  }
0xb7: {  	[tilespmem:s29], [sflag:$0x4] =	stream.indirect.gather [hbm4b:s0+s28], $0x80, s11, s28, $0xb8;
	[tilespmem:$0x124C0] =	vst v63  }
0xb8: {  	_ =	swait.ge [sflag:s18], $0x2800  }
0xb9: {  	[sflag:s18] =	ssyncset.done $0x0  }
0xba: {  	[sflag:s18] =	ssyncadd.s32 $0xFFFFD800  }
0xbb: {  	v2 =	vld [tilespmem:$0xA230]  }
0xbc: {  	v3 =	vld [tilespmem:$0xA200]  }
0xbd: {  	v4 =	vld [tilespmem:$0xA290]  }
0xbe: {  	v7 =	vld [tilespmem:$0xA280]  }
0xbf: {  	v8 =	vld [tilespmem:$0xA220]  }
0xc0: {  	v5 =	vld [tilespmem:$0xA240];
	[tilespmem:$0x12170] =	vst v2  }
0xc1: {  	v6 =	vld [tilespmem:$0xA210];
	[tilespmem:$0x12140] =	vst v3  }
0xc2: {  	v2 =	vld [tilespmem:$0xA270];
	[tilespmem:$0xA440] =	vst v4  }
0xc3: {  	s25 =	simm.s32 $0x0;
	s22 =	simm.s32 $0x0;
	v3 =	vld [tilespmem:$0xA260];
	[tilespmem:$0xA430] =	vst v7  }
0xc4: {  	s16 =	simm.s32 $0xA200;
	s10 =	simm.s32 $0x3C;
	s11 =	simm.s32 $0xA000;
	v4 =	vld [tilespmem:$0xA250];
	[tilespmem:$0x12160] =	vst v8  }
.LBB2_2:
0xc5: {  	_ = 	snop  }
0xc6: {  	[tilespmem:$0x12180] =	vst v5  }
0xc7: {  	[tilespmem:$0xA420] =	vst v2  }
0xc8: {  	s20 =	smov.u32 s10;
	p1 =	seq.s32 s22, $0x960;
	[tilespmem:$0x12150] =	vst v6  }
0xc9: {  	s21 =	sadd.s32 @!p1 s22, s19;
	s22 =	smov.u32 s20;
	[tilespmem:$0xA410] =	vst v3  }
0xca: {  	s20 =	simm.s32 @!p1 $0x0;
	s23 =	simm.s32 @!p1 $0xA200;
	s6 =	sadd.s32 @!p1 $0x64, s21;
	[tilespmem:$0xA400] =	vst v4  }
0xcb: {  	[tilespmem:s23], [sflag:$0x3] =	stream.linear.gather @!p1 [hbm4b:s6+s20], $0xA0, $0x38;
	[tilespmem:$0x124C0] =	vst v63  }
0xcc: {  	_ = 	snop  }
0xcd: {  	[spmem:s2] =	stream.indirect.scatter.add.f32 [tilespmem:s13], [sflag:$0x9], $0x80, s8, s28, $0xb8;
	[tilespmem:$0x124C0] =	vst v63  }
0xce: {  	_ = 	snop  }
0xcf: {  	[spmem:s4] =	stream.indirect.scatter.add.f32 [tilespmem:s7], [sflag:$0x9], $0x1, s8, s28, $0xb8;
	[tilespmem:$0x124C0] =	vst v63  }
0xd0: {  	s23 =	rddreg [dreg:$0x7]  }
0xd1: {  	[spmem:s5] =	stream.indirect.scatter.add.f32 [tilespmem:s7], [sflag:$0x9], $0x1, s23, s28, $0xb8;
	[tilespmem:$0x124C0] =	vst v63  }
0xd2: {  	_ =	swait.ge [sflag:s30], $0xA0  }
0xd3: {  	[sflag:s30] =	ssyncset.done $0x0  }
0xd4: {  	[sflag:s30] =	ssyncadd.s32 $0xFFFFFF60  }
0xd5: {  	_ =	swait.ge [sflag:s9], $0x2800  }
0xd6: {  	[sflag:s9] =	ssyncset.done $0x0  }
0xd7: {  	[sflag:s9] =	ssyncadd.s32 $0xFFFFD800  }
0xd8: {  	_ =	swait.ge [sflag:s9], $0x50  }
0xd9: {  	[sflag:s9] =	ssyncset.done $0x0  }
0xda: {  	[sflag:s9] =	ssyncadd.s32 $0xFFFFFFB0  }
0xdb: {  	_ =	swait.ge [sflag:s9], $0x50  }
0xdc: {  	[sflag:s9] =	ssyncset.done $0x0  }
0xdd: {  	[sflag:s9] =	ssyncadd.s32 $0xFFFFFFB0  }
0xde: {  	[tilespmem:s31], [sflag:$0x5] =	stream.indirect.gather [hbm4b:s0+s28], $0x80, s24, s28, $0xb8;
	[tilespmem:$0x124C0] =	vst v63  }
0xdf: {  	_ =	swait.ge [sflag:s3], $0x2800  }
0xe0: {  	[sflag:s3] =	ssyncset.done $0x0  }
0xe1: {  	[sflag:s3] =	ssyncadd.s32 $0xFFFFD800  }
0xe2: {  	v2 =	vld [tilespmem:$0xA050]  }
0xe3: {  	v3 =	vld [tilespmem:$0xA060]  }
0xe4: {  	v4 =	vld [tilespmem:$0xA070]  }
0xe5: {  	v5 =	vld [tilespmem:$0xA080]  }
0xe6: {  	v6 =	vld [tilespmem:$0xA040]  }
0xe7: {  	v7 =	vld [tilespmem:$0xA090];
	[tilespmem:$0xA300] =	vst v2  }
0xe8: {  	v2 =	vld [tilespmem:$0xA030];
	[tilespmem:$0xA310] =	vst v3  }
0xe9: {  	v3 =	vld [tilespmem:$0xA020];
	[tilespmem:$0xA320] =	vst v4  }
0xea: {  	v4 =	vld [tilespmem:$0xA010];
	[tilespmem:$0xA330] =	vst v5  }
0xeb: {  	v5 =	vld [tilespmem:$0xA000];
	[tilespmem:$0x12080] =	vst v6  }
0xec: {  	[tilespmem:$0xA340] =	vst v7  }
0xed: {  	[tilespmem:$0x12070] =	vst v2  }
0xee: {  	[tilespmem:$0x12060] =	vst v3  }
0xef: {  	[tilespmem:$0x12050] =	vst v4  }
0xf0: {  	s21 =	sadd.s32 @!p1 $0x78, s21;
	s6 =	simm.s32 @!p1 $0xA000;
	[tilespmem:$0x12040] =	vst v5  }
0xf1: {  	[tilespmem:s6], [sflag:$0x1] =	stream.linear.gather @!p1 [hbm4b:s21+s20], $0xA0, $0x38;
	[tilespmem:$0x124C0] =	vst v63  }
0xf2: {  	_ = 	snop  }
0xf3: {  	[spmem:s2] =	stream.indirect.scatter.add.f32 [tilespmem:s29], [sflag:$0x7], $0x80, s1, s28, $0xb8;
	[tilespmem:$0x124C0] =	vst v63  }
0xf4: {  	_ = 	snop  }
0xf5: {  	[spmem:s4] =	stream.indirect.scatter.add.f32 [tilespmem:s7], [sflag:$0x7], $0x1, s1, s28, $0xb8;
	[tilespmem:$0x124C0] =	vst v63  }
0xf6: {  	s20 =	simm.s32 $0x12040  }
0xf7: {  	[spmem:s5] =	stream.indirect.scatter.add.f32 [tilespmem:s7], [sflag:$0x7], $0x1, s20, s28, $0xb8;
	[tilespmem:$0x124C0] =	vst v63  }
0xf8: {  	_ =	swait.ge [sflag:s12], $0xA0  }
0xf9: {  	p1 =	seq.s32 s22, $0x0;
	[sflag:s12] =	ssyncset.done $0x0  }
0xfa: {  	s6 =	simm.s32 @!p1 $0x9;
	[sflag:s12] =	ssyncadd.s32 $0xFFFFFF60  }
0xfb: {  	_ =	swait.ge @!p1 [sflag:s6], $0x2800  }
0xfc: {  	[sflag:s6] =	ssyncset.done @!p1 $0x0  }
0xfd: {  	[sflag:s6] =	ssyncadd.s32 @!p1 $0xFFFFD800  }
0xfe: {  	_ =	swait.ge @!p1 [sflag:s6], $0x50  }
0xff: {  	[sflag:s6] =	ssyncset.done @!p1 $0x0  }
0x100: {  	[sflag:s6] =	ssyncadd.s32 @!p1 $0xFFFFFFB0  }
0x101: {  	_ =	swait.ge @!p1 [sflag:s6], $0x50  }
0x102: {  	[sflag:s6] =	ssyncset.done @!p1 $0x0  }
0x103: {  	[sflag:s6] =	ssyncadd.s32 @!p1 $0xFFFFFFB0  }
0x104: {  	[tilespmem:s13], [sflag:$0x6] =	stream.indirect.gather [hbm4b:s0+s28], $0x80, s16, s28, $0xb8;
	[tilespmem:$0x124C0] =	vst v63  }
0x105: {  	_ =	swait.ge [sflag:s14], $0x2800  }
0x106: {  	[sflag:s14] =	ssyncset.done $0x0  }
0x107: {  	[sflag:s14] =	ssyncadd.s32 $0xFFFFD800  }
0x108: {  	v2 =	vld [tilespmem:$0xA110]  }
0x109: {  	v3 =	vld [tilespmem:$0xA140]  }
0x10a: {  	v4 =	vld [tilespmem:$0xA130]  }
0x10b: {  	v5 =	vld [tilespmem:$0xA120]  }
0x10c: {  	v6 =	vld [tilespmem:$0xA100]  }
0x10d: {  	v7 =	vld [tilespmem:$0xA180];
	[tilespmem:$0x120D0] =	vst v2  }
0x10e: {  	v2 =	vld [tilespmem:$0xA190];
	[tilespmem:$0x12100] =	vst v3  }
0x10f: {  	v3 =	vld [tilespmem:$0xA150];
	[tilespmem:$0x120F0] =	vst v4  }
0x110: {  	v4 =	vld [tilespmem:$0xA170];
	[tilespmem:$0x120E0] =	vst v5  }
0x111: {  	v5 =	vld [tilespmem:$0xA160];
	[tilespmem:$0x120C0] =	vst v6  }
0x112: {  	[tilespmem:$0xA3B0] =	vst v7  }
0x113: {  	[tilespmem:$0xA3C0] =	vst v2  }
0x114: {  	[tilespmem:$0xA380] =	vst v3  }
0x115: {  	s21 =	sadd.s32 s22, s19;
	[tilespmem:$0xA3A0] =	vst v4  }
0x116: {  	s6 =	sadd.s32 $0x50, s21;
	[tilespmem:$0xA390] =	vst v5  }
0x117: {  	[tilespmem:s24], [sflag:$0x2] =	stream.linear.gather [hbm4b:s6+s25], $0xA0, $0x38;
	[tilespmem:$0x124C0] =	vst v63  }
0x118: {  	_ = 	snop  }
0x119: {  	[spmem:s2] =	stream.indirect.scatter.add.f32 [tilespmem:s31], [sflag:$0x8], $0x80, s15, s28, $0xb8;
	[tilespmem:$0x124C0] =	vst v63  }
0x11a: {  	_ = 	snop  }
0x11b: {  	[spmem:s4] =	stream.indirect.scatter.add.f32 [tilespmem:s7], [sflag:$0x8], $0x1, s15, s28, $0xb8;
	[tilespmem:$0x124C0] =	vst v63  }
0x11c: {  	s23 =	simm.s32 $0x120C0  }
0x11d: {  	[spmem:s5] =	stream.indirect.scatter.add.f32 [tilespmem:s7], [sflag:$0x8], $0x1, s23, s28, $0xb8;
	[tilespmem:$0x124C0] =	vst v63  }
0x11e: {  	_ =	swait.ge [sflag:s26], $0xA0  }
0x11f: {  	[sflag:s26] =	ssyncset.done $0x0  }
0x120: {  	[sflag:s26] =	ssyncadd.s32 $0xFFFFFF60  }
0x121: {  	_ =	swait.ge [sflag:s17], $0x2800  }
0x122: {  	[sflag:s17] =	ssyncset.done $0x0  }
0x123: {  	[sflag:s17] =	ssyncadd.s32 $0xFFFFD800  }
0x124: {  	_ =	swait.ge [sflag:s17], $0x50  }
0x125: {  	[sflag:s17] =	ssyncset.done $0x0  }
0x126: {  	[sflag:s17] =	ssyncadd.s32 $0xFFFFFFB0  }
0x127: {  	_ =	swait.ge [sflag:s17], $0x50  }
0x128: {  	[sflag:s17] =	ssyncset.done $0x0  }
0x129: {  	[sflag:s17] =	ssyncadd.s32 $0xFFFFFFB0  }
0x12a: {  	[tilespmem:s29], [sflag:$0x4] =	stream.indirect.gather [hbm4b:s0+s28], $0x80, s11, s28, $0xb8;
	[tilespmem:$0x124C0] =	vst v63  }
0x12b: {  	_ =	swait.ge [sflag:s18], $0x2800  }
0x12c: {  	[sflag:s18] =	ssyncset.done $0x0  }
0x12d: {  	[sflag:s18] =	ssyncadd.s32 $0xFFFFD800  }
0x12e: {  	v2 =	vld [tilespmem:$0xA230]  }
0x12f: {  	v3 =	vld [tilespmem:$0xA200]  }
0x130: {  	v4 =	vld [tilespmem:$0xA290]  }
0x131: {  	s10 =	sadd.s32 $0x3C, s10;
	v7 =	vld [tilespmem:$0xA280]  }
0x132: {  	p0 =	sne.s32 s10, $0x99C;
	v8 =	vld [tilespmem:$0xA220]  }
.Ltmp0:
0x133: {  	v5 =	vld [tilespmem:$0xA240];
	[tilespmem:$0x12170] =	vst v2;
	(pc) =	sbr.rel @p0 .LBB2_2-.Ltmp0, $4  }
0x134: {  	v6 =	vld [tilespmem:$0xA210];
	[tilespmem:$0x12140] =	vst v3  }
0x135: {  	v2 =	vld [tilespmem:$0xA270];
	[tilespmem:$0xA440] =	vst v4  }
0x136: {  	v3 =	vld [tilespmem:$0xA260];
	[tilespmem:$0xA430] =	vst v7  }
0x137: {  	v4 =	vld [tilespmem:$0xA250];
	[tilespmem:$0x12160] =	vst v8  }
0x138: {  	[tilespmem:$0x12180] =	vst v5  }
0x139: {  	[tilespmem:$0x12150] =	vst v6  }
0x13a: {  	p0 =	seq.s32 s22, $0x960;
	[tilespmem:$0xA420] =	vst v2  }
0x13b: {  	s6 =	sadd.s32 @!p0 s22, s19;
	[tilespmem:$0xA410] =	vst v3  }
0x13c: {  	s20 =	simm.s32 @!p0 $0x0;
	s21 =	simm.s32 @!p0 $0xA200;
	s10 =	sadd.s32 @!p0 $0x64, s6;
	[tilespmem:$0xA400] =	vst v4  }
0x13d: {  	[tilespmem:s21], [sflag:$0x3] =	stream.linear.gather @!p0 [hbm4b:s10+s20], $0xA0, $0x38;
	[tilespmem:$0x124C0] =	vst v63  }
0x13e: {  	_ = 	snop  }
0x13f: {  	[spmem:s2] =	stream.indirect.scatter.add.f32 [tilespmem:s13], [sflag:$0x9], $0x80, s8, s28, $0xb8;
	[tilespmem:$0x124C0] =	vst v63  }
0x140: {  	_ = 	snop  }
0x141: {  	[spmem:s4] =	stream.indirect.scatter.add.f32 [tilespmem:s7], [sflag:$0x9], $0x1, s8, s28, $0xb8;
	[tilespmem:$0x124C0] =	vst v63  }
0x142: {  	s16 =	rddreg [dreg:$0x7]  }
0x143: {  	[spmem:s5] =	stream.indirect.scatter.add.f32 [tilespmem:s7], [sflag:$0x9], $0x1, s16, s28, $0xb8;
	[tilespmem:$0x124C0] =	vst v63  }
0x144: {  	_ =	swait.ge [sflag:s30], $0xA0  }
0x145: {  	[sflag:s30] =	ssyncset.done $0x0  }
0x146: {  	[sflag:s30] =	ssyncadd.s32 $0xFFFFFF60  }
0x147: {  	_ =	swait.ge [sflag:s9], $0x2800  }
0x148: {  	[sflag:s9] =	ssyncset.done $0x0  }
0x149: {  	[sflag:s9] =	ssyncadd.s32 $0xFFFFD800  }
0x14a: {  	_ =	swait.ge [sflag:s9], $0x50  }
0x14b: {  	[sflag:s9] =	ssyncset.done $0x0  }
0x14c: {  	[sflag:s9] =	ssyncadd.s32 $0xFFFFFFB0  }
0x14d: {  	_ =	swait.ge [sflag:s9], $0x50  }
0x14e: {  	[sflag:s9] =	ssyncset.done $0x0  }
0x14f: {  	[sflag:s9] =	ssyncadd.s32 $0xFFFFFFB0  }
0x150: {  	[tilespmem:s31], [sflag:$0x5] =	stream.indirect.gather [hbm4b:s0+s28], $0x80, s24, s28, $0xb8;
	[tilespmem:$0x124C0] =	vst v63  }
0x151: {  	_ =	swait.ge [sflag:s3], $0x2800  }
0x152: {  	[sflag:s3] =	ssyncset.done $0x0  }
0x153: {  	[sflag:s3] =	ssyncadd.s32 $0xFFFFD800  }
0x154: {  	v2 =	vld [tilespmem:$0xA050]  }
0x155: {  	v3 =	vld [tilespmem:$0xA060]  }
0x156: {  	v53 =	vld [tilespmem:$0xA070]  }
0x157: {  	v54 =	vld [tilespmem:$0xA080]  }
0x158: {  	v55 =	vld [tilespmem:$0xA040]  }
0x159: {  	v56 =	vld [tilespmem:$0xA010];
	[tilespmem:$0xA300] =	vst v2  }
0x15a: {  	v57 =	vld [tilespmem:$0xA000];
	[tilespmem:$0xA310] =	vst v3  }
0x15b: {  	v7 =	vld [tilespmem:$0xA090];
	[tilespmem:$0xA320] =	vst v53  }
0x15c: {  	v2 =	vld [tilespmem:$0xA030];
	[tilespmem:$0xA330] =	vst v54  }
0x15d: {  	v3 =	vld [tilespmem:$0xA020];
	[tilespmem:$0x12080] =	vst v55  }
0x15e: {  	[tilespmem:$0x12050] =	vst v56  }
0x15f: {  	[tilespmem:$0x12040] =	vst v57  }
0x160: {  	[tilespmem:$0xA340] =	vst v7  }
0x161: {  	[tilespmem:$0x12070] =	vst v2  }
0x162: {  	s6 =	sadd.s32 @!p0 $0x78, s6;
	s10 =	simm.s32 @!p0 $0xA000;
	[tilespmem:$0x12060] =	vst v3  }
0x163: {  	[tilespmem:s10], [sflag:$0x1] =	stream.linear.gather @!p0 [hbm4b:s6+s20], $0xA0, $0x38;
	[tilespmem:$0x124C0] =	vst v63  }
0x164: {  	_ = 	snop  }
0x165: {  	[spmem:s2] =	stream.indirect.scatter.add.f32 [tilespmem:s29], [sflag:$0x7], $0x80, s1, s28, $0xb8;
	[tilespmem:$0x124C0] =	vst v63  }
0x166: {  	_ = 	snop  }
0x167: {  	[spmem:s4] =	stream.indirect.scatter.add.f32 [tilespmem:s7], [sflag:$0x7], $0x1, s1, s28, $0xb8;
	[tilespmem:$0x124C0] =	vst v63  }
0x168: {  	s21 =	simm.s32 $0x12040  }
0x169: {  	[spmem:s5] =	stream.indirect.scatter.add.f32 [tilespmem:s7], [sflag:$0x7], $0x1, s21, s28, $0xb8;
	[tilespmem:$0x124C0] =	vst v63  }
0x16a: {  	_ =	swait.ge [sflag:s14], $0x2800  }
0x16b: {  	[sflag:s14] =	ssyncset.done $0x0  }
0x16c: {  	[sflag:s14] =	ssyncadd.s32 $0xFFFFD800  }
0x16d: {  	v2 =	vld [tilespmem:$0xA150]  }
0x16e: {  	v3 =	vld [tilespmem:$0xA160]  }
0x16f: {  	v58 =	vld [tilespmem:$0xA170]  }
0x170: {  	v59 =	vld [tilespmem:$0xA180]  }
0x171: {  	v60 =	vld [tilespmem:$0xA190]  }
0x172: {  	v61 =	vld [tilespmem:$0xA120];
	[tilespmem:$0xA380] =	vst v2  }
0x173: {  	v62 =	vld [tilespmem:$0xA130];
	[tilespmem:$0xA390] =	vst v3  }
0x174: {  	v63 =	vld [tilespmem:$0xA140];
	[tilespmem:$0xA3A0] =	vst v58  }
0x175: {  	v2 =	vld [tilespmem:$0xA100];
	[tilespmem:$0xA3B0] =	vst v59  }
0x176: {  	v3 =	vld [tilespmem:$0xA110];
	[tilespmem:$0xA3C0] =	vst v60  }
0x177: {  	[tilespmem:$0x120E0] =	vst v61  }
0x178: {  	[tilespmem:$0x120F0] =	vst v62  }
0x179: {  	[tilespmem:$0x12100] =	vst v63  }
0x17a: {  	[tilespmem:$0x120C0] =	vst v2  }
0x17b: {  	[tilespmem:$0x120D0] =	vst v3  }
0x17c: {  	[spmem:s2] =	stream.indirect.scatter.add.f32 [tilespmem:s31], [sflag:$0x8], $0x80, s15, s28, $0xb8;
	[tilespmem:$0x124C0] =	vst v63  }
0x17d: {  	_ = 	snop  }
0x17e: {  	[spmem:s4] =	stream.indirect.scatter.add.f32 [tilespmem:s7], [sflag:$0x8], $0x1, s15, s28, $0xb8;
	[tilespmem:$0x124C0] =	vst v63  }
0x17f: {  	s22 =	simm.s32 $0x120C0  }
0x180: {  	[spmem:s5] =	stream.indirect.scatter.add.f32 [tilespmem:s7], [sflag:$0x8], $0x1, s22, s28, $0xb8;
	[tilespmem:$0x124C0] =	vst v63  }
0x181: {  	_ =	swait.ge [sflag:s17], $0x2800  }
0x182: {  	[sflag:s17] =	ssyncset.done $0x0  }
0x183: {  	[sflag:s17] =	ssyncadd.s32 $0xFFFFD800  }
0x184: {  	_ =	swait.ge [sflag:s17], $0x50  }
0x185: {  	[sflag:s17] =	ssyncset.done $0x0  }
0x186: {  	[sflag:s17] =	ssyncadd.s32 $0xFFFFFFB0  }
0x187: {  	_ =	swait.ge [sflag:s17], $0x50  }
0x188: {  	[sflag:s17] =	ssyncset.done $0x0  }
0x189: {  	[sflag:s17] =	ssyncadd.s32 $0xFFFFFFB0  }
0x18a: {  	_ =	swait.ge [sflag:s9], $0x2800  }
0x18b: {  	[sflag:s9] =	ssyncset.done $0x0  }
0x18c: {  	[sflag:s9] =	ssyncadd.s32 $0xFFFFD800  }
0x18d: {  	_ =	swait.ge [sflag:s9], $0x50  }
0x18e: {  	[sflag:s9] =	ssyncset.done $0x0  }
0x18f: {  	[sflag:s9] =	ssyncadd.s32 $0xFFFFFFB0  }
0x190: {  	_ =	swait.ge [sflag:s9], $0x50  }
0x191: {  	[sflag:s9] =	ssyncset.done $0x0  }
0x192: {  	s23 =	simm.s32 $0x9;
	[sflag:s9] =	ssyncadd.s32 $0xFFFFFFB0  }
0x193: {  	_ =	swait.ge [sflag:s23], $0x2800  }
0x194: {  	[sflag:s23] =	ssyncset.done $0x0  }
0x195: {  	[sflag:s23] =	ssyncadd.s32 $0xFFFFD800  }
0x196: {  	_ =	swait.ge [sflag:s23], $0x50  }
0x197: {  	[sflag:s23] =	ssyncset.done $0x0  }
0x198: {  	[sflag:s23] =	ssyncadd.s32 $0xFFFFFFB0  }
0x199: {  	_ =	swait.ge [sflag:s23], $0x50  }
0x19a: {  	[sflag:s23] =	ssyncset.done $0x0  }
0x19b: {  	[sflag:s23] =	ssyncadd.s32 $0xFFFFFFB0  }
0x19c: {  	[bflag:$0x0] =	sbarrier.arrive $0xFFFF  }
0x19d: {  	s20 =	rddreg [dreg:$0x9]  }
0x19e: {  	s25 =	rddreg [dreg:$0x10]  }
0x19f: {  	s23 =	rddreg [dreg:$0x14]  }
0x1a0: {  	[hbm:s25], [sflag:s20] =	dma.local [spmem:s23], $0x1400  }
0x1a1: {  	s25 =	simm.s32 $0xA  }
0x1a2: {  	_ =	swait.ge [sflag:s25], $0x1400  }
0x1a3: {  	[sflag:s25] =	ssyncset.done $0x0  }
0x1a4: {  	s21 =	simm.s32 $0x12240;
	s10 =	rddreg [dreg:$0xa];
	[sflag:s25] =	ssyncadd.s32 $0xFFFFEC00  }
0x1a5: {  	[tilespmem:s21], [sflag:$0xA] =	stream.linear.gather [spmem:s10], $0x140, $0x38;
	[tilespmem:$0x124C0] =	vst v63  }
0x1a6: {  	_ =	swait.ge [sflag:s25], $0x140  }
0x1a7: {  	[sflag:s25] =	ssyncset.done $0x0  }
0x1a8: {  	s6 =	simm.s32 $0x0;
	s11 =	rddreg [dreg:$0x11];
	[sflag:s25] =	ssyncadd.s32 $0xFFFFFEC0  }
0x1a9: {  	[hbm4b:s11+s6] =	stream.linear.scatter [tilespmem:s21], [sflag:$0xA], $0x140, $0x38;
	[tilespmem:$0x124C0] =	vst v63  }
0x1aa: {  	_ =	swait.ge [sflag:s25], $0x140  }
0x1ab: {  	[sflag:s25] =	ssyncset.done $0x0  }
0x1ac: {  	s22 =	rddreg [dreg:$0xb];
	[sflag:s25] =	ssyncadd.s32 $0xFFFFFEC0  }
0x1ad: {  	[tilespmem:s21], [sflag:$0xA] =	stream.linear.gather [spmem:s22], $0x280, $0x38;
	[tilespmem:$0x124C0] =	vst v63  }
0x1ae: {  	_ =	swait.ge [sflag:s25], $0x280  }
0x1af: {  	[sflag:s25] =	ssyncset.done $0x0  }
0x1b0: {  	s16 =	rddreg [dreg:$0x12];
	[sflag:s25] =	ssyncadd.s32 $0xFFFFFD80  }
0x1b1: {  	[hbm4b:s16+s6] =	stream.linear.scatter [tilespmem:s21], [sflag:$0xA], $0x280, $0x38;
	[tilespmem:$0x124C0] =	vst v63  }
0x1b2: {  	_ =	swait.ge [sflag:s25], $0x280  }
0x1b3: {  	s11 =	rddreg [dreg:$0x15]  }
0x1b4: {  	s16 =	rddreg [dreg:$0x13];
	s21 =	sadd.s32 $0x1, s11  }
0x1b5: {  	p0 =	sne.s32 s21, s16  }
.Ltmp1:
0x1b6: {  	_ = 	snop;
	(pc) =	sbr.rel @p0 .LBB2_1-.Ltmp1, $3  }
0x1b7: {  	_ =	sdelay $0x1  }
0x1b8: {  	s10 =	simm.s32 $0x12240;
	[sflag:s25] =	ssyncset.done $0x0  }
0x1b9: {  	[sflag:s25] =	ssyncadd.s32 $0xFFFFFD80;
	s11 =	simm.s32 $0xA000;
	s16 =	simm.s32 $0xA200  }
0x1ba: {  	_ =	sfence.sel $0x180000  }
0x1bb: {  	[bflag:$0x0] =	sbarrier.arrive $0xFFFF  }
0x1bc: {  	_ =	strace $0x90000047  }
0x1bd: {  	s0 =	stileid.u32;
	[bflag:$0x2] =	sbarrier.arrive $0xFFFF  }
0x1be: {  	p0 =	sne.s32 s0, $0x0;
	s0 =	rddreg [dreg:$0x6]  }
0x1bf: {  	s0 =	sadd.s32 @!p0 $0x100000, s0  }
0x1c0: {  	[sflag:s0] =	ssyncadd.tile.s32 @!p0 $0x1;
	_ =	shalt  }
.Lfunc_end2:
_tile_overlayer_lowered:
.L_overlay_start_2:
0x1c1: {  	(tag) =	ssettag $0x2  }
0x1c2: {  	s0 =	rddreg [dreg:$0x0];
	s2 =	stileid.u32  }
0x1c3: {  	s1 =	rddreg [dreg:$0x1];
	p0 =	sne.s32 s2, $0x0  }
0x1c4: {  	s3 =	rddreg [dreg:$0x2];
	[bflag:$0x3] =	sbarrier.arrive $0xFFFF;
	s2 =	simm.s32 @!p0 $0x1C0A  }
0x1c5: {  	[timem:s3], [sflag:s2] =	dma.local @!p0 [hbm:s0], s1  }
0x1c6: {  	s0 =	simm.s32 @!p0 $0xA  }
0x1c7: {  	_ =	swait.ge @!p0 [sflag:s0], s1  }
0x1c8: {  	s1 =	ssub.s32 @!p0 $0x0, s1;
	[sflag:s0] =	ssyncset.done @!p0 $0x0  }
0x1c9: {  	[sflag:s0] =	ssyncadd.s32 @!p0 s1  }
0x1ca: {  	[bflag:$0x3] =	sbarrier.arrive $0xFFFF  }
0x1cb: {  	_ =	shalt  }

// kernel: kernel.14.cloned.1.call-start
scs
__scs_entry_jumppad:
0x0: {  	(pc) =	sbr.rel $0x88, $3  }
0x1: {  	(tag) =	ssettag $0x0;
	lr =	simm.s32 $0x1  }
0x2: {  	[smem:$0x3F96] =	sst lr;
	_ =	strace $0xD0000000  }
0x3: {  	_ = 	snop  }
0x4: {  	_ = 	snop  }
0x5: {  	_ = 	snop  }
0x6: {  	_ = 	snop  }
0x7: {  	_ = 	snop  }
__scs_overlays_trampoline_lowered:
0x8: {  	[smem:$0x3FA5] =	sst s0  }
0x9: {  	[smem:$0x3FA6] =	sst s1  }
0xa: {  	[smem:$0x3FA7] =	sst s2  }
0xb: {  	[smem:$0x3FA8] =	sst s3  }
0xc: {  	[smem:$0x3FA9] =	sst s4  }
0xd: {  	[smem:$0x3FAA] =	sst s5  }
0xe: {  	[smem:$0x3FAB] =	sst s6  }
0xf: {  	[smem:$0x3FAC] =	sst s7  }
0x10: {  	[smem:$0x3FAD] =	sst s8  }
0x11: {  	[smem:$0x3FAE] =	sst s9;
	s0 =	simm.s32 @!p0 $0x0  }
0x12: {  	s1 =	sld [smem:$0x3F94];
	s0 =	simm.s32 @p0 $0x1  }
0x13: {  	[smem:$0x3FAF] =	sst s0;
	s0 =	simm.s32 @!p1 $0x0  }
0x14: {  	s2 =	sld [smem:$0x3F93];
	s0 =	simm.s32 @p1 $0x1  }
0x15: {  	[smem:$0x3FB0] =	sst s0;
	s0 =	simm.s32 @!p2 $0x0  }
0x16: {  	s3 =	sld [smem:$0x3FDB];
	s0 =	simm.s32 @p2 $0x1  }
0x17: {  	s4 =	simm.s32 $0x1BF5;
	[smem:$0x3FB2] =	sst s0  }
0x18: {  	s0 =	sld [smem:$0x3F95];
	_ =	swait.ge [sflag:s4], $0x0  }
0x19: {  	s7 =	sld [smem:$0x3F96]  }
0x1a: {  	s8 =	sadd.s32 $0xFFFFE003, lr  }
0x1b: {  	s9 =	sadd.s32 $0xFFFFFEF7, lr;
	s5 =	simm.s32 $0xFFFFFFFF;
	p2 =	slt.u32 s8, $0xFFFFF086  }
0x1c: {  	p1 =	slt.u32 s9, $0xF7A;
	s5 =	simm.s32 @!p2 $0x0  }
0x1d: {  	s5 =	simm.s32 @p1 $0x1;
	p0 =	seq.s32 s7, s2  }
0x1e: {  	s7 =	smul.u32 @!p0 $0xF7A, s2;
	p2 =	seq.s32 @!p0 s5, $0x0  }
0x1f: {  	s9 =	smul.u32 $0xF7A, s1;
	s8 =	simm.s32 @!p0 $0x1BF5;
	p2 =	por !p2, p0  }
0x20: {  	[sflag:s8] =	ssyncset.s32 @!p0 $0xFFFFF086;
	s6 =	sadd.s32 @!p0 s3, s7;
	s7 =	simm.s32 @!p0 $0x108  }
0x21: {  	s3 =	sadd.s32 s3, s9;
	s6 =	sadd.s32 @!p0 $0x88, s6;
	s7 =	simm.s32 @p2 $0x1082  }
0x22: {  	[simem:s7], [sflag:s8] =	dma.local @!p0 [hbm:s6], $0xF7A  }
0x23: {  	s9 =	sor.u32 $0xD0000000, s2;
	s6 =	simm.s32 $0x108;
	_ =	swait.ge @!p0 [sflag:s8], $0x0  }
0x24: {  	s3 =	sadd.s32 $0x88, s3;
	s6 =	simm.s32 @!p1 $0x1082;
	[sflag:s4] =	ssyncset.s32 $0xFFFFF086  }
0x25: {  	[simem:s6], [sflag:s4] =	dma.local [hbm:s3], $0xF7A  }
0x26: {  	[smem:$0x3F96] =	sst s1;
	(tag) =	ssettag s2;
	_ =	strace s9  }
0x27: {  	s1 =	sld [smem:$0x3FA6]  }
0x28: {  	s2 =	sld [smem:$0x3FA7]  }
0x29: {  	s4 =	sld [smem:$0x3FA9]  }
0x2a: {  	p0 =	seq.s32 s5, $0x0;
	s5 =	sld [smem:$0x3FAA]  }
0x2b: {  	s6 =	sld [smem:$0x3FAB]  }
0x2c: {  	s7 =	sld [smem:$0x3FAC]  }
0x2d: {  	s3 =	simm.s32 $0x108;
	s8 =	sld [smem:$0x3FAD]  }
0x2e: {  	s3 =	simm.s32 @!p0 $0x1082;
	s9 =	sld [smem:$0x3FAE]  }
0x2f: {  	lr =	sadd.s32 s0, s3;
	s0 =	sld [smem:$0x3FA5]  }
0x30: {  	s3 =	sld [smem:$0x3FA8]  }
0x31: {  	[smem:$0x3FB1] =	sst s10  }
0x32: {  	s10 =	sld [smem:$0x3FAF];
	_ =	sdelay $0x3  }
0x33: {  	p0 =	seq.s32 s10, $0x1;
	s10 =	sld [smem:$0x3FB1];
	_ =	sdelay $0x3  }
0x34: {  	[smem:$0x3FB1] =	sst s10  }
0x35: {  	s10 =	sld [smem:$0x3FB0];
	_ =	sdelay $0x3  }
0x36: {  	p1 =	seq.s32 s10, $0x1;
	s10 =	sld [smem:$0x3FB1];
	_ =	sdelay $0x3  }
0x37: {  	[smem:$0x3FB1] =	sst s10  }
0x38: {  	s10 =	sld [smem:$0x3FB2]  }
0x39: {  	_ = 	snop;
	(pc) =	sbr.ind lr, $3  }
0x3a: {  	_ = 	snop  }
0x3b: {  	_ = 	snop  }
0x3c: {  	p2 =	seq.s32 s10, $0x1;
	s10 =	sld [smem:$0x3FB1]  }
0x3d: {  	_ =	shalt  }
0x3e: {  	_ =	shalt  }
0x3f: {  	_ =	shalt  }
0x40: {  	_ =	shalt  }
0x41: {  	_ =	shalt  }
0x42: {  	_ =	shalt  }
0x43: {  	_ =	shalt  }
0x44: {  	_ =	shalt  }
0x45: {  	_ =	shalt  }
0x46: {  	_ =	shalt  }
0x47: {  	_ =	shalt  }
0x48: {  	_ =	shalt  }
0x49: {  	_ =	shalt  }
0x4a: {  	_ =	shalt  }
0x4b: {  	_ =	shalt  }
0x4c: {  	_ =	shalt  }
0x4d: {  	_ =	shalt  }
0x4e: {  	_ =	shalt  }
0x4f: {  	_ =	shalt  }
0x50: {  	_ =	shalt  }
0x51: {  	_ =	shalt  }
0x52: {  	_ =	shalt  }
0x53: {  	_ =	shalt  }
0x54: {  	_ =	shalt  }
0x55: {  	_ =	shalt  }
0x56: {  	_ =	shalt  }
0x57: {  	_ =	shalt  }
0x58: {  	_ =	shalt  }
0x59: {  	_ =	shalt  }
0x5a: {  	_ =	shalt  }
0x5b: {  	_ =	shalt  }
0x5c: {  	_ =	shalt  }
0x5d: {  	_ =	shalt  }
0x5e: {  	_ =	shalt  }
0x5f: {  	_ =	shalt  }
0x60: {  	_ =	shalt  }
0x61: {  	_ =	shalt  }
0x62: {  	_ =	shalt  }
0x63: {  	_ =	shalt  }
0x64: {  	_ =	shalt  }
0x65: {  	_ =	shalt  }
0x66: {  	_ =	shalt  }
0x67: {  	_ =	shalt  }
0x68: {  	_ =	shalt  }
0x69: {  	_ =	shalt  }
0x6a: {  	_ =	shalt  }
0x6b: {  	_ =	shalt  }
0x6c: {  	_ =	shalt  }
0x6d: {  	_ =	shalt  }
0x6e: {  	_ =	shalt  }
0x6f: {  	_ =	shalt  }
0x70: {  	_ =	shalt  }
0x71: {  	_ =	shalt  }
0x72: {  	_ =	shalt  }
0x73: {  	_ =	shalt  }
0x74: {  	_ =	shalt  }
0x75: {  	_ =	shalt  }
0x76: {  	_ =	shalt  }
0x77: {  	_ =	shalt  }
0x78: {  	_ =	shalt  }
0x79: {  	_ =	shalt  }
0x7a: {  	_ =	shalt  }
0x7b: {  	_ =	shalt  }
0x7c: {  	_ =	shalt  }
0x7d: {  	_ =	shalt  }
0x7e: {  	_ =	shalt  }
0x7f: {  	_ =	shalt  }
0x80: {  	_ =	shalt  }
0x81: {  	_ =	shalt  }
0x82: {  	_ =	shalt  }
0x83: {  	_ =	shalt  }
0x84: {  	_ =	shalt  }
0x85: {  	_ =	shalt  }
0x86: {  	_ =	shalt  }
0x87: {  	_ =	shalt  }
.Lfunc_end0:
.L_simem_size_0:
called_computation.1_lowered:
.L_overlay_start_0:
0x88: {  	s2 =	sld [smem:$0x3FD9]  }
0x89: {  	s3 =	sld [smem:$0x3FFE];
	_ =	sdelay $0x1  }
0x8a: {  	s1 =	srdreg.scid  }
0x8b: {  	s0 =	sand.u32 $0x1, s1  }
0x8c: {  	s14 =	sshll.u32 s0, $0xA;
	s2 =	sadd.s32 s3, s2  }
0x8d: {  	s2 =	sadd.s32 s2, s14  }
0x8e: {  	[smem:$0x3FBD] =	sst s2  }
0x8f: {  	_ = 	snop  }
0x90: {  	s2 =	sld [smem:$0x3FD0];
	_ =	sdelay $0x2  }
0x91: {  	s15 =	simm.s32 $0xA;
	s4 =	simm.s32 $0x10  }
0x92: {  	[smem:s4], [sflag:s15] =	dma.local [hbm:s2], $0x1  }
0x93: {  	_ =	swait.eq [sflag:s15], $0x1  }
0x94: {  	[sflag:s15] =	ssyncset.done $0x0  }
0x95: {  	[sflag:s15] =	ssyncadd.s32 $0xFFFFFFFF  }
0x96: {  	s16 =	sld [smem:$0x11];
	(tm) =	ssettm $0x1  }
0x97: {  	s17 =	sld [smem:$0x3FFB];
	_ =	sdelay $0x3  }
0x98: {  	_ =	strace s17  }
0x99: {  	s3 =	sld [smem:$0x3FFC];
	_ =	sdelay $0x3  }
0x9a: {  	_ =	strace s3  }
0x9b: {  	s3 =	sld [smem:$0x3FFD];
	_ =	sdelay $0x3  }
0x9c: {  	_ =	strace s3  }
0x9d: {  	_ =	strace $0x8FFFFFFF  }
0x9e: {  	s18 =	sld [smem:$0x3FDB];
	_ =	sdelay $0x1  }
0x9f: {  	s19 =	simm.s32 $_scs_section_size  }
0xa0: {  	s5 =	simm.s32 $_size__tile_overlayer_lowered;
	s6 =	simm.s32 $_tile_overlayer_lowered  }
0xa1: {  	s22 =	simm.s32 $0x1BFF;
	s21 =	sshll.u32 s6, $0x1;
	s3 =	sadd.s32 s19, s18  }
0xa2: {  	s7 =	simm.s32 $0x0;
	s20 =	sshll.u32 s5, $0x1;
	s5 =	sadd.s32 s21, s3  }
0xa3: {  	[timem:s7], [sflag:s22] =	dma.local [hbm:s5], s20  }
0xa4: {  	_ =	swait.ge [sflag:s22], s20  }
0xa5: {  	s4 =	ssub.s32 $0x0, s20;
	[sflag:s22] =	ssyncset.done $0x0  }
0xa6: {  	[sflag:s22] =	ssyncadd.s32 s4;
	_ =	sdelay $0x1  }
0xa7: {  	s23 =	simm.s32 $0x1B8B  }
0xa8: {  	_ =	swait.ge [sflag:s23], $0x1  }
0xa9: {  	[sflag:s23] =	ssyncset.done $0x0  }
0xaa: {  	s25 =	simm.s32 $0x1B8E;
	s24 =	sld [smem:$0x3FFE];
	[sflag:s23] =	ssyncadd.s32 $0xFFFFFFFF  }
0xab: {  	s26 =	simm.s32 $execute0_lowered;
	[smem:$0x3FD2] =	sst s25  }
0xac: {  	s5 =	sshll.u32 s26, $0x1;
	_ =	strace $0x80000049;
	[dreg:$0x1] =	wrdreg $0xFFFFFFFF  }
0xad: {  	s28 =	simm.s32 $_size_execute0_lowered;
	s3 =	sadd.s32 s3, s5;
	[dreg:$0x0] =	wrdreg $0x0  }
0xae: {  	s5 =	sshll.u32 s28, $0x1;
	[dreg:$0x2] =	wrdreg s3  }
0xaf: {  	[dreg:$0x3] =	wrdreg s5  }
0xb0: {  	[dreg:$0x4] =	wrdreg $0xC0  }
0xb1: {  	_ =	task [dreg:s7], $0x5FFFF  }
0xb2: {  	[dreg:$0x1] =	wrdreg $0xFFFFFFFF  }
0xb3: {  	[dreg:$0x0] =	wrdreg $0x60  }
0xb4: {  	[dreg:$0x2] =	wrdreg s16  }
0xb5: {  	[dreg:$0x3] =	wrdreg s24  }
0xb6: {  	[dreg:$0x4] =	wrdreg $0x0  }
0xb7: {  	[dreg:$0x5] =	wrdreg $0x9  }
0xb8: {  	_ =	task.clear_ibuf [dreg:s7], $0x6FFFF;
	_ =	strace $0x90000049  }
0xb9: {  	s29 =	simm.s32 $0x9;
	_ =	strace $0x8000004B  }
0xba: {  	_ =	swait.ge [sflag:s29], $0x1  }
0xbb: {  	[sflag:s29] =	ssyncadd.s32 $0xFFFFFFFF  }
0xbc: {  	_ =	strace $0x9000004B  }
0xbd: {  	_ =	sfence  }
0xbe: {  	s30 =	sld [smem:$0x0];
	_ =	sdelay $0x2  }
0xbf: {  	s31 =	sshll.u32 s1, $0xD;
	s1 =	sshrl.u32 s1, $0x2  }
0xc0: {  	s3 =	sand.u32 $0x4000, s31;
	s1 =	sadd.s32 s1, s30  }
0xc1: {  	s0 =	sor.u32 s3, s0;
	s1 =	sshll.u32 s1, $0x11  }
0xc2: {  	s0 =	sor.u32 s1, s0  }
0xc3: {  	s0 =	sadd.s32 $0x8F2B, s0  }
0xc4: {  	[sflag:s0] =	ssyncadd.remote.s32 $0x1  }
0xc5: {  	_ =	sfence.sel $0xFFFF  }
0xc6: {  	[dreg:$0x0] =	wrdreg $0xFFFFFFFF;
	(pc) =	sbr.abs _section_cstart, $3  }
0xc7: {  	[dreg:$0x1] =	wrdreg $0xFFFFFFFF  }
0xc8: {  	_ =	task.clear_ibuf [dreg:s7], $0x2FFFF;
	_ =	strace $0x9FFFFFFF  }
0xc9: {  	(tm) =	ssettm $0x7FFFFFFF  }
tec
execute0_lowered:
.L_overlay_start_1:
0x0: {  	(tag) =	ssettag $0x1  }
0x1: {  	s1 =	rddreg [dreg:$0x0]  }
0x2: {  	s0 =	rddreg [dreg:$0x1]  }
0x3: {  	s3 =	rddreg [dreg:$0x2];
	s4 =	simm.s32 $0x0;
	s2 =	srdreg.scid  }
0x4: {  	s5 =	stileid.u32;
	s28 =	simm.s32 $0x3;
	s29 =	simm.s32 $0x19480  }
0x5: {  	s30 =	simm.s32 $0x5;
	s31 =	simm.s32 $0x14380;
	[smem:$0x7FF] =	sst s4  }
0x6: {  	s2 =	sand.u32 $0x1, s2;
	s6 =	smul.u32 $0x2800, s5;
	s7 =	sadd.s32 $0x2E800, s0  }
0x7: {  	s9 =	sadd.s32 $0x4400, s0;
	s15 =	sshll.u32 s5, $0x1;
	s10 =	smul.u32 $0x50000, s5  }
0x8: {  	s17 =	sshll.u32 s5, $0x6;
	s21 =	smul.u32 $0x1388, s5;
	_ =	strace $0x8000004A  }
0x9: {  	s8 =	smul.u32 $0x28000, s2;
	[dreg:$0x4] =	wrdreg s9;
	s16 =	ssub.s32 $0x2, s2  }
0xa: {  	s9 =	sor.u32 s2, s15;
	s2 =	smul.u32 $0x9C4, s2;
	s15 =	simm.s32 $0xA  }
0xb: {  	s11 =	sshrl.u32 s16, $0x1;
	s10 =	sshrl.u32 s10, $0x2;
	s12 =	smul.u32 $0x4E20, s9  }
0xc: {  	s9 =	smul.u32 $0x9C4, s9;
	s25 =	sadd.s32 s21, s7;
	s21 =	simm.s32 $0x50  }
0xd: {  	s6 =	sadd.s32 s6, s8;
	s8 =	ssub.s32 s16, s11;
	s10 =	sadd.s32 s10, s3  }
0xe: {  	s13 =	sadd.s32 s2, s25;
	s25 =	simm.s32 $0x4;
	s2 =	simm.s32 $0x6  }
0xf: {  	s0 =	sadd.s32 s6, s0;
	s18 =	sshrl.u32 s12, $0x3;
	s6 =	sor.u32 $0x1C0A, s17  }
0x10: {  	s19 =	sadd.s32 $0xA000, s10;
	s9 =	sadd.s32 s7, s9;
	s24 =	smax.u32 s8, $0x1  }
0x11: {  	s14 =	sshrl.u32 s10, $0x3;
	s17 =	simm.s32 $0x14000;
	s8 =	simm.s32 $0x8  }
0x12: {  	s10 =	simm.s32 $0x0;
	s11 =	sadd.s32 s7, s18;
	[dreg:$0x5] =	wrdreg s9  }
0x13: {  	s0 =	sadd.s32 $0x42200, s0;
	[dreg:$0xa] =	wrdreg s24;
	s26 =	sshrl.u32 s19, $0x3  }
0x14: {  	s18 =	simm.s32 $0x14100;
	s19 =	simm.s32 $0x14200;
	[dreg:$0x9] =	wrdreg s0  }
.Ltmp0:
0x15: {  	s20 =	sadd.s32 $0x14, s11;
	[dreg:$0xb] =	wrdreg s26;
	(pc) =	sbr.rel .LBB2_1-.Ltmp0, $4  }
0x16: {  	s24 =	simm.s32 $0x16C80;
	s22 =	sadd.s32 $0x28, s11;
	[dreg:$0x6] =	wrdreg s20  }
0x17: {  	s7 =	simm.s32 $0x14400;
	s23 =	sadd.s32 $0x3C, s11;
	[dreg:$0x7] =	wrdreg s22  }
0x18: {  	s26 =	simm.s32 $0x14300;
	s0 =	simm.s32 $0x7;
	[dreg:$0x8] =	wrdreg s23  }
0x19: {  	s20 =	simm.s32 $0x1;
	s22 =	simm.s32 $0x14480;
	s23 =	simm.s32 $0x2  }
.LBB2_4:
0x1a: {  	[spmem:s3] =	stream.indirect.scatter.add.f32 [tilespmem:s22], [sflag:$0x7], $0x80, s26, s21, $0xb8;
	[tilespmem:$0x1BC80] =	vst v63  }
0x1b: {  	_ =	swait.ge [sflag:s30], $0x2800  }
0x1c: {  	[sflag:s30] =	ssyncset.done $0x0  }
0x1d: {  	[sflag:s30] =	ssyncadd.s32 $0xFFFFD800  }
0x1e: {  	v0 =	vld [tilespmem:$0x14150]  }
0x1f: {  	v1 =	vld [tilespmem:$0x14160]  }
0x20: {  	v2 =	vld [tilespmem:$0x14170]  }
0x21: {  	v3 =	vld [tilespmem:$0x14180]  }
0x22: {  	v4 =	vld [tilespmem:$0x14190]  }
0x23: {  	[tilespmem:$0x14380] =	vst v0  }
0x24: {  	[tilespmem:$0x14390] =	vst v1  }
0x25: {  	[tilespmem:$0x143A0] =	vst v2  }
0x26: {  	[tilespmem:$0x143B0] =	vst v3  }
0x27: {  	[tilespmem:$0x143C0] =	vst v4  }
0x28: {  	[spmem:s3] =	stream.indirect.scatter.add.f32 [tilespmem:s24], [sflag:$0x8], $0x80, s31, s21, $0xb8;
	[tilespmem:$0x1BC80] =	vst v63  }
0x29: {  	_ =	swait.ge [sflag:s0], $0x2800  }
0x2a: {  	[sflag:s0] =	ssyncset.done $0x0  }
0x2b: {  	[sflag:s0] =	ssyncadd.s32 $0xFFFFD800  }
0x2c: {  	_ =	swait.ge [sflag:s8], $0x2800  }
0x2d: {  	[sflag:s8] =	ssyncset.done $0x0  }
0x2e: {  	s5 =	simm.s32 $0x9;
	[sflag:s8] =	ssyncadd.s32 $0xFFFFD800  }
0x2f: {  	_ =	swait.ge [sflag:s5], $0x2800  }
0x30: {  	[sflag:s5] =	ssyncset.done $0x0  }
0x31: {  	[sflag:s5] =	ssyncadd.s32 $0xFFFFD800  }
0x32: {  	[bflag:$0x0] =	sbarrier.arrive $0xFFFF  }
0x33: {  	s12 =	rddreg [dreg:$0x9]  }
0x34: {  	[hbm:s12], [sflag:s6] =	dma.local [spmem:s14], $0x2800  }
0x35: {  	_ =	swait.ge [sflag:s15], $0x2800  }
0x36: {  	s10 =	sadd.s32 $0x1, s10;
	s16 =	rddreg [dreg:$0xa]  }
0x37: {  	p0 =	sne.s32 s10, s16  }
.Ltmp1:
0x38: {  	_ = 	snop;
	(pc) =	sbr.rel @!p0 .LBB2_5-.Ltmp1, $3  }
0x39: {  	_ =	sdelay $0x1  }
0x3a: {  	[sflag:s15] =	ssyncset.done $0x0  }
0x3b: {  	[sflag:s15] =	ssyncadd.s32 $0xFFFFD800  }
.LBB2_1:
0x3c: {  	s5 =	rddreg [dreg:$0x4]  }
0x3d: {  	[spmem:s14], [sflag:s6] =	dma.local [hbm:s5], $0x1400  }
0x3e: {  	_ =	swait.ge [sflag:s15], $0x1400  }
0x3f: {  	[sflag:s15] =	ssyncset.done $0x0  }
0x40: {  	s9 =	rddreg [dreg:$0xb];
	[sflag:s15] =	ssyncadd.s32 $0xFFFFEC00  }
0x41: {  	[spmem:s9], [sflag:s6] =	dma.local [hbm:s5], $0x1400  }
0x42: {  	_ =	swait.ge [sflag:s15], $0x1400  }
0x43: {  	[sflag:s15] =	ssyncset.done $0x0  }
0x44: {  	[sflag:s15] =	ssyncadd.s32 $0xFFFFEC00  }
0x45: {  	[bflag:$0x0] =	sbarrier.arrive $0xFFFF  }
0x46: {  	s9 =	rddreg [dreg:$0x5]  }
0x47: {  	[tilespmem:s17], [sflag:$0x1] =	stream.linear.gather [hbm4b:s9+s4], $0xA0, $0x38;
	[tilespmem:$0x1BC80] =	vst v63  }
0x48: {  	s11 =	rddreg [dreg:$0x6]  }
0x49: {  	[tilespmem:s18], [sflag:$0x2] =	stream.linear.gather [hbm4b:s11+s4], $0xA0, $0x38;
	[tilespmem:$0x1BC80] =	vst v63  }
0x4a: {  	s12 =	rddreg [dreg:$0x7]  }
0x4b: {  	[tilespmem:s19], [sflag:$0x3] =	stream.linear.gather [hbm4b:s12+s4], $0xA0, $0x38;
	[tilespmem:$0x1BC80] =	vst v63  }
0x4c: {  	_ =	swait.ge [sflag:s20], $0xA0  }
0x4d: {  	[sflag:s20] =	ssyncset.done $0x0  }
0x4e: {  	[sflag:s20] =	ssyncadd.s32 $0xFFFFFF60  }
0x4f: {  	[tilespmem:s22], [sflag:$0x4] =	stream.indirect.gather [hbm4b:s1+s21], $0x80, s17, s21, $0xb8;
	[tilespmem:$0x1BC80] =	vst v63  }
0x50: {  	_ =	swait.ge [sflag:s23], $0xA0  }
0x51: {  	[sflag:s23] =	ssyncset.done $0x0  }
0x52: {  	[sflag:s23] =	ssyncadd.s32 $0xFFFFFF60  }
0x53: {  	[tilespmem:s24], [sflag:$0x5] =	stream.indirect.gather [hbm4b:s1+s21], $0x80, s18, s21, $0xb8;
	[tilespmem:$0x1BC80] =	vst v63  }
0x54: {  	_ =	swait.ge [sflag:s25], $0x2800  }
0x55: {  	[sflag:s25] =	ssyncset.done $0x0  }
0x56: {  	[sflag:s25] =	ssyncadd.s32 $0xFFFFD800  }
0x57: {  	v0 =	vld [tilespmem:$0x14050]  }
0x58: {  	v1 =	vld [tilespmem:$0x14060]  }
0x59: {  	v2 =	vld [tilespmem:$0x14070]  }
0x5a: {  	v3 =	vld [tilespmem:$0x14080]  }
0x5b: {  	v4 =	vld [tilespmem:$0x14090]  }
0x5c: {  	[tilespmem:$0x14300] =	vst v0  }
0x5d: {  	[tilespmem:$0x14310] =	vst v1  }
0x5e: {  	[tilespmem:$0x14320] =	vst v2  }
0x5f: {  	[tilespmem:$0x14330] =	vst v3  }
0x60: {  	s16 =	rddreg [dreg:$0x8];
	[tilespmem:$0x14340] =	vst v4  }
0x61: {  	[tilespmem:s17], [sflag:$0x1] =	stream.linear.gather [hbm4b:s16+s4], $0xA0, $0x38;
	[tilespmem:$0x1BC80] =	vst v63  }
0x62: {  	s11 =	simm.s32 $0x0  }
0x63: {  	[spmem:s3] =	stream.indirect.scatter.add.f32 [tilespmem:s22], [sflag:$0x7], $0x80, s26, s21, $0xb8;
	[tilespmem:$0x1BC80] =	vst v63  }
.LBB2_2:
0x64: {  	_ =	swait.ge [sflag:s28], $0xA0  }
0x65: {  	p0 =	seq.s32 s11, $0x0;
	[sflag:s28] =	ssyncset.done $0x0  }
0x66: {  	s12 =	simm.s32 @!p0 $0x9;
	[sflag:s28] =	ssyncadd.s32 $0xFFFFFF60  }
0x67: {  	_ =	swait.ge @!p0 [sflag:s12], $0x2800  }
0x68: {  	[sflag:s12] =	ssyncset.done @!p0 $0x0  }
0x69: {  	[sflag:s12] =	ssyncadd.s32 @!p0 $0xFFFFD800  }
0x6a: {  	[tilespmem:s29], [sflag:$0x6] =	stream.indirect.gather [hbm4b:s1+s21], $0x80, s19, s21, $0xb8;
	[tilespmem:$0x1BC80] =	vst v63  }
0x6b: {  	_ =	swait.ge [sflag:s30], $0x2800  }
0x6c: {  	[sflag:s30] =	ssyncset.done $0x0  }
0x6d: {  	[sflag:s30] =	ssyncadd.s32 $0xFFFFD800  }
0x6e: {  	v0 =	vld [tilespmem:$0x14150]  }
0x6f: {  	v1 =	vld [tilespmem:$0x14160]  }
0x70: {  	v2 =	vld [tilespmem:$0x14170]  }
0x71: {  	v3 =	vld [tilespmem:$0x14180]  }
0x72: {  	v4 =	vld [tilespmem:$0x14190]  }
0x73: {  	[tilespmem:$0x14380] =	vst v0  }
0x74: {  	[tilespmem:$0x14390] =	vst v1  }
0x75: {  	[tilespmem:$0x143A0] =	vst v2  }
0x76: {  	s12 =	sadd.s32 s11, s13;
	[tilespmem:$0x143B0] =	vst v3  }
0x77: {  	s16 =	sadd.s32 $0x50, s12;
	[tilespmem:$0x143C0] =	vst v4  }
0x78: {  	[tilespmem:s18], [sflag:$0x2] =	stream.linear.gather [hbm4b:s16+s4], $0xA0, $0x38;
	[tilespmem:$0x1BC80] =	vst v63  }
0x79: {  	_ = 	snop  }
0x7a: {  	[spmem:s3] =	stream.indirect.scatter.add.f32 [tilespmem:s24], [sflag:$0x8], $0x80, s31, s21, $0xb8;
	[tilespmem:$0x1BC80] =	vst v63  }
0x7b: {  	_ =	swait.ge [sflag:s20], $0xA0  }
0x7c: {  	[sflag:s20] =	ssyncset.done $0x0  }
0x7d: {  	[sflag:s20] =	ssyncadd.s32 $0xFFFFFF60  }
0x7e: {  	_ =	swait.ge [sflag:s0], $0x2800  }
0x7f: {  	[sflag:s0] =	ssyncset.done $0x0  }
0x80: {  	[sflag:s0] =	ssyncadd.s32 $0xFFFFD800  }
0x81: {  	[tilespmem:s22], [sflag:$0x4] =	stream.indirect.gather [hbm4b:s1+s21], $0x80, s17, s21, $0xb8;
	[tilespmem:$0x1BC80] =	vst v63  }
0x82: {  	_ =	swait.ge [sflag:s2], $0x2800  }
0x83: {  	[sflag:s2] =	ssyncset.done $0x0  }
0x84: {  	[sflag:s2] =	ssyncadd.s32 $0xFFFFD800  }
0x85: {  	v54 =	vld [tilespmem:$0x14250]  }
0x86: {  	v55 =	vld [tilespmem:$0x14260]  }
0x87: {  	v56 =	vld [tilespmem:$0x14270]  }
0x88: {  	v57 =	vld [tilespmem:$0x14280]  }
0x89: {  	v58 =	vld [tilespmem:$0x14290]  }
0x8a: {  	[tilespmem:$0x14400] =	vst v54  }
0x8b: {  	[tilespmem:$0x14410] =	vst v55  }
0x8c: {  	p0 =	seq.s32 s11, $0x960;
	[tilespmem:$0x14420] =	vst v56  }
0x8d: {  	s16 =	sadd.s32 @!p0 s11, s13;
	[tilespmem:$0x14430] =	vst v57  }
0x8e: {  	s9 =	simm.s32 @!p0 $0x0;
	s5 =	simm.s32 @!p0 $0x14200;
	s16 =	sadd.s32 @!p0 $0x64, s16;
	[tilespmem:$0x14440] =	vst v58  }
0x8f: {  	[tilespmem:s5], [sflag:$0x3] =	stream.linear.gather @!p0 [hbm4b:s16+s9], $0xA0, $0x38;
	[tilespmem:$0x1BC80] =	vst v63  }
0x90: {  	_ = 	snop  }
0x91: {  	[spmem:s3] =	stream.indirect.scatter.add.f32 [tilespmem:s29], [sflag:$0x9], $0x80, s7, s21, $0xb8;
	[tilespmem:$0x1BC80] =	vst v63  }
0x92: {  	_ =	swait.ge [sflag:s23], $0xA0  }
0x93: {  	[sflag:s23] =	ssyncset.done $0x0  }
0x94: {  	[sflag:s23] =	ssyncadd.s32 $0xFFFFFF60  }
0x95: {  	_ =	swait.ge [sflag:s8], $0x2800  }
0x96: {  	[sflag:s8] =	ssyncset.done $0x0  }
0x97: {  	[sflag:s8] =	ssyncadd.s32 $0xFFFFD800  }
0x98: {  	[tilespmem:s24], [sflag:$0x5] =	stream.indirect.gather [hbm4b:s1+s21], $0x80, s18, s21, $0xb8;
	[tilespmem:$0x1BC80] =	vst v63  }
0x99: {  	_ =	swait.ge [sflag:s25], $0x2800  }
0x9a: {  	[sflag:s25] =	ssyncset.done $0x0  }
0x9b: {  	[sflag:s25] =	ssyncadd.s32 $0xFFFFD800  }
0x9c: {  	v59 =	vld [tilespmem:$0x14050]  }
0x9d: {  	v60 =	vld [tilespmem:$0x14060]  }
0x9e: {  	v61 =	vld [tilespmem:$0x14070]  }
0x9f: {  	v62 =	vld [tilespmem:$0x14080]  }
0xa0: {  	v63 =	vld [tilespmem:$0x14090]  }
.Ltmp2:
0xa1: {  	[tilespmem:$0x14300] =	vst v59;
	(pc) =	sbr.rel @p0 .LBB2_4-.Ltmp2, $4  }
0xa2: {  	[tilespmem:$0x14310] =	vst v60  }
0xa3: {  	[tilespmem:$0x14320] =	vst v61  }
0xa4: {  	[tilespmem:$0x14330] =	vst v62  }
0xa5: {  	[tilespmem:$0x14340] =	vst v63  }
.Ltmp3:
0xa6: {  	(pc) =	sbr.rel .LBB2_2-.Ltmp3, $4  }
0xa7: {  	s5 =	sadd.s32 $0x78, s12  }
0xa8: {  	[tilespmem:s17], [sflag:$0x1] =	stream.linear.gather [hbm4b:s5+s4], $0xA0, $0x38;
	[tilespmem:$0x1BC80] =	vst v63  }
0xa9: {  	s11 =	sadd.s32 $0x3C, s11  }
0xaa: {  	[spmem:s3] =	stream.indirect.scatter.add.f32 [tilespmem:s22], [sflag:$0x7], $0x80, s26, s21, $0xb8;
	[tilespmem:$0x1BC80] =	vst v63  }
.LBB2_5:
0xab: {  	_ =	sfence.sel $0x180000  }
0xac: {  	[bflag:$0x0] =	sbarrier.arrive $0xFFFF  }
0xad: {  	_ =	strace $0x9000004A  }
0xae: {  	s0 =	stileid.u32;
	[bflag:$0x2] =	sbarrier.arrive $0xFFFF  }
0xaf: {  	p0 =	sne.s32 s0, $0x0;
	s0 =	rddreg [dreg:$0x3]  }
0xb0: {  	s0 =	sadd.s32 @!p0 $0x100000, s0  }
0xb1: {  	[sflag:s0] =	ssyncadd.tile.s32 @!p0 $0x1;
	_ =	shalt  }
.Lfunc_end2:
_tile_overlayer_lowered:
.L_overlay_start_2:
0xb2: {  	(tag) =	ssettag $0x2  }
0xb3: {  	s0 =	rddreg [dreg:$0x0];
	s2 =	stileid.u32  }
0xb4: {  	s1 =	rddreg [dreg:$0x1];
	p0 =	sne.s32 s2, $0x0  }
0xb5: {  	s3 =	rddreg [dreg:$0x2];
	[bflag:$0x3] =	sbarrier.arrive $0xFFFF;
	s2 =	simm.s32 @!p0 $0x1C0A  }
0xb6: {  	[timem:s3], [sflag:s2] =	dma.local @!p0 [hbm:s0], s1  }
0xb7: {  	s0 =	simm.s32 @!p0 $0xA  }
0xb8: {  	_ =	swait.ge @!p0 [sflag:s0], s1  }
0xb9: {  	s1 =	ssub.s32 @!p0 $0x0, s1;
	[sflag:s0] =	ssyncset.done @!p0 $0x0  }
0xba: {  	[sflag:s0] =	ssyncadd.s32 @!p0 s1  }
0xbb: {  	[bflag:$0x3] =	sbarrier.arrive $0xFFFF  }
0xbc: {  	_ =	shalt  }

// kernel: kernel.17.cloned.1.call-start
scs
__scs_entry_jumppad:
0x0: {  	(pc) =	sbr.rel $0x88, $3  }
0x1: {  	(tag) =	ssettag $0x0;
	lr =	simm.s32 $0x1  }
0x2: {  	[smem:$0x3F96] =	sst lr;
	_ =	strace $0xD0000000  }
0x3: {  	_ = 	snop  }
0x4: {  	_ = 	snop  }
0x5: {  	_ = 	snop  }
0x6: {  	_ = 	snop  }
0x7: {  	_ = 	snop  }
__scs_overlays_trampoline_lowered:
0x8: {  	[smem:$0x3FA5] =	sst s0  }
0x9: {  	[smem:$0x3FA6] =	sst s1  }
0xa: {  	[smem:$0x3FA7] =	sst s2  }
0xb: {  	[smem:$0x3FA8] =	sst s3  }
0xc: {  	[smem:$0x3FA9] =	sst s4  }
0xd: {  	[smem:$0x3FAA] =	sst s5  }
0xe: {  	[smem:$0x3FAB] =	sst s6  }
0xf: {  	[smem:$0x3FAC] =	sst s7  }
0x10: {  	[smem:$0x3FAD] =	sst s8  }
0x11: {  	[smem:$0x3FAE] =	sst s9;
	s0 =	simm.s32 @!p0 $0x0  }
0x12: {  	s1 =	sld [smem:$0x3F94];
	s0 =	simm.s32 @p0 $0x1  }
0x13: {  	[smem:$0x3FAF] =	sst s0;
	s0 =	simm.s32 @!p1 $0x0  }
0x14: {  	s2 =	sld [smem:$0x3F93];
	s0 =	simm.s32 @p1 $0x1  }
0x15: {  	[smem:$0x3FB0] =	sst s0;
	s0 =	simm.s32 @!p2 $0x0  }
0x16: {  	s3 =	sld [smem:$0x3FDB];
	s0 =	simm.s32 @p2 $0x1  }
0x17: {  	s4 =	simm.s32 $0x1BF5;
	[smem:$0x3FB2] =	sst s0  }
0x18: {  	s0 =	sld [smem:$0x3F95];
	_ =	swait.ge [sflag:s4], $0x0  }
0x19: {  	s7 =	sld [smem:$0x3F96]  }
0x1a: {  	s8 =	sadd.s32 $0xFFFFE003, lr  }
0x1b: {  	s9 =	sadd.s32 $0xFFFFFEF7, lr;
	s5 =	simm.s32 $0xFFFFFFFF;
	p2 =	slt.u32 s8, $0xFFFFF086  }
0x1c: {  	p1 =	slt.u32 s9, $0xF7A;
	s5 =	simm.s32 @!p2 $0x0  }
0x1d: {  	s5 =	simm.s32 @p1 $0x1;
	p0 =	seq.s32 s7, s2  }
0x1e: {  	s7 =	smul.u32 @!p0 $0xF7A, s2;
	p2 =	seq.s32 @!p0 s5, $0x0  }
0x1f: {  	s9 =	smul.u32 $0xF7A, s1;
	s8 =	simm.s32 @!p0 $0x1BF5;
	p2 =	por !p2, p0  }
0x20: {  	[sflag:s8] =	ssyncset.s32 @!p0 $0xFFFFF086;
	s6 =	sadd.s32 @!p0 s3, s7;
	s7 =	simm.s32 @!p0 $0x108  }
0x21: {  	s3 =	sadd.s32 s3, s9;
	s6 =	sadd.s32 @!p0 $0x88, s6;
	s7 =	simm.s32 @p2 $0x1082  }
0x22: {  	[simem:s7], [sflag:s8] =	dma.local @!p0 [hbm:s6], $0xF7A  }
0x23: {  	s9 =	sor.u32 $0xD0000000, s2;
	s6 =	simm.s32 $0x108;
	_ =	swait.ge @!p0 [sflag:s8], $0x0  }
0x24: {  	s3 =	sadd.s32 $0x88, s3;
	s6 =	simm.s32 @!p1 $0x1082;
	[sflag:s4] =	ssyncset.s32 $0xFFFFF086  }
0x25: {  	[simem:s6], [sflag:s4] =	dma.local [hbm:s3], $0xF7A  }
0x26: {  	[smem:$0x3F96] =	sst s1;
	(tag) =	ssettag s2;
	_ =	strace s9  }
0x27: {  	s1 =	sld [smem:$0x3FA6]  }
0x28: {  	s2 =	sld [smem:$0x3FA7]  }
0x29: {  	s4 =	sld [smem:$0x3FA9]  }
0x2a: {  	p0 =	seq.s32 s5, $0x0;
	s5 =	sld [smem:$0x3FAA]  }
0x2b: {  	s6 =	sld [smem:$0x3FAB]  }
0x2c: {  	s7 =	sld [smem:$0x3FAC]  }
0x2d: {  	s3 =	simm.s32 $0x108;
	s8 =	sld [smem:$0x3FAD]  }
0x2e: {  	s3 =	simm.s32 @!p0 $0x1082;
	s9 =	sld [smem:$0x3FAE]  }
0x2f: {  	lr =	sadd.s32 s0, s3;
	s0 =	sld [smem:$0x3FA5]  }
0x30: {  	s3 =	sld [smem:$0x3FA8]  }
0x31: {  	[smem:$0x3FB1] =	sst s10  }
0x32: {  	s10 =	sld [smem:$0x3FAF];
	_ =	sdelay $0x3  }
0x33: {  	p0 =	seq.s32 s10, $0x1;
	s10 =	sld [smem:$0x3FB1];
	_ =	sdelay $0x3  }
0x34: {  	[smem:$0x3FB1] =	sst s10  }
0x35: {  	s10 =	sld [smem:$0x3FB0];
	_ =	sdelay $0x3  }
0x36: {  	p1 =	seq.s32 s10, $0x1;
	s10 =	sld [smem:$0x3FB1];
	_ =	sdelay $0x3  }
0x37: {  	[smem:$0x3FB1] =	sst s10  }
0x38: {  	s10 =	sld [smem:$0x3FB2]  }
0x39: {  	_ = 	snop;
	(pc) =	sbr.ind lr, $3  }
0x3a: {  	_ = 	snop  }
0x3b: {  	_ = 	snop  }
0x3c: {  	p2 =	seq.s32 s10, $0x1;
	s10 =	sld [smem:$0x3FB1]  }
0x3d: {  	_ =	shalt  }
0x3e: {  	_ =	shalt  }
0x3f: {  	_ =	shalt  }
0x40: {  	_ =	shalt  }
0x41: {  	_ =	shalt  }
0x42: {  	_ =	shalt  }
0x43: {  	_ =	shalt  }
0x44: {  	_ =	shalt  }
0x45: {  	_ =	shalt  }
0x46: {  	_ =	shalt  }
0x47: {  	_ =	shalt  }
0x48: {  	_ =	shalt  }
0x49: {  	_ =	shalt  }
0x4a: {  	_ =	shalt  }
0x4b: {  	_ =	shalt  }
0x4c: {  	_ =	shalt  }
0x4d: {  	_ =	shalt  }
0x4e: {  	_ =	shalt  }
0x4f: {  	_ =	shalt  }
0x50: {  	_ =	shalt  }
0x51: {  	_ =	shalt  }
0x52: {  	_ =	shalt  }
0x53: {  	_ =	shalt  }
0x54: {  	_ =	shalt  }
0x55: {  	_ =	shalt  }
0x56: {  	_ =	shalt  }
0x57: {  	_ =	shalt  }
0x58: {  	_ =	shalt  }
0x59: {  	_ =	shalt  }
0x5a: {  	_ =	shalt  }
0x5b: {  	_ =	shalt  }
0x5c: {  	_ =	shalt  }
0x5d: {  	_ =	shalt  }
0x5e: {  	_ =	shalt  }
0x5f: {  	_ =	shalt  }
0x60: {  	_ =	shalt  }
0x61: {  	_ =	shalt  }
0x62: {  	_ =	shalt  }
0x63: {  	_ =	shalt  }
0x64: {  	_ =	shalt  }
0x65: {  	_ =	shalt  }
0x66: {  	_ =	shalt  }
0x67: {  	_ =	shalt  }
0x68: {  	_ =	shalt  }
0x69: {  	_ =	shalt  }
0x6a: {  	_ =	shalt  }
0x6b: {  	_ =	shalt  }
0x6c: {  	_ =	shalt  }
0x6d: {  	_ =	shalt  }
0x6e: {  	_ =	shalt  }
0x6f: {  	_ =	shalt  }
0x70: {  	_ =	shalt  }
0x71: {  	_ =	shalt  }
0x72: {  	_ =	shalt  }
0x73: {  	_ =	shalt  }
0x74: {  	_ =	shalt  }
0x75: {  	_ =	shalt  }
0x76: {  	_ =	shalt  }
0x77: {  	_ =	shalt  }
0x78: {  	_ =	shalt  }
0x79: {  	_ =	shalt  }
0x7a: {  	_ =	shalt  }
0x7b: {  	_ =	shalt  }
0x7c: {  	_ =	shalt  }
0x7d: {  	_ =	shalt  }
0x7e: {  	_ =	shalt  }
0x7f: {  	_ =	shalt  }
0x80: {  	_ =	shalt  }
0x81: {  	_ =	shalt  }
0x82: {  	_ =	shalt  }
0x83: {  	_ =	shalt  }
0x84: {  	_ =	shalt  }
0x85: {  	_ =	shalt  }
0x86: {  	_ =	shalt  }
0x87: {  	_ =	shalt  }
.Lfunc_end0:
.L_simem_size_0:
called_computation.2_lowered:
.L_overlay_start_0:
0x88: {  	s2 =	sld [smem:$0x3FD9]  }
0x89: {  	s3 =	sld [smem:$0x3FFE];
	_ =	sdelay $0x1  }
0x8a: {  	s1 =	srdreg.scid  }
0x8b: {  	s0 =	sand.u32 $0x1, s1  }
0x8c: {  	s14 =	sshll.u32 s0, $0xA;
	s2 =	sadd.s32 s3, s2  }
0x8d: {  	s2 =	sadd.s32 s2, s14  }
0x8e: {  	[smem:$0x3FBD] =	sst s2  }
0x8f: {  	_ = 	snop  }
0x90: {  	s2 =	sld [smem:$0x3FD0];
	_ =	sdelay $0x2  }
0x91: {  	s15 =	simm.s32 $0xA;
	s4 =	simm.s32 $0x10  }
0x92: {  	[smem:s4], [sflag:s15] =	dma.local [hbm:s2], $0x1  }
0x93: {  	_ =	swait.eq [sflag:s15], $0x1  }
0x94: {  	[sflag:s15] =	ssyncset.done $0x0  }
0x95: {  	s16 =	sld [smem:$0x10];
	[sflag:s15] =	ssyncadd.s32 $0xFFFFFFFF  }
0x96: {  	s17 =	sld [smem:$0x11];
	(tm) =	ssettm $0x1  }
0x97: {  	s18 =	sld [smem:$0x3FFB];
	_ =	sdelay $0x3  }
0x98: {  	_ =	strace s18  }
0x99: {  	s4 =	sld [smem:$0x3FFC];
	_ =	sdelay $0x3  }
0x9a: {  	_ =	strace s4  }
0x9b: {  	s4 =	sld [smem:$0x3FFD];
	_ =	sdelay $0x3  }
0x9c: {  	_ =	strace s4  }
0x9d: {  	_ =	strace $0x8FFFFFFF  }
0x9e: {  	s19 =	sld [smem:$0x3FDB];
	_ =	sdelay $0x1  }
0x9f: {  	s5 =	simm.s32 $_scs_section_size  }
0xa0: {  	s6 =	simm.s32 $_size__tile_overlayer_lowered;
	s7 =	simm.s32 $_tile_overlayer_lowered  }
0xa1: {  	s22 =	simm.s32 $0x1BFF;
	s21 =	sshll.u32 s7, $0x1;
	s4 =	sadd.s32 s5, s19  }
0xa2: {  	s8 =	simm.s32 $0x0;
	s20 =	sshll.u32 s6, $0x1;
	s6 =	sadd.s32 s21, s4  }
0xa3: {  	[timem:s8], [sflag:s22] =	dma.local [hbm:s6], s20  }
0xa4: {  	_ =	swait.ge [sflag:s22], s20  }
0xa5: {  	s5 =	ssub.s32 $0x0, s20;
	[sflag:s22] =	ssyncset.done $0x0  }
0xa6: {  	[sflag:s22] =	ssyncadd.s32 s5;
	_ =	sdelay $0x1  }
0xa7: {  	s23 =	simm.s32 $0x1B8B  }
0xa8: {  	_ =	swait.ge [sflag:s23], $0x1  }
0xa9: {  	[sflag:s23] =	ssyncset.done $0x0  }
0xaa: {  	s25 =	simm.s32 $0x1B8E;
	s24 =	sld [smem:$0x3FFE];
	[sflag:s23] =	ssyncadd.s32 $0xFFFFFFFF  }
0xab: {  	s26 =	simm.s32 $execute0_lowered;
	[smem:$0x3FD2] =	sst s25  }
0xac: {  	s6 =	sshll.u32 s26, $0x1;
	_ =	strace $0x8000004C;
	[dreg:$0x1] =	wrdreg $0xFFFFFFFF  }
0xad: {  	s28 =	simm.s32 $_size_execute0_lowered;
	s4 =	sadd.s32 s4, s6;
	[dreg:$0x0] =	wrdreg $0x0  }
0xae: {  	s6 =	sshll.u32 s28, $0x1;
	[dreg:$0x2] =	wrdreg s4  }
0xaf: {  	[dreg:$0x3] =	wrdreg s6  }
0xb0: {  	[dreg:$0x4] =	wrdreg $0xC0  }
0xb1: {  	_ =	task [dreg:s8], $0x5FFFF  }
0xb2: {  	[dreg:$0x1] =	wrdreg $0xFFFFFFFF  }
0xb3: {  	[dreg:$0x0] =	wrdreg $0x60  }
0xb4: {  	[dreg:$0x2] =	wrdreg s17  }
0xb5: {  	[dreg:$0x3] =	wrdreg s16  }
0xb6: {  	[dreg:$0x4] =	wrdreg s24  }
0xb7: {  	[dreg:$0x5] =	wrdreg $0x0  }
0xb8: {  	[dreg:$0x6] =	wrdreg $0x9  }
0xb9: {  	_ =	task.clear_ibuf [dreg:s8], $0x7FFFF;
	_ =	strace $0x9000004C  }
0xba: {  	s29 =	simm.s32 $0x9;
	_ =	strace $0x8000004E  }
0xbb: {  	_ =	swait.ge [sflag:s29], $0x1  }
0xbc: {  	[sflag:s29] =	ssyncadd.s32 $0xFFFFFFFF  }
0xbd: {  	_ =	strace $0x9000004E  }
0xbe: {  	_ =	sfence  }
0xbf: {  	s30 =	sld [smem:$0x0];
	_ =	sdelay $0x2  }
0xc0: {  	s31 =	sshll.u32 s1, $0xD;
	s1 =	sshrl.u32 s1, $0x2  }
0xc1: {  	s3 =	sand.u32 $0x4000, s31;
	s1 =	sadd.s32 s1, s30  }
0xc2: {  	s0 =	sor.u32 s3, s0;
	s1 =	sshll.u32 s1, $0x11  }
0xc3: {  	s0 =	sor.u32 s1, s0  }
0xc4: {  	s0 =	sadd.s32 $0x8F2B, s0  }
0xc5: {  	[sflag:s0] =	ssyncadd.remote.s32 $0x1  }
0xc6: {  	_ =	sfence.sel $0xFFFF  }
0xc7: {  	[dreg:$0x0] =	wrdreg $0xFFFFFFFF;
	(pc) =	sbr.abs _section_cstart, $3  }
0xc8: {  	[dreg:$0x1] =	wrdreg $0xFFFFFFFF  }
0xc9: {  	_ =	task.clear_ibuf [dreg:s8], $0x2FFFF;
	_ =	strace $0x9FFFFFFF  }
0xca: {  	(tm) =	ssettm $0x7FFFFFFF  }
0xcb: {  	_ =	shalt  }
tec
execute0_lowered:
.L_overlay_start_1:
0x0: {  	(tag) =	ssettag $0x1  }
0x1: {  	s1 =	rddreg [dreg:$0x0]  }
0x2: {  	s0 =	rddreg [dreg:$0x1]  }
0x3: {  	s2 =	rddreg [dreg:$0x2]  }
0x4: {  	s3 =	rddreg [dreg:$0x3];
	s5 =	srdreg.scid  }
0x5: {  	s11 =	stileid.u32;
	s4 =	simm.s32 $0x0;
	s15 =	simm.s32 $0xA  }
0x6: {  	s16 =	simm.s32 $0xA000;
	s28 =	simm.s32 $0xF480;
	s29 =	simm.s32 $0x5  }
0x7: {  	s30 =	simm.s32 $0xA380;
	s31 =	simm.s32 $0x7;
	s6 =	smul.u32 $0x1400, s11  }
0x8: {  	s5 =	sand.u32 $0x1, s5;
	[smem:$0x7FF] =	sst s4;
	s10 =	smul.u32 $0x28000, s11  }
0x9: {  	s8 =	sadd.s32 $0x4400, s2;
	s18 =	sshll.u32 s11, $0x1;
	s23 =	smul.u32 $0x1388, s11  }
0xa: {  	s7 =	smul.u32 $0x14000, s5;
	_ =	strace $0x8000004D;
	[dreg:$0x5] =	wrdreg s8  }
0xb: {  	s17 =	ssub.s32 $0x2, s5;
	s8 =	sor.u32 s5, s18;
	s5 =	smul.u32 $0x9C4, s5  }
0xc: {  	s21 =	sshll.u32 s11, $0x6;
	s18 =	simm.s32 $0xA200;
	s19 =	smul.u32 $0x4E20, s8  }
0xd: {  	s9 =	sshrl.u32 s17, $0x1;
	s20 =	sshrl.u32 s10, $0x2;
	s8 =	smul.u32 $0x9C4, s8  }
0xe: {  	s6 =	sadd.s32 s6, s7;
	s7 =	ssub.s32 s17, s9;
	s14 =	sadd.s32 s20, s3  }
0xf: {  	s17 =	simm.s32 $0xA100;
	s20 =	simm.s32 $0x50;
	s2 =	sadd.s32 s6, s2  }
0x10: {  	s6 =	sor.u32 $0x1C0A, s21;
	s9 =	sshrl.u32 s19, $0x3;
	s8 =	sadd.s32 s0, s8  }
0x11: {  	s26 =	smax.u32 s7, $0x1;
	s14 =	sshrl.u32 s14, $0x3;
	s19 =	simm.s32 $0x1  }
0x12: {  	s21 =	simm.s32 $0xA480;
	[dreg:$0x6] =	wrdreg s8;
	s22 =	sadd.s32 s0, s9  }
0x13: {  	s2 =	sadd.s32 $0x5800, s2;
	s0 =	sadd.s32 s23, s0;
	[dreg:$0xb] =	wrdreg s26  }
0x14: {  	s23 =	simm.s32 $0xCC80;
	s26 =	simm.s32 $0x3;
	s24 =	sadd.s32 $0x14, s22  }
.Ltmp0:
0x15: {  	s25 =	sadd.s32 $0x28, s22;
	[dreg:$0xa] =	wrdreg s2;
	(pc) =	sbr.rel .LBB2_1-.Ltmp0, $4  }
0x16: {  	s8 =	sadd.s32 $0x3C, s22;
	s13 =	sadd.s32 s5, s0;
	[dreg:$0x7] =	wrdreg s24  }
0x17: {  	s22 =	simm.s32 $0x2;
	s0 =	simm.s32 $0x6;
	[dreg:$0x8] =	wrdreg s25  }
0x18: {  	s2 =	simm.s32 $0xA400;
	s5 =	simm.s32 $0x8;
	[dreg:$0x9] =	wrdreg s8  }
0x19: {  	s24 =	simm.s32 $0x4;
	s25 =	simm.s32 $0xA300;
	s8 =	simm.s32 $0x0  }
.LBB2_4:
0x1a: {  	[spmem:s3] =	stream.indirect.scatter.add.f32 [tilespmem:s21], [sflag:$0x7], $0x80, s25, s20, $0xb8;
	[tilespmem:$0x11C80] =	vst v63  }
0x1b: {  	_ =	swait.ge [sflag:s29], $0x2800  }
0x1c: {  	[sflag:s29] =	ssyncset.done $0x0  }
0x1d: {  	[sflag:s29] =	ssyncadd.s32 $0xFFFFD800  }
0x1e: {  	v0 =	vld [tilespmem:$0xA150]  }
0x1f: {  	v1 =	vld [tilespmem:$0xA160]  }
0x20: {  	v2 =	vld [tilespmem:$0xA170]  }
0x21: {  	v3 =	vld [tilespmem:$0xA180]  }
0x22: {  	v4 =	vld [tilespmem:$0xA190]  }
0x23: {  	[tilespmem:$0xA380] =	vst v0  }
0x24: {  	[tilespmem:$0xA390] =	vst v1  }
0x25: {  	[tilespmem:$0xA3A0] =	vst v2  }
0x26: {  	[tilespmem:$0xA3B0] =	vst v3  }
0x27: {  	[tilespmem:$0xA3C0] =	vst v4  }
0x28: {  	[spmem:s3] =	stream.indirect.scatter.add.f32 [tilespmem:s23], [sflag:$0x8], $0x80, s30, s20, $0xb8;
	[tilespmem:$0x11C80] =	vst v63  }
0x29: {  	_ =	swait.ge [sflag:s31], $0x2800  }
0x2a: {  	[sflag:s31] =	ssyncset.done $0x0  }
0x2b: {  	[sflag:s31] =	ssyncadd.s32 $0xFFFFD800  }
0x2c: {  	_ =	swait.ge [sflag:s5], $0x2800  }
0x2d: {  	[sflag:s5] =	ssyncset.done $0x0  }
0x2e: {  	s7 =	simm.s32 $0x9;
	[sflag:s5] =	ssyncadd.s32 $0xFFFFD800  }
0x2f: {  	_ =	swait.ge [sflag:s7], $0x2800  }
0x30: {  	[sflag:s7] =	ssyncset.done $0x0  }
0x31: {  	[sflag:s7] =	ssyncadd.s32 $0xFFFFD800  }
0x32: {  	[bflag:$0x0] =	sbarrier.arrive $0xFFFF  }
0x33: {  	s11 =	rddreg [dreg:$0xa]  }
0x34: {  	[hbm:s11], [sflag:s6] =	dma.local [spmem:s14], $0x1400  }
0x35: {  	_ =	swait.ge [sflag:s15], $0x1400  }
0x36: {  	s8 =	sadd.s32 $0x1, s8;
	s12 =	rddreg [dreg:$0xb]  }
0x37: {  	p0 =	sne.s32 s8, s12  }
.Ltmp1:
0x38: {  	_ = 	snop;
	(pc) =	sbr.rel @!p0 .LBB2_5-.Ltmp1, $3  }
0x39: {  	_ =	sdelay $0x1  }
0x3a: {  	[sflag:s15] =	ssyncset.done $0x0  }
0x3b: {  	[sflag:s15] =	ssyncadd.s32 $0xFFFFEC00  }
.LBB2_1:
0x3c: {  	s7 =	rddreg [dreg:$0x5]  }
0x3d: {  	[spmem:s14], [sflag:s6] =	dma.local [hbm:s7], $0x1400  }
0x3e: {  	_ =	swait.ge [sflag:s15], $0x1400  }
0x3f: {  	[sflag:s15] =	ssyncset.done $0x0  }
0x40: {  	[sflag:s15] =	ssyncadd.s32 $0xFFFFEC00  }
0x41: {  	[bflag:$0x0] =	sbarrier.arrive $0xFFFF  }
0x42: {  	s9 =	rddreg [dreg:$0x6]  }
0x43: {  	[tilespmem:s16], [sflag:$0x1] =	stream.linear.gather [hbm4b:s9+s4], $0xA0, $0x38;
	[tilespmem:$0x11C80] =	vst v63  }
0x44: {  	s10 =	rddreg [dreg:$0x7]  }
0x45: {  	[tilespmem:s17], [sflag:$0x2] =	stream.linear.gather [hbm4b:s10+s4], $0xA0, $0x38;
	[tilespmem:$0x11C80] =	vst v63  }
0x46: {  	s11 =	rddreg [dreg:$0x8]  }
0x47: {  	[tilespmem:s18], [sflag:$0x3] =	stream.linear.gather [hbm4b:s11+s4], $0xA0, $0x38;
	[tilespmem:$0x11C80] =	vst v63  }
0x48: {  	_ =	swait.ge [sflag:s19], $0xA0  }
0x49: {  	[sflag:s19] =	ssyncset.done $0x0  }
0x4a: {  	[sflag:s19] =	ssyncadd.s32 $0xFFFFFF60  }
0x4b: {  	[tilespmem:s21], [sflag:$0x4] =	stream.indirect.gather [hbm4b:s1+s20], $0x80, s16, s20, $0xb8;
	[tilespmem:$0x11C80] =	vst v63  }
0x4c: {  	_ =	swait.ge [sflag:s22], $0xA0  }
0x4d: {  	[sflag:s22] =	ssyncset.done $0x0  }
0x4e: {  	[sflag:s22] =	ssyncadd.s32 $0xFFFFFF60  }
0x4f: {  	[tilespmem:s23], [sflag:$0x5] =	stream.indirect.gather [hbm4b:s1+s20], $0x80, s17, s20, $0xb8;
	[tilespmem:$0x11C80] =	vst v63  }
0x50: {  	_ =	swait.ge [sflag:s24], $0x2800  }
0x51: {  	[sflag:s24] =	ssyncset.done $0x0  }
0x52: {  	[sflag:s24] =	ssyncadd.s32 $0xFFFFD800  }
0x53: {  	v0 =	vld [tilespmem:$0xA050]  }
0x54: {  	v1 =	vld [tilespmem:$0xA060]  }
0x55: {  	v2 =	vld [tilespmem:$0xA070]  }
0x56: {  	v3 =	vld [tilespmem:$0xA080]  }
0x57: {  	v4 =	vld [tilespmem:$0xA090]  }
0x58: {  	[tilespmem:$0xA300] =	vst v0  }
0x59: {  	[tilespmem:$0xA310] =	vst v1  }
0x5a: {  	[tilespmem:$0xA320] =	vst v2  }
0x5b: {  	[tilespmem:$0xA330] =	vst v3  }
0x5c: {  	s12 =	rddreg [dreg:$0x9];
	[tilespmem:$0xA340] =	vst v4  }
0x5d: {  	[tilespmem:s16], [sflag:$0x1] =	stream.linear.gather [hbm4b:s12+s4], $0xA0, $0x38;
	[tilespmem:$0x11C80] =	vst v63  }
0x5e: {  	s9 =	simm.s32 $0x0  }
0x5f: {  	[spmem:s3] =	stream.indirect.scatter.add.f32 [tilespmem:s21], [sflag:$0x7], $0x80, s25, s20, $0xb8;
	[tilespmem:$0x11C80] =	vst v63  }
.LBB2_2:
0x60: {  	_ =	swait.ge [sflag:s26], $0xA0  }
0x61: {  	p0 =	seq.s32 s9, $0x0;
	[sflag:s26] =	ssyncset.done $0x0  }
0x62: {  	s10 =	simm.s32 @!p0 $0x9;
	[sflag:s26] =	ssyncadd.s32 $0xFFFFFF60  }
0x63: {  	_ =	swait.ge @!p0 [sflag:s10], $0x2800  }
0x64: {  	[sflag:s10] =	ssyncset.done @!p0 $0x0  }
0x65: {  	[sflag:s10] =	ssyncadd.s32 @!p0 $0xFFFFD800  }
0x66: {  	[tilespmem:s28], [sflag:$0x6] =	stream.indirect.gather [hbm4b:s1+s20], $0x80, s18, s20, $0xb8;
	[tilespmem:$0x11C80] =	vst v63  }
0x67: {  	_ =	swait.ge [sflag:s29], $0x2800  }
0x68: {  	[sflag:s29] =	ssyncset.done $0x0  }
0x69: {  	[sflag:s29] =	ssyncadd.s32 $0xFFFFD800  }
0x6a: {  	v0 =	vld [tilespmem:$0xA150]  }
0x6b: {  	v1 =	vld [tilespmem:$0xA160]  }
0x6c: {  	v2 =	vld [tilespmem:$0xA170]  }
0x6d: {  	v3 =	vld [tilespmem:$0xA180]  }
0x6e: {  	v4 =	vld [tilespmem:$0xA190]  }
0x6f: {  	[tilespmem:$0xA380] =	vst v0  }
0x70: {  	[tilespmem:$0xA390] =	vst v1  }
0x71: {  	[tilespmem:$0xA3A0] =	vst v2  }
0x72: {  	s10 =	sadd.s32 s9, s13;
	[tilespmem:$0xA3B0] =	vst v3  }
0x73: {  	s11 =	sadd.s32 $0x50, s10;
	[tilespmem:$0xA3C0] =	vst v4  }
0x74: {  	[tilespmem:s17], [sflag:$0x2] =	stream.linear.gather [hbm4b:s11+s4], $0xA0, $0x38;
	[tilespmem:$0x11C80] =	vst v63  }
0x75: {  	_ = 	snop  }
0x76: {  	[spmem:s3] =	stream.indirect.scatter.add.f32 [tilespmem:s23], [sflag:$0x8], $0x80, s30, s20, $0xb8;
	[tilespmem:$0x11C80] =	vst v63  }
0x77: {  	_ =	swait.ge [sflag:s19], $0xA0  }
0x78: {  	[sflag:s19] =	ssyncset.done $0x0  }
0x79: {  	[sflag:s19] =	ssyncadd.s32 $0xFFFFFF60  }
0x7a: {  	_ =	swait.ge [sflag:s31], $0x2800  }
0x7b: {  	[sflag:s31] =	ssyncset.done $0x0  }
0x7c: {  	[sflag:s31] =	ssyncadd.s32 $0xFFFFD800  }
0x7d: {  	[tilespmem:s21], [sflag:$0x4] =	stream.indirect.gather [hbm4b:s1+s20], $0x80, s16, s20, $0xb8;
	[tilespmem:$0x11C80] =	vst v63  }
0x7e: {  	_ =	swait.ge [sflag:s0], $0x2800  }
0x7f: {  	[sflag:s0] =	ssyncset.done $0x0  }
0x80: {  	[sflag:s0] =	ssyncadd.s32 $0xFFFFD800  }
0x81: {  	v54 =	vld [tilespmem:$0xA250]  }
0x82: {  	v55 =	vld [tilespmem:$0xA260]  }
0x83: {  	v56 =	vld [tilespmem:$0xA270]  }
0x84: {  	v57 =	vld [tilespmem:$0xA280]  }
0x85: {  	v58 =	vld [tilespmem:$0xA290]  }
0x86: {  	[tilespmem:$0xA400] =	vst v54  }
0x87: {  	[tilespmem:$0xA410] =	vst v55  }
0x88: {  	p0 =	seq.s32 s9, $0x960;
	[tilespmem:$0xA420] =	vst v56  }
0x89: {  	s11 =	sadd.s32 @!p0 s9, s13;
	[tilespmem:$0xA430] =	vst v57  }
0x8a: {  	s12 =	simm.s32 @!p0 $0x0;
	s7 =	simm.s32 @!p0 $0xA200;
	s11 =	sadd.s32 @!p0 $0x64, s11;
	[tilespmem:$0xA440] =	vst v58  }
0x8b: {  	[tilespmem:s7], [sflag:$0x3] =	stream.linear.gather @!p0 [hbm4b:s11+s12], $0xA0, $0x38;
	[tilespmem:$0x11C80] =	vst v63  }
0x8c: {  	_ = 	snop  }
0x8d: {  	[spmem:s3] =	stream.indirect.scatter.add.f32 [tilespmem:s28], [sflag:$0x9], $0x80, s2, s20, $0xb8;
	[tilespmem:$0x11C80] =	vst v63  }
0x8e: {  	_ =	swait.ge [sflag:s22], $0xA0  }
0x8f: {  	[sflag:s22] =	ssyncset.done $0x0  }
0x90: {  	[sflag:s22] =	ssyncadd.s32 $0xFFFFFF60  }
0x91: {  	_ =	swait.ge [sflag:s5], $0x2800  }
0x92: {  	[sflag:s5] =	ssyncset.done $0x0  }
0x93: {  	[sflag:s5] =	ssyncadd.s32 $0xFFFFD800  }
0x94: {  	[tilespmem:s23], [sflag:$0x5] =	stream.indirect.gather [hbm4b:s1+s20], $0x80, s17, s20, $0xb8;
	[tilespmem:$0x11C80] =	vst v63  }
0x95: {  	_ =	swait.ge [sflag:s24], $0x2800  }
0x96: {  	[sflag:s24] =	ssyncset.done $0x0  }
0x97: {  	[sflag:s24] =	ssyncadd.s32 $0xFFFFD800  }
0x98: {  	v59 =	vld [tilespmem:$0xA050]  }
0x99: {  	v60 =	vld [tilespmem:$0xA060]  }
0x9a: {  	v61 =	vld [tilespmem:$0xA070]  }
0x9b: {  	v62 =	vld [tilespmem:$0xA080]  }
0x9c: {  	v63 =	vld [tilespmem:$0xA090]  }
.Ltmp2:
0x9d: {  	[tilespmem:$0xA300] =	vst v59;
	(pc) =	sbr.rel @p0 .LBB2_4-.Ltmp2, $4  }
0x9e: {  	[tilespmem:$0xA310] =	vst v60  }
0x9f: {  	[tilespmem:$0xA320] =	vst v61  }
0xa0: {  	[tilespmem:$0xA330] =	vst v62  }
0xa1: {  	[tilespmem:$0xA340] =	vst v63  }
.Ltmp3:
0xa2: {  	(pc) =	sbr.rel .LBB2_2-.Ltmp3, $4  }
0xa3: {  	s7 =	sadd.s32 $0x78, s10  }
0xa4: {  	[tilespmem:s16], [sflag:$0x1] =	stream.linear.gather [hbm4b:s7+s4], $0xA0, $0x38;
	[tilespmem:$0x11C80] =	vst v63  }
0xa5: {  	s9 =	sadd.s32 $0x3C, s9  }
0xa6: {  	[spmem:s3] =	stream.indirect.scatter.add.f32 [tilespmem:s21], [sflag:$0x7], $0x80, s25, s20, $0xb8;
	[tilespmem:$0x11C80] =	vst v63  }
.LBB2_5:
0xa7: {  	_ =	sfence.sel $0x180000  }
0xa8: {  	[bflag:$0x0] =	sbarrier.arrive $0xFFFF  }
0xa9: {  	_ =	strace $0x9000004D  }
0xaa: {  	s0 =	stileid.u32;
	[bflag:$0x2] =	sbarrier.arrive $0xFFFF  }
0xab: {  	p0 =	sne.s32 s0, $0x0;
	s0 =	rddreg [dreg:$0x4]  }
0xac: {  	s0 =	sadd.s32 @!p0 $0x100000, s0  }
0xad: {  	[sflag:s0] =	ssyncadd.tile.s32 @!p0 $0x1;
	_ =	shalt  }
.Lfunc_end2:
_tile_overlayer_lowered:
.L_overlay_start_2:
0xae: {  	(tag) =	ssettag $0x2  }
0xaf: {  	s0 =	rddreg [dreg:$0x0];
	s2 =	stileid.u32  }
0xb0: {  	s1 =	rddreg [dreg:$0x1];
	p0 =	sne.s32 s2, $0x0  }
0xb1: {  	s3 =	rddreg [dreg:$0x2];
	[bflag:$0x3] =	sbarrier.arrive $0xFFFF;
	s2 =	simm.s32 @!p0 $0x1C0A  }
0xb2: {  	[timem:s3], [sflag:s2] =	dma.local @!p0 [hbm:s0], s1  }
0xb3: {  	s0 =	simm.s32 @!p0 $0xA  }
0xb4: {  	_ =	swait.ge @!p0 [sflag:s0], s1  }
0xb5: {  	s1 =	ssub.s32 @!p0 $0x0, s1;
	[sflag:s0] =	ssyncset.done @!p0 $0x0  }
0xb6: {  	[sflag:s0] =	ssyncadd.s32 @!p0 s1  }
0xb7: {  	[bflag:$0x3] =	sbarrier.arrive $0xFFFF  }
0xb8: {  	_ =	shalt  }

// kernel: kernel.20.cloned.1.call-start
scs
__scs_entry_jumppad:
0x0: {  	(pc) =	sbr.rel $0x88, $3  }
0x1: {  	(tag) =	ssettag $0x0;
	lr =	simm.s32 $0x1  }
0x2: {  	[smem:$0x3F96] =	sst lr;
	_ =	strace $0xD0000000  }
0x3: {  	_ = 	snop  }
0x4: {  	_ = 	snop  }
0x5: {  	_ = 	snop  }
0x6: {  	_ = 	snop  }
0x7: {  	_ = 	snop  }
__scs_overlays_trampoline_lowered:
0x8: {  	[smem:$0x3FA5] =	sst s0  }
0x9: {  	[smem:$0x3FA6] =	sst s1  }
0xa: {  	[smem:$0x3FA7] =	sst s2  }
0xb: {  	[smem:$0x3FA8] =	sst s3  }
0xc: {  	[smem:$0x3FA9] =	sst s4  }
0xd: {  	[smem:$0x3FAA] =	sst s5  }
0xe: {  	[smem:$0x3FAB] =	sst s6  }
0xf: {  	[smem:$0x3FAC] =	sst s7  }
0x10: {  	[smem:$0x3FAD] =	sst s8  }
0x11: {  	[smem:$0x3FAE] =	sst s9;
	s0 =	simm.s32 @!p0 $0x0  }
0x12: {  	s1 =	sld [smem:$0x3F94];
	s0 =	simm.s32 @p0 $0x1  }
0x13: {  	[smem:$0x3FAF] =	sst s0;
	s0 =	simm.s32 @!p1 $0x0  }
0x14: {  	s2 =	sld [smem:$0x3F93];
	s0 =	simm.s32 @p1 $0x1  }
0x15: {  	[smem:$0x3FB0] =	sst s0;
	s0 =	simm.s32 @!p2 $0x0  }
0x16: {  	s3 =	sld [smem:$0x3FDB];
	s0 =	simm.s32 @p2 $0x1  }
0x17: {  	s4 =	simm.s32 $0x1BF5;
	[smem:$0x3FB2] =	sst s0  }
0x18: {  	s0 =	sld [smem:$0x3F95];
	_ =	swait.ge [sflag:s4], $0x0  }
0x19: {  	s7 =	sld [smem:$0x3F96]  }
0x1a: {  	s8 =	sadd.s32 $0xFFFFE003, lr  }
0x1b: {  	s9 =	sadd.s32 $0xFFFFFEF7, lr;
	s5 =	simm.s32 $0xFFFFFFFF;
	p2 =	slt.u32 s8, $0xFFFFF086  }
0x1c: {  	p1 =	slt.u32 s9, $0xF7A;
	s5 =	simm.s32 @!p2 $0x0  }
0x1d: {  	s5 =	simm.s32 @p1 $0x1;
	p0 =	seq.s32 s7, s2  }
0x1e: {  	s7 =	smul.u32 @!p0 $0xF7A, s2;
	p2 =	seq.s32 @!p0 s5, $0x0  }
0x1f: {  	s9 =	smul.u32 $0xF7A, s1;
	s8 =	simm.s32 @!p0 $0x1BF5;
	p2 =	por !p2, p0  }
0x20: {  	[sflag:s8] =	ssyncset.s32 @!p0 $0xFFFFF086;
	s6 =	sadd.s32 @!p0 s3, s7;
	s7 =	simm.s32 @!p0 $0x108  }
0x21: {  	s3 =	sadd.s32 s3, s9;
	s6 =	sadd.s32 @!p0 $0x88, s6;
	s7 =	simm.s32 @p2 $0x1082  }
0x22: {  	[simem:s7], [sflag:s8] =	dma.local @!p0 [hbm:s6], $0xF7A  }
0x23: {  	s9 =	sor.u32 $0xD0000000, s2;
	s6 =	simm.s32 $0x108;
	_ =	swait.ge @!p0 [sflag:s8], $0x0  }
0x24: {  	s3 =	sadd.s32 $0x88, s3;
	s6 =	simm.s32 @!p1 $0x1082;
	[sflag:s4] =	ssyncset.s32 $0xFFFFF086  }
0x25: {  	[simem:s6], [sflag:s4] =	dma.local [hbm:s3], $0xF7A  }
0x26: {  	[smem:$0x3F96] =	sst s1;
	(tag) =	ssettag s2;
	_ =	strace s9  }
0x27: {  	s1 =	sld [smem:$0x3FA6]  }
0x28: {  	s2 =	sld [smem:$0x3FA7]  }
0x29: {  	s4 =	sld [smem:$0x3FA9]  }
0x2a: {  	p0 =	seq.s32 s5, $0x0;
	s5 =	sld [smem:$0x3FAA]  }
0x2b: {  	s6 =	sld [smem:$0x3FAB]  }
0x2c: {  	s7 =	sld [smem:$0x3FAC]  }
0x2d: {  	s3 =	simm.s32 $0x108;
	s8 =	sld [smem:$0x3FAD]  }
0x2e: {  	s3 =	simm.s32 @!p0 $0x1082;
	s9 =	sld [smem:$0x3FAE]  }
0x2f: {  	lr =	sadd.s32 s0, s3;
	s0 =	sld [smem:$0x3FA5]  }
0x30: {  	s3 =	sld [smem:$0x3FA8]  }
0x31: {  	[smem:$0x3FB1] =	sst s10  }
0x32: {  	s10 =	sld [smem:$0x3FAF];
	_ =	sdelay $0x3  }
0x33: {  	p0 =	seq.s32 s10, $0x1;
	s10 =	sld [smem:$0x3FB1];
	_ =	sdelay $0x3  }
0x34: {  	[smem:$0x3FB1] =	sst s10  }
0x35: {  	s10 =	sld [smem:$0x3FB0];
	_ =	sdelay $0x3  }
0x36: {  	p1 =	seq.s32 s10, $0x1;
	s10 =	sld [smem:$0x3FB1];
	_ =	sdelay $0x3  }
0x37: {  	[smem:$0x3FB1] =	sst s10  }
0x38: {  	s10 =	sld [smem:$0x3FB2]  }
0x39: {  	_ = 	snop;
	(pc) =	sbr.ind lr, $3  }
0x3a: {  	_ = 	snop  }
0x3b: {  	_ = 	snop  }
0x3c: {  	p2 =	seq.s32 s10, $0x1;
	s10 =	sld [smem:$0x3FB1]  }
0x3d: {  	_ =	shalt  }
0x3e: {  	_ =	shalt  }
0x3f: {  	_ =	shalt  }
0x40: {  	_ =	shalt  }
0x41: {  	_ =	shalt  }
0x42: {  	_ =	shalt  }
0x43: {  	_ =	shalt  }
0x44: {  	_ =	shalt  }
0x45: {  	_ =	shalt  }
0x46: {  	_ =	shalt  }
0x47: {  	_ =	shalt  }
0x48: {  	_ =	shalt  }
0x49: {  	_ =	shalt  }
0x4a: {  	_ =	shalt  }
0x4b: {  	_ =	shalt  }
0x4c: {  	_ =	shalt  }
0x4d: {  	_ =	shalt  }
0x4e: {  	_ =	shalt  }
0x4f: {  	_ =	shalt  }
0x50: {  	_ =	shalt  }
0x51: {  	_ =	shalt  }
0x52: {  	_ =	shalt  }
0x53: {  	_ =	shalt  }
0x54: {  	_ =	shalt  }
0x55: {  	_ =	shalt  }
0x56: {  	_ =	shalt  }
0x57: {  	_ =	shalt  }
0x58: {  	_ =	shalt  }
0x59: {  	_ =	shalt  }
0x5a: {  	_ =	shalt  }
0x5b: {  	_ =	shalt  }
0x5c: {  	_ =	shalt  }
0x5d: {  	_ =	shalt  }
0x5e: {  	_ =	shalt  }
0x5f: {  	_ =	shalt  }
0x60: {  	_ =	shalt  }
0x61: {  	_ =	shalt  }
0x62: {  	_ =	shalt  }
0x63: {  	_ =	shalt  }
0x64: {  	_ =	shalt  }
0x65: {  	_ =	shalt  }
0x66: {  	_ =	shalt  }
0x67: {  	_ =	shalt  }
0x68: {  	_ =	shalt  }
0x69: {  	_ =	shalt  }
0x6a: {  	_ =	shalt  }
0x6b: {  	_ =	shalt  }
0x6c: {  	_ =	shalt  }
0x6d: {  	_ =	shalt  }
0x6e: {  	_ =	shalt  }
0x6f: {  	_ =	shalt  }
0x70: {  	_ =	shalt  }
0x71: {  	_ =	shalt  }
0x72: {  	_ =	shalt  }
0x73: {  	_ =	shalt  }
0x74: {  	_ =	shalt  }
0x75: {  	_ =	shalt  }
0x76: {  	_ =	shalt  }
0x77: {  	_ =	shalt  }
0x78: {  	_ =	shalt  }
0x79: {  	_ =	shalt  }
0x7a: {  	_ =	shalt  }
0x7b: {  	_ =	shalt  }
0x7c: {  	_ =	shalt  }
0x7d: {  	_ =	shalt  }
0x7e: {  	_ =	shalt  }
0x7f: {  	_ =	shalt  }
0x80: {  	_ =	shalt  }
0x81: {  	_ =	shalt  }
0x82: {  	_ =	shalt  }
0x83: {  	_ =	shalt  }
0x84: {  	_ =	shalt  }
0x85: {  	_ =	shalt  }
0x86: {  	_ =	shalt  }
0x87: {  	_ =	shalt  }
.Lfunc_end0:
.L_simem_size_0:
called_computation.3_lowered:
.L_overlay_start_0:
0x88: {  	s2 =	sld [smem:$0x3FD9]  }
0x89: {  	s3 =	sld [smem:$0x3FFE];
	_ =	sdelay $0x1  }
0x8a: {  	s1 =	srdreg.scid  }
0x8b: {  	s0 =	sand.u32 $0x1, s1  }
0x8c: {  	s14 =	sshll.u32 s0, $0xA;
	s2 =	sadd.s32 s3, s2  }
0x8d: {  	s2 =	sadd.s32 s2, s14  }
0x8e: {  	[smem:$0x3FBD] =	sst s2  }
0x8f: {  	_ = 	snop  }
0x90: {  	s2 =	sld [smem:$0x3FD0];
	_ =	sdelay $0x2  }
0x91: {  	s15 =	simm.s32 $0xA;
	s4 =	simm.s32 $0x10  }
0x92: {  	[smem:s4], [sflag:s15] =	dma.local [hbm:s2], $0x1  }
0x93: {  	_ =	swait.eq [sflag:s15], $0x1  }
0x94: {  	[sflag:s15] =	ssyncset.done $0x0  }
0x95: {  	[sflag:s15] =	ssyncadd.s32 $0xFFFFFFFF  }
0x96: {  	s16 =	sld [smem:$0x11];
	(tm) =	ssettm $0x1  }
0x97: {  	s17 =	sld [smem:$0x3FFB];
	_ =	sdelay $0x3  }
0x98: {  	_ =	strace s17  }
0x99: {  	s3 =	sld [smem:$0x3FFC];
	_ =	sdelay $0x3  }
0x9a: {  	_ =	strace s3  }
0x9b: {  	s3 =	sld [smem:$0x3FFD];
	_ =	sdelay $0x3  }
0x9c: {  	_ =	strace s3  }
0x9d: {  	_ =	strace $0x8FFFFFFF  }
0x9e: {  	s18 =	sld [smem:$0x3FDB];
	_ =	sdelay $0x1  }
0x9f: {  	s19 =	simm.s32 $_scs_section_size  }
0xa0: {  	s5 =	simm.s32 $_size__tile_overlayer_lowered;
	s6 =	simm.s32 $_tile_overlayer_lowered  }
0xa1: {  	s22 =	simm.s32 $0x1BFF;
	s21 =	sshll.u32 s6, $0x1;
	s3 =	sadd.s32 s19, s18  }
0xa2: {  	s7 =	simm.s32 $0x0;
	s20 =	sshll.u32 s5, $0x1;
	s5 =	sadd.s32 s21, s3  }
0xa3: {  	[timem:s7], [sflag:s22] =	dma.local [hbm:s5], s20  }
0xa4: {  	_ =	swait.ge [sflag:s22], s20  }
0xa5: {  	s4 =	ssub.s32 $0x0, s20;
	[sflag:s22] =	ssyncset.done $0x0  }
0xa6: {  	[sflag:s22] =	ssyncadd.s32 s4;
	_ =	sdelay $0x1  }
0xa7: {  	s23 =	simm.s32 $0x1B8B  }
0xa8: {  	_ =	swait.ge [sflag:s23], $0x1  }
0xa9: {  	[sflag:s23] =	ssyncset.done $0x0  }
0xaa: {  	s25 =	simm.s32 $0x1B8E;
	s24 =	sld [smem:$0x3FFE];
	[sflag:s23] =	ssyncadd.s32 $0xFFFFFFFF  }
0xab: {  	s26 =	simm.s32 $execute0_lowered;
	[smem:$0x3FD2] =	sst s25  }
0xac: {  	s5 =	sshll.u32 s26, $0x1;
	_ =	strace $0x8000004F;
	[dreg:$0x1] =	wrdreg $0xFFFFFFFF  }
0xad: {  	s28 =	simm.s32 $_size_execute0_lowered;
	s3 =	sadd.s32 s3, s5;
	[dreg:$0x0] =	wrdreg $0x0  }
0xae: {  	s5 =	sshll.u32 s28, $0x1;
	[dreg:$0x2] =	wrdreg s3  }
0xaf: {  	[dreg:$0x3] =	wrdreg s5  }
0xb0: {  	[dreg:$0x4] =	wrdreg $0xC0  }
0xb1: {  	_ =	task [dreg:s7], $0x5FFFF  }
0xb2: {  	[dreg:$0x1] =	wrdreg $0xFFFFFFFF  }
0xb3: {  	[dreg:$0x0] =	wrdreg $0x60  }
0xb4: {  	[dreg:$0x2] =	wrdreg s16  }
0xb5: {  	[dreg:$0x3] =	wrdreg s24  }
0xb6: {  	[dreg:$0x4] =	wrdreg $0x0  }
0xb7: {  	[dreg:$0x5] =	wrdreg $0x9  }
0xb8: {  	_ =	task.clear_ibuf [dreg:s7], $0x6FFFF;
	_ =	strace $0x9000004F  }
0xb9: {  	s29 =	simm.s32 $0x9;
	_ =	strace $0x80000051  }
0xba: {  	_ =	swait.ge [sflag:s29], $0x1  }
0xbb: {  	[sflag:s29] =	ssyncadd.s32 $0xFFFFFFFF  }
0xbc: {  	_ =	strace $0x90000051  }
0xbd: {  	_ =	sfence  }
0xbe: {  	s30 =	sld [smem:$0x0];
	_ =	sdelay $0x2  }
0xbf: {  	s31 =	sshll.u32 s1, $0xD;
	s1 =	sshrl.u32 s1, $0x2  }
0xc0: {  	s3 =	sand.u32 $0x4000, s31;
	s1 =	sadd.s32 s1, s30  }
0xc1: {  	s0 =	sor.u32 s3, s0;
	s1 =	sshll.u32 s1, $0x11  }
0xc2: {  	s0 =	sor.u32 s1, s0  }
0xc3: {  	s0 =	sadd.s32 $0x8F2B, s0  }
0xc4: {  	[sflag:s0] =	ssyncadd.remote.s32 $0x1  }
0xc5: {  	_ =	sfence.sel $0xFFFF  }
0xc6: {  	[dreg:$0x0] =	wrdreg $0xFFFFFFFF;
	(pc) =	sbr.abs _section_cstart, $3  }
0xc7: {  	[dreg:$0x1] =	wrdreg $0xFFFFFFFF  }
0xc8: {  	_ =	task.clear_ibuf [dreg:s7], $0x2FFFF;
	_ =	strace $0x9FFFFFFF  }
0xc9: {  	(tm) =	ssettm $0x7FFFFFFF  }
tec
execute0_lowered:
.L_overlay_start_1:
0x0: {  	(tag) =	ssettag $0x1  }
0x1: {  	s1 =	rddreg [dreg:$0x0]  }
0x2: {  	s0 =	rddreg [dreg:$0x1]  }
0x3: {  	s3 =	rddreg [dreg:$0x2];
	s4 =	simm.s32 $0x0;
	s2 =	srdreg.scid  }
0x4: {  	s5 =	stileid.u32;
	s28 =	simm.s32 $0x3;
	s29 =	simm.s32 $0x19480  }
0x5: {  	s30 =	simm.s32 $0x5;
	s31 =	simm.s32 $0x14380;
	[smem:$0x7FF] =	sst s4  }
0x6: {  	s2 =	sand.u32 $0x1, s2;
	s6 =	smul.u32 $0x2800, s5;
	s7 =	sadd.s32 $0x2E800, s0  }
0x7: {  	s9 =	sadd.s32 $0x4400, s0;
	s15 =	sshll.u32 s5, $0x1;
	s10 =	smul.u32 $0x50000, s5  }
0x8: {  	s17 =	sshll.u32 s5, $0x6;
	s21 =	smul.u32 $0x1388, s5;
	_ =	strace $0x80000050  }
0x9: {  	s8 =	smul.u32 $0x28000, s2;
	[dreg:$0x4] =	wrdreg s9;
	s16 =	ssub.s32 $0x2, s2  }
0xa: {  	s9 =	sor.u32 s2, s15;
	s2 =	smul.u32 $0x9C4, s2;
	s15 =	simm.s32 $0xA  }
0xb: {  	s11 =	sshrl.u32 s16, $0x1;
	s10 =	sshrl.u32 s10, $0x2;
	s12 =	smul.u32 $0x4E20, s9  }
0xc: {  	s9 =	smul.u32 $0x9C4, s9;
	s25 =	sadd.s32 s21, s7;
	s21 =	simm.s32 $0x50  }
0xd: {  	s6 =	sadd.s32 s6, s8;
	s8 =	ssub.s32 s16, s11;
	s10 =	sadd.s32 s10, s3  }
0xe: {  	s13 =	sadd.s32 s2, s25;
	s25 =	simm.s32 $0x4;
	s2 =	simm.s32 $0x6  }
0xf: {  	s0 =	sadd.s32 s6, s0;
	s18 =	sshrl.u32 s12, $0x3;
	s6 =	sor.u32 $0x1C0A, s17  }
0x10: {  	s19 =	sadd.s32 $0xA000, s10;
	s9 =	sadd.s32 s7, s9;
	s24 =	smax.u32 s8, $0x1  }
0x11: {  	s14 =	sshrl.u32 s10, $0x3;
	s17 =	simm.s32 $0x14000;
	s8 =	simm.s32 $0x8  }
0x12: {  	s10 =	simm.s32 $0x0;
	s11 =	sadd.s32 s7, s18;
	[dreg:$0x5] =	wrdreg s9  }
0x13: {  	s0 =	sadd.s32 $0x42200, s0;
	[dreg:$0xa] =	wrdreg s24;
	s26 =	sshrl.u32 s19, $0x3  }
0x14: {  	s18 =	simm.s32 $0x14100;
	s19 =	simm.s32 $0x14200;
	[dreg:$0x9] =	wrdreg s0  }
.Ltmp0:
0x15: {  	s20 =	sadd.s32 $0x14, s11;
	[dreg:$0xb] =	wrdreg s26;
	(pc) =	sbr.rel .LBB2_1-.Ltmp0, $4  }
0x16: {  	s24 =	simm.s32 $0x16C80;
	s22 =	sadd.s32 $0x28, s11;
	[dreg:$0x6] =	wrdreg s20  }
0x17: {  	s7 =	simm.s32 $0x14400;
	s23 =	sadd.s32 $0x3C, s11;
	[dreg:$0x7] =	wrdreg s22  }
0x18: {  	s26 =	simm.s32 $0x14300;
	s0 =	simm.s32 $0x7;
	[dreg:$0x8] =	wrdreg s23  }
0x19: {  	s20 =	simm.s32 $0x1;
	s22 =	simm.s32 $0x14480;
	s23 =	simm.s32 $0x2  }
.LBB2_4:
0x1a: {  	[spmem:s3] =	stream.indirect.scatter.add.f32 [tilespmem:s22], [sflag:$0x7], $0x80, s26, s21, $0xb8;
	[tilespmem:$0x1BC80] =	vst v63  }
0x1b: {  	_ =	swait.ge [sflag:s30], $0x2800  }
0x1c: {  	[sflag:s30] =	ssyncset.done $0x0  }
0x1d: {  	[sflag:s30] =	ssyncadd.s32 $0xFFFFD800  }
0x1e: {  	v0 =	vld [tilespmem:$0x14150]  }
0x1f: {  	v1 =	vld [tilespmem:$0x14160]  }
0x20: {  	v2 =	vld [tilespmem:$0x14170]  }
0x21: {  	v3 =	vld [tilespmem:$0x14180]  }
0x22: {  	v4 =	vld [tilespmem:$0x14190]  }
0x23: {  	[tilespmem:$0x14380] =	vst v0  }
0x24: {  	[tilespmem:$0x14390] =	vst v1  }
0x25: {  	[tilespmem:$0x143A0] =	vst v2  }
0x26: {  	[tilespmem:$0x143B0] =	vst v3  }
0x27: {  	[tilespmem:$0x143C0] =	vst v4  }
0x28: {  	[spmem:s3] =	stream.indirect.scatter.add.f32 [tilespmem:s24], [sflag:$0x8], $0x80, s31, s21, $0xb8;
	[tilespmem:$0x1BC80] =	vst v63  }
0x29: {  	_ =	swait.ge [sflag:s0], $0x2800  }
0x2a: {  	[sflag:s0] =	ssyncset.done $0x0  }
0x2b: {  	[sflag:s0] =	ssyncadd.s32 $0xFFFFD800  }
0x2c: {  	_ =	swait.ge [sflag:s8], $0x2800  }
0x2d: {  	[sflag:s8] =	ssyncset.done $0x0  }
0x2e: {  	s5 =	simm.s32 $0x9;
	[sflag:s8] =	ssyncadd.s32 $0xFFFFD800  }
0x2f: {  	_ =	swait.ge [sflag:s5], $0x2800  }
0x30: {  	[sflag:s5] =	ssyncset.done $0x0  }
0x31: {  	[sflag:s5] =	ssyncadd.s32 $0xFFFFD800  }
0x32: {  	[bflag:$0x0] =	sbarrier.arrive $0xFFFF  }
0x33: {  	s12 =	rddreg [dreg:$0x9]  }
0x34: {  	[hbm:s12], [sflag:s6] =	dma.local [spmem:s14], $0x2800  }
0x35: {  	_ =	swait.ge [sflag:s15], $0x2800  }
0x36: {  	s10 =	sadd.s32 $0x1, s10;
	s16 =	rddreg [dreg:$0xa]  }
0x37: {  	p0 =	sne.s32 s10, s16  }
.Ltmp1:
0x38: {  	_ = 	snop;
	(pc) =	sbr.rel @!p0 .LBB2_5-.Ltmp1, $3  }
0x39: {  	_ =	sdelay $0x1  }
0x3a: {  	[sflag:s15] =	ssyncset.done $0x0  }
0x3b: {  	[sflag:s15] =	ssyncadd.s32 $0xFFFFD800  }
.LBB2_1:
0x3c: {  	s5 =	rddreg [dreg:$0x4]  }
0x3d: {  	[spmem:s14], [sflag:s6] =	dma.local [hbm:s5], $0x1400  }
0x3e: {  	_ =	swait.ge [sflag:s15], $0x1400  }
0x3f: {  	[sflag:s15] =	ssyncset.done $0x0  }
0x40: {  	s9 =	rddreg [dreg:$0xb];
	[sflag:s15] =	ssyncadd.s32 $0xFFFFEC00  }
0x41: {  	[spmem:s9], [sflag:s6] =	dma.local [hbm:s5], $0x1400  }
0x42: {  	_ =	swait.ge [sflag:s15], $0x1400  }
0x43: {  	[sflag:s15] =	ssyncset.done $0x0  }
0x44: {  	[sflag:s15] =	ssyncadd.s32 $0xFFFFEC00  }
0x45: {  	[bflag:$0x0] =	sbarrier.arrive $0xFFFF  }
0x46: {  	s9 =	rddreg [dreg:$0x5]  }
0x47: {  	[tilespmem:s17], [sflag:$0x1] =	stream.linear.gather [hbm4b:s9+s4], $0xA0, $0x38;
	[tilespmem:$0x1BC80] =	vst v63  }
0x48: {  	s11 =	rddreg [dreg:$0x6]  }
0x49: {  	[tilespmem:s18], [sflag:$0x2] =	stream.linear.gather [hbm4b:s11+s4], $0xA0, $0x38;
	[tilespmem:$0x1BC80] =	vst v63  }
0x4a: {  	s12 =	rddreg [dreg:$0x7]  }
0x4b: {  	[tilespmem:s19], [sflag:$0x3] =	stream.linear.gather [hbm4b:s12+s4], $0xA0, $0x38;
	[tilespmem:$0x1BC80] =	vst v63  }
0x4c: {  	_ =	swait.ge [sflag:s20], $0xA0  }
0x4d: {  	[sflag:s20] =	ssyncset.done $0x0  }
0x4e: {  	[sflag:s20] =	ssyncadd.s32 $0xFFFFFF60  }
0x4f: {  	[tilespmem:s22], [sflag:$0x4] =	stream.indirect.gather [hbm4b:s1+s21], $0x80, s17, s21, $0xb8;
	[tilespmem:$0x1BC80] =	vst v63  }
0x50: {  	_ =	swait.ge [sflag:s23], $0xA0  }
0x51: {  	[sflag:s23] =	ssyncset.done $0x0  }
0x52: {  	[sflag:s23] =	ssyncadd.s32 $0xFFFFFF60  }
0x53: {  	[tilespmem:s24], [sflag:$0x5] =	stream.indirect.gather [hbm4b:s1+s21], $0x80, s18, s21, $0xb8;
	[tilespmem:$0x1BC80] =	vst v63  }
0x54: {  	_ =	swait.ge [sflag:s25], $0x2800  }
0x55: {  	[sflag:s25] =	ssyncset.done $0x0  }
0x56: {  	[sflag:s25] =	ssyncadd.s32 $0xFFFFD800  }
0x57: {  	v0 =	vld [tilespmem:$0x14050]  }
0x58: {  	v1 =	vld [tilespmem:$0x14060]  }
0x59: {  	v2 =	vld [tilespmem:$0x14070]  }
0x5a: {  	v3 =	vld [tilespmem:$0x14080]  }
0x5b: {  	v4 =	vld [tilespmem:$0x14090]  }
0x5c: {  	[tilespmem:$0x14300] =	vst v0  }
0x5d: {  	[tilespmem:$0x14310] =	vst v1  }
0x5e: {  	[tilespmem:$0x14320] =	vst v2  }
0x5f: {  	[tilespmem:$0x14330] =	vst v3  }
0x60: {  	s16 =	rddreg [dreg:$0x8];
	[tilespmem:$0x14340] =	vst v4  }
0x61: {  	[tilespmem:s17], [sflag:$0x1] =	stream.linear.gather [hbm4b:s16+s4], $0xA0, $0x38;
	[tilespmem:$0x1BC80] =	vst v63  }
0x62: {  	s11 =	simm.s32 $0x0  }
0x63: {  	[spmem:s3] =	stream.indirect.scatter.add.f32 [tilespmem:s22], [sflag:$0x7], $0x80, s26, s21, $0xb8;
	[tilespmem:$0x1BC80] =	vst v63  }
.LBB2_2:
0x64: {  	_ =	swait.ge [sflag:s28], $0xA0  }
0x65: {  	p0 =	seq.s32 s11, $0x0;
	[sflag:s28] =	ssyncset.done $0x0  }
0x66: {  	s12 =	simm.s32 @!p0 $0x9;
	[sflag:s28] =	ssyncadd.s32 $0xFFFFFF60  }
0x67: {  	_ =	swait.ge @!p0 [sflag:s12], $0x2800  }
0x68: {  	[sflag:s12] =	ssyncset.done @!p0 $0x0  }
0x69: {  	[sflag:s12] =	ssyncadd.s32 @!p0 $0xFFFFD800  }
0x6a: {  	[tilespmem:s29], [sflag:$0x6] =	stream.indirect.gather [hbm4b:s1+s21], $0x80, s19, s21, $0xb8;
	[tilespmem:$0x1BC80] =	vst v63  }
0x6b: {  	_ =	swait.ge [sflag:s30], $0x2800  }
0x6c: {  	[sflag:s30] =	ssyncset.done $0x0  }
0x6d: {  	[sflag:s30] =	ssyncadd.s32 $0xFFFFD800  }
0x6e: {  	v0 =	vld [tilespmem:$0x14150]  }
0x6f: {  	v1 =	vld [tilespmem:$0x14160]  }
0x70: {  	v2 =	vld [tilespmem:$0x14170]  }
0x71: {  	v3 =	vld [tilespmem:$0x14180]  }
0x72: {  	v4 =	vld [tilespmem:$0x14190]  }
0x73: {  	[tilespmem:$0x14380] =	vst v0  }
0x74: {  	[tilespmem:$0x14390] =	vst v1  }
0x75: {  	[tilespmem:$0x143A0] =	vst v2  }
0x76: {  	s12 =	sadd.s32 s11, s13;
	[tilespmem:$0x143B0] =	vst v3  }
0x77: {  	s16 =	sadd.s32 $0x50, s12;
	[tilespmem:$0x143C0] =	vst v4  }
0x78: {  	[tilespmem:s18], [sflag:$0x2] =	stream.linear.gather [hbm4b:s16+s4], $0xA0, $0x38;
	[tilespmem:$0x1BC80] =	vst v63  }
0x79: {  	_ = 	snop  }
0x7a: {  	[spmem:s3] =	stream.indirect.scatter.add.f32 [tilespmem:s24], [sflag:$0x8], $0x80, s31, s21, $0xb8;
	[tilespmem:$0x1BC80] =	vst v63  }
0x7b: {  	_ =	swait.ge [sflag:s20], $0xA0  }
0x7c: {  	[sflag:s20] =	ssyncset.done $0x0  }
0x7d: {  	[sflag:s20] =	ssyncadd.s32 $0xFFFFFF60  }
0x7e: {  	_ =	swait.ge [sflag:s0], $0x2800  }
0x7f: {  	[sflag:s0] =	ssyncset.done $0x0  }
0x80: {  	[sflag:s0] =	ssyncadd.s32 $0xFFFFD800  }
0x81: {  	[tilespmem:s22], [sflag:$0x4] =	stream.indirect.gather [hbm4b:s1+s21], $0x80, s17, s21, $0xb8;
	[tilespmem:$0x1BC80] =	vst v63  }
0x82: {  	_ =	swait.ge [sflag:s2], $0x2800  }
0x83: {  	[sflag:s2] =	ssyncset.done $0x0  }
0x84: {  	[sflag:s2] =	ssyncadd.s32 $0xFFFFD800  }
0x85: {  	v54 =	vld [tilespmem:$0x14250]  }
0x86: {  	v55 =	vld [tilespmem:$0x14260]  }
0x87: {  	v56 =	vld [tilespmem:$0x14270]  }
0x88: {  	v57 =	vld [tilespmem:$0x14280]  }
0x89: {  	v58 =	vld [tilespmem:$0x14290]  }
0x8a: {  	[tilespmem:$0x14400] =	vst v54  }
0x8b: {  	[tilespmem:$0x14410] =	vst v55  }
0x8c: {  	p0 =	seq.s32 s11, $0x960;
	[tilespmem:$0x14420] =	vst v56  }
0x8d: {  	s16 =	sadd.s32 @!p0 s11, s13;
	[tilespmem:$0x14430] =	vst v57  }
0x8e: {  	s9 =	simm.s32 @!p0 $0x0;
	s5 =	simm.s32 @!p0 $0x14200;
	s16 =	sadd.s32 @!p0 $0x64, s16;
	[tilespmem:$0x14440] =	vst v58  }
0x8f: {  	[tilespmem:s5], [sflag:$0x3] =	stream.linear.gather @!p0 [hbm4b:s16+s9], $0xA0, $0x38;
	[tilespmem:$0x1BC80] =	vst v63  }
0x90: {  	_ = 	snop  }
0x91: {  	[spmem:s3] =	stream.indirect.scatter.add.f32 [tilespmem:s29], [sflag:$0x9], $0x80, s7, s21, $0xb8;
	[tilespmem:$0x1BC80] =	vst v63  }
0x92: {  	_ =	swait.ge [sflag:s23], $0xA0  }
0x93: {  	[sflag:s23] =	ssyncset.done $0x0  }
0x94: {  	[sflag:s23] =	ssyncadd.s32 $0xFFFFFF60  }
0x95: {  	_ =	swait.ge [sflag:s8], $0x2800  }
0x96: {  	[sflag:s8] =	ssyncset.done $0x0  }
0x97: {  	[sflag:s8] =	ssyncadd.s32 $0xFFFFD800  }
0x98: {  	[tilespmem:s24], [sflag:$0x5] =	stream.indirect.gather [hbm4b:s1+s21], $0x80, s18, s21, $0xb8;
	[tilespmem:$0x1BC80] =	vst v63  }
0x99: {  	_ =	swait.ge [sflag:s25], $0x2800  }
0x9a: {  	[sflag:s25] =	ssyncset.done $0x0  }
0x9b: {  	[sflag:s25] =	ssyncadd.s32 $0xFFFFD800  }
0x9c: {  	v59 =	vld [tilespmem:$0x14050]  }
0x9d: {  	v60 =	vld [tilespmem:$0x14060]  }
0x9e: {  	v61 =	vld [tilespmem:$0x14070]  }
0x9f: {  	v62 =	vld [tilespmem:$0x14080]  }
0xa0: {  	v63 =	vld [tilespmem:$0x14090]  }
.Ltmp2:
0xa1: {  	[tilespmem:$0x14300] =	vst v59;
	(pc) =	sbr.rel @p0 .LBB2_4-.Ltmp2, $4  }
0xa2: {  	[tilespmem:$0x14310] =	vst v60  }
0xa3: {  	[tilespmem:$0x14320] =	vst v61  }
0xa4: {  	[tilespmem:$0x14330] =	vst v62  }
0xa5: {  	[tilespmem:$0x14340] =	vst v63  }
.Ltmp3:
0xa6: {  	(pc) =	sbr.rel .LBB2_2-.Ltmp3, $4  }
0xa7: {  	s5 =	sadd.s32 $0x78, s12  }
0xa8: {  	[tilespmem:s17], [sflag:$0x1] =	stream.linear.gather [hbm4b:s5+s4], $0xA0, $0x38;
	[tilespmem:$0x1BC80] =	vst v63  }
0xa9: {  	s11 =	sadd.s32 $0x3C, s11  }
0xaa: {  	[spmem:s3] =	stream.indirect.scatter.add.f32 [tilespmem:s22], [sflag:$0x7], $0x80, s26, s21, $0xb8;
	[tilespmem:$0x1BC80] =	vst v63  }
.LBB2_5:
0xab: {  	_ =	sfence.sel $0x180000  }
0xac: {  	[bflag:$0x0] =	sbarrier.arrive $0xFFFF  }
0xad: {  	_ =	strace $0x90000050  }
0xae: {  	s0 =	stileid.u32;
	[bflag:$0x2] =	sbarrier.arrive $0xFFFF  }
0xaf: {  	p0 =	sne.s32 s0, $0x0;
	s0 =	rddreg [dreg:$0x3]  }
0xb0: {  	s0 =	sadd.s32 @!p0 $0x100000, s0  }
0xb1: {  	[sflag:s0] =	ssyncadd.tile.s32 @!p0 $0x1;
	_ =	shalt  }
.Lfunc_end2:
_tile_overlayer_lowered:
.L_overlay_start_2:
0xb2: {  	(tag) =	ssettag $0x2  }
0xb3: {  	s0 =	rddreg [dreg:$0x0];
	s2 =	stileid.u32  }
0xb4: {  	s1 =	rddreg [dreg:$0x1];
	p0 =	sne.s32 s2, $0x0  }
0xb5: {  	s3 =	rddreg [dreg:$0x2];
	[bflag:$0x3] =	sbarrier.arrive $0xFFFF;
	s2 =	simm.s32 @!p0 $0x1C0A  }
0xb6: {  	[timem:s3], [sflag:s2] =	dma.local @!p0 [hbm:s0], s1  }
0xb7: {  	s0 =	simm.s32 @!p0 $0xA  }
0xb8: {  	_ =	swait.ge @!p0 [sflag:s0], s1  }
0xb9: {  	s1 =	ssub.s32 @!p0 $0x0, s1;
	[sflag:s0] =	ssyncset.done @!p0 $0x0  }
0xba: {  	[sflag:s0] =	ssyncadd.s32 @!p0 s1  }
0xbb: {  	[bflag:$0x3] =	sbarrier.arrive $0xFFFF  }
0xbc: {  	_ =	shalt  }

</sc_bundles>
